<compile_context>
chip_gen: v7x
topology: tpu7x:2x2x1
jax: 0.10.2.dev20260603
libtpu: 0.0.44.dev20260713+nightly
codegen_flags: <defaults>
</compile_context>

<pallas_src>
import functools

import jax
import jax.numpy as jnp
from jax import lax
from jax.experimental import pallas as pl
from jax.experimental.pallas import tpu as pltpu
from jax.experimental.pallas import tpu_sc as plsc

N_NODES = 10000
N_EDGES = 160000
D_IN = 256
D_OUT = 512

NC = 2
NS = 16
GROUP = 80
GROUPS = 125
BUFS = 3
EPT = GROUPS * GROUP
WR_TILES = 10
WR_ROWS = N_NODES // WR_TILES
N_CHUNKS = 4
CHUNK = 128
DEG_W = 16

_sc_mesh = plsc.VectorSubcoreMesh(core_axis_name="c", subcore_axis_name="s")
_sc_params = pltpu.CompilerParams(use_tc_tiling_on_sc=False)


def _degs_body(dst_hbm, ones_hbm, zeros_hbm, degs_out, dstbuf, onesbuf, acc):
    cid = lax.axis_index("c")
    sid = lax.axis_index("s")
    pltpu.sync_copy(dst_hbm.at[sid], dstbuf)
    pltpu.sync_copy(ones_hbm, onesbuf)

    @pl.when(sid < WR_TILES)
    def _():
        pltpu.sync_copy(zeros_hbm, acc.at[pl.ds(sid * WR_ROWS, WR_ROWS)])

    plsc.subcore_barrier()

    def body(j, carry):
        pltpu.sync_copy(onesbuf, acc.at[dstbuf.at[j]], add=True)
        return carry

    lax.fori_loop(0, GROUPS, body, 0)
    plsc.subcore_barrier()

    @pl.when(jnp.logical_and(cid == 0, sid < WR_TILES))
    def _():
        sl = pl.ds(sid * WR_ROWS, WR_ROWS)
        pltpu.sync_copy(acc.at[sl], degs_out.at[sl])


def _degs_call(dst_g, ones16, zeros16):
    return pl.kernel(
        _degs_body,
        out_type=jax.ShapeDtypeStruct((N_NODES, DEG_W), jnp.float32),
        mesh=_sc_mesh,
        scratch_types=[
            pltpu.VMEM((GROUPS, GROUP), jnp.int32),
            pltpu.VMEM((GROUP, DEG_W), jnp.float32),
            pltpu.MemorySpace.VMEM_SHARED((N_NODES, DEG_W), jnp.float32),
        ],
        compiler_params=_sc_params,
    )(dst_g, ones16, zeros16)


def _hop_body(table_hbm, src_hbm, dst_hbm, zeros_hbm, out_hbm, srcbuf, dstbuf,
              rb0, rb1, rb2, acc, sem0, sem1, sem2):
    cid = lax.axis_index("c")
    sid = lax.axis_index("s")
    rowbufs = (rb0, rb1, rb2)
    sems = (sem0, sem1, sem2)
    pltpu.sync_copy(src_hbm.at[sid], srcbuf)
    pltpu.sync_copy(dst_hbm.at[sid], dstbuf)

    def prime(chunk):
        tbl = table_hbm.at[chunk]
        for r in range(BUFS):
            pltpu.async_copy(tbl.at[srcbuf.at[r]], rowbufs[r], sems[r])

    def zero_acc():
        @pl.when(sid < WR_TILES)
        def _():
            pltpu.sync_copy(zeros_hbm, acc.at[pl.ds(sid * WR_ROWS, WR_ROWS)])

        plsc.subcore_barrier()

    def accum_loop(chunk):
        tbl = table_hbm.at[chunk]

        def body(g, carry):
            j0 = BUFS * g
            for r in range(BUFS):
                j = j0 + r
                pltpu.make_async_copy(
                    tbl.at[srcbuf.at[j]], rowbufs[r], sems[r]).wait()
                pltpu.sync_copy(rowbufs[r], acc.at[dstbuf.at[j]], add=True)

                @pl.when(j + BUFS < GROUPS)
                def _(r=r, j=j):
                    pltpu.async_copy(
                        tbl.at[srcbuf.at[j + BUFS]], rowbufs[r], sems[r])

            return carry

        lax.fori_loop(0, GROUPS // BUFS, body, 0)
        for j in range(GROUPS - GROUPS % BUFS, GROUPS):
            r = j % BUFS
            pltpu.make_async_copy(
                tbl.at[srcbuf.at[j]], rowbufs[r], sems[r]).wait()
            pltpu.sync_copy(rowbufs[r], acc.at[dstbuf.at[j]], add=True)

    def writeout(chunk):
        plsc.subcore_barrier()

        @pl.when(sid < WR_TILES)
        def _():
            sl = pl.ds(sid * WR_ROWS, WR_ROWS)
            pltpu.sync_copy(acc.at[sl], out_hbm.at[chunk].at[sl])

        plsc.subcore_barrier()

    def run_core(c0, c1):
        prime(c0)
        zero_acc()
        accum_loop(c0)
        prime(c1)
        writeout(c0)
        zero_acc()
        accum_loop(c1)
        writeout(c1)

    @pl.when(cid == 0)
    def _():
        run_core(0, 1)

    @pl.when(cid == 1)
    def _():
        run_core(2, 3)


def _hop_call(table, src_g, dst_g, zeros128):
    return pl.kernel(
        _hop_body,
        out_type=jax.ShapeDtypeStruct((N_CHUNKS, N_NODES, CHUNK), jnp.float32),
        mesh=_sc_mesh,
        scratch_types=[
            pltpu.VMEM((GROUPS, GROUP), jnp.int32),
            pltpu.VMEM((GROUPS, GROUP), jnp.int32),
            pltpu.VMEM((GROUP, CHUNK), jnp.float32),
            pltpu.VMEM((GROUP, CHUNK), jnp.float32),
            pltpu.VMEM((GROUP, CHUNK), jnp.float32),
            pltpu.MemorySpace.VMEM_SHARED((N_NODES, CHUNK), jnp.float32),
            pltpu.SemaphoreType.DMA,
            pltpu.SemaphoreType.DMA,
            pltpu.SemaphoreType.DMA,
        ],
        compiler_params=_sc_params,
    )(table, src_g, dst_g, zeros128)


def _proj_body(feat_ref, wt_ref, b_ref, degs_ref, g0_ref, norm_ref, nsq_ref):
    h = jnp.dot(feat_ref[...], wt_ref[...],
                preferred_element_type=jnp.float32) + b_ref[...]
    d = jnp.maximum(degs_ref[:, 0:1], 1.0)
    norm = lax.rsqrt(d)
    h = h * norm
    for c in range(N_CHUNKS):
        g0_ref[c, :, :] = h[:, c * CHUNK:(c + 1) * CHUNK]
    norm_ref[...] = jnp.broadcast_to(norm, norm_ref.shape)
    nsq_ref[...] = jnp.broadcast_to(1.0 / d, nsq_ref.shape)


def _proj_call(feat, wt, b2d, degs16):
    rb = 1000
    grid = (N_NODES // rb,)
    return pl.pallas_call(
        _proj_body,
        grid=grid,
        in_specs=[
            pl.BlockSpec((rb, D_IN), lambda i: (i, 0)),
            pl.BlockSpec((D_IN, D_OUT), lambda i: (0, 0)),
            pl.BlockSpec((1, D_OUT), lambda i: (0, 0)),
            pl.BlockSpec((rb, DEG_W), lambda i: (i, 0)),
        ],
        out_specs=[
            pl.BlockSpec((N_CHUNKS, rb, CHUNK), lambda i: (0, i, 0)),
            pl.BlockSpec((rb, DEG_W), lambda i: (i, 0)),
            pl.BlockSpec((rb, DEG_W), lambda i: (i, 0)),
        ],
        out_shape=[
            jax.ShapeDtypeStruct((N_CHUNKS, N_NODES, CHUNK), jnp.float32),
            jax.ShapeDtypeStruct((N_NODES, DEG_W), jnp.float32),
            jax.ShapeDtypeStruct((N_NODES, DEG_W), jnp.float32),
        ],
    )(feat, wt, b2d, degs16)


def _mid_body(s_ref, scale_ref, o_ref):
    o_ref[...] = s_ref[...] * scale_ref[:, 0:1][None]


def _mid_call(s, scale16):
    rb = 1000
    return pl.pallas_call(
        _mid_body,
        grid=(N_CHUNKS, N_NODES // rb),
        in_specs=[
            pl.BlockSpec((1, rb, CHUNK), lambda c, i: (c, i, 0)),
            pl.BlockSpec((rb, DEG_W), lambda c, i: (i, 0)),
        ],
        out_specs=pl.BlockSpec((1, rb, CHUNK), lambda c, i: (c, i, 0)),
        out_shape=jax.ShapeDtypeStruct((N_CHUNKS, N_NODES, CHUNK),
                                       jnp.float32),
    )(s, scale16)


def _fin_body(s_ref, scale_ref, o_ref):
    scale = scale_ref[:, 0:1]
    for c in range(N_CHUNKS):
        o_ref[:, c * CHUNK:(c + 1) * CHUNK] = s_ref[c, :, :] * scale


def _fin_call(s, norm16):
    rb = 1000
    return pl.pallas_call(
        _fin_body,
        grid=(N_NODES // rb,),
        in_specs=[
            pl.BlockSpec((N_CHUNKS, rb, CHUNK), lambda i: (0, i, 0)),
            pl.BlockSpec((rb, DEG_W), lambda i: (i, 0)),
        ],
        out_specs=pl.BlockSpec((rb, D_OUT), lambda i: (i, 0)),
        out_shape=jax.ShapeDtypeStruct((N_NODES, D_OUT), jnp.float32),
    )(s, norm16)


def kernel(feat, edge_index, W, b):
    src = edge_index[0].astype(jnp.int32)
    dst = edge_index[1].astype(jnp.int32)
    src_g = src.reshape(NS, GROUPS, GROUP)
    dst_g = dst.reshape(NS, GROUPS, GROUP)

    ones16 = jnp.zeros((GROUP, DEG_W), jnp.float32).at[:, 0].set(1.0)
    zeros16 = jnp.zeros((WR_ROWS, DEG_W), jnp.float32)
    zeros128 = jnp.zeros((WR_ROWS, CHUNK), jnp.float32)

    degs16 = _degs_call(dst_g, ones16, zeros16)
    g0, norm16, nsq16 = _proj_call(feat, W.T, b.reshape(1, D_OUT), degs16)
    s1 = _hop_call(g0, src_g, dst_g, zeros128)
    g1 = _mid_call(s1, nsq16)
    s2 = _hop_call(g1, src_g, dst_g, zeros128)
    return _fin_call(s2, norm16)

# --- scband reference (transcript-rebuilt; emitter-appended) ---
"""Pipeline reference for scband-sgc-50448685859071 (READ-ONLY COPY).

The authoritative reference and input builder live on the scoring server;
editing this copy changes nothing except your own understanding.
"""

import jax, jax.numpy as jnp
import numpy as np

N_NODES = 10000
N_EDGES = 160000
D_IN = 256
D_OUT = 512
N_HOPS = 2  # len(hidden_lst)


def setup_inputs(seed: int = 0) -> dict:
    key = jax.random.key(seed)
    k1, k2, k3, k4 = jax.random.split(key, 4)
    feat = jax.random.normal(k1, (N_NODES, D_IN), dtype=jnp.float32)
    edge_index = jax.random.randint(k2, (2, N_EDGES), 0, N_NODES, dtype=jnp.int32)
    # Linear(in_feats=256, out=hidden_lst[-1]=512) parameters, PyTorch-style init
    bound = 1.0 / np.sqrt(D_IN)
    W = jax.random.uniform(k3, (D_OUT, D_IN), dtype=jnp.float32, minval=-bound, maxval=bound)
    b = jax.random.uniform(k4, (D_OUT,), dtype=jnp.float32, minval=-bound, maxval=bound)
    return {"feat": feat, "edge_index": edge_index, "W": W, "b": b}


def reference(feat, edge_index, W, b):
    src = edge_index[0]
    dst = edge_index[1]
    # in-degrees (count of incoming edges per dst node), clamp(min=1)
    degs = jnp.bincount(dst, length=N_NODES).astype(jnp.float32)
    degs = jnp.clip(degs, 1.0, None)[:, None]
    norm = jnp.power(degs, -0.5)
    # initial linear projection
    h = feat @ W.T + b
    # N_HOPS rounds of symmetric-normalized propagation: h <- D^{-1/2} A D^{-1/2} h
    for _ in range(N_HOPS):
        h = h * norm
        msg = jnp.take(h, src, axis=0)
        h = jax.ops.segment_sum(msg, dst, num_segments=N_NODES)
        h = h * norm
    return h

if __name__ == "__main__":
    import jax
    _d = setup_inputs()
    print(jax.jit(kernel)(*tuple(_d.values())))

</pallas_src>

<mosaic_0001>
#map = affine_map<(d0, d1) -> (0, 0, 0)>
#map1 = affine_map<(d0, d1) -> (0, 0)>
module attributes {stable_mosaic.version = 14 : i64} {
  func.func @_degs_body(%arg0: i32, %arg1: i32, %arg2: memref<16x125x80xi32, #tpu.memory_space<hbm>>, %arg3: memref<80x16xf32, #tpu.memory_space<hbm>>, %arg4: memref<1000x16xf32, #tpu.memory_space<hbm>>, %arg5: memref<10000x16xf32, #tpu.memory_space<hbm>>, %arg6: memref<125x80xi32, #tpu.memory_space<vmem>>, %arg7: memref<80x16xf32, #tpu.memory_space<vmem>>, %arg8: memref<10000x16xf32, #tpu.memory_space<vmem_shared>>) attributes {dimension_semantics = [#tpu.dimension_semantics<core_parallel>, #tpu.dimension_semantics<subcore_parallel>], iteration_bounds = array<i64: 2, 16>, scalar_prefetch = 0 : i64, scratch_operands = 3 : i64, tpu.core_type = #tpu.core_type<sc_vector_subcore>, window_params = [{transform_indices = #map}, {transform_indices = #map1}, {transform_indices = #map1}, {transform_indices = #map1}]} {
    "tpu.region"() ({
      %run_scoped3A = tpu.sem_alloc : memref<!tpu.dma_semaphore, #tpu.memory_space<semaphore_mem>>
      %dma_start3A = arith.constant 0 : i32
      %dma_start3A_14 = arith.constant 0 : i32
      %dma_start3A_15 = tpu.memref_slice %arg2[%arg1, %dma_start3A, %dma_start3A_14] : memref<16x125x80xi32, #tpu.memory_space<hbm>> -> memref<1x125x80xi32, #tpu.memory_space<hbm>>
      %dma_start3A_16 = tpu.memref_squeeze %dma_start3A_15 : memref<1x125x80xi32, #tpu.memory_space<hbm>> -> memref<125x80xi32, #tpu.memory_space<hbm>>
      %dma_start3A_17 = arith.constant 0 : i32
      %dma_start3A_18 = arith.constant 0 : i32
      %dma_start3A_19 = tpu.memref_slice %arg2[%arg1, %dma_start3A_17, %dma_start3A_18] : memref<16x125x80xi32, #tpu.memory_space<hbm>> -> memref<1x125x80xi32, #tpu.memory_space<hbm>>
      %dma_start3A_20 = tpu.memref_squeeze %dma_start3A_19 : memref<1x125x80xi32, #tpu.memory_space<hbm>> -> memref<125x80xi32, #tpu.memory_space<hbm>>
      tpu.enqueue_dma source(%dma_start3A_20 : memref<125x80xi32, #tpu.memory_space<hbm>>) target(%arg6 : memref<125x80xi32, #tpu.memory_space<vmem>>) target_semaphore(%run_scoped3A : memref<!tpu.dma_semaphore, #tpu.memory_space<semaphore_mem>>)
      %dma_wait3A = arith.constant 0 : i32
      %dma_wait3A_21 = arith.constant 0 : i32
      %dma_wait3A_22 = tpu.memref_slice %arg2[%arg1, %dma_wait3A, %dma_wait3A_21] : memref<16x125x80xi32, #tpu.memory_space<hbm>> -> memref<1x125x80xi32, #tpu.memory_space<hbm>>
      %dma_wait3A_23 = tpu.memref_squeeze %dma_wait3A_22 : memref<1x125x80xi32, #tpu.memory_space<hbm>> -> memref<125x80xi32, #tpu.memory_space<hbm>>
      %dma_wait3A_24 = arith.constant 0 : i32
      %dma_wait3A_25 = arith.constant 0 : i32
      %dma_wait3A_26 = tpu.memref_slice %arg2[%arg1, %dma_wait3A_24, %dma_wait3A_25] : memref<16x125x80xi32, #tpu.memory_space<hbm>> -> memref<1x125x80xi32, #tpu.memory_space<hbm>>
      %dma_wait3A_27 = tpu.memref_squeeze %dma_wait3A_26 : memref<1x125x80xi32, #tpu.memory_space<hbm>> -> memref<125x80xi32, #tpu.memory_space<hbm>>
      tpu.wait_dma2 semaphore(%run_scoped3A : memref<!tpu.dma_semaphore, #tpu.memory_space<semaphore_mem>>) src(%dma_wait3A_27 : memref<125x80xi32, #tpu.memory_space<hbm>>) dst(%arg6 : memref<125x80xi32, #tpu.memory_space<vmem>>)
      tpu.yield
    }) : () -> ()
    "tpu.region"() ({
      %run_scoped3A = tpu.sem_alloc : memref<!tpu.dma_semaphore, #tpu.memory_space<semaphore_mem>>
      tpu.enqueue_dma source(%arg3 : memref<80x16xf32, #tpu.memory_space<hbm>>) target(%arg7 : memref<80x16xf32, #tpu.memory_space<vmem>>) target_semaphore(%run_scoped3A : memref<!tpu.dma_semaphore, #tpu.memory_space<semaphore_mem>>)
      tpu.wait_dma2 semaphore(%run_scoped3A : memref<!tpu.dma_semaphore, #tpu.memory_space<semaphore_mem>>) src(%arg3 : memref<80x16xf32, #tpu.memory_space<hbm>>) dst(%arg7 : memref<80x16xf32, #tpu.memory_space<vmem>>)
      tpu.yield
    }) : () -> ()
    %lt3A = arith.constant 10 : i32
    %lt3A_0 = arith.cmpi slt, %arg1, %lt3A : i32
    %convert_element_type3A = arith.extui %lt3A_0 : i1 to i32
    %cond3A = arith.constant 0 : i32
    %cond3A_1 = arith.cmpi ne, %convert_element_type3A, %cond3A : i32
    scf.if %cond3A_1 {
      %mul3A = arith.constant 1000 : i32
      %mul3A_14 = arith.muli %arg1, %mul3A : i32
      "tpu.region"() ({
        %run_scoped3A = tpu.sem_alloc : memref<!tpu.dma_semaphore, #tpu.memory_space<semaphore_mem>>
        %dma_start3A = arith.constant 0 : i32
        %dma_start3A_15 = tpu.memref_slice %arg8[%mul3A_14, %dma_start3A] : memref<10000x16xf32, #tpu.memory_space<vmem_shared>> -> memref<1000x16xf32, #tpu.memory_space<vmem_shared>>
        tpu.enqueue_dma source(%arg4 : memref<1000x16xf32, #tpu.memory_space<hbm>>) target(%dma_start3A_15 : memref<1000x16xf32, #tpu.memory_space<vmem_shared>>) target_semaphore(%run_scoped3A : memref<!tpu.dma_semaphore, #tpu.memory_space<semaphore_mem>>)
        %dma_wait3A = arith.constant 0 : i32
        %dma_wait3A_16 = tpu.memref_slice %arg8[%mul3A_14, %dma_wait3A] : memref<10000x16xf32, #tpu.memory_space<vmem_shared>> -> memref<1000x16xf32, #tpu.memory_space<vmem_shared>>
        tpu.wait_dma2 semaphore(%run_scoped3A : memref<!tpu.dma_semaphore, #tpu.memory_space<semaphore_mem>>) src(%arg4 : memref<1000x16xf32, #tpu.memory_space<hbm>>) dst(%dma_wait3A_16 : memref<1000x16xf32, #tpu.memory_space<vmem_shared>>)
        tpu.yield
      }) : () -> ()
    } else {
    }
    %barrier3A = arith.constant 0 : index
    tpu.barrier barrier_id(%barrier3A)
    %scan3A = arith.constant 0 : i32
    %scan3A_2 = arith.constant 0 : i32
    %scan3A_3 = arith.constant 125 : i32
    %scan3A_4 = arith.addi %scan3A_2, %scan3A_3 : i32
    %scan3A_5 = arith.constant 1 : i32
    scf.for %scan3A_14 = %scan3A_2 to %scan3A_4 step %scan3A_5  : i32 {
      "tpu.region"() ({
        %run_scoped3A = tpu.sem_alloc : memref<!tpu.dma_semaphore, #tpu.memory_space<semaphore_mem>>
        %dma_start3A = arith.constant 0 : i32
        %dma_start3A_15 = tpu.memref_slice %arg6[%scan3A_14, %dma_start3A] : memref<125x80xi32, #tpu.memory_space<vmem>> -> memref<1x80xi32, #tpu.memory_space<vmem>>
        %dma_start3A_16 = tpu.memref_squeeze %dma_start3A_15 : memref<1x80xi32, #tpu.memory_space<vmem>> -> memref<80xi32, #tpu.memory_space<vmem>>
        %dma_start3A_17 = arith.constant 0 : i32
        %dma_start3A_18 = arith.constant 0 : i32
        %dma_start3A_19 = tpu.memref_slice %arg8[%dma_start3A_17, %dma_start3A_18] : memref<10000x16xf32, #tpu.memory_space<vmem_shared>> -> memref<10000x16xf32, #tpu.memory_space<vmem_shared>>
        tpu.enqueue_indirect_dma source(%arg7 : memref<80x16xf32, #tpu.memory_space<vmem>>) target(%dma_start3A_19 : memref<10000x16xf32, #tpu.memory_space<vmem_shared>>) offsets(%dma_start3A_16 : memref<80xi32, #tpu.memory_space<vmem>>) semaphore(%run_scoped3A : memref<!tpu.dma_semaphore, #tpu.memory_space<semaphore_mem>>) {add = true}
        %dma_wait3A = arith.constant 0 : i32
        %dma_wait3A_20 = tpu.memref_slice %arg6[%scan3A_14, %dma_wait3A] : memref<125x80xi32, #tpu.memory_space<vmem>> -> memref<1x80xi32, #tpu.memory_space<vmem>>
        %dma_wait3A_21 = tpu.memref_squeeze %dma_wait3A_20 : memref<1x80xi32, #tpu.memory_space<vmem>> -> memref<80xi32, #tpu.memory_space<vmem>>
        %dma_wait3A_22 = arith.constant 0 : i32
        %dma_wait3A_23 = arith.constant 0 : i32
        %dma_wait3A_24 = tpu.memref_slice %arg8[%dma_wait3A_22, %dma_wait3A_23] : memref<10000x16xf32, #tpu.memory_space<vmem_shared>> -> memref<10000x16xf32, #tpu.memory_space<vmem_shared>>
        tpu.wait_indirect_dma semaphore(%run_scoped3A : memref<!tpu.dma_semaphore, #tpu.memory_space<semaphore_mem>>) src(%arg7 : memref<80x16xf32, #tpu.memory_space<vmem>>) dst(%dma_wait3A_24 : memref<10000x16xf32, #tpu.memory_space<vmem_shared>>)
        tpu.yield
      }) : () -> ()
    }
    %scan3A_6 = arith.constant 125 : i32
    %barrier3A_7 = arith.constant 0 : index
    tpu.barrier barrier_id(%barrier3A_7)
    %eq3A = arith.constant 0 : i32
    %eq3A_8 = arith.cmpi eq, %arg0, %eq3A : i32
    %lt3A_9 = arith.constant 10 : i32
    %lt3A_10 = arith.cmpi slt, %arg1, %lt3A_9 : i32
    %and3A = arith.andi %eq3A_8, %lt3A_10 : i1
    %convert_element_type3A_11 = arith.extui %and3A : i1 to i32
    %cond3A_12 = arith.constant 0 : i32
    %cond3A_13 = arith.cmpi ne, %convert_element_type3A_11, %cond3A_12 : i32
    scf.if %cond3A_13 {
      %mul3A = arith.constant 1000 : i32
      %mul3A_14 = arith.muli %arg1, %mul3A : i32
      "tpu.region"() ({
        %run_scoped3A = tpu.sem_alloc : memref<!tpu.dma_semaphore, #tpu.memory_space<semaphore_mem>>
        %dma_start3A = arith.constant 0 : i32
        %dma_start3A_15 = tpu.memref_slice %arg5[%mul3A_14, %dma_start3A] : memref<10000x16xf32, #tpu.memory_space<hbm>> -> memref<1000x16xf32, #tpu.memory_space<hbm>>
        %dma_start3A_16 = arith.constant 0 : i32
        %dma_start3A_17 = tpu.memref_slice %arg8[%mul3A_14, %dma_start3A_16] : memref<10000x16xf32, #tpu.memory_space<vmem_shared>> -> memref<1000x16xf32, #tpu.memory_space<vmem_shared>>
        tpu.enqueue_dma source(%dma_start3A_17 : memref<1000x16xf32, #tpu.memory_space<vmem_shared>>) target(%dma_start3A_15 : memref<1000x16xf32, #tpu.memory_space<hbm>>) target_semaphore(%run_scoped3A : memref<!tpu.dma_semaphore, #tpu.memory_space<semaphore_mem>>)
        %dma_wait3A = arith.constant 0 : i32
        %dma_wait3A_18 = tpu.memref_slice %arg5[%mul3A_14, %dma_wait3A] : memref<10000x16xf32, #tpu.memory_space<hbm>> -> memref<1000x16xf32, #tpu.memory_space<hbm>>
        %dma_wait3A_19 = arith.constant 0 : i32
        %dma_wait3A_20 = tpu.memref_slice %arg8[%mul3A_14, %dma_wait3A_19] : memref<10000x16xf32, #tpu.memory_space<vmem_shared>> -> memref<1000x16xf32, #tpu.memory_space<vmem_shared>>
        tpu.wait_dma2 semaphore(%run_scoped3A : memref<!tpu.dma_semaphore, #tpu.memory_space<semaphore_mem>>) src(%dma_wait3A_20 : memref<1000x16xf32, #tpu.memory_space<vmem_shared>>) dst(%dma_wait3A_18 : memref<1000x16xf32, #tpu.memory_space<hbm>>)
        tpu.yield
      }) : () -> ()
    } else {
    }
    return
  }
}

#map = affine_map<(d0, d1) -> (0, 0, 0)>
#map1 = affine_map<(d0, d1) -> (0, 0)>
module attributes {stable_mosaic.version = 14 : i64} {
  func.func @_hop_body(%arg0: i32, %arg1: i32, %arg2: memref<4x10000x128xf32, #tpu.memory_space<hbm>>, %arg3: memref<16x125x80xi32, #tpu.memory_space<hbm>>, %arg4: memref<16x125x80xi32, #tpu.memory_space<hbm>>, %arg5: memref<1000x128xf32, #tpu.memory_space<hbm>>, %arg6: memref<4x10000x128xf32, #tpu.memory_space<hbm>>, %arg7: memref<125x80xi32, #tpu.memory_space<vmem>>, %arg8: memref<125x80xi32, #tpu.memory_space<vmem>>, %arg9: memref<80x128xf32, #tpu.memory_space<vmem>>, %arg10: memref<80x128xf32, #tpu.memory_space<vmem>>, %arg11: memref<80x128xf32, #tpu.memory_space<vmem>>, %arg12: memref<10000x128xf32, #tpu.memory_space<vmem_shared>>, %arg13: memref<!tpu.dma_semaphore, #tpu.memory_space<semaphore_mem>>, %arg14: memref<!tpu.dma_semaphore, #tpu.memory_space<semaphore_mem>>, %arg15: memref<!tpu.dma_semaphore, #tpu.memory_space<semaphore_mem>>) attributes {dimension_semantics = [#tpu.dimension_semantics<core_parallel>, #tpu.dimension_semantics<subcore_parallel>], iteration_bounds = array<i64: 2, 16>, scalar_prefetch = 0 : i64, scratch_operands = 9 : i64, tpu.core_type = #tpu.core_type<sc_vector_subcore>, window_params = [{transform_indices = #map}, {transform_indices = #map}, {transform_indices = #map}, {transform_indices = #map1}, {transform_indices = #map}]} {
    "tpu.region"() ({
      %run_scoped3A = tpu.sem_alloc : memref<!tpu.dma_semaphore, #tpu.memory_space<semaphore_mem>>
      %dma_start3A = arith.constant 0 : i32
      %dma_start3A_7 = arith.constant 0 : i32
      %dma_start3A_8 = tpu.memref_slice %arg3[%arg1, %dma_start3A, %dma_start3A_7] : memref<16x125x80xi32, #tpu.memory_space<hbm>> -> memref<1x125x80xi32, #tpu.memory_space<hbm>>
      %dma_start3A_9 = tpu.memref_squeeze %dma_start3A_8 : memref<1x125x80xi32, #tpu.memory_space<hbm>> -> memref<125x80xi32, #tpu.memory_space<hbm>>
      %dma_start3A_10 = arith.constant 0 : i32
      %dma_start3A_11 = arith.constant 0 : i32
      %dma_start3A_12 = tpu.memref_slice %arg3[%arg1, %dma_start3A_10, %dma_start3A_11] : memref<16x125x80xi32, #tpu.memory_space<hbm>> -> memref<1x125x80xi32, #tpu.memory_space<hbm>>
      %dma_start3A_13 = tpu.memref_squeeze %dma_start3A_12 : memref<1x125x80xi32, #tpu.memory_space<hbm>> -> memref<125x80xi32, #tpu.memory_space<hbm>>
      tpu.enqueue_dma source(%dma_start3A_13 : memref<125x80xi32, #tpu.memory_space<hbm>>) target(%arg7 : memref<125x80xi32, #tpu.memory_space<vmem>>) target_semaphore(%run_scoped3A : memref<!tpu.dma_semaphore, #tpu.memory_space<semaphore_mem>>)
      %dma_wait3A = arith.constant 0 : i32
      %dma_wait3A_14 = arith.constant 0 : i32
      %dma_wait3A_15 = tpu.memref_slice %arg3[%arg1, %dma_wait3A, %dma_wait3A_14] : memref<16x125x80xi32, #tpu.memory_space<hbm>> -> memref<1x125x80xi32, #tpu.memory_space<hbm>>
      %dma_wait3A_16 = tpu.memref_squeeze %dma_wait3A_15 : memref<1x125x80xi32, #tpu.memory_space<hbm>> -> memref<125x80xi32, #tpu.memory_space<hbm>>
      %dma_wait3A_17 = arith.constant 0 : i32
      %dma_wait3A_18 = arith.constant 0 : i32
      %dma_wait3A_19 = tpu.memref_slice %arg3[%arg1, %dma_wait3A_17, %dma_wait3A_18] : memref<16x125x80xi32, #tpu.memory_space<hbm>> -> memref<1x125x80xi32, #tpu.memory_space<hbm>>
      %dma_wait3A_20 = tpu.memref_squeeze %dma_wait3A_19 : memref<1x125x80xi32, #tpu.memory_space<hbm>> -> memref<125x80xi32, #tpu.memory_space<hbm>>
      tpu.wait_dma2 semaphore(%run_scoped3A : memref<!tpu.dma_semaphore, #tpu.memory_space<semaphore_mem>>) src(%dma_wait3A_20 : memref<125x80xi32, #tpu.memory_space<hbm>>) dst(%arg7 : memref<125x80xi32, #tpu.memory_space<vmem>>)
      tpu.yield
    }) : () -> ()
    "tpu.region"() ({
      %run_scoped3A = tpu.sem_alloc : memref<!tpu.dma_semaphore, #tpu.memory_space<semaphore_mem>>
      %dma_start3A = arith.constant 0 : i32
      %dma_start3A_7 = arith.constant 0 : i32
      %dma_start3A_8 = tpu.memref_slice %arg4[%arg1, %dma_start3A, %dma_start3A_7] : memref<16x125x80xi32, #tpu.memory_space<hbm>> -> memref<1x125x80xi32, #tpu.memory_space<hbm>>
      %dma_start3A_9 = tpu.memref_squeeze %dma_start3A_8 : memref<1x125x80xi32, #tpu.memory_space<hbm>> -> memref<125x80xi32, #tpu.memory_space<hbm>>
      %dma_start3A_10 = arith.constant 0 : i32
      %dma_start3A_11 = arith.constant 0 : i32
      %dma_start3A_12 = tpu.memref_slice %arg4[%arg1, %dma_start3A_10, %dma_start3A_11] : memref<16x125x80xi32, #tpu.memory_space<hbm>> -> memref<1x125x80xi32, #tpu.memory_space<hbm>>
      %dma_start3A_13 = tpu.memref_squeeze %dma_start3A_12 : memref<1x125x80xi32, #tpu.memory_space<hbm>> -> memref<125x80xi32, #tpu.memory_space<hbm>>
      tpu.enqueue_dma source(%dma_start3A_13 : memref<125x80xi32, #tpu.memory_space<hbm>>) target(%arg8 : memref<125x80xi32, #tpu.memory_space<vmem>>) target_semaphore(%run_scoped3A : memref<!tpu.dma_semaphore, #tpu.memory_space<semaphore_mem>>)
      %dma_wait3A = arith.constant 0 : i32
      %dma_wait3A_14 = arith.constant 0 : i32
      %dma_wait3A_15 = tpu.memref_slice %arg4[%arg1, %dma_wait3A, %dma_wait3A_14] : memref<16x125x80xi32, #tpu.memory_space<hbm>> -> memref<1x125x80xi32, #tpu.memory_space<hbm>>
      %dma_wait3A_16 = tpu.memref_squeeze %dma_wait3A_15 : memref<1x125x80xi32, #tpu.memory_space<hbm>> -> memref<125x80xi32, #tpu.memory_space<hbm>>
      %dma_wait3A_17 = arith.constant 0 : i32
      %dma_wait3A_18 = arith.constant 0 : i32
      %dma_wait3A_19 = tpu.memref_slice %arg4[%arg1, %dma_wait3A_17, %dma_wait3A_18] : memref<16x125x80xi32, #tpu.memory_space<hbm>> -> memref<1x125x80xi32, #tpu.memory_space<hbm>>
      %dma_wait3A_20 = tpu.memref_squeeze %dma_wait3A_19 : memref<1x125x80xi32, #tpu.memory_space<hbm>> -> memref<125x80xi32, #tpu.memory_space<hbm>>
      tpu.wait_dma2 semaphore(%run_scoped3A : memref<!tpu.dma_semaphore, #tpu.memory_space<semaphore_mem>>) src(%dma_wait3A_20 : memref<125x80xi32, #tpu.memory_space<hbm>>) dst(%arg8 : memref<125x80xi32, #tpu.memory_space<vmem>>)
      tpu.yield
    }) : () -> ()
    %eq3A = arith.constant 0 : i32
    %eq3A_0 = arith.cmpi eq, %arg0, %eq3A : i32
    %convert_element_type3A = arith.extui %eq3A_0 : i1 to i32
    %cond3A = arith.constant 0 : i32
    %cond3A_1 = arith.cmpi ne, %convert_element_type3A, %cond3A : i32
    scf.if %cond3A_1 {
      %dma_start3A = arith.constant 0 : i32
      %dma_start3A_7 = arith.constant 0 : i32
      %dma_start3A_8 = arith.constant 0 : i32
      %dma_start3A_9 = tpu.memref_slice %arg7[%dma_start3A_7, %dma_start3A_8] : memref<125x80xi32, #tpu.memory_space<vmem>> -> memref<1x80xi32, #tpu.memory_space<vmem>>
      %dma_start3A_10 = tpu.memref_squeeze %dma_start3A_9 : memref<1x80xi32, #tpu.memory_space<vmem>> -> memref<80xi32, #tpu.memory_space<vmem>>
      %dma_start3A_11 = arith.constant 0 : i32
      %dma_start3A_12 = arith.constant 0 : i32
      %dma_start3A_13 = tpu.memref_slice %arg2[%dma_start3A, %dma_start3A_11, %dma_start3A_12] : memref<4x10000x128xf32, #tpu.memory_space<hbm>> -> memref<1x10000x128xf32, #tpu.memory_space<hbm>>
      %dma_start3A_14 = tpu.memref_squeeze %dma_start3A_13 : memref<1x10000x128xf32, #tpu.memory_space<hbm>> -> memref<10000x128xf32, #tpu.memory_space<hbm>>
      %dma_start3A_15 = arith.constant 0 : i32
      %dma_start3A_16 = arith.constant 0 : i32
      %dma_start3A_17 = tpu.memref_slice %dma_start3A_14[%dma_start3A_15, %dma_start3A_16] : memref<10000x128xf32, #tpu.memory_space<hbm>> -> memref<10000x128xf32, #tpu.memory_space<hbm>>
      tpu.enqueue_indirect_dma source(%dma_start3A_17 : memref<10000x128xf32, #tpu.memory_space<hbm>>) target(%arg9 : memref<80x128xf32, #tpu.memory_space<vmem>>) offsets(%dma_start3A_10 : memref<80xi32, #tpu.memory_space<vmem>>) semaphore(%arg13 : memref<!tpu.dma_semaphore, #tpu.memory_space<semaphore_mem>>)
      %dma_start3A_18 = arith.constant 0 : i32
      %dma_start3A_19 = arith.constant 1 : i32
      %dma_start3A_20 = arith.constant 0 : i32
      %dma_start3A_21 = tpu.memref_slice %arg7[%dma_start3A_19, %dma_start3A_20] : memref<125x80xi32, #tpu.memory_space<vmem>> -> memref<1x80xi32, #tpu.memory_space<vmem>>
      %dma_start3A_22 = tpu.memref_squeeze %dma_start3A_21 : memref<1x80xi32, #tpu.memory_space<vmem>> -> memref<80xi32, #tpu.memory_space<vmem>>
      %dma_start3A_23 = arith.constant 0 : i32
      %dma_start3A_24 = arith.constant 0 : i32
      %dma_start3A_25 = tpu.memref_slice %arg2[%dma_start3A_18, %dma_start3A_23, %dma_start3A_24] : memref<4x10000x128xf32, #tpu.memory_space<hbm>> -> memref<1x10000x128xf32, #tpu.memory_space<hbm>>
      %dma_start3A_26 = tpu.memref_squeeze %dma_start3A_25 : memref<1x10000x128xf32, #tpu.memory_space<hbm>> -> memref<10000x128xf32, #tpu.memory_space<hbm>>
      %dma_start3A_27 = arith.constant 0 : i32
      %dma_start3A_28 = arith.constant 0 : i32
      %dma_start3A_29 = tpu.memref_slice %dma_start3A_26[%dma_start3A_27, %dma_start3A_28] : memref<10000x128xf32, #tpu.memory_space<hbm>> -> memref<10000x128xf32, #tpu.memory_space<hbm>>
      tpu.enqueue_indirect_dma source(%dma_start3A_29 : memref<10000x128xf32, #tpu.memory_space<hbm>>) target(%arg10 : memref<80x128xf32, #tpu.memory_space<vmem>>) offsets(%dma_start3A_22 : memref<80xi32, #tpu.memory_space<vmem>>) semaphore(%arg14 : memref<!tpu.dma_semaphore, #tpu.memory_space<semaphore_mem>>)
      %dma_start3A_30 = arith.constant 0 : i32
      %dma_start3A_31 = arith.constant 2 : i32
      %dma_start3A_32 = arith.constant 0 : i32
      %dma_start3A_33 = tpu.memref_slice %arg7[%dma_start3A_31, %dma_start3A_32] : memref<125x80xi32, #tpu.memory_space<vmem>> -> memref<1x80xi32, #tpu.memory_space<vmem>>
      %dma_start3A_34 = tpu.memref_squeeze %dma_start3A_33 : memref<1x80xi32, #tpu.memory_space<vmem>> -> memref<80xi32, #tpu.memory_space<vmem>>
      %dma_start3A_35 = arith.constant 0 : i32
      %dma_start3A_36 = arith.constant 0 : i32
      %dma_start3A_37 = tpu.memref_slice %arg2[%dma_start3A_30, %dma_start3A_35, %dma_start3A_36] : memref<4x10000x128xf32, #tpu.memory_space<hbm>> -> memref<1x10000x128xf32, #tpu.memory_space<hbm>>
      %dma_start3A_38 = tpu.memref_squeeze %dma_start3A_37 : memref<1x10000x128xf32, #tpu.memory_space<hbm>> -> memref<10000x128xf32, #tpu.memory_space<hbm>>
      %dma_start3A_39 = arith.constant 0 : i32
      %dma_start3A_40 = arith.constant 0 : i32
      %dma_start3A_41 = tpu.memref_slice %dma_start3A_38[%dma_start3A_39, %dma_start3A_40] : memref<10000x128xf32, #tpu.memory_space<hbm>> -> memref<10000x128xf32, #tpu.memory_space<hbm>>
      tpu.enqueue_indirect_dma source(%dma_start3A_41 : memref<10000x128xf32, #tpu.memory_space<hbm>>) target(%arg11 : memref<80x128xf32, #tpu.memory_space<vmem>>) offsets(%dma_start3A_34 : memref<80xi32, #tpu.memory_space<vmem>>) semaphore(%arg15 : memref<!tpu.dma_semaphore, #tpu.memory_space<semaphore_mem>>)
      %lt3A = arith.constant 10 : i32
      %lt3A_42 = arith.cmpi slt, %arg1, %lt3A : i32
      %convert_element_type3A_43 = arith.extui %lt3A_42 : i1 to i32
      %cond3A_44 = arith.constant 0 : i32
      %cond3A_45 = arith.cmpi ne, %convert_element_type3A_43, %cond3A_44 : i32
      scf.if %cond3A_45 {
        %mul3A = arith.constant 1000 : i32
        %mul3A_165 = arith.muli %arg1, %mul3A : i32
        "tpu.region"() ({
          %run_scoped3A_166 = tpu.sem_alloc : memref<!tpu.dma_semaphore, #tpu.memory_space<semaphore_mem>>
          %dma_start3A_167 = arith.constant 0 : i32
          %dma_start3A_168 = tpu.memref_slice %arg12[%mul3A_165, %dma_start3A_167] : memref<10000x128xf32, #tpu.memory_space<vmem_shared>> -> memref<1000x128xf32, #tpu.memory_space<vmem_shared>>
          tpu.enqueue_dma source(%arg5 : memref<1000x128xf32, #tpu.memory_space<hbm>>) target(%dma_start3A_168 : memref<1000x128xf32, #tpu.memory_space<vmem_shared>>) target_semaphore(%run_scoped3A_166 : memref<!tpu.dma_semaphore, #tpu.memory_space<semaphore_mem>>)
          %dma_wait3A_169 = arith.constant 0 : i32
          %dma_wait3A_170 = tpu.memref_slice %arg12[%mul3A_165, %dma_wait3A_169] : memref<10000x128xf32, #tpu.memory_space<vmem_shared>> -> memref<1000x128xf32, #tpu.memory_space<vmem_shared>>
          tpu.wait_dma2 semaphore(%run_scoped3A_166 : memref<!tpu.dma_semaphore, #tpu.memory_space<semaphore_mem>>) src(%arg5 : memref<1000x128xf32, #tpu.memory_space<hbm>>) dst(%dma_wait3A_170 : memref<1000x128xf32, #tpu.memory_space<vmem_shared>>)
          tpu.yield
        }) : () -> ()
      } else {
      }
      %barrier3A = arith.constant 0 : index
      tpu.barrier barrier_id(%barrier3A)
      %scan3A = arith.constant 0 : i32
      %scan3A_46 = arith.constant 0 : i32
      %scan3A_47 = arith.constant 0 : i32
      %scan3A_48 = arith.constant 41 : i32
      %scan3A_49 = arith.addi %scan3A_47, %scan3A_48 : i32
      %scan3A_50 = arith.constant 1 : i32
      scf.for %scan3A_165 = %scan3A_47 to %scan3A_49 step %scan3A_50  : i32 {
        %mul3A = arith.constant 3 : i32
        %mul3A_166 = arith.muli %mul3A, %scan3A_165 : i32
        %add3A = arith.constant 0 : i32
        %add3A_167 = arith.addi %mul3A_166, %add3A : i32
        %dma_wait3A_168 = arith.constant 0 : i32
        %dma_wait3A_169 = tpu.memref_slice %arg7[%add3A_167, %dma_wait3A_168] : memref<125x80xi32, #tpu.memory_space<vmem>> -> memref<1x80xi32, #tpu.memory_space<vmem>>
        %dma_wait3A_170 = tpu.memref_squeeze %dma_wait3A_169 : memref<1x80xi32, #tpu.memory_space<vmem>> -> memref<80xi32, #tpu.memory_space<vmem>>
        %dma_wait3A_171 = arith.constant 0 : i32
        %dma_wait3A_172 = arith.constant 0 : i32
        %dma_wait3A_173 = tpu.memref_slice %arg2[%scan3A_46, %dma_wait3A_171, %dma_wait3A_172] : memref<4x10000x128xf32, #tpu.memory_space<hbm>> -> memref<1x10000x128xf32, #tpu.memory_space<hbm>>
        %dma_wait3A_174 = tpu.memref_squeeze %dma_wait3A_173 : memref<1x10000x128xf32, #tpu.memory_space<hbm>> -> memref<10000x128xf32, #tpu.memory_space<hbm>>
        %dma_wait3A_175 = arith.constant 0 : i32
        %dma_wait3A_176 = arith.constant 0 : i32
        %dma_wait3A_177 = tpu.memref_slice %dma_wait3A_174[%dma_wait3A_175, %dma_wait3A_176] : memref<10000x128xf32, #tpu.memory_space<hbm>> -> memref<10000x128xf32, #tpu.memory_space<hbm>>
        tpu.wait_indirect_dma semaphore(%arg13 : memref<!tpu.dma_semaphore, #tpu.memory_space<semaphore_mem>>) src(%dma_wait3A_177 : memref<10000x128xf32, #tpu.memory_space<hbm>>) dst(%arg9 : memref<80x128xf32, #tpu.memory_space<vmem>>)
        "tpu.region"() ({
          %run_scoped3A_223 = tpu.sem_alloc : memref<!tpu.dma_semaphore, #tpu.memory_space<semaphore_mem>>
          %dma_start3A_224 = arith.constant 0 : i32
          %dma_start3A_225 = tpu.memref_slice %arg8[%add3A_167, %dma_start3A_224] : memref<125x80xi32, #tpu.memory_space<vmem>> -> memref<1x80xi32, #tpu.memory_space<vmem>>
          %dma_start3A_226 = tpu.memref_squeeze %dma_start3A_225 : memref<1x80xi32, #tpu.memory_space<vmem>> -> memref<80xi32, #tpu.memory_space<vmem>>
          %dma_start3A_227 = arith.constant 0 : i32
          %dma_start3A_228 = arith.constant 0 : i32
          %dma_start3A_229 = tpu.memref_slice %arg12[%dma_start3A_227, %dma_start3A_228] : memref<10000x128xf32, #tpu.memory_space<vmem_shared>> -> memref<10000x128xf32, #tpu.memory_space<vmem_shared>>
          tpu.enqueue_indirect_dma source(%arg9 : memref<80x128xf32, #tpu.memory_space<vmem>>) target(%dma_start3A_229 : memref<10000x128xf32, #tpu.memory_space<vmem_shared>>) offsets(%dma_start3A_226 : memref<80xi32, #tpu.memory_space<vmem>>) semaphore(%run_scoped3A_223 : memref<!tpu.dma_semaphore, #tpu.memory_space<semaphore_mem>>) {add = true}
          %dma_wait3A_230 = arith.constant 0 : i32
          %dma_wait3A_231 = tpu.memref_slice %arg8[%add3A_167, %dma_wait3A_230] : memref<125x80xi32, #tpu.memory_space<vmem>> -> memref<1x80xi32, #tpu.memory_space<vmem>>
          %dma_wait3A_232 = tpu.memref_squeeze %dma_wait3A_231 : memref<1x80xi32, #tpu.memory_space<vmem>> -> memref<80xi32, #tpu.memory_space<vmem>>
          %dma_wait3A_233 = arith.constant 0 : i32
          %dma_wait3A_234 = arith.constant 0 : i32
          %dma_wait3A_235 = tpu.memref_slice %arg12[%dma_wait3A_233, %dma_wait3A_234] : memref<10000x128xf32, #tpu.memory_space<vmem_shared>> -> memref<10000x128xf32, #tpu.memory_space<vmem_shared>>
          tpu.wait_indirect_dma semaphore(%run_scoped3A_223 : memref<!tpu.dma_semaphore, #tpu.memory_space<semaphore_mem>>) src(%arg9 : memref<80x128xf32, #tpu.memory_space<vmem>>) dst(%dma_wait3A_235 : memref<10000x128xf32, #tpu.memory_space<vmem_shared>>)
          tpu.yield
        }) : () -> ()
        %add3A_178 = arith.constant 3 : i32
        %add3A_179 = arith.addi %add3A_167, %add3A_178 : i32
        %lt3A_180 = arith.constant 125 : i32
        %lt3A_181 = arith.cmpi slt, %add3A_179, %lt3A_180 : i32
        %convert_element_type3A_182 = arith.extui %lt3A_181 : i1 to i32
        %cond3A_183 = arith.constant 0 : i32
        %cond3A_184 = arith.cmpi ne, %convert_element_type3A_182, %cond3A_183 : i32
        scf.if %cond3A_184 {
          %add3A_223 = arith.constant 3 : i32
          %add3A_224 = arith.addi %add3A_167, %add3A_223 : i32
          %dma_start3A_225 = arith.constant 0 : i32
          %dma_start3A_226 = tpu.memref_slice %arg7[%add3A_224, %dma_start3A_225] : memref<125x80xi32, #tpu.memory_space<vmem>> -> memref<1x80xi32, #tpu.memory_space<vmem>>
          %dma_start3A_227 = tpu.memref_squeeze %dma_start3A_226 : memref<1x80xi32, #tpu.memory_space<vmem>> -> memref<80xi32, #tpu.memory_space<vmem>>
          %dma_start3A_228 = arith.constant 0 : i32
          %dma_start3A_229 = arith.constant 0 : i32
          %dma_start3A_230 = tpu.memref_slice %arg2[%scan3A_46, %dma_start3A_228, %dma_start3A_229] : memref<4x10000x128xf32, #tpu.memory_space<hbm>> -> memref<1x10000x128xf32, #tpu.memory_space<hbm>>
          %dma_start3A_231 = tpu.memref_squeeze %dma_start3A_230 : memref<1x10000x128xf32, #tpu.memory_space<hbm>> -> memref<10000x128xf32, #tpu.memory_space<hbm>>
          %dma_start3A_232 = arith.constant 0 : i32
          %dma_start3A_233 = arith.constant 0 : i32
          %dma_start3A_234 = tpu.memref_slice %dma_start3A_231[%dma_start3A_232, %dma_start3A_233] : memref<10000x128xf32, #tpu.memory_space<hbm>> -> memref<10000x128xf32, #tpu.memory_space<hbm>>
          tpu.enqueue_indirect_dma source(%dma_start3A_234 : memref<10000x128xf32, #tpu.memory_space<hbm>>) target(%arg9 : memref<80x128xf32, #tpu.memory_space<vmem>>) offsets(%dma_start3A_227 : memref<80xi32, #tpu.memory_space<vmem>>) semaphore(%arg13 : memref<!tpu.dma_semaphore, #tpu.memory_space<semaphore_mem>>)
        } else {
        }
        %add3A_185 = arith.constant 1 : i32
        %add3A_186 = arith.addi %mul3A_166, %add3A_185 : i32
        %dma_wait3A_187 = arith.constant 0 : i32
        %dma_wait3A_188 = tpu.memref_slice %arg7[%add3A_186, %dma_wait3A_187] : memref<125x80xi32, #tpu.memory_space<vmem>> -> memref<1x80xi32, #tpu.memory_space<vmem>>
        %dma_wait3A_189 = tpu.memref_squeeze %dma_wait3A_188 : memref<1x80xi32, #tpu.memory_space<vmem>> -> memref<80xi32, #tpu.memory_space<vmem>>
        %dma_wait3A_190 = arith.constant 0 : i32
        %dma_wait3A_191 = arith.constant 0 : i32
        %dma_wait3A_192 = tpu.memref_slice %arg2[%scan3A_46, %dma_wait3A_190, %dma_wait3A_191] : memref<4x10000x128xf32, #tpu.memory_space<hbm>> -> memref<1x10000x128xf32, #tpu.memory_space<hbm>>
        %dma_wait3A_193 = tpu.memref_squeeze %dma_wait3A_192 : memref<1x10000x128xf32, #tpu.memory_space<hbm>> -> memref<10000x128xf32, #tpu.memory_space<hbm>>
        %dma_wait3A_194 = arith.constant 0 : i32
        %dma_wait3A_195 = arith.constant 0 : i32
        %dma_wait3A_196 = tpu.memref_slice %dma_wait3A_193[%dma_wait3A_194, %dma_wait3A_195] : memref<10000x128xf32, #tpu.memory_space<hbm>> -> memref<10000x128xf32, #tpu.memory_space<hbm>>
        tpu.wait_indirect_dma semaphore(%arg14 : memref<!tpu.dma_semaphore, #tpu.memory_space<semaphore_mem>>) src(%dma_wait3A_196 : memref<10000x128xf32, #tpu.memory_space<hbm>>) dst(%arg10 : memref<80x128xf32, #tpu.memory_space<vmem>>)
        "tpu.region"() ({
          %run_scoped3A_223 = tpu.sem_alloc : memref<!tpu.dma_semaphore, #tpu.memory_space<semaphore_mem>>
          %dma_start3A_224 = arith.constant 0 : i32
          %dma_start3A_225 = tpu.memref_slice %arg8[%add3A_186, %dma_start3A_224] : memref<125x80xi32, #tpu.memory_space<vmem>> -> memref<1x80xi32, #tpu.memory_space<vmem>>
          %dma_start3A_226 = tpu.memref_squeeze %dma_start3A_225 : memref<1x80xi32, #tpu.memory_space<vmem>> -> memref<80xi32, #tpu.memory_space<vmem>>
          %dma_start3A_227 = arith.constant 0 : i32
          %dma_start3A_228 = arith.constant 0 : i32
          %dma_start3A_229 = tpu.memref_slice %arg12[%dma_start3A_227, %dma_start3A_228] : memref<10000x128xf32, #tpu.memory_space<vmem_shared>> -> memref<10000x128xf32, #tpu.memory_space<vmem_shared>>
          tpu.enqueue_indirect_dma source(%arg10 : memref<80x128xf32, #tpu.memory_space<vmem>>) target(%dma_start3A_229 : memref<10000x128xf32, #tpu.memory_space<vmem_shared>>) offsets(%dma_start3A_226 : memref<80xi32, #tpu.memory_space<vmem>>) semaphore(%run_scoped3A_223 : memref<!tpu.dma_semaphore, #tpu.memory_space<semaphore_mem>>) {add = true}
          %dma_wait3A_230 = arith.constant 0 : i32
          %dma_wait3A_231 = tpu.memref_slice %arg8[%add3A_186, %dma_wait3A_230] : memref<125x80xi32, #tpu.memory_space<vmem>> -> memref<1x80xi32, #tpu.memory_space<vmem>>
          %dma_wait3A_232 = tpu.memref_squeeze %dma_wait3A_231 : memref<1x80xi32, #tpu.memory_space<vmem>> -> memref<80xi32, #tpu.memory_space<vmem>>
          %dma_wait3A_233 = arith.constant 0 : i32
          %dma_wait3A_234 = arith.constant 0 : i32
          %dma_wait3A_235 = tpu.memref_slice %arg12[%dma_wait3A_233, %dma_wait3A_234] : memref<10000x128xf32, #tpu.memory_space<vmem_shared>> -> memref<10000x128xf32, #tpu.memory_space<vmem_shared>>
          tpu.wait_indirect_dma semaphore(%run_scoped3A_223 : memref<!tpu.dma_semaphore, #tpu.memory_space<semaphore_mem>>) src(%arg10 : memref<80x128xf32, #tpu.memory_space<vmem>>) dst(%dma_wait3A_235 : memref<10000x128xf32, #tpu.memory_space<vmem_shared>>)
          tpu.yield
        }) : () -> ()
        %add3A_197 = arith.constant 3 : i32
        %add3A_198 = arith.addi %add3A_186, %add3A_197 : i32
        %lt3A_199 = arith.constant 125 : i32
        %lt3A_200 = arith.cmpi slt, %add3A_198, %lt3A_199 : i32
        %convert_element_type3A_201 = arith.extui %lt3A_200 : i1 to i32
        %cond3A_202 = arith.constant 0 : i32
        %cond3A_203 = arith.cmpi ne, %convert_element_type3A_201, %cond3A_202 : i32
        scf.if %cond3A_203 {
          %add3A_223 = arith.constant 3 : i32
          %add3A_224 = arith.addi %add3A_186, %add3A_223 : i32
          %dma_start3A_225 = arith.constant 0 : i32
          %dma_start3A_226 = tpu.memref_slice %arg7[%add3A_224, %dma_start3A_225] : memref<125x80xi32, #tpu.memory_space<vmem>> -> memref<1x80xi32, #tpu.memory_space<vmem>>
          %dma_start3A_227 = tpu.memref_squeeze %dma_start3A_226 : memref<1x80xi32, #tpu.memory_space<vmem>> -> memref<80xi32, #tpu.memory_space<vmem>>
          %dma_start3A_228 = arith.constant 0 : i32
          %dma_start3A_229 = arith.constant 0 : i32
          %dma_start3A_230 = tpu.memref_slice %arg2[%scan3A_46, %dma_start3A_228, %dma_start3A_229] : memref<4x10000x128xf32, #tpu.memory_space<hbm>> -> memref<1x10000x128xf32, #tpu.memory_space<hbm>>
          %dma_start3A_231 = tpu.memref_squeeze %dma_start3A_230 : memref<1x10000x128xf32, #tpu.memory_space<hbm>> -> memref<10000x128xf32, #tpu.memory_space<hbm>>
          %dma_start3A_232 = arith.constant 0 : i32
          %dma_start3A_233 = arith.constant 0 : i32
          %dma_start3A_234 = tpu.memref_slice %dma_start3A_231[%dma_start3A_232, %dma_start3A_233] : memref<10000x128xf32, #tpu.memory_space<hbm>> -> memref<10000x128xf32, #tpu.memory_space<hbm>>
          tpu.enqueue_indirect_dma source(%dma_start3A_234 : memref<10000x128xf32, #tpu.memory_space<hbm>>) target(%arg10 : memref<80x128xf32, #tpu.memory_space<vmem>>) offsets(%dma_start3A_227 : memref<80xi32, #tpu.memory_space<vmem>>) semaphore(%arg14 : memref<!tpu.dma_semaphore, #tpu.memory_space<semaphore_mem>>)
        } else {
        }
        %add3A_204 = arith.constant 2 : i32
        %add3A_205 = arith.addi %mul3A_166, %add3A_204 : i32
        %dma_wait3A_206 = arith.constant 0 : i32
        %dma_wait3A_207 = tpu.memref_slice %arg7[%add3A_205, %dma_wait3A_206] : memref<125x80xi32, #tpu.memory_space<vmem>> -> memref<1x80xi32, #tpu.memory_space<vmem>>
        %dma_wait3A_208 = tpu.memref_squeeze %dma_wait3A_207 : memref<1x80xi32, #tpu.memory_space<vmem>> -> memref<80xi32, #tpu.memory_space<vmem>>
        %dma_wait3A_209 = arith.constant 0 : i32
        %dma_wait3A_210 = arith.constant 0 : i32
        %dma_wait3A_211 = tpu.memref_slice %arg2[%scan3A_46, %dma_wait3A_209, %dma_wait3A_210] : memref<4x10000x128xf32, #tpu.memory_space<hbm>> -> memref<1x10000x128xf32, #tpu.memory_space<hbm>>
        %dma_wait3A_212 = tpu.memref_squeeze %dma_wait3A_211 : memref<1x10000x128xf32, #tpu.memory_space<hbm>> -> memref<10000x128xf32, #tpu.memory_space<hbm>>
        %dma_wait3A_213 = arith.constant 0 : i32
        %dma_wait3A_214 = arith.constant 0 : i32
        %dma_wait3A_215 = tpu.memref_slice %dma_wait3A_212[%dma_wait3A_213, %dma_wait3A_214] : memref<10000x128xf32, #tpu.memory_space<hbm>> -> memref<10000x128xf32, #tpu.memory_space<hbm>>
        tpu.wait_indirect_dma semaphore(%arg15 : memref<!tpu.dma_semaphore, #tpu.memory_space<semaphore_mem>>) src(%dma_wait3A_215 : memref<10000x128xf32, #tpu.memory_space<hbm>>) dst(%arg11 : memref<80x128xf32, #tpu.memory_space<vmem>>)
        "tpu.region"() ({
          %run_scoped3A_223 = tpu.sem_alloc : memref<!tpu.dma_semaphore, #tpu.memory_space<semaphore_mem>>
          %dma_start3A_224 = arith.constant 0 : i32
          %dma_start3A_225 = tpu.memref_slice %arg8[%add3A_205, %dma_start3A_224] : memref<125x80xi32, #tpu.memory_space<vmem>> -> memref<1x80xi32, #tpu.memory_space<vmem>>
          %dma_start3A_226 = tpu.memref_squeeze %dma_start3A_225 : memref<1x80xi32, #tpu.memory_space<vmem>> -> memref<80xi32, #tpu.memory_space<vmem>>
          %dma_start3A_227 = arith.constant 0 : i32
          %dma_start3A_228 = arith.constant 0 : i32
          %dma_start3A_229 = tpu.memref_slice %arg12[%dma_start3A_227, %dma_start3A_228] : memref<10000x128xf32, #tpu.memory_space<vmem_shared>> -> memref<10000x128xf32, #tpu.memory_space<vmem_shared>>
          tpu.enqueue_indirect_dma source(%arg11 : memref<80x128xf32, #tpu.memory_space<vmem>>) target(%dma_start3A_229 : memref<10000x128xf32, #tpu.memory_space<vmem_shared>>) offsets(%dma_start3A_226 : memref<80xi32, #tpu.memory_space<vmem>>) semaphore(%run_scoped3A_223 : memref<!tpu.dma_semaphore, #tpu.memory_space<semaphore_mem>>) {add = true}
          %dma_wait3A_230 = arith.constant 0 : i32
          %dma_wait3A_231 = tpu.memref_slice %arg8[%add3A_205, %dma_wait3A_230] : memref<125x80xi32, #tpu.memory_space<vmem>> -> memref<1x80xi32, #tpu.memory_space<vmem>>
          %dma_wait3A_232 = tpu.memref_squeeze %dma_wait3A_231 : memref<1x80xi32, #tpu.memory_space<vmem>> -> memref<80xi32, #tpu.memory_space<vmem>>
          %dma_wait3A_233 = arith.constant 0 : i32
          %dma_wait3A_234 = arith.constant 0 : i32
          %dma_wait3A_235 = tpu.memref_slice %arg12[%dma_wait3A_233, %dma_wait3A_234] : memref<10000x128xf32, #tpu.memory_space<vmem_shared>> -> memref<10000x128xf32, #tpu.memory_space<vmem_shared>>
          tpu.wait_indirect_dma semaphore(%run_scoped3A_223 : memref<!tpu.dma_semaphore, #tpu.memory_space<semaphore_mem>>) src(%arg11 : memref<80x128xf32, #tpu.memory_space<vmem>>) dst(%dma_wait3A_235 : memref<10000x128xf32, #tpu.memory_space<vmem_shared>>)
          tpu.yield
        }) : () -> ()
        %add3A_216 = arith.constant 3 : i32
        %add3A_217 = arith.addi %add3A_205, %add3A_216 : i32
        %lt3A_218 = arith.constant 125 : i32
        %lt3A_219 = arith.cmpi slt, %add3A_217, %lt3A_218 : i32
        %convert_element_type3A_220 = arith.extui %lt3A_219 : i1 to i32
        %cond3A_221 = arith.constant 0 : i32
        %cond3A_222 = arith.cmpi ne, %convert_element_type3A_220, %cond3A_221 : i32
        scf.if %cond3A_222 {
          %add3A_223 = arith.constant 3 : i32
          %add3A_224 = arith.addi %add3A_205, %add3A_223 : i32
          %dma_start3A_225 = arith.constant 0 : i32
          %dma_start3A_226 = tpu.memref_slice %arg7[%add3A_224, %dma_start3A_225] : memref<125x80xi32, #tpu.memory_space<vmem>> -> memref<1x80xi32, #tpu.memory_space<vmem>>
          %dma_start3A_227 = tpu.memref_squeeze %dma_start3A_226 : memref<1x80xi32, #tpu.memory_space<vmem>> -> memref<80xi32, #tpu.memory_space<vmem>>
          %dma_start3A_228 = arith.constant 0 : i32
          %dma_start3A_229 = arith.constant 0 : i32
          %dma_start3A_230 = tpu.memref_slice %arg2[%scan3A_46, %dma_start3A_228, %dma_start3A_229] : memref<4x10000x128xf32, #tpu.memory_space<hbm>> -> memref<1x10000x128xf32, #tpu.memory_space<hbm>>
          %dma_start3A_231 = tpu.memref_squeeze %dma_start3A_230 : memref<1x10000x128xf32, #tpu.memory_space<hbm>> -> memref<10000x128xf32, #tpu.memory_space<hbm>>
          %dma_start3A_232 = arith.constant 0 : i32
          %dma_start3A_233 = arith.constant 0 : i32
          %dma_start3A_234 = tpu.memref_slice %dma_start3A_231[%dma_start3A_232, %dma_start3A_233] : memref<10000x128xf32, #tpu.memory_space<hbm>> -> memref<10000x128xf32, #tpu.memory_space<hbm>>
          tpu.enqueue_indirect_dma source(%dma_start3A_234 : memref<10000x128xf32, #tpu.memory_space<hbm>>) target(%arg11 : memref<80x128xf32, #tpu.memory_space<vmem>>) offsets(%dma_start3A_227 : memref<80xi32, #tpu.memory_space<vmem>>) semaphore(%arg15 : memref<!tpu.dma_semaphore, #tpu.memory_space<semaphore_mem>>)
        } else {
        }
      }
      %scan3A_51 = arith.constant 41 : i32
      %dma_wait3A = arith.constant 0 : i32
      %dma_wait3A_52 = arith.constant 123 : i32
      %dma_wait3A_53 = arith.constant 0 : i32
      %dma_wait3A_54 = tpu.memref_slice %arg7[%dma_wait3A_52, %dma_wait3A_53] : memref<125x80xi32, #tpu.memory_space<vmem>> -> memref<1x80xi32, #tpu.memory_space<vmem>>
      %dma_wait3A_55 = tpu.memref_squeeze %dma_wait3A_54 : memref<1x80xi32, #tpu.memory_space<vmem>> -> memref<80xi32, #tpu.memory_space<vmem>>
      %dma_wait3A_56 = arith.constant 0 : i32
      %dma_wait3A_57 = arith.constant 0 : i32
      %dma_wait3A_58 = tpu.memref_slice %arg2[%dma_wait3A, %dma_wait3A_56, %dma_wait3A_57] : memref<4x10000x128xf32, #tpu.memory_space<hbm>> -> memref<1x10000x128xf32, #tpu.memory_space<hbm>>
      %dma_wait3A_59 = tpu.memref_squeeze %dma_wait3A_58 : memref<1x10000x128xf32, #tpu.memory_space<hbm>> -> memref<10000x128xf32, #tpu.memory_space<hbm>>
      %dma_wait3A_60 = arith.constant 0 : i32
      %dma_wait3A_61 = arith.constant 0 : i32
      %dma_wait3A_62 = tpu.memref_slice %dma_wait3A_59[%dma_wait3A_60, %dma_wait3A_61] : memref<10000x128xf32, #tpu.memory_space<hbm>> -> memref<10000x128xf32, #tpu.memory_space<hbm>>
      tpu.wait_indirect_dma semaphore(%arg13 : memref<!tpu.dma_semaphore, #tpu.memory_space<semaphore_mem>>) src(%dma_wait3A_62 : memref<10000x128xf32, #tpu.memory_space<hbm>>) dst(%arg9 : memref<80x128xf32, #tpu.memory_space<vmem>>)
      %run_scoped3A = arith.constant 123 : i32
      "tpu.region"() ({
        %run_scoped3A_165 = tpu.sem_alloc : memref<!tpu.dma_semaphore, #tpu.memory_space<semaphore_mem>>
        %dma_start3A_166 = arith.constant 0 : i32
        %dma_start3A_167 = tpu.memref_slice %arg8[%run_scoped3A, %dma_start3A_166] : memref<125x80xi32, #tpu.memory_space<vmem>> -> memref<1x80xi32, #tpu.memory_space<vmem>>
        %dma_start3A_168 = tpu.memref_squeeze %dma_start3A_167 : memref<1x80xi32, #tpu.memory_space<vmem>> -> memref<80xi32, #tpu.memory_space<vmem>>
        %dma_start3A_169 = arith.constant 0 : i32
        %dma_start3A_170 = arith.constant 0 : i32
        %dma_start3A_171 = tpu.memref_slice %arg12[%dma_start3A_169, %dma_start3A_170] : memref<10000x128xf32, #tpu.memory_space<vmem_shared>> -> memref<10000x128xf32, #tpu.memory_space<vmem_shared>>
        tpu.enqueue_indirect_dma source(%arg9 : memref<80x128xf32, #tpu.memory_space<vmem>>) target(%dma_start3A_171 : memref<10000x128xf32, #tpu.memory_space<vmem_shared>>) offsets(%dma_start3A_168 : memref<80xi32, #tpu.memory_space<vmem>>) semaphore(%run_scoped3A_165 : memref<!tpu.dma_semaphore, #tpu.memory_space<semaphore_mem>>) {add = true}
        %dma_wait3A_172 = arith.constant 0 : i32
        %dma_wait3A_173 = tpu.memref_slice %arg8[%run_scoped3A, %dma_wait3A_172] : memref<125x80xi32, #tpu.memory_space<vmem>> -> memref<1x80xi32, #tpu.memory_space<vmem>>
        %dma_wait3A_174 = tpu.memref_squeeze %dma_wait3A_173 : memref<1x80xi32, #tpu.memory_space<vmem>> -> memref<80xi32, #tpu.memory_space<vmem>>
        %dma_wait3A_175 = arith.constant 0 : i32
        %dma_wait3A_176 = arith.constant 0 : i32
        %dma_wait3A_177 = tpu.memref_slice %arg12[%dma_wait3A_175, %dma_wait3A_176] : memref<10000x128xf32, #tpu.memory_space<vmem_shared>> -> memref<10000x128xf32, #tpu.memory_space<vmem_shared>>
        tpu.wait_indirect_dma semaphore(%run_scoped3A_165 : memref<!tpu.dma_semaphore, #tpu.memory_space<semaphore_mem>>) src(%arg9 : memref<80x128xf32, #tpu.memory_space<vmem>>) dst(%dma_wait3A_177 : memref<10000x128xf32, #tpu.memory_space<vmem_shared>>)
        tpu.yield
      }) : () -> ()
      %dma_wait3A_63 = arith.constant 0 : i32
      %dma_wait3A_64 = arith.constant 124 : i32
      %dma_wait3A_65 = arith.constant 0 : i32
      %dma_wait3A_66 = tpu.memref_slice %arg7[%dma_wait3A_64, %dma_wait3A_65] : memref<125x80xi32, #tpu.memory_space<vmem>> -> memref<1x80xi32, #tpu.memory_space<vmem>>
      %dma_wait3A_67 = tpu.memref_squeeze %dma_wait3A_66 : memref<1x80xi32, #tpu.memory_space<vmem>> -> memref<80xi32, #tpu.memory_space<vmem>>
      %dma_wait3A_68 = arith.constant 0 : i32
      %dma_wait3A_69 = arith.constant 0 : i32
      %dma_wait3A_70 = tpu.memref_slice %arg2[%dma_wait3A_63, %dma_wait3A_68, %dma_wait3A_69] : memref<4x10000x128xf32, #tpu.memory_space<hbm>> -> memref<1x10000x128xf32, #tpu.memory_space<hbm>>
      %dma_wait3A_71 = tpu.memref_squeeze %dma_wait3A_70 : memref<1x10000x128xf32, #tpu.memory_space<hbm>> -> memref<10000x128xf32, #tpu.memory_space<hbm>>
      %dma_wait3A_72 = arith.constant 0 : i32
      %dma_wait3A_73 = arith.constant 0 : i32
      %dma_wait3A_74 = tpu.memref_slice %dma_wait3A_71[%dma_wait3A_72, %dma_wait3A_73] : memref<10000x128xf32, #tpu.memory_space<hbm>> -> memref<10000x128xf32, #tpu.memory_space<hbm>>
      tpu.wait_indirect_dma semaphore(%arg14 : memref<!tpu.dma_semaphore, #tpu.memory_space<semaphore_mem>>) src(%dma_wait3A_74 : memref<10000x128xf32, #tpu.memory_space<hbm>>) dst(%arg10 : memref<80x128xf32, #tpu.memory_space<vmem>>)
      %run_scoped3A_75 = arith.constant 124 : i32
      "tpu.region"() ({
        %run_scoped3A_165 = tpu.sem_alloc : memref<!tpu.dma_semaphore, #tpu.memory_space<semaphore_mem>>
        %dma_start3A_166 = arith.constant 0 : i32
        %dma_start3A_167 = tpu.memref_slice %arg8[%run_scoped3A_75, %dma_start3A_166] : memref<125x80xi32, #tpu.memory_space<vmem>> -> memref<1x80xi32, #tpu.memory_space<vmem>>
        %dma_start3A_168 = tpu.memref_squeeze %dma_start3A_167 : memref<1x80xi32, #tpu.memory_space<vmem>> -> memref<80xi32, #tpu.memory_space<vmem>>
        %dma_start3A_169 = arith.constant 0 : i32
        %dma_start3A_170 = arith.constant 0 : i32
        %dma_start3A_171 = tpu.memref_slice %arg12[%dma_start3A_169, %dma_start3A_170] : memref<10000x128xf32, #tpu.memory_space<vmem_shared>> -> memref<10000x128xf32, #tpu.memory_space<vmem_shared>>
        tpu.enqueue_indirect_dma source(%arg10 : memref<80x128xf32, #tpu.memory_space<vmem>>) target(%dma_start3A_171 : memref<10000x128xf32, #tpu.memory_space<vmem_shared>>) offsets(%dma_start3A_168 : memref<80xi32, #tpu.memory_space<vmem>>) semaphore(%run_scoped3A_165 : memref<!tpu.dma_semaphore, #tpu.memory_space<semaphore_mem>>) {add = true}
        %dma_wait3A_172 = arith.constant 0 : i32
        %dma_wait3A_173 = tpu.memref_slice %arg8[%run_scoped3A_75, %dma_wait3A_172] : memref<125x80xi32, #tpu.memory_space<vmem>> -> memref<1x80xi32, #tpu.memory_space<vmem>>
        %dma_wait3A_174 = tpu.memref_squeeze %dma_wait3A_173 : memref<1x80xi32, #tpu.memory_space<vmem>> -> memref<80xi32, #tpu.memory_space<vmem>>
        %dma_wait3A_175 = arith.constant 0 : i32
        %dma_wait3A_176 = arith.constant 0 : i32
        %dma_wait3A_177 = tpu.memref_slice %arg12[%dma_wait3A_175, %dma_wait3A_176] : memref<10000x128xf32, #tpu.memory_space<vmem_shared>> -> memref<10000x128xf32, #tpu.memory_space<vmem_shared>>
        tpu.wait_indirect_dma semaphore(%run_scoped3A_165 : memref<!tpu.dma_semaphore, #tpu.memory_space<semaphore_mem>>) src(%arg10 : memref<80x128xf32, #tpu.memory_space<vmem>>) dst(%dma_wait3A_177 : memref<10000x128xf32, #tpu.memory_space<vmem_shared>>)
        tpu.yield
      }) : () -> ()
      %dma_start3A_76 = arith.constant 1 : i32
      %dma_start3A_77 = arith.constant 0 : i32
      %dma_start3A_78 = arith.constant 0 : i32
      %dma_start3A_79 = tpu.memref_slice %arg7[%dma_start3A_77, %dma_start3A_78] : memref<125x80xi32, #tpu.memory_space<vmem>> -> memref<1x80xi32, #tpu.memory_space<vmem>>
      %dma_start3A_80 = tpu.memref_squeeze %dma_start3A_79 : memref<1x80xi32, #tpu.memory_space<vmem>> -> memref<80xi32, #tpu.memory_space<vmem>>
      %dma_start3A_81 = arith.constant 0 : i32
      %dma_start3A_82 = arith.constant 0 : i32
      %dma_start3A_83 = tpu.memref_slice %arg2[%dma_start3A_76, %dma_start3A_81, %dma_start3A_82] : memref<4x10000x128xf32, #tpu.memory_space<hbm>> -> memref<1x10000x128xf32, #tpu.memory_space<hbm>>
      %dma_start3A_84 = tpu.memref_squeeze %dma_start3A_83 : memref<1x10000x128xf32, #tpu.memory_space<hbm>> -> memref<10000x128xf32, #tpu.memory_space<hbm>>
      %dma_start3A_85 = arith.constant 0 : i32
      %dma_start3A_86 = arith.constant 0 : i32
      %dma_start3A_87 = tpu.memref_slice %dma_start3A_84[%dma_start3A_85, %dma_start3A_86] : memref<10000x128xf32, #tpu.memory_space<hbm>> -> memref<10000x128xf32, #tpu.memory_space<hbm>>
      tpu.enqueue_indirect_dma source(%dma_start3A_87 : memref<10000x128xf32, #tpu.memory_space<hbm>>) target(%arg9 : memref<80x128xf32, #tpu.memory_space<vmem>>) offsets(%dma_start3A_80 : memref<80xi32, #tpu.memory_space<vmem>>) semaphore(%arg13 : memref<!tpu.dma_semaphore, #tpu.memory_space<semaphore_mem>>)
      %dma_start3A_88 = arith.constant 1 : i32
      %dma_start3A_89 = arith.constant 1 : i32
      %dma_start3A_90 = arith.constant 0 : i32
      %dma_start3A_91 = tpu.memref_slice %arg7[%dma_start3A_89, %dma_start3A_90] : memref<125x80xi32, #tpu.memory_space<vmem>> -> memref<1x80xi32, #tpu.memory_space<vmem>>
      %dma_start3A_92 = tpu.memref_squeeze %dma_start3A_91 : memref<1x80xi32, #tpu.memory_space<vmem>> -> memref<80xi32, #tpu.memory_space<vmem>>
      %dma_start3A_93 = arith.constant 0 : i32
      %dma_start3A_94 = arith.constant 0 : i32
      %dma_start3A_95 = tpu.memref_slice %arg2[%dma_start3A_88, %dma_start3A_93, %dma_start3A_94] : memref<4x10000x128xf32, #tpu.memory_space<hbm>> -> memref<1x10000x128xf32, #tpu.memory_space<hbm>>
      %dma_start3A_96 = tpu.memref_squeeze %dma_start3A_95 : memref<1x10000x128xf32, #tpu.memory_space<hbm>> -> memref<10000x128xf32, #tpu.memory_space<hbm>>
      %dma_start3A_97 = arith.constant 0 : i32
      %dma_start3A_98 = arith.constant 0 : i32
      %dma_start3A_99 = tpu.memref_slice %dma_start3A_96[%dma_start3A_97, %dma_start3A_98] : memref<10000x128xf32, #tpu.memory_space<hbm>> -> memref<10000x128xf32, #tpu.memory_space<hbm>>
      tpu.enqueue_indirect_dma source(%dma_start3A_99 : memref<10000x128xf32, #tpu.memory_space<hbm>>) target(%arg10 : memref<80x128xf32, #tpu.memory_space<vmem>>) offsets(%dma_start3A_92 : memref<80xi32, #tpu.memory_space<vmem>>) semaphore(%arg14 : memref<!tpu.dma_semaphore, #tpu.memory_space<semaphore_mem>>)
      %dma_start3A_100 = arith.constant 1 : i32
      %dma_start3A_101 = arith.constant 2 : i32
      %dma_start3A_102 = arith.constant 0 : i32
      %dma_start3A_103 = tpu.memref_slice %arg7[%dma_start3A_101, %dma_start3A_102] : memref<125x80xi32, #tpu.memory_space<vmem>> -> memref<1x80xi32, #tpu.memory_space<vmem>>
      %dma_start3A_104 = tpu.memref_squeeze %dma_start3A_103 : memref<1x80xi32, #tpu.memory_space<vmem>> -> memref<80xi32, #tpu.memory_space<vmem>>
      %dma_start3A_105 = arith.constant 0 : i32
      %dma_start3A_106 = arith.constant 0 : i32
      %dma_start3A_107 = tpu.memref_slice %arg2[%dma_start3A_100, %dma_start3A_105, %dma_start3A_106] : memref<4x10000x128xf32, #tpu.memory_space<hbm>> -> memref<1x10000x128xf32, #tpu.memory_space<hbm>>
      %dma_start3A_108 = tpu.memref_squeeze %dma_start3A_107 : memref<1x10000x128xf32, #tpu.memory_space<hbm>> -> memref<10000x128xf32, #tpu.memory_space<hbm>>
      %dma_start3A_109 = arith.constant 0 : i32
      %dma_start3A_110 = arith.constant 0 : i32
      %dma_start3A_111 = tpu.memref_slice %dma_start3A_108[%dma_start3A_109, %dma_start3A_110] : memref<10000x128xf32, #tpu.memory_space<hbm>> -> memref<10000x128xf32, #tpu.memory_space<hbm>>
      tpu.enqueue_indirect_dma source(%dma_start3A_111 : memref<10000x128xf32, #tpu.memory_space<hbm>>) target(%arg11 : memref<80x128xf32, #tpu.memory_space<vmem>>) offsets(%dma_start3A_104 : memref<80xi32, #tpu.memory_space<vmem>>) semaphore(%arg15 : memref<!tpu.dma_semaphore, #tpu.memory_space<semaphore_mem>>)
      %barrier3A_112 = arith.constant 0 : index
      tpu.barrier barrier_id(%barrier3A_112)
      %lt3A_113 = arith.constant 10 : i32
      %lt3A_114 = arith.cmpi slt, %arg1, %lt3A_113 : i32
      %convert_element_type3A_115 = arith.extui %lt3A_114 : i1 to i32
      %cond3A_116 = arith.constant 0 : i32
      %cond3A_117 = arith.cmpi ne, %convert_element_type3A_115, %cond3A_116 : i32
      scf.if %cond3A_117 {
        %mul3A = arith.constant 1000 : i32
        %mul3A_165 = arith.muli %arg1, %mul3A : i32
        %run_scoped3A_166 = arith.constant 0 : i32
        "tpu.region"() ({
          %run_scoped3A_167 = tpu.sem_alloc : memref<!tpu.dma_semaphore, #tpu.memory_space<semaphore_mem>>
          %dma_start3A_168 = arith.constant 0 : i32
          %dma_start3A_169 = arith.constant 0 : i32
          %dma_start3A_170 = tpu.memref_slice %arg6[%run_scoped3A_166, %dma_start3A_168, %dma_start3A_169] : memref<4x10000x128xf32, #tpu.memory_space<hbm>> -> memref<1x10000x128xf32, #tpu.memory_space<hbm>>
          %dma_start3A_171 = tpu.memref_squeeze %dma_start3A_170 : memref<1x10000x128xf32, #tpu.memory_space<hbm>> -> memref<10000x128xf32, #tpu.memory_space<hbm>>
          %dma_start3A_172 = arith.constant 0 : i32
          %dma_start3A_173 = tpu.memref_slice %dma_start3A_171[%mul3A_165, %dma_start3A_172] : memref<10000x128xf32, #tpu.memory_space<hbm>> -> memref<1000x128xf32, #tpu.memory_space<hbm>>
          %dma_start3A_174 = arith.constant 0 : i32
          %dma_start3A_175 = tpu.memref_slice %arg12[%mul3A_165, %dma_start3A_174] : memref<10000x128xf32, #tpu.memory_space<vmem_shared>> -> memref<1000x128xf32, #tpu.memory_space<vmem_shared>>
          tpu.enqueue_dma source(%dma_start3A_175 : memref<1000x128xf32, #tpu.memory_space<vmem_shared>>) target(%dma_start3A_173 : memref<1000x128xf32, #tpu.memory_space<hbm>>) target_semaphore(%run_scoped3A_167 : memref<!tpu.dma_semaphore, #tpu.memory_space<semaphore_mem>>)
          %dma_wait3A_176 = arith.constant 0 : i32
          %dma_wait3A_177 = arith.constant 0 : i32
          %dma_wait3A_178 = tpu.memref_slice %arg6[%run_scoped3A_166, %dma_wait3A_176, %dma_wait3A_177] : memref<4x10000x128xf32, #tpu.memory_space<hbm>> -> memref<1x10000x128xf32, #tpu.memory_space<hbm>>
          %dma_wait3A_179 = tpu.memref_squeeze %dma_wait3A_178 : memref<1x10000x128xf32, #tpu.memory_space<hbm>> -> memref<10000x128xf32, #tpu.memory_space<hbm>>
          %dma_wait3A_180 = arith.constant 0 : i32
          %dma_wait3A_181 = tpu.memref_slice %dma_wait3A_179[%mul3A_165, %dma_wait3A_180] : memref<10000x128xf32, #tpu.memory_space<hbm>> -> memref<1000x128xf32, #tpu.memory_space<hbm>>
          %dma_wait3A_182 = arith.constant 0 : i32
          %dma_wait3A_183 = tpu.memref_slice %arg12[%mul3A_165, %dma_wait3A_182] : memref<10000x128xf32, #tpu.memory_space<vmem_shared>> -> memref<1000x128xf32, #tpu.memory_space<vmem_shared>>
          tpu.wait_dma2 semaphore(%run_scoped3A_167 : memref<!tpu.dma_semaphore, #tpu.memory_space<semaphore_mem>>) src(%dma_wait3A_183 : memref<1000x128xf32, #tpu.memory_space<vmem_shared>>) dst(%dma_wait3A_181 : memref<1000x128xf32, #tpu.memory_space<hbm>>)
          tpu.yield
        }) : () -> ()
      } else {
      }
      %barrier3A_118 = arith.constant 0 : index
      tpu.barrier barrier_id(%barrier3A_118)
      %lt3A_119 = arith.constant 10 : i32
      %lt3A_120 = arith.cmpi slt, %arg1, %lt3A_119 : i32
      %convert_element_type3A_121 = arith.extui %lt3A_120 : i1 to i32
      %cond3A_122 = arith.constant 0 : i32
      %cond3A_123 = arith.cmpi ne, %convert_element_type3A_121, %cond3A_122 : i32
      scf.if %cond3A_123 {
        %mul3A = arith.constant 1000 : i32
        %mul3A_165 = arith.muli %arg1, %mul3A : i32
        "tpu.region"() ({
          %run_scoped3A_166 = tpu.sem_alloc : memref<!tpu.dma_semaphore, #tpu.memory_space<semaphore_mem>>
          %dma_start3A_167 = arith.constant 0 : i32
          %dma_start3A_168 = tpu.memref_slice %arg12[%mul3A_165, %dma_start3A_167] : memref<10000x128xf32, #tpu.memory_space<vmem_shared>> -> memref<1000x128xf32, #tpu.memory_space<vmem_shared>>
          tpu.enqueue_dma source(%arg5 : memref<1000x128xf32, #tpu.memory_space<hbm>>) target(%dma_start3A_168 : memref<1000x128xf32, #tpu.memory_space<vmem_shared>>) target_semaphore(%run_scoped3A_166 : memref<!tpu.dma_semaphore, #tpu.memory_space<semaphore_mem>>)
          %dma_wait3A_169 = arith.constant 0 : i32
          %dma_wait3A_170 = tpu.memref_slice %arg12[%mul3A_165, %dma_wait3A_169] : memref<10000x128xf32, #tpu.memory_space<vmem_shared>> -> memref<1000x128xf32, #tpu.memory_space<vmem_shared>>
          tpu.wait_dma2 semaphore(%run_scoped3A_166 : memref<!tpu.dma_semaphore, #tpu.memory_space<semaphore_mem>>) src(%arg5 : memref<1000x128xf32, #tpu.memory_space<hbm>>) dst(%dma_wait3A_170 : memref<1000x128xf32, #tpu.memory_space<vmem_shared>>)
          tpu.yield
        }) : () -> ()
      } else {
      }
      %barrier3A_124 = arith.constant 0 : index
      tpu.barrier barrier_id(%barrier3A_124)
      %scan3A_125 = arith.constant 0 : i32
      %scan3A_126 = arith.constant 1 : i32
      %scan3A_127 = arith.constant 0 : i32
      %scan3A_128 = arith.constant 41 : i32
      %scan3A_129 = arith.addi %scan3A_127, %scan3A_128 : i32
      %scan3A_130 = arith.constant 1 : i32
      scf.for %scan3A_165 = %scan3A_127 to %scan3A_129 step %scan3A_130  : i32 {
        %mul3A = arith.constant 3 : i32
        %mul3A_166 = arith.muli %mul3A, %scan3A_165 : i32
        %add3A = arith.constant 0 : i32
        %add3A_167 = arith.addi %mul3A_166, %add3A : i32
        %dma_wait3A_168 = arith.constant 0 : i32
        %dma_wait3A_169 = tpu.memref_slice %arg7[%add3A_167, %dma_wait3A_168] : memref<125x80xi32, #tpu.memory_space<vmem>> -> memref<1x80xi32, #tpu.memory_space<vmem>>
        %dma_wait3A_170 = tpu.memref_squeeze %dma_wait3A_169 : memref<1x80xi32, #tpu.memory_space<vmem>> -> memref<80xi32, #tpu.memory_space<vmem>>
        %dma_wait3A_171 = arith.constant 0 : i32
        %dma_wait3A_172 = arith.constant 0 : i32
        %dma_wait3A_173 = tpu.memref_slice %arg2[%scan3A_126, %dma_wait3A_171, %dma_wait3A_172] : memref<4x10000x128xf32, #tpu.memory_space<hbm>> -> memref<1x10000x128xf32, #tpu.memory_space<hbm>>
        %dma_wait3A_174 = tpu.memref_squeeze %dma_wait3A_173 : memref<1x10000x128xf32, #tpu.memory_space<hbm>> -> memref<10000x128xf32, #tpu.memory_space<hbm>>
        %dma_wait3A_175 = arith.constant 0 : i32
        %dma_wait3A_176 = arith.constant 0 : i32
        %dma_wait3A_177 = tpu.memref_slice %dma_wait3A_174[%dma_wait3A_175, %dma_wait3A_176] : memref<10000x128xf32, #tpu.memory_space<hbm>> -> memref<10000x128xf32, #tpu.memory_space<hbm>>
        tpu.wait_indirect_dma semaphore(%arg13 : memref<!tpu.dma_semaphore, #tpu.memory_space<semaphore_mem>>) src(%dma_wait3A_177 : memref<10000x128xf32, #tpu.memory_space<hbm>>) dst(%arg9 : memref<80x128xf32, #tpu.memory_space<vmem>>)
        "tpu.region"() ({
          %run_scoped3A_223 = tpu.sem_alloc : memref<!tpu.dma_semaphore, #tpu.memory_space<semaphore_mem>>
          %dma_start3A_224 = arith.constant 0 : i32
          %dma_start3A_225 = tpu.memref_slice %arg8[%add3A_167, %dma_start3A_224] : memref<125x80xi32, #tpu.memory_space<vmem>> -> memref<1x80xi32, #tpu.memory_space<vmem>>
          %dma_start3A_226 = tpu.memref_squeeze %dma_start3A_225 : memref<1x80xi32, #tpu.memory_space<vmem>> -> memref<80xi32, #tpu.memory_space<vmem>>
          %dma_start3A_227 = arith.constant 0 : i32
          %dma_start3A_228 = arith.constant 0 : i32
          %dma_start3A_229 = tpu.memref_slice %arg12[%dma_start3A_227, %dma_start3A_228] : memref<10000x128xf32, #tpu.memory_space<vmem_shared>> -> memref<10000x128xf32, #tpu.memory_space<vmem_shared>>
          tpu.enqueue_indirect_dma source(%arg9 : memref<80x128xf32, #tpu.memory_space<vmem>>) target(%dma_start3A_229 : memref<10000x128xf32, #tpu.memory_space<vmem_shared>>) offsets(%dma_start3A_226 : memref<80xi32, #tpu.memory_space<vmem>>) semaphore(%run_scoped3A_223 : memref<!tpu.dma_semaphore, #tpu.memory_space<semaphore_mem>>) {add = true}
          %dma_wait3A_230 = arith.constant 0 : i32
          %dma_wait3A_231 = tpu.memref_slice %arg8[%add3A_167, %dma_wait3A_230] : memref<125x80xi32, #tpu.memory_space<vmem>> -> memref<1x80xi32, #tpu.memory_space<vmem>>
          %dma_wait3A_232 = tpu.memref_squeeze %dma_wait3A_231 : memref<1x80xi32, #tpu.memory_space<vmem>> -> memref<80xi32, #tpu.memory_space<vmem>>
          %dma_wait3A_233 = arith.constant 0 : i32
          %dma_wait3A_234 = arith.constant 0 : i32
          %dma_wait3A_235 = tpu.memref_slice %arg12[%dma_wait3A_233, %dma_wait3A_234] : memref<10000x128xf32, #tpu.memory_space<vmem_shared>> -> memref<10000x128xf32, #tpu.memory_space<vmem_shared>>
          tpu.wait_indirect_dma semaphore(%run_scoped3A_223 : memref<!tpu.dma_semaphore, #tpu.memory_space<semaphore_mem>>) src(%arg9 : memref<80x128xf32, #tpu.memory_space<vmem>>) dst(%dma_wait3A_235 : memref<10000x128xf32, #tpu.memory_space<vmem_shared>>)
          tpu.yield
        }) : () -> ()
        %add3A_178 = arith.constant 3 : i32
        %add3A_179 = arith.addi %add3A_167, %add3A_178 : i32
        %lt3A_180 = arith.constant 125 : i32
        %lt3A_181 = arith.cmpi slt, %add3A_179, %lt3A_180 : i32
        %convert_element_type3A_182 = arith.extui %lt3A_181 : i1 to i32
        %cond3A_183 = arith.constant 0 : i32
        %cond3A_184 = arith.cmpi ne, %convert_element_type3A_182, %cond3A_183 : i32
        scf.if %cond3A_184 {
          %add3A_223 = arith.constant 3 : i32
          %add3A_224 = arith.addi %add3A_167, %add3A_223 : i32
          %dma_start3A_225 = arith.constant 0 : i32
          %dma_start3A_226 = tpu.memref_slice %arg7[%add3A_224, %dma_start3A_225] : memref<125x80xi32, #tpu.memory_space<vmem>> -> memref<1x80xi32, #tpu.memory_space<vmem>>
          %dma_start3A_227 = tpu.memref_squeeze %dma_start3A_226 : memref<1x80xi32, #tpu.memory_space<vmem>> -> memref<80xi32, #tpu.memory_space<vmem>>
          %dma_start3A_228 = arith.constant 0 : i32
          %dma_start3A_229 = arith.constant 0 : i32
          %dma_start3A_230 = tpu.memref_slice %arg2[%scan3A_126, %dma_start3A_228, %dma_start3A_229] : memref<4x10000x128xf32, #tpu.memory_space<hbm>> -> memref<1x10000x128xf32, #tpu.memory_space<hbm>>
          %dma_start3A_231 = tpu.memref_squeeze %dma_start3A_230 : memref<1x10000x128xf32, #tpu.memory_space<hbm>> -> memref<10000x128xf32, #tpu.memory_space<hbm>>
          %dma_start3A_232 = arith.constant 0 : i32
          %dma_start3A_233 = arith.constant 0 : i32
          %dma_start3A_234 = tpu.memref_slice %dma_start3A_231[%dma_start3A_232, %dma_start3A_233] : memref<10000x128xf32, #tpu.memory_space<hbm>> -> memref<10000x128xf32, #tpu.memory_space<hbm>>
          tpu.enqueue_indirect_dma source(%dma_start3A_234 : memref<10000x128xf32, #tpu.memory_space<hbm>>) target(%arg9 : memref<80x128xf32, #tpu.memory_space<vmem>>) offsets(%dma_start3A_227 : memref<80xi32, #tpu.memory_space<vmem>>) semaphore(%arg13 : memref<!tpu.dma_semaphore, #tpu.memory_space<semaphore_mem>>)
        } else {
        }
        %add3A_185 = arith.constant 1 : i32
        %add3A_186 = arith.addi %mul3A_166, %add3A_185 : i32
        %dma_wait3A_187 = arith.constant 0 : i32
        %dma_wait3A_188 = tpu.memref_slice %arg7[%add3A_186, %dma_wait3A_187] : memref<125x80xi32, #tpu.memory_space<vmem>> -> memref<1x80xi32, #tpu.memory_space<vmem>>
        %dma_wait3A_189 = tpu.memref_squeeze %dma_wait3A_188 : memref<1x80xi32, #tpu.memory_space<vmem>> -> memref<80xi32, #tpu.memory_space<vmem>>
        %dma_wait3A_190 = arith.constant 0 : i32
        %dma_wait3A_191 = arith.constant 0 : i32
        %dma_wait3A_192 = tpu.memref_slice %arg2[%scan3A_126, %dma_wait3A_190, %dma_wait3A_191] : memref<4x10000x128xf32, #tpu.memory_space<hbm>> -> memref<1x10000x128xf32, #tpu.memory_space<hbm>>
        %dma_wait3A_193 = tpu.memref_squeeze %dma_wait3A_192 : memref<1x10000x128xf32, #tpu.memory_space<hbm>> -> memref<10000x128xf32, #tpu.memory_space<hbm>>
        %dma_wait3A_194 = arith.constant 0 : i32
        %dma_wait3A_195 = arith.constant 0 : i32
        %dma_wait3A_196 = tpu.memref_slice %dma_wait3A_193[%dma_wait3A_194, %dma_wait3A_195] : memref<10000x128xf32, #tpu.memory_space<hbm>> -> memref<10000x128xf32, #tpu.memory_space<hbm>>
        tpu.wait_indirect_dma semaphore(%arg14 : memref<!tpu.dma_semaphore, #tpu.memory_space<semaphore_mem>>) src(%dma_wait3A_196 : memref<10000x128xf32, #tpu.memory_space<hbm>>) dst(%arg10 : memref<80x128xf32, #tpu.memory_space<vmem>>)
        "tpu.region"() ({
          %run_scoped3A_223 = tpu.sem_alloc : memref<!tpu.dma_semaphore, #tpu.memory_space<semaphore_mem>>
          %dma_start3A_224 = arith.constant 0 : i32
          %dma_start3A_225 = tpu.memref_slice %arg8[%add3A_186, %dma_start3A_224] : memref<125x80xi32, #tpu.memory_space<vmem>> -> memref<1x80xi32, #tpu.memory_space<vmem>>
          %dma_start3A_226 = tpu.memref_squeeze %dma_start3A_225 : memref<1x80xi32, #tpu.memory_space<vmem>> -> memref<80xi32, #tpu.memory_space<vmem>>
          %dma_start3A_227 = arith.constant 0 : i32
          %dma_start3A_228 = arith.constant 0 : i32
          %dma_start3A_229 = tpu.memref_slice %arg12[%dma_start3A_227, %dma_start3A_228] : memref<10000x128xf32, #tpu.memory_space<vmem_shared>> -> memref<10000x128xf32, #tpu.memory_space<vmem_shared>>
          tpu.enqueue_indirect_dma source(%arg10 : memref<80x128xf32, #tpu.memory_space<vmem>>) target(%dma_start3A_229 : memref<10000x128xf32, #tpu.memory_space<vmem_shared>>) offsets(%dma_start3A_226 : memref<80xi32, #tpu.memory_space<vmem>>) semaphore(%run_scoped3A_223 : memref<!tpu.dma_semaphore, #tpu.memory_space<semaphore_mem>>) {add = true}
          %dma_wait3A_230 = arith.constant 0 : i32
          %dma_wait3A_231 = tpu.memref_slice %arg8[%add3A_186, %dma_wait3A_230] : memref<125x80xi32, #tpu.memory_space<vmem>> -> memref<1x80xi32, #tpu.memory_space<vmem>>
          %dma_wait3A_232 = tpu.memref_squeeze %dma_wait3A_231 : memref<1x80xi32, #tpu.memory_space<vmem>> -> memref<80xi32, #tpu.memory_space<vmem>>
          %dma_wait3A_233 = arith.constant 0 : i32
          %dma_wait3A_234 = arith.constant 0 : i32
          %dma_wait3A_235 = tpu.memref_slice %arg12[%dma_wait3A_233, %dma_wait3A_234] : memref<10000x128xf32, #tpu.memory_space<vmem_shared>> -> memref<10000x128xf32, #tpu.memory_space<vmem_shared>>
          tpu.wait_indirect_dma semaphore(%run_scoped3A_223 : memref<!tpu.dma_semaphore, #tpu.memory_space<semaphore_mem>>) src(%arg10 : memref<80x128xf32, #tpu.memory_space<vmem>>) dst(%dma_wait3A_235 : memref<10000x128xf32, #tpu.memory_space<vmem_shared>>)
          tpu.yield
        }) : () -> ()
        %add3A_197 = arith.constant 3 : i32
        %add3A_198 = arith.addi %add3A_186, %add3A_197 : i32
        %lt3A_199 = arith.constant 125 : i32
        %lt3A_200 = arith.cmpi slt, %add3A_198, %lt3A_199 : i32
        %convert_element_type3A_201 = arith.extui %lt3A_200 : i1 to i32
        %cond3A_202 = arith.constant 0 : i32
        %cond3A_203 = arith.cmpi ne, %convert_element_type3A_201, %cond3A_202 : i32
        scf.if %cond3A_203 {
          %add3A_223 = arith.constant 3 : i32
          %add3A_224 = arith.addi %add3A_186, %add3A_223 : i32
          %dma_start3A_225 = arith.constant 0 : i32
          %dma_start3A_226 = tpu.memref_slice %arg7[%add3A_224, %dma_start3A_225] : memref<125x80xi32, #tpu.memory_space<vmem>> -> memref<1x80xi32, #tpu.memory_space<vmem>>
          %dma_start3A_227 = tpu.memref_squeeze %dma_start3A_226 : memref<1x80xi32, #tpu.memory_space<vmem>> -> memref<80xi32, #tpu.memory_space<vmem>>
          %dma_start3A_228 = arith.constant 0 : i32
          %dma_start3A_229 = arith.constant 0 : i32
          %dma_start3A_230 = tpu.memref_slice %arg2[%scan3A_126, %dma_start3A_228, %dma_start3A_229] : memref<4x10000x128xf32, #tpu.memory_space<hbm>> -> memref<1x10000x128xf32, #tpu.memory_space<hbm>>
          %dma_start3A_231 = tpu.memref_squeeze %dma_start3A_230 : memref<1x10000x128xf32, #tpu.memory_space<hbm>> -> memref<10000x128xf32, #tpu.memory_space<hbm>>
          %dma_start3A_232 = arith.constant 0 : i32
          %dma_start3A_233 = arith.constant 0 : i32
          %dma_start3A_234 = tpu.memref_slice %dma_start3A_231[%dma_start3A_232, %dma_start3A_233] : memref<10000x128xf32, #tpu.memory_space<hbm>> -> memref<10000x128xf32, #tpu.memory_space<hbm>>
          tpu.enqueue_indirect_dma source(%dma_start3A_234 : memref<10000x128xf32, #tpu.memory_space<hbm>>) target(%arg10 : memref<80x128xf32, #tpu.memory_space<vmem>>) offsets(%dma_start3A_227 : memref<80xi32, #tpu.memory_space<vmem>>) semaphore(%arg14 : memref<!tpu.dma_semaphore, #tpu.memory_space<semaphore_mem>>)
        } else {
        }
        %add3A_204 = arith.constant 2 : i32
        %add3A_205 = arith.addi %mul3A_166, %add3A_204 : i32
        %dma_wait3A_206 = arith.constant 0 : i32
        %dma_wait3A_207 = tpu.memref_slice %arg7[%add3A_205, %dma_wait3A_206] : memref<125x80xi32, #tpu.memory_space<vmem>> -> memref<1x80xi32, #tpu.memory_space<vmem>>
        %dma_wait3A_208 = tpu.memref_squeeze %dma_wait3A_207 : memref<1x80xi32, #tpu.memory_space<vmem>> -> memref<80xi32, #tpu.memory_space<vmem>>
        %dma_wait3A_209 = arith.constant 0 : i32
        %dma_wait3A_210 = arith.constant 0 : i32
        %dma_wait3A_211 = tpu.memref_slice %arg2[%scan3A_126, %dma_wait3A_209, %dma_wait3A_210] : memref<4x10000x128xf32, #tpu.memory_space<hbm>> -> memref<1x10000x128xf32, #tpu.memory_space<hbm>>
        %dma_wait3A_212 = tpu.memref_squeeze %dma_wait3A_211 : memref<1x10000x128xf32, #tpu.memory_space<hbm>> -> memref<10000x128xf32, #tpu.memory_space<hbm>>
        %dma_wait3A_213 = arith.constant 0 : i32
        %dma_wait3A_214 = arith.constant 0 : i32
        %dma_wait3A_215 = tpu.memref_slice %dma_wait3A_212[%dma_wait3A_213, %dma_wait3A_214] : memref<10000x128xf32, #tpu.memory_space<hbm>> -> memref<10000x128xf32, #tpu.memory_space<hbm>>
        tpu.wait_indirect_dma semaphore(%arg15 : memref<!tpu.dma_semaphore, #tpu.memory_space<semaphore_mem>>) src(%dma_wait3A_215 : memref<10000x128xf32, #tpu.memory_space<hbm>>) dst(%arg11 : memref<80x128xf32, #tpu.memory_space<vmem>>)
        "tpu.region"() ({
          %run_scoped3A_223 = tpu.sem_alloc : memref<!tpu.dma_semaphore, #tpu.memory_space<semaphore_mem>>
          %dma_start3A_224 = arith.constant 0 : i32
          %dma_start3A_225 = tpu.memref_slice %arg8[%add3A_205, %dma_start3A_224] : memref<125x80xi32, #tpu.memory_space<vmem>> -> memref<1x80xi32, #tpu.memory_space<vmem>>
          %dma_start3A_226 = tpu.memref_squeeze %dma_start3A_225 : memref<1x80xi32, #tpu.memory_space<vmem>> -> memref<80xi32, #tpu.memory_space<vmem>>
          %dma_start3A_227 = arith.constant 0 : i32
          %dma_start3A_228 = arith.constant 0 : i32
          %dma_start3A_229 = tpu.memref_slice %arg12[%dma_start3A_227, %dma_start3A_228] : memref<10000x128xf32, #tpu.memory_space<vmem_shared>> -> memref<10000x128xf32, #tpu.memory_space<vmem_shared>>
          tpu.enqueue_indirect_dma source(%arg11 : memref<80x128xf32, #tpu.memory_space<vmem>>) target(%dma_start3A_229 : memref<10000x128xf32, #tpu.memory_space<vmem_shared>>) offsets(%dma_start3A_226 : memref<80xi32, #tpu.memory_space<vmem>>) semaphore(%run_scoped3A_223 : memref<!tpu.dma_semaphore, #tpu.memory_space<semaphore_mem>>) {add = true}
          %dma_wait3A_230 = arith.constant 0 : i32
          %dma_wait3A_231 = tpu.memref_slice %arg8[%add3A_205, %dma_wait3A_230] : memref<125x80xi32, #tpu.memory_space<vmem>> -> memref<1x80xi32, #tpu.memory_space<vmem>>
          %dma_wait3A_232 = tpu.memref_squeeze %dma_wait3A_231 : memref<1x80xi32, #tpu.memory_space<vmem>> -> memref<80xi32, #tpu.memory_space<vmem>>
          %dma_wait3A_233 = arith.constant 0 : i32
          %dma_wait3A_234 = arith.constant 0 : i32
          %dma_wait3A_235 = tpu.memref_slice %arg12[%dma_wait3A_233, %dma_wait3A_234] : memref<10000x128xf32, #tpu.memory_space<vmem_shared>> -> memref<10000x128xf32, #tpu.memory_space<vmem_shared>>
          tpu.wait_indirect_dma semaphore(%run_scoped3A_223 : memref<!tpu.dma_semaphore, #tpu.memory_space<semaphore_mem>>) src(%arg11 : memref<80x128xf32, #tpu.memory_space<vmem>>) dst(%dma_wait3A_235 : memref<10000x128xf32, #tpu.memory_space<vmem_shared>>)
          tpu.yield
        }) : () -> ()
        %add3A_216 = arith.constant 3 : i32
        %add3A_217 = arith.addi %add3A_205, %add3A_216 : i32
        %lt3A_218 = arith.constant 125 : i32
        %lt3A_219 = arith.cmpi slt, %add3A_217, %lt3A_218 : i32
        %convert_element_type3A_220 = arith.extui %lt3A_219 : i1 to i32
        %cond3A_221 = arith.constant 0 : i32
        %cond3A_222 = arith.cmpi ne, %convert_element_type3A_220, %cond3A_221 : i32
        scf.if %cond3A_222 {
          %add3A_223 = arith.constant 3 : i32
          %add3A_224 = arith.addi %add3A_205, %add3A_223 : i32
          %dma_start3A_225 = arith.constant 0 : i32
          %dma_start3A_226 = tpu.memref_slice %arg7[%add3A_224, %dma_start3A_225] : memref<125x80xi32, #tpu.memory_space<vmem>> -> memref<1x80xi32, #tpu.memory_space<vmem>>
          %dma_start3A_227 = tpu.memref_squeeze %dma_start3A_226 : memref<1x80xi32, #tpu.memory_space<vmem>> -> memref<80xi32, #tpu.memory_space<vmem>>
          %dma_start3A_228 = arith.constant 0 : i32
          %dma_start3A_229 = arith.constant 0 : i32
          %dma_start3A_230 = tpu.memref_slice %arg2[%scan3A_126, %dma_start3A_228, %dma_start3A_229] : memref<4x10000x128xf32, #tpu.memory_space<hbm>> -> memref<1x10000x128xf32, #tpu.memory_space<hbm>>
          %dma_start3A_231 = tpu.memref_squeeze %dma_start3A_230 : memref<1x10000x128xf32, #tpu.memory_space<hbm>> -> memref<10000x128xf32, #tpu.memory_space<hbm>>
          %dma_start3A_232 = arith.constant 0 : i32
          %dma_start3A_233 = arith.constant 0 : i32
          %dma_start3A_234 = tpu.memref_slice %dma_start3A_231[%dma_start3A_232, %dma_start3A_233] : memref<10000x128xf32, #tpu.memory_space<hbm>> -> memref<10000x128xf32, #tpu.memory_space<hbm>>
          tpu.enqueue_indirect_dma source(%dma_start3A_234 : memref<10000x128xf32, #tpu.memory_space<hbm>>) target(%arg11 : memref<80x128xf32, #tpu.memory_space<vmem>>) offsets(%dma_start3A_227 : memref<80xi32, #tpu.memory_space<vmem>>) semaphore(%arg15 : memref<!tpu.dma_semaphore, #tpu.memory_space<semaphore_mem>>)
        } else {
        }
      }
      %scan3A_131 = arith.constant 41 : i32
      %dma_wait3A_132 = arith.constant 1 : i32
      %dma_wait3A_133 = arith.constant 123 : i32
      %dma_wait3A_134 = arith.constant 0 : i32
      %dma_wait3A_135 = tpu.memref_slice %arg7[%dma_wait3A_133, %dma_wait3A_134] : memref<125x80xi32, #tpu.memory_space<vmem>> -> memref<1x80xi32, #tpu.memory_space<vmem>>
      %dma_wait3A_136 = tpu.memref_squeeze %dma_wait3A_135 : memref<1x80xi32, #tpu.memory_space<vmem>> -> memref<80xi32, #tpu.memory_space<vmem>>
      %dma_wait3A_137 = arith.constant 0 : i32
      %dma_wait3A_138 = arith.constant 0 : i32
      %dma_wait3A_139 = tpu.memref_slice %arg2[%dma_wait3A_132, %dma_wait3A_137, %dma_wait3A_138] : memref<4x10000x128xf32, #tpu.memory_space<hbm>> -> memref<1x10000x128xf32, #tpu.memory_space<hbm>>
      %dma_wait3A_140 = tpu.memref_squeeze %dma_wait3A_139 : memref<1x10000x128xf32, #tpu.memory_space<hbm>> -> memref<10000x128xf32, #tpu.memory_space<hbm>>
      %dma_wait3A_141 = arith.constant 0 : i32
      %dma_wait3A_142 = arith.constant 0 : i32
      %dma_wait3A_143 = tpu.memref_slice %dma_wait3A_140[%dma_wait3A_141, %dma_wait3A_142] : memref<10000x128xf32, #tpu.memory_space<hbm>> -> memref<10000x128xf32, #tpu.memory_space<hbm>>
      tpu.wait_indirect_dma semaphore(%arg13 : memref<!tpu.dma_semaphore, #tpu.memory_space<semaphore_mem>>) src(%dma_wait3A_143 : memref<10000x128xf32, #tpu.memory_space<hbm>>) dst(%arg9 : memref<80x128xf32, #tpu.memory_space<vmem>>)
      %run_scoped3A_144 = arith.constant 123 : i32
      "tpu.region"() ({
        %run_scoped3A_165 = tpu.sem_alloc : memref<!tpu.dma_semaphore, #tpu.memory_space<semaphore_mem>>
        %dma_start3A_166 = arith.constant 0 : i32
        %dma_start3A_167 = tpu.memref_slice %arg8[%run_scoped3A_144, %dma_start3A_166] : memref<125x80xi32, #tpu.memory_space<vmem>> -> memref<1x80xi32, #tpu.memory_space<vmem>>
        %dma_start3A_168 = tpu.memref_squeeze %dma_start3A_167 : memref<1x80xi32, #tpu.memory_space<vmem>> -> memref<80xi32, #tpu.memory_space<vmem>>
        %dma_start3A_169 = arith.constant 0 : i32
        %dma_start3A_170 = arith.constant 0 : i32
        %dma_start3A_171 = tpu.memref_slice %arg12[%dma_start3A_169, %dma_start3A_170] : memref<10000x128xf32, #tpu.memory_space<vmem_shared>> -> memref<10000x128xf32, #tpu.memory_space<vmem_shared>>
        tpu.enqueue_indirect_dma source(%arg9 : memref<80x128xf32, #tpu.memory_space<vmem>>) target(%dma_start3A_171 : memref<10000x128xf32, #tpu.memory_space<vmem_shared>>) offsets(%dma_start3A_168 : memref<80xi32, #tpu.memory_space<vmem>>) semaphore(%run_scoped3A_165 : memref<!tpu.dma_semaphore, #tpu.memory_space<semaphore_mem>>) {add = true}
        %dma_wait3A_172 = arith.constant 0 : i32
        %dma_wait3A_173 = tpu.memref_slice %arg8[%run_scoped3A_144, %dma_wait3A_172] : memref<125x80xi32, #tpu.memory_space<vmem>> -> memref<1x80xi32, #tpu.memory_space<vmem>>
        %dma_wait3A_174 = tpu.memref_squeeze %dma_wait3A_173 : memref<1x80xi32, #tpu.memory_space<vmem>> -> memref<80xi32, #tpu.memory_space<vmem>>
        %dma_wait3A_175 = arith.constant 0 : i32
        %dma_wait3A_176 = arith.constant 0 : i32
        %dma_wait3A_177 = tpu.memref_slice %arg12[%dma_wait3A_175, %dma_wait3A_176] : memref<10000x128xf32, #tpu.memory_space<vmem_shared>> -> memref<10000x128xf32, #tpu.memory_space<vmem_shared>>
        tpu.wait_indirect_dma semaphore(%run_scoped3A_165 : memref<!tpu.dma_semaphore, #tpu.memory_space<semaphore_mem>>) src(%arg9 : memref<80x128xf32, #tpu.memory_space<vmem>>) dst(%dma_wait3A_177 : memref<10000x128xf32, #tpu.memory_space<vmem_shared>>)
        tpu.yield
      }) : () -> ()
      %dma_wait3A_145 = arith.constant 1 : i32
      %dma_wait3A_146 = arith.constant 124 : i32
      %dma_wait3A_147 = arith.constant 0 : i32
      %dma_wait3A_148 = tpu.memref_slice %arg7[%dma_wait3A_146, %dma_wait3A_147] : memref<125x80xi32, #tpu.memory_space<vmem>> -> memref<1x80xi32, #tpu.memory_space<vmem>>
      %dma_wait3A_149 = tpu.memref_squeeze %dma_wait3A_148 : memref<1x80xi32, #tpu.memory_space<vmem>> -> memref<80xi32, #tpu.memory_space<vmem>>
      %dma_wait3A_150 = arith.constant 0 : i32
      %dma_wait3A_151 = arith.constant 0 : i32
      %dma_wait3A_152 = tpu.memref_slice %arg2[%dma_wait3A_145, %dma_wait3A_150, %dma_wait3A_151] : memref<4x10000x128xf32, #tpu.memory_space<hbm>> -> memref<1x10000x128xf32, #tpu.memory_space<hbm>>
      %dma_wait3A_153 = tpu.memref_squeeze %dma_wait3A_152 : memref<1x10000x128xf32, #tpu.memory_space<hbm>> -> memref<10000x128xf32, #tpu.memory_space<hbm>>
      %dma_wait3A_154 = arith.constant 0 : i32
      %dma_wait3A_155 = arith.constant 0 : i32
      %dma_wait3A_156 = tpu.memref_slice %dma_wait3A_153[%dma_wait3A_154, %dma_wait3A_155] : memref<10000x128xf32, #tpu.memory_space<hbm>> -> memref<10000x128xf32, #tpu.memory_space<hbm>>
      tpu.wait_indirect_dma semaphore(%arg14 : memref<!tpu.dma_semaphore, #tpu.memory_space<semaphore_mem>>) src(%dma_wait3A_156 : memref<10000x128xf32, #tpu.memory_space<hbm>>) dst(%arg10 : memref<80x128xf32, #tpu.memory_space<vmem>>)
      %run_scoped3A_157 = arith.constant 124 : i32
      "tpu.region"() ({
        %run_scoped3A_165 = tpu.sem_alloc : memref<!tpu.dma_semaphore, #tpu.memory_space<semaphore_mem>>
        %dma_start3A_166 = arith.constant 0 : i32
        %dma_start3A_167 = tpu.memref_slice %arg8[%run_scoped3A_157, %dma_start3A_166] : memref<125x80xi32, #tpu.memory_space<vmem>> -> memref<1x80xi32, #tpu.memory_space<vmem>>
        %dma_start3A_168 = tpu.memref_squeeze %dma_start3A_167 : memref<1x80xi32, #tpu.memory_space<vmem>> -> memref<80xi32, #tpu.memory_space<vmem>>
        %dma_start3A_169 = arith.constant 0 : i32
        %dma_start3A_170 = arith.constant 0 : i32
        %dma_start3A_171 = tpu.memref_slice %arg12[%dma_start3A_169, %dma_start3A_170] : memref<10000x128xf32, #tpu.memory_space<vmem_shared>> -> memref<10000x128xf32, #tpu.memory_space<vmem_shared>>
        tpu.enqueue_indirect_dma source(%arg10 : memref<80x128xf32, #tpu.memory_space<vmem>>) target(%dma_start3A_171 : memref<10000x128xf32, #tpu.memory_space<vmem_shared>>) offsets(%dma_start3A_168 : memref<80xi32, #tpu.memory_space<vmem>>) semaphore(%run_scoped3A_165 : memref<!tpu.dma_semaphore, #tpu.memory_space<semaphore_mem>>) {add = true}
        %dma_wait3A_172 = arith.constant 0 : i32
        %dma_wait3A_173 = tpu.memref_slice %arg8[%run_scoped3A_157, %dma_wait3A_172] : memref<125x80xi32, #tpu.memory_space<vmem>> -> memref<1x80xi32, #tpu.memory_space<vmem>>
        %dma_wait3A_174 = tpu.memref_squeeze %dma_wait3A_173 : memref<1x80xi32, #tpu.memory_space<vmem>> -> memref<80xi32, #tpu.memory_space<vmem>>
        %dma_wait3A_175 = arith.constant 0 : i32
        %dma_wait3A_176 = arith.constant 0 : i32
        %dma_wait3A_177 = tpu.memref_slice %arg12[%dma_wait3A_175, %dma_wait3A_176] : memref<10000x128xf32, #tpu.memory_space<vmem_shared>> -> memref<10000x128xf32, #tpu.memory_space<vmem_shared>>
        tpu.wait_indirect_dma semaphore(%run_scoped3A_165 : memref<!tpu.dma_semaphore, #tpu.memory_space<semaphore_mem>>) src(%arg10 : memref<80x128xf32, #tpu.memory_space<vmem>>) dst(%dma_wait3A_177 : memref<10000x128xf32, #tpu.memory_space<vmem_shared>>)
        tpu.yield
      }) : () -> ()
      %barrier3A_158 = arith.constant 0 : index
      tpu.barrier barrier_id(%barrier3A_158)
      %lt3A_159 = arith.constant 10 : i32
      %lt3A_160 = arith.cmpi slt, %arg1, %lt3A_159 : i32
      %convert_element_type3A_161 = arith.extui %lt3A_160 : i1 to i32
      %cond3A_162 = arith.constant 0 : i32
      %cond3A_163 = arith.cmpi ne, %convert_element_type3A_161, %cond3A_162 : i32
      scf.if %cond3A_163 {
        %mul3A = arith.constant 1000 : i32
        %mul3A_165 = arith.muli %arg1, %mul3A : i32
        %run_scoped3A_166 = arith.constant 1 : i32
        "tpu.region"() ({
          %run_scoped3A_167 = tpu.sem_alloc : memref<!tpu.dma_semaphore, #tpu.memory_space<semaphore_mem>>
          %dma_start3A_168 = arith.constant 0 : i32
          %dma_start3A_169 = arith.constant 0 : i32
          %dma_start3A_170 = tpu.memref_slice %arg6[%run_scoped3A_166, %dma_start3A_168, %dma_start3A_169] : memref<4x10000x128xf32, #tpu.memory_space<hbm>> -> memref<1x10000x128xf32, #tpu.memory_space<hbm>>
          %dma_start3A_171 = tpu.memref_squeeze %dma_start3A_170 : memref<1x10000x128xf32, #tpu.memory_space<hbm>> -> memref<10000x128xf32, #tpu.memory_space<hbm>>
          %dma_start3A_172 = arith.constant 0 : i32
          %dma_start3A_173 = tpu.memref_slice %dma_start3A_171[%mul3A_165, %dma_start3A_172] : memref<10000x128xf32, #tpu.memory_space<hbm>> -> memref<1000x128xf32, #tpu.memory_space<hbm>>
          %dma_start3A_174 = arith.constant 0 : i32
          %dma_start3A_175 = tpu.memref_slice %arg12[%mul3A_165, %dma_start3A_174] : memref<10000x128xf32, #tpu.memory_space<vmem_shared>> -> memref<1000x128xf32, #tpu.memory_space<vmem_shared>>
          tpu.enqueue_dma source(%dma_start3A_175 : memref<1000x128xf32, #tpu.memory_space<vmem_shared>>) target(%dma_start3A_173 : memref<1000x128xf32, #tpu.memory_space<hbm>>) target_semaphore(%run_scoped3A_167 : memref<!tpu.dma_semaphore, #tpu.memory_space<semaphore_mem>>)
          %dma_wait3A_176 = arith.constant 0 : i32
          %dma_wait3A_177 = arith.constant 0 : i32
          %dma_wait3A_178 = tpu.memref_slice %arg6[%run_scoped3A_166, %dma_wait3A_176, %dma_wait3A_177] : memref<4x10000x128xf32, #tpu.memory_space<hbm>> -> memref<1x10000x128xf32, #tpu.memory_space<hbm>>
          %dma_wait3A_179 = tpu.memref_squeeze %dma_wait3A_178 : memref<1x10000x128xf32, #tpu.memory_space<hbm>> -> memref<10000x128xf32, #tpu.memory_space<hbm>>
          %dma_wait3A_180 = arith.constant 0 : i32
          %dma_wait3A_181 = tpu.memref_slice %dma_wait3A_179[%mul3A_165, %dma_wait3A_180] : memref<10000x128xf32, #tpu.memory_space<hbm>> -> memref<1000x128xf32, #tpu.memory_space<hbm>>
          %dma_wait3A_182 = arith.constant 0 : i32
          %dma_wait3A_183 = tpu.memref_slice %arg12[%mul3A_165, %dma_wait3A_182] : memref<10000x128xf32, #tpu.memory_space<vmem_shared>> -> memref<1000x128xf32, #tpu.memory_space<vmem_shared>>
          tpu.wait_dma2 semaphore(%run_scoped3A_167 : memref<!tpu.dma_semaphore, #tpu.memory_space<semaphore_mem>>) src(%dma_wait3A_183 : memref<1000x128xf32, #tpu.memory_space<vmem_shared>>) dst(%dma_wait3A_181 : memref<1000x128xf32, #tpu.memory_space<hbm>>)
          tpu.yield
        }) : () -> ()
      } else {
      }
      %barrier3A_164 = arith.constant 0 : index
      tpu.barrier barrier_id(%barrier3A_164)
    } else {
    }
    %eq3A_2 = arith.constant 1 : i32
    %eq3A_3 = arith.cmpi eq, %arg0, %eq3A_2 : i32
    %convert_element_type3A_4 = arith.extui %eq3A_3 : i1 to i32
    %cond3A_5 = arith.constant 0 : i32
    %cond3A_6 = arith.cmpi ne, %convert_element_type3A_4, %cond3A_5 : i32
    scf.if %cond3A_6 {
      %dma_start3A = arith.constant 2 : i32
      %dma_start3A_7 = arith.constant 0 : i32
      %dma_start3A_8 = arith.constant 0 : i32
      %dma_start3A_9 = tpu.memref_slice %arg7[%dma_start3A_7, %dma_start3A_8] : memref<125x80xi32, #tpu.memory_space<vmem>> -> memref<1x80xi32, #tpu.memory_space<vmem>>
      %dma_start3A_10 = tpu.memref_squeeze %dma_start3A_9 : memref<1x80xi32, #tpu.memory_space<vmem>> -> memref<80xi32, #tpu.memory_space<vmem>>
      %dma_start3A_11 = arith.constant 0 : i32
      %dma_start3A_12 = arith.constant 0 : i32
      %dma_start3A_13 = tpu.memref_slice %arg2[%dma_start3A, %dma_start3A_11, %dma_start3A_12] : memref<4x10000x128xf32, #tpu.memory_space<hbm>> -> memref<1x10000x128xf32, #tpu.memory_space<hbm>>
      %dma_start3A_14 = tpu.memref_squeeze %dma_start3A_13 : memref<1x10000x128xf32, #tpu.memory_space<hbm>> -> memref<10000x128xf32, #tpu.memory_space<hbm>>
      %dma_start3A_15 = arith.constant 0 : i32
      %dma_start3A_16 = arith.constant 0 : i32
      %dma_start3A_17 = tpu.memref_slice %dma_start3A_14[%dma_start3A_15, %dma_start3A_16] : memref<10000x128xf32, #tpu.memory_space<hbm>> -> memref<10000x128xf32, #tpu.memory_space<hbm>>
      tpu.enqueue_indirect_dma source(%dma_start3A_17 : memref<10000x128xf32, #tpu.memory_space<hbm>>) target(%arg9 : memref<80x128xf32, #tpu.memory_space<vmem>>) offsets(%dma_start3A_10 : memref<80xi32, #tpu.memory_space<vmem>>) semaphore(%arg13 : memref<!tpu.dma_semaphore, #tpu.memory_space<semaphore_mem>>)
      %dma_start3A_18 = arith.constant 2 : i32
      %dma_start3A_19 = arith.constant 1 : i32
      %dma_start3A_20 = arith.constant 0 : i32
      %dma_start3A_21 = tpu.memref_slice %arg7[%dma_start3A_19, %dma_start3A_20] : memref<125x80xi32, #tpu.memory_space<vmem>> -> memref<1x80xi32, #tpu.memory_space<vmem>>
      %dma_start3A_22 = tpu.memref_squeeze %dma_start3A_21 : memref<1x80xi32, #tpu.memory_space<vmem>> -> memref<80xi32, #tpu.memory_space<vmem>>
      %dma_start3A_23 = arith.constant 0 : i32
      %dma_start3A_24 = arith.constant 0 : i32
      %dma_start3A_25 = tpu.memref_slice %arg2[%dma_start3A_18, %dma_start3A_23, %dma_start3A_24] : memref<4x10000x128xf32, #tpu.memory_space<hbm>> -> memref<1x10000x128xf32, #tpu.memory_space<hbm>>
      %dma_start3A_26 = tpu.memref_squeeze %dma_start3A_25 : memref<1x10000x128xf32, #tpu.memory_space<hbm>> -> memref<10000x128xf32, #tpu.memory_space<hbm>>
      %dma_start3A_27 = arith.constant 0 : i32
      %dma_start3A_28 = arith.constant 0 : i32
      %dma_start3A_29 = tpu.memref_slice %dma_start3A_26[%dma_start3A_27, %dma_start3A_28] : memref<10000x128xf32, #tpu.memory_space<hbm>> -> memref<10000x128xf32, #tpu.memory_space<hbm>>
      tpu.enqueue_indirect_dma source(%dma_start3A_29 : memref<10000x128xf32, #tpu.memory_space<hbm>>) target(%arg10 : memref<80x128xf32, #tpu.memory_space<vmem>>) offsets(%dma_start3A_22 : memref<80xi32, #tpu.memory_space<vmem>>) semaphore(%arg14 : memref<!tpu.dma_semaphore, #tpu.memory_space<semaphore_mem>>)
      %dma_start3A_30 = arith.constant 2 : i32
      %dma_start3A_31 = arith.constant 2 : i32
      %dma_start3A_32 = arith.constant 0 : i32
      %dma_start3A_33 = tpu.memref_slice %arg7[%dma_start3A_31, %dma_start3A_32] : memref<125x80xi32, #tpu.memory_space<vmem>> -> memref<1x80xi32, #tpu.memory_space<vmem>>
      %dma_start3A_34 = tpu.memref_squeeze %dma_start3A_33 : memref<1x80xi32, #tpu.memory_space<vmem>> -> memref<80xi32, #tpu.memory_space<vmem>>
      %dma_start3A_35 = arith.constant 0 : i32
      %dma_start3A_36 = arith.constant 0 : i32
      %dma_start3A_37 = tpu.memref_slice %arg2[%dma_start3A_30, %dma_start3A_35, %dma_start3A_36] : memref<4x10000x128xf32, #tpu.memory_space<hbm>> -> memref<1x10000x128xf32, #tpu.memory_space<hbm>>
      %dma_start3A_38 = tpu.memref_squeeze %dma_start3A_37 : memref<1x10000x128xf32, #tpu.memory_space<hbm>> -> memref<10000x128xf32, #tpu.memory_space<hbm>>
      %dma_start3A_39 = arith.constant 0 : i32
      %dma_start3A_40 = arith.constant 0 : i32
      %dma_start3A_41 = tpu.memref_slice %dma_start3A_38[%dma_start3A_39, %dma_start3A_40] : memref<10000x128xf32, #tpu.memory_space<hbm>> -> memref<10000x128xf32, #tpu.memory_space<hbm>>
      tpu.enqueue_indirect_dma source(%dma_start3A_41 : memref<10000x128xf32, #tpu.memory_space<hbm>>) target(%arg11 : memref<80x128xf32, #tpu.memory_space<vmem>>) offsets(%dma_start3A_34 : memref<80xi32, #tpu.memory_space<vmem>>) semaphore(%arg15 : memref<!tpu.dma_semaphore, #tpu.memory_space<semaphore_mem>>)
      %lt3A = arith.constant 10 : i32
      %lt3A_42 = arith.cmpi slt, %arg1, %lt3A : i32
      %convert_element_type3A_43 = arith.extui %lt3A_42 : i1 to i32
      %cond3A_44 = arith.constant 0 : i32
      %cond3A_45 = arith.cmpi ne, %convert_element_type3A_43, %cond3A_44 : i32
      scf.if %cond3A_45 {
        %mul3A = arith.constant 1000 : i32
        %mul3A_165 = arith.muli %arg1, %mul3A : i32
        "tpu.region"() ({
          %run_scoped3A_166 = tpu.sem_alloc : memref<!tpu.dma_semaphore, #tpu.memory_space<semaphore_mem>>
          %dma_start3A_167 = arith.constant 0 : i32
          %dma_start3A_168 = tpu.memref_slice %arg12[%mul3A_165, %dma_start3A_167] : memref<10000x128xf32, #tpu.memory_space<vmem_shared>> -> memref<1000x128xf32, #tpu.memory_space<vmem_shared>>
          tpu.enqueue_dma source(%arg5 : memref<1000x128xf32, #tpu.memory_space<hbm>>) target(%dma_start3A_168 : memref<1000x128xf32, #tpu.memory_space<vmem_shared>>) target_semaphore(%run_scoped3A_166 : memref<!tpu.dma_semaphore, #tpu.memory_space<semaphore_mem>>)
          %dma_wait3A_169 = arith.constant 0 : i32
          %dma_wait3A_170 = tpu.memref_slice %arg12[%mul3A_165, %dma_wait3A_169] : memref<10000x128xf32, #tpu.memory_space<vmem_shared>> -> memref<1000x128xf32, #tpu.memory_space<vmem_shared>>
          tpu.wait_dma2 semaphore(%run_scoped3A_166 : memref<!tpu.dma_semaphore, #tpu.memory_space<semaphore_mem>>) src(%arg5 : memref<1000x128xf32, #tpu.memory_space<hbm>>) dst(%dma_wait3A_170 : memref<1000x128xf32, #tpu.memory_space<vmem_shared>>)
          tpu.yield
        }) : () -> ()
      } else {
      }
      %barrier3A = arith.constant 0 : index
      tpu.barrier barrier_id(%barrier3A)
      %scan3A = arith.constant 0 : i32
      %scan3A_46 = arith.constant 2 : i32
      %scan3A_47 = arith.constant 0 : i32
      %scan3A_48 = arith.constant 41 : i32
      %scan3A_49 = arith.addi %scan3A_47, %scan3A_48 : i32
      %scan3A_50 = arith.constant 1 : i32
      scf.for %scan3A_165 = %scan3A_47 to %scan3A_49 step %scan3A_50  : i32 {
        %mul3A = arith.constant 3 : i32
        %mul3A_166 = arith.muli %mul3A, %scan3A_165 : i32
        %add3A = arith.constant 0 : i32
        %add3A_167 = arith.addi %mul3A_166, %add3A : i32
        %dma_wait3A_168 = arith.constant 0 : i32
        %dma_wait3A_169 = tpu.memref_slice %arg7[%add3A_167, %dma_wait3A_168] : memref<125x80xi32, #tpu.memory_space<vmem>> -> memref<1x80xi32, #tpu.memory_space<vmem>>
        %dma_wait3A_170 = tpu.memref_squeeze %dma_wait3A_169 : memref<1x80xi32, #tpu.memory_space<vmem>> -> memref<80xi32, #tpu.memory_space<vmem>>
        %dma_wait3A_171 = arith.constant 0 : i32
        %dma_wait3A_172 = arith.constant 0 : i32
        %dma_wait3A_173 = tpu.memref_slice %arg2[%scan3A_46, %dma_wait3A_171, %dma_wait3A_172] : memref<4x10000x128xf32, #tpu.memory_space<hbm>> -> memref<1x10000x128xf32, #tpu.memory_space<hbm>>
        %dma_wait3A_174 = tpu.memref_squeeze %dma_wait3A_173 : memref<1x10000x128xf32, #tpu.memory_space<hbm>> -> memref<10000x128xf32, #tpu.memory_space<hbm>>
        %dma_wait3A_175 = arith.constant 0 : i32
        %dma_wait3A_176 = arith.constant 0 : i32
        %dma_wait3A_177 = tpu.memref_slice %dma_wait3A_174[%dma_wait3A_175, %dma_wait3A_176] : memref<10000x128xf32, #tpu.memory_space<hbm>> -> memref<10000x128xf32, #tpu.memory_space<hbm>>
        tpu.wait_indirect_dma semaphore(%arg13 : memref<!tpu.dma_semaphore, #tpu.memory_space<semaphore_mem>>) src(%dma_wait3A_177 : memref<10000x128xf32, #tpu.memory_space<hbm>>) dst(%arg9 : memref<80x128xf32, #tpu.memory_space<vmem>>)
        "tpu.region"() ({
          %run_scoped3A_223 = tpu.sem_alloc : memref<!tpu.dma_semaphore, #tpu.memory_space<semaphore_mem>>
          %dma_start3A_224 = arith.constant 0 : i32
          %dma_start3A_225 = tpu.memref_slice %arg8[%add3A_167, %dma_start3A_224] : memref<125x80xi32, #tpu.memory_space<vmem>> -> memref<1x80xi32, #tpu.memory_space<vmem>>
          %dma_start3A_226 = tpu.memref_squeeze %dma_start3A_225 : memref<1x80xi32, #tpu.memory_space<vmem>> -> memref<80xi32, #tpu.memory_space<vmem>>
          %dma_start3A_227 = arith.constant 0 : i32
          %dma_start3A_228 = arith.constant 0 : i32
          %dma_start3A_229 = tpu.memref_slice %arg12[%dma_start3A_227, %dma_start3A_228] : memref<10000x128xf32, #tpu.memory_space<vmem_shared>> -> memref<10000x128xf32, #tpu.memory_space<vmem_shared>>
          tpu.enqueue_indirect_dma source(%arg9 : memref<80x128xf32, #tpu.memory_space<vmem>>) target(%dma_start3A_229 : memref<10000x128xf32, #tpu.memory_space<vmem_shared>>) offsets(%dma_start3A_226 : memref<80xi32, #tpu.memory_space<vmem>>) semaphore(%run_scoped3A_223 : memref<!tpu.dma_semaphore, #tpu.memory_space<semaphore_mem>>) {add = true}
          %dma_wait3A_230 = arith.constant 0 : i32
          %dma_wait3A_231 = tpu.memref_slice %arg8[%add3A_167, %dma_wait3A_230] : memref<125x80xi32, #tpu.memory_space<vmem>> -> memref<1x80xi32, #tpu.memory_space<vmem>>
          %dma_wait3A_232 = tpu.memref_squeeze %dma_wait3A_231 : memref<1x80xi32, #tpu.memory_space<vmem>> -> memref<80xi32, #tpu.memory_space<vmem>>
          %dma_wait3A_233 = arith.constant 0 : i32
          %dma_wait3A_234 = arith.constant 0 : i32
          %dma_wait3A_235 = tpu.memref_slice %arg12[%dma_wait3A_233, %dma_wait3A_234] : memref<10000x128xf32, #tpu.memory_space<vmem_shared>> -> memref<10000x128xf32, #tpu.memory_space<vmem_shared>>
          tpu.wait_indirect_dma semaphore(%run_scoped3A_223 : memref<!tpu.dma_semaphore, #tpu.memory_space<semaphore_mem>>) src(%arg9 : memref<80x128xf32, #tpu.memory_space<vmem>>) dst(%dma_wait3A_235 : memref<10000x128xf32, #tpu.memory_space<vmem_shared>>)
          tpu.yield
        }) : () -> ()
        %add3A_178 = arith.constant 3 : i32
        %add3A_179 = arith.addi %add3A_167, %add3A_178 : i32
        %lt3A_180 = arith.constant 125 : i32
        %lt3A_181 = arith.cmpi slt, %add3A_179, %lt3A_180 : i32
        %convert_element_type3A_182 = arith.extui %lt3A_181 : i1 to i32
        %cond3A_183 = arith.constant 0 : i32
        %cond3A_184 = arith.cmpi ne, %convert_element_type3A_182, %cond3A_183 : i32
        scf.if %cond3A_184 {
          %add3A_223 = arith.constant 3 : i32
          %add3A_224 = arith.addi %add3A_167, %add3A_223 : i32
          %dma_start3A_225 = arith.constant 0 : i32
          %dma_start3A_226 = tpu.memref_slice %arg7[%add3A_224, %dma_start3A_225] : memref<125x80xi32, #tpu.memory_space<vmem>> -> memref<1x80xi32, #tpu.memory_space<vmem>>
          %dma_start3A_227 = tpu.memref_squeeze %dma_start3A_226 : memref<1x80xi32, #tpu.memory_space<vmem>> -> memref<80xi32, #tpu.memory_space<vmem>>
          %dma_start3A_228 = arith.constant 0 : i32
          %dma_start3A_229 = arith.constant 0 : i32
          %dma_start3A_230 = tpu.memref_slice %arg2[%scan3A_46, %dma_start3A_228, %dma_start3A_229] : memref<4x10000x128xf32, #tpu.memory_space<hbm>> -> memref<1x10000x128xf32, #tpu.memory_space<hbm>>
          %dma_start3A_231 = tpu.memref_squeeze %dma_start3A_230 : memref<1x10000x128xf32, #tpu.memory_space<hbm>> -> memref<10000x128xf32, #tpu.memory_space<hbm>>
          %dma_start3A_232 = arith.constant 0 : i32
          %dma_start3A_233 = arith.constant 0 : i32
          %dma_start3A_234 = tpu.memref_slice %dma_start3A_231[%dma_start3A_232, %dma_start3A_233] : memref<10000x128xf32, #tpu.memory_space<hbm>> -> memref<10000x128xf32, #tpu.memory_space<hbm>>
          tpu.enqueue_indirect_dma source(%dma_start3A_234 : memref<10000x128xf32, #tpu.memory_space<hbm>>) target(%arg9 : memref<80x128xf32, #tpu.memory_space<vmem>>) offsets(%dma_start3A_227 : memref<80xi32, #tpu.memory_space<vmem>>) semaphore(%arg13 : memref<!tpu.dma_semaphore, #tpu.memory_space<semaphore_mem>>)
        } else {
        }
        %add3A_185 = arith.constant 1 : i32
        %add3A_186 = arith.addi %mul3A_166, %add3A_185 : i32
        %dma_wait3A_187 = arith.constant 0 : i32
        %dma_wait3A_188 = tpu.memref_slice %arg7[%add3A_186, %dma_wait3A_187] : memref<125x80xi32, #tpu.memory_space<vmem>> -> memref<1x80xi32, #tpu.memory_space<vmem>>
        %dma_wait3A_189 = tpu.memref_squeeze %dma_wait3A_188 : memref<1x80xi32, #tpu.memory_space<vmem>> -> memref<80xi32, #tpu.memory_space<vmem>>
        %dma_wait3A_190 = arith.constant 0 : i32
        %dma_wait3A_191 = arith.constant 0 : i32
        %dma_wait3A_192 = tpu.memref_slice %arg2[%scan3A_46, %dma_wait3A_190, %dma_wait3A_191] : memref<4x10000x128xf32, #tpu.memory_space<hbm>> -> memref<1x10000x128xf32, #tpu.memory_space<hbm>>
        %dma_wait3A_193 = tpu.memref_squeeze %dma_wait3A_192 : memref<1x10000x128xf32, #tpu.memory_space<hbm>> -> memref<10000x128xf32, #tpu.memory_space<hbm>>
        %dma_wait3A_194 = arith.constant 0 : i32
        %dma_wait3A_195 = arith.constant 0 : i32
        %dma_wait3A_196 = tpu.memref_slice %dma_wait3A_193[%dma_wait3A_194, %dma_wait3A_195] : memref<10000x128xf32, #tpu.memory_space<hbm>> -> memref<10000x128xf32, #tpu.memory_space<hbm>>
        tpu.wait_indirect_dma semaphore(%arg14 : memref<!tpu.dma_semaphore, #tpu.memory_space<semaphore_mem>>) src(%dma_wait3A_196 : memref<10000x128xf32, #tpu.memory_space<hbm>>) dst(%arg10 : memref<80x128xf32, #tpu.memory_space<vmem>>)
        "tpu.region"() ({
          %run_scoped3A_223 = tpu.sem_alloc : memref<!tpu.dma_semaphore, #tpu.memory_space<semaphore_mem>>
          %dma_start3A_224 = arith.constant 0 : i32
          %dma_start3A_225 = tpu.memref_slice %arg8[%add3A_186, %dma_start3A_224] : memref<125x80xi32, #tpu.memory_space<vmem>> -> memref<1x80xi32, #tpu.memory_space<vmem>>
          %dma_start3A_226 = tpu.memref_squeeze %dma_start3A_225 : memref<1x80xi32, #tpu.memory_space<vmem>> -> memref<80xi32, #tpu.memory_space<vmem>>
          %dma_start3A_227 = arith.constant 0 : i32
          %dma_start3A_228 = arith.constant 0 : i32
          %dma_start3A_229 = tpu.memref_slice %arg12[%dma_start3A_227, %dma_start3A_228] : memref<10000x128xf32, #tpu.memory_space<vmem_shared>> -> memref<10000x128xf32, #tpu.memory_space<vmem_shared>>
          tpu.enqueue_indirect_dma source(%arg10 : memref<80x128xf32, #tpu.memory_space<vmem>>) target(%dma_start3A_229 : memref<10000x128xf32, #tpu.memory_space<vmem_shared>>) offsets(%dma_start3A_226 : memref<80xi32, #tpu.memory_space<vmem>>) semaphore(%run_scoped3A_223 : memref<!tpu.dma_semaphore, #tpu.memory_space<semaphore_mem>>) {add = true}
          %dma_wait3A_230 = arith.constant 0 : i32
          %dma_wait3A_231 = tpu.memref_slice %arg8[%add3A_186, %dma_wait3A_230] : memref<125x80xi32, #tpu.memory_space<vmem>> -> memref<1x80xi32, #tpu.memory_space<vmem>>
          %dma_wait3A_232 = tpu.memref_squeeze %dma_wait3A_231 : memref<1x80xi32, #tpu.memory_space<vmem>> -> memref<80xi32, #tpu.memory_space<vmem>>
          %dma_wait3A_233 = arith.constant 0 : i32
          %dma_wait3A_234 = arith.constant 0 : i32
          %dma_wait3A_235 = tpu.memref_slice %arg12[%dma_wait3A_233, %dma_wait3A_234] : memref<10000x128xf32, #tpu.memory_space<vmem_shared>> -> memref<10000x128xf32, #tpu.memory_space<vmem_shared>>
          tpu.wait_indirect_dma semaphore(%run_scoped3A_223 : memref<!tpu.dma_semaphore, #tpu.memory_space<semaphore_mem>>) src(%arg10 : memref<80x128xf32, #tpu.memory_space<vmem>>) dst(%dma_wait3A_235 : memref<10000x128xf32, #tpu.memory_space<vmem_shared>>)
          tpu.yield
        }) : () -> ()
        %add3A_197 = arith.constant 3 : i32
        %add3A_198 = arith.addi %add3A_186, %add3A_197 : i32
        %lt3A_199 = arith.constant 125 : i32
        %lt3A_200 = arith.cmpi slt, %add3A_198, %lt3A_199 : i32
        %convert_element_type3A_201 = arith.extui %lt3A_200 : i1 to i32
        %cond3A_202 = arith.constant 0 : i32
        %cond3A_203 = arith.cmpi ne, %convert_element_type3A_201, %cond3A_202 : i32
        scf.if %cond3A_203 {
          %add3A_223 = arith.constant 3 : i32
          %add3A_224 = arith.addi %add3A_186, %add3A_223 : i32
          %dma_start3A_225 = arith.constant 0 : i32
          %dma_start3A_226 = tpu.memref_slice %arg7[%add3A_224, %dma_start3A_225] : memref<125x80xi32, #tpu.memory_space<vmem>> -> memref<1x80xi32, #tpu.memory_space<vmem>>
          %dma_start3A_227 = tpu.memref_squeeze %dma_start3A_226 : memref<1x80xi32, #tpu.memory_space<vmem>> -> memref<80xi32, #tpu.memory_space<vmem>>
          %dma_start3A_228 = arith.constant 0 : i32
          %dma_start3A_229 = arith.constant 0 : i32
          %dma_start3A_230 = tpu.memref_slice %arg2[%scan3A_46, %dma_start3A_228, %dma_start3A_229] : memref<4x10000x128xf32, #tpu.memory_space<hbm>> -> memref<1x10000x128xf32, #tpu.memory_space<hbm>>
          %dma_start3A_231 = tpu.memref_squeeze %dma_start3A_230 : memref<1x10000x128xf32, #tpu.memory_space<hbm>> -> memref<10000x128xf32, #tpu.memory_space<hbm>>
          %dma_start3A_232 = arith.constant 0 : i32
          %dma_start3A_233 = arith.constant 0 : i32
          %dma_start3A_234 = tpu.memref_slice %dma_start3A_231[%dma_start3A_232, %dma_start3A_233] : memref<10000x128xf32, #tpu.memory_space<hbm>> -> memref<10000x128xf32, #tpu.memory_space<hbm>>
          tpu.enqueue_indirect_dma source(%dma_start3A_234 : memref<10000x128xf32, #tpu.memory_space<hbm>>) target(%arg10 : memref<80x128xf32, #tpu.memory_space<vmem>>) offsets(%dma_start3A_227 : memref<80xi32, #tpu.memory_space<vmem>>) semaphore(%arg14 : memref<!tpu.dma_semaphore, #tpu.memory_space<semaphore_mem>>)
        } else {
        }
        %add3A_204 = arith.constant 2 : i32
        %add3A_205 = arith.addi %mul3A_166, %add3A_204 : i32
        %dma_wait3A_206 = arith.constant 0 : i32
        %dma_wait3A_207 = tpu.memref_slice %arg7[%add3A_205, %dma_wait3A_206] : memref<125x80xi32, #tpu.memory_space<vmem>> -> memref<1x80xi32, #tpu.memory_space<vmem>>
        %dma_wait3A_208 = tpu.memref_squeeze %dma_wait3A_207 : memref<1x80xi32, #tpu.memory_space<vmem>> -> memref<80xi32, #tpu.memory_space<vmem>>
        %dma_wait3A_209 = arith.constant 0 : i32
        %dma_wait3A_210 = arith.constant 0 : i32
        %dma_wait3A_211 = tpu.memref_slice %arg2[%scan3A_46, %dma_wait3A_209, %dma_wait3A_210] : memref<4x10000x128xf32, #tpu.memory_space<hbm>> -> memref<1x10000x128xf32, #tpu.memory_space<hbm>>
        %dma_wait3A_212 = tpu.memref_squeeze %dma_wait3A_211 : memref<1x10000x128xf32, #tpu.memory_space<hbm>> -> memref<10000x128xf32, #tpu.memory_space<hbm>>
        %dma_wait3A_213 = arith.constant 0 : i32
        %dma_wait3A_214 = arith.constant 0 : i32
        %dma_wait3A_215 = tpu.memref_slice %dma_wait3A_212[%dma_wait3A_213, %dma_wait3A_214] : memref<10000x128xf32, #tpu.memory_space<hbm>> -> memref<10000x128xf32, #tpu.memory_space<hbm>>
        tpu.wait_indirect_dma semaphore(%arg15 : memref<!tpu.dma_semaphore, #tpu.memory_space<semaphore_mem>>) src(%dma_wait3A_215 : memref<10000x128xf32, #tpu.memory_space<hbm>>) dst(%arg11 : memref<80x128xf32, #tpu.memory_space<vmem>>)
        "tpu.region"() ({
          %run_scoped3A_223 = tpu.sem_alloc : memref<!tpu.dma_semaphore, #tpu.memory_space<semaphore_mem>>
          %dma_start3A_224 = arith.constant 0 : i32
          %dma_start3A_225 = tpu.memref_slice %arg8[%add3A_205, %dma_start3A_224] : memref<125x80xi32, #tpu.memory_space<vmem>> -> memref<1x80xi32, #tpu.memory_space<vmem>>
          %dma_start3A_226 = tpu.memref_squeeze %dma_start3A_225 : memref<1x80xi32, #tpu.memory_space<vmem>> -> memref<80xi32, #tpu.memory_space<vmem>>
          %dma_start3A_227 = arith.constant 0 : i32
          %dma_start3A_228 = arith.constant 0 : i32
          %dma_start3A_229 = tpu.memref_slice %arg12[%dma_start3A_227, %dma_start3A_228] : memref<10000x128xf32, #tpu.memory_space<vmem_shared>> -> memref<10000x128xf32, #tpu.memory_space<vmem_shared>>
          tpu.enqueue_indirect_dma source(%arg11 : memref<80x128xf32, #tpu.memory_space<vmem>>) target(%dma_start3A_229 : memref<10000x128xf32, #tpu.memory_space<vmem_shared>>) offsets(%dma_start3A_226 : memref<80xi32, #tpu.memory_space<vmem>>) semaphore(%run_scoped3A_223 : memref<!tpu.dma_semaphore, #tpu.memory_space<semaphore_mem>>) {add = true}
          %dma_wait3A_230 = arith.constant 0 : i32
          %dma_wait3A_231 = tpu.memref_slice %arg8[%add3A_205, %dma_wait3A_230] : memref<125x80xi32, #tpu.memory_space<vmem>> -> memref<1x80xi32, #tpu.memory_space<vmem>>
          %dma_wait3A_232 = tpu.memref_squeeze %dma_wait3A_231 : memref<1x80xi32, #tpu.memory_space<vmem>> -> memref<80xi32, #tpu.memory_space<vmem>>
          %dma_wait3A_233 = arith.constant 0 : i32
          %dma_wait3A_234 = arith.constant 0 : i32
          %dma_wait3A_235 = tpu.memref_slice %arg12[%dma_wait3A_233, %dma_wait3A_234] : memref<10000x128xf32, #tpu.memory_space<vmem_shared>> -> memref<10000x128xf32, #tpu.memory_space<vmem_shared>>
          tpu.wait_indirect_dma semaphore(%run_scoped3A_223 : memref<!tpu.dma_semaphore, #tpu.memory_space<semaphore_mem>>) src(%arg11 : memref<80x128xf32, #tpu.memory_space<vmem>>) dst(%dma_wait3A_235 : memref<10000x128xf32, #tpu.memory_space<vmem_shared>>)
          tpu.yield
        }) : () -> ()
        %add3A_216 = arith.constant 3 : i32
        %add3A_217 = arith.addi %add3A_205, %add3A_216 : i32
        %lt3A_218 = arith.constant 125 : i32
        %lt3A_219 = arith.cmpi slt, %add3A_217, %lt3A_218 : i32
        %convert_element_type3A_220 = arith.extui %lt3A_219 : i1 to i32
        %cond3A_221 = arith.constant 0 : i32
        %cond3A_222 = arith.cmpi ne, %convert_element_type3A_220, %cond3A_221 : i32
        scf.if %cond3A_222 {
          %add3A_223 = arith.constant 3 : i32
          %add3A_224 = arith.addi %add3A_205, %add3A_223 : i32
          %dma_start3A_225 = arith.constant 0 : i32
          %dma_start3A_226 = tpu.memref_slice %arg7[%add3A_224, %dma_start3A_225] : memref<125x80xi32, #tpu.memory_space<vmem>> -> memref<1x80xi32, #tpu.memory_space<vmem>>
          %dma_start3A_227 = tpu.memref_squeeze %dma_start3A_226 : memref<1x80xi32, #tpu.memory_space<vmem>> -> memref<80xi32, #tpu.memory_space<vmem>>
          %dma_start3A_228 = arith.constant 0 : i32
          %dma_start3A_229 = arith.constant 0 : i32
          %dma_start3A_230 = tpu.memref_slice %arg2[%scan3A_46, %dma_start3A_228, %dma_start3A_229] : memref<4x10000x128xf32, #tpu.memory_space<hbm>> -> memref<1x10000x128xf32, #tpu.memory_space<hbm>>
          %dma_start3A_231 = tpu.memref_squeeze %dma_start3A_230 : memref<1x10000x128xf32, #tpu.memory_space<hbm>> -> memref<10000x128xf32, #tpu.memory_space<hbm>>
          %dma_start3A_232 = arith.constant 0 : i32
          %dma_start3A_233 = arith.constant 0 : i32
          %dma_start3A_234 = tpu.memref_slice %dma_start3A_231[%dma_start3A_232, %dma_start3A_233] : memref<10000x128xf32, #tpu.memory_space<hbm>> -> memref<10000x128xf32, #tpu.memory_space<hbm>>
          tpu.enqueue_indirect_dma source(%dma_start3A_234 : memref<10000x128xf32, #tpu.memory_space<hbm>>) target(%arg11 : memref<80x128xf32, #tpu.memory_space<vmem>>) offsets(%dma_start3A_227 : memref<80xi32, #tpu.memory_space<vmem>>) semaphore(%arg15 : memref<!tpu.dma_semaphore, #tpu.memory_space<semaphore_mem>>)
        } else {
        }
      }
      %scan3A_51 = arith.constant 41 : i32
      %dma_wait3A = arith.constant 2 : i32
      %dma_wait3A_52 = arith.constant 123 : i32
      %dma_wait3A_53 = arith.constant 0 : i32
      %dma_wait3A_54 = tpu.memref_slice %arg7[%dma_wait3A_52, %dma_wait3A_53] : memref<125x80xi32, #tpu.memory_space<vmem>> -> memref<1x80xi32, #tpu.memory_space<vmem>>
      %dma_wait3A_55 = tpu.memref_squeeze %dma_wait3A_54 : memref<1x80xi32, #tpu.memory_space<vmem>> -> memref<80xi32, #tpu.memory_space<vmem>>
      %dma_wait3A_56 = arith.constant 0 : i32
      %dma_wait3A_57 = arith.constant 0 : i32
      %dma_wait3A_58 = tpu.memref_slice %arg2[%dma_wait3A, %dma_wait3A_56, %dma_wait3A_57] : memref<4x10000x128xf32, #tpu.memory_space<hbm>> -> memref<1x10000x128xf32, #tpu.memory_space<hbm>>
      %dma_wait3A_59 = tpu.memref_squeeze %dma_wait3A_58 : memref<1x10000x128xf32, #tpu.memory_space<hbm>> -> memref<10000x128xf32, #tpu.memory_space<hbm>>
      %dma_wait3A_60 = arith.constant 0 : i32
      %dma_wait3A_61 = arith.constant 0 : i32
      %dma_wait3A_62 = tpu.memref_slice %dma_wait3A_59[%dma_wait3A_60, %dma_wait3A_61] : memref<10000x128xf32, #tpu.memory_space<hbm>> -> memref<10000x128xf32, #tpu.memory_space<hbm>>
      tpu.wait_indirect_dma semaphore(%arg13 : memref<!tpu.dma_semaphore, #tpu.memory_space<semaphore_mem>>) src(%dma_wait3A_62 : memref<10000x128xf32, #tpu.memory_space<hbm>>) dst(%arg9 : memref<80x128xf32, #tpu.memory_space<vmem>>)
      %run_scoped3A = arith.constant 123 : i32
      "tpu.region"() ({
        %run_scoped3A_165 = tpu.sem_alloc : memref<!tpu.dma_semaphore, #tpu.memory_space<semaphore_mem>>
        %dma_start3A_166 = arith.constant 0 : i32
        %dma_start3A_167 = tpu.memref_slice %arg8[%run_scoped3A, %dma_start3A_166] : memref<125x80xi32, #tpu.memory_space<vmem>> -> memref<1x80xi32, #tpu.memory_space<vmem>>
        %dma_start3A_168 = tpu.memref_squeeze %dma_start3A_167 : memref<1x80xi32, #tpu.memory_space<vmem>> -> memref<80xi32, #tpu.memory_space<vmem>>
        %dma_start3A_169 = arith.constant 0 : i32
        %dma_start3A_170 = arith.constant 0 : i32
        %dma_start3A_171 = tpu.memref_slice %arg12[%dma_start3A_169, %dma_start3A_170] : memref<10000x128xf32, #tpu.memory_space<vmem_shared>> -> memref<10000x128xf32, #tpu.memory_space<vmem_shared>>
        tpu.enqueue_indirect_dma source(%arg9 : memref<80x128xf32, #tpu.memory_space<vmem>>) target(%dma_start3A_171 : memref<10000x128xf32, #tpu.memory_space<vmem_shared>>) offsets(%dma_start3A_168 : memref<80xi32, #tpu.memory_space<vmem>>) semaphore(%run_scoped3A_165 : memref<!tpu.dma_semaphore, #tpu.memory_space<semaphore_mem>>) {add = true}
        %dma_wait3A_172 = arith.constant 0 : i32
        %dma_wait3A_173 = tpu.memref_slice %arg8[%run_scoped3A, %dma_wait3A_172] : memref<125x80xi32, #tpu.memory_space<vmem>> -> memref<1x80xi32, #tpu.memory_space<vmem>>
        %dma_wait3A_174 = tpu.memref_squeeze %dma_wait3A_173 : memref<1x80xi32, #tpu.memory_space<vmem>> -> memref<80xi32, #tpu.memory_space<vmem>>
        %dma_wait3A_175 = arith.constant 0 : i32
        %dma_wait3A_176 = arith.constant 0 : i32
        %dma_wait3A_177 = tpu.memref_slice %arg12[%dma_wait3A_175, %dma_wait3A_176] : memref<10000x128xf32, #tpu.memory_space<vmem_shared>> -> memref<10000x128xf32, #tpu.memory_space<vmem_shared>>
        tpu.wait_indirect_dma semaphore(%run_scoped3A_165 : memref<!tpu.dma_semaphore, #tpu.memory_space<semaphore_mem>>) src(%arg9 : memref<80x128xf32, #tpu.memory_space<vmem>>) dst(%dma_wait3A_177 : memref<10000x128xf32, #tpu.memory_space<vmem_shared>>)
        tpu.yield
      }) : () -> ()
      %dma_wait3A_63 = arith.constant 2 : i32
      %dma_wait3A_64 = arith.constant 124 : i32
      %dma_wait3A_65 = arith.constant 0 : i32
      %dma_wait3A_66 = tpu.memref_slice %arg7[%dma_wait3A_64, %dma_wait3A_65] : memref<125x80xi32, #tpu.memory_space<vmem>> -> memref<1x80xi32, #tpu.memory_space<vmem>>
      %dma_wait3A_67 = tpu.memref_squeeze %dma_wait3A_66 : memref<1x80xi32, #tpu.memory_space<vmem>> -> memref<80xi32, #tpu.memory_space<vmem>>
      %dma_wait3A_68 = arith.constant 0 : i32
      %dma_wait3A_69 = arith.constant 0 : i32
      %dma_wait3A_70 = tpu.memref_slice %arg2[%dma_wait3A_63, %dma_wait3A_68, %dma_wait3A_69] : memref<4x10000x128xf32, #tpu.memory_space<hbm>> -> memref<1x10000x128xf32, #tpu.memory_space<hbm>>
      %dma_wait3A_71 = tpu.memref_squeeze %dma_wait3A_70 : memref<1x10000x128xf32, #tpu.memory_space<hbm>> -> memref<10000x128xf32, #tpu.memory_space<hbm>>
      %dma_wait3A_72 = arith.constant 0 : i32
      %dma_wait3A_73 = arith.constant 0 : i32
      %dma_wait3A_74 = tpu.memref_slice %dma_wait3A_71[%dma_wait3A_72, %dma_wait3A_73] : memref<10000x128xf32, #tpu.memory_space<hbm>> -> memref<10000x128xf32, #tpu.memory_space<hbm>>
      tpu.wait_indirect_dma semaphore(%arg14 : memref<!tpu.dma_semaphore, #tpu.memory_space<semaphore_mem>>) src(%dma_wait3A_74 : memref<10000x128xf32, #tpu.memory_space<hbm>>) dst(%arg10 : memref<80x128xf32, #tpu.memory_space<vmem>>)
      %run_scoped3A_75 = arith.constant 124 : i32
      "tpu.region"() ({
        %run_scoped3A_165 = tpu.sem_alloc : memref<!tpu.dma_semaphore, #tpu.memory_space<semaphore_mem>>
        %dma_start3A_166 = arith.constant 0 : i32
        %dma_start3A_167 = tpu.memref_slice %arg8[%run_scoped3A_75, %dma_start3A_166] : memref<125x80xi32, #tpu.memory_space<vmem>> -> memref<1x80xi32, #tpu.memory_space<vmem>>
        %dma_start3A_168 = tpu.memref_squeeze %dma_start3A_167 : memref<1x80xi32, #tpu.memory_space<vmem>> -> memref<80xi32, #tpu.memory_space<vmem>>
        %dma_start3A_169 = arith.constant 0 : i32
        %dma_start3A_170 = arith.constant 0 : i32
        %dma_start3A_171 = tpu.memref_slice %arg12[%dma_start3A_169, %dma_start3A_170] : memref<10000x128xf32, #tpu.memory_space<vmem_shared>> -> memref<10000x128xf32, #tpu.memory_space<vmem_shared>>
        tpu.enqueue_indirect_dma source(%arg10 : memref<80x128xf32, #tpu.memory_space<vmem>>) target(%dma_start3A_171 : memref<10000x128xf32, #tpu.memory_space<vmem_shared>>) offsets(%dma_start3A_168 : memref<80xi32, #tpu.memory_space<vmem>>) semaphore(%run_scoped3A_165 : memref<!tpu.dma_semaphore, #tpu.memory_space<semaphore_mem>>) {add = true}
        %dma_wait3A_172 = arith.constant 0 : i32
        %dma_wait3A_173 = tpu.memref_slice %arg8[%run_scoped3A_75, %dma_wait3A_172] : memref<125x80xi32, #tpu.memory_space<vmem>> -> memref<1x80xi32, #tpu.memory_space<vmem>>
        %dma_wait3A_174 = tpu.memref_squeeze %dma_wait3A_173 : memref<1x80xi32, #tpu.memory_space<vmem>> -> memref<80xi32, #tpu.memory_space<vmem>>
        %dma_wait3A_175 = arith.constant 0 : i32
        %dma_wait3A_176 = arith.constant 0 : i32
        %dma_wait3A_177 = tpu.memref_slice %arg12[%dma_wait3A_175, %dma_wait3A_176] : memref<10000x128xf32, #tpu.memory_space<vmem_shared>> -> memref<10000x128xf32, #tpu.memory_space<vmem_shared>>
        tpu.wait_indirect_dma semaphore(%run_scoped3A_165 : memref<!tpu.dma_semaphore, #tpu.memory_space<semaphore_mem>>) src(%arg10 : memref<80x128xf32, #tpu.memory_space<vmem>>) dst(%dma_wait3A_177 : memref<10000x128xf32, #tpu.memory_space<vmem_shared>>)
        tpu.yield
      }) : () -> ()
      %dma_start3A_76 = arith.constant 3 : i32
      %dma_start3A_77 = arith.constant 0 : i32
      %dma_start3A_78 = arith.constant 0 : i32
      %dma_start3A_79 = tpu.memref_slice %arg7[%dma_start3A_77, %dma_start3A_78] : memref<125x80xi32, #tpu.memory_space<vmem>> -> memref<1x80xi32, #tpu.memory_space<vmem>>
      %dma_start3A_80 = tpu.memref_squeeze %dma_start3A_79 : memref<1x80xi32, #tpu.memory_space<vmem>> -> memref<80xi32, #tpu.memory_space<vmem>>
      %dma_start3A_81 = arith.constant 0 : i32
      %dma_start3A_82 = arith.constant 0 : i32
      %dma_start3A_83 = tpu.memref_slice %arg2[%dma_start3A_76, %dma_start3A_81, %dma_start3A_82] : memref<4x10000x128xf32, #tpu.memory_space<hbm>> -> memref<1x10000x128xf32, #tpu.memory_space<hbm>>
      %dma_start3A_84 = tpu.memref_squeeze %dma_start3A_83 : memref<1x10000x128xf32, #tpu.memory_space<hbm>> -> memref<10000x128xf32, #tpu.memory_space<hbm>>
      %dma_start3A_85 = arith.constant 0 : i32
      %dma_start3A_86 = arith.constant 0 : i32
      %dma_start3A_87 = tpu.memref_slice %dma_start3A_84[%dma_start3A_85, %dma_start3A_86] : memref<10000x128xf32, #tpu.memory_space<hbm>> -> memref<10000x128xf32, #tpu.memory_space<hbm>>
      tpu.enqueue_indirect_dma source(%dma_start3A_87 : memref<10000x128xf32, #tpu.memory_space<hbm>>) target(%arg9 : memref<80x128xf32, #tpu.memory_space<vmem>>) offsets(%dma_start3A_80 : memref<80xi32, #tpu.memory_space<vmem>>) semaphore(%arg13 : memref<!tpu.dma_semaphore, #tpu.memory_space<semaphore_mem>>)
      %dma_start3A_88 = arith.constant 3 : i32
      %dma_start3A_89 = arith.constant 1 : i32
      %dma_start3A_90 = arith.constant 0 : i32
      %dma_start3A_91 = tpu.memref_slice %arg7[%dma_start3A_89, %dma_start3A_90] : memref<125x80xi32, #tpu.memory_space<vmem>> -> memref<1x80xi32, #tpu.memory_space<vmem>>
      %dma_start3A_92 = tpu.memref_squeeze %dma_start3A_91 : memref<1x80xi32, #tpu.memory_space<vmem>> -> memref<80xi32, #tpu.memory_space<vmem>>
      %dma_start3A_93 = arith.constant 0 : i32
      %dma_start3A_94 = arith.constant 0 : i32
      %dma_start3A_95 = tpu.memref_slice %arg2[%dma_start3A_88, %dma_start3A_93, %dma_start3A_94] : memref<4x10000x128xf32, #tpu.memory_space<hbm>> -> memref<1x10000x128xf32, #tpu.memory_space<hbm>>
      %dma_start3A_96 = tpu.memref_squeeze %dma_start3A_95 : memref<1x10000x128xf32, #tpu.memory_space<hbm>> -> memref<10000x128xf32, #tpu.memory_space<hbm>>
      %dma_start3A_97 = arith.constant 0 : i32
      %dma_start3A_98 = arith.constant 0 : i32
      %dma_start3A_99 = tpu.memref_slice %dma_start3A_96[%dma_start3A_97, %dma_start3A_98] : memref<10000x128xf32, #tpu.memory_space<hbm>> -> memref<10000x128xf32, #tpu.memory_space<hbm>>
      tpu.enqueue_indirect_dma source(%dma_start3A_99 : memref<10000x128xf32, #tpu.memory_space<hbm>>) target(%arg10 : memref<80x128xf32, #tpu.memory_space<vmem>>) offsets(%dma_start3A_92 : memref<80xi32, #tpu.memory_space<vmem>>) semaphore(%arg14 : memref<!tpu.dma_semaphore, #tpu.memory_space<semaphore_mem>>)
      %dma_start3A_100 = arith.constant 3 : i32
      %dma_start3A_101 = arith.constant 2 : i32
      %dma_start3A_102 = arith.constant 0 : i32
      %dma_start3A_103 = tpu.memref_slice %arg7[%dma_start3A_101, %dma_start3A_102] : memref<125x80xi32, #tpu.memory_space<vmem>> -> memref<1x80xi32, #tpu.memory_space<vmem>>
      %dma_start3A_104 = tpu.memref_squeeze %dma_start3A_103 : memref<1x80xi32, #tpu.memory_space<vmem>> -> memref<80xi32, #tpu.memory_space<vmem>>
      %dma_start3A_105 = arith.constant 0 : i32
      %dma_start3A_106 = arith.constant 0 : i32
      %dma_start3A_107 = tpu.memref_slice %arg2[%dma_start3A_100, %dma_start3A_105, %dma_start3A_106] : memref<4x10000x128xf32, #tpu.memory_space<hbm>> -> memref<1x10000x128xf32, #tpu.memory_space<hbm>>
      %dma_start3A_108 = tpu.memref_squeeze %dma_start3A_107 : memref<1x10000x128xf32, #tpu.memory_space<hbm>> -> memref<10000x128xf32, #tpu.memory_space<hbm>>
      %dma_start3A_109 = arith.constant 0 : i32
      %dma_start3A_110 = arith.constant 0 : i32
      %dma_start3A_111 = tpu.memref_slice %dma_start3A_108[%dma_start3A_109, %dma_start3A_110] : memref<10000x128xf32, #tpu.memory_space<hbm>> -> memref<10000x128xf32, #tpu.memory_space<hbm>>
      tpu.enqueue_indirect_dma source(%dma_start3A_111 : memref<10000x128xf32, #tpu.memory_space<hbm>>) target(%arg11 : memref<80x128xf32, #tpu.memory_space<vmem>>) offsets(%dma_start3A_104 : memref<80xi32, #tpu.memory_space<vmem>>) semaphore(%arg15 : memref<!tpu.dma_semaphore, #tpu.memory_space<semaphore_mem>>)
      %barrier3A_112 = arith.constant 0 : index
      tpu.barrier barrier_id(%barrier3A_112)
      %lt3A_113 = arith.constant 10 : i32
      %lt3A_114 = arith.cmpi slt, %arg1, %lt3A_113 : i32
      %convert_element_type3A_115 = arith.extui %lt3A_114 : i1 to i32
      %cond3A_116 = arith.constant 0 : i32
      %cond3A_117 = arith.cmpi ne, %convert_element_type3A_115, %cond3A_116 : i32
      scf.if %cond3A_117 {
        %mul3A = arith.constant 1000 : i32
        %mul3A_165 = arith.muli %arg1, %mul3A : i32
        %run_scoped3A_166 = arith.constant 2 : i32
        "tpu.region"() ({
          %run_scoped3A_167 = tpu.sem_alloc : memref<!tpu.dma_semaphore, #tpu.memory_space<semaphore_mem>>
          %dma_start3A_168 = arith.constant 0 : i32
          %dma_start3A_169 = arith.constant 0 : i32
          %dma_start3A_170 = tpu.memref_slice %arg6[%run_scoped3A_166, %dma_start3A_168, %dma_start3A_169] : memref<4x10000x128xf32, #tpu.memory_space<hbm>> -> memref<1x10000x128xf32, #tpu.memory_space<hbm>>
          %dma_start3A_171 = tpu.memref_squeeze %dma_start3A_170 : memref<1x10000x128xf32, #tpu.memory_space<hbm>> -> memref<10000x128xf32, #tpu.memory_space<hbm>>
          %dma_start3A_172 = arith.constant 0 : i32
          %dma_start3A_173 = tpu.memref_slice %dma_start3A_171[%mul3A_165, %dma_start3A_172] : memref<10000x128xf32, #tpu.memory_space<hbm>> -> memref<1000x128xf32, #tpu.memory_space<hbm>>
          %dma_start3A_174 = arith.constant 0 : i32
          %dma_start3A_175 = tpu.memref_slice %arg12[%mul3A_165, %dma_start3A_174] : memref<10000x128xf32, #tpu.memory_space<vmem_shared>> -> memref<1000x128xf32, #tpu.memory_space<vmem_shared>>
          tpu.enqueue_dma source(%dma_start3A_175 : memref<1000x128xf32, #tpu.memory_space<vmem_shared>>) target(%dma_start3A_173 : memref<1000x128xf32, #tpu.memory_space<hbm>>) target_semaphore(%run_scoped3A_167 : memref<!tpu.dma_semaphore, #tpu.memory_space<semaphore_mem>>)
          %dma_wait3A_176 = arith.constant 0 : i32
          %dma_wait3A_177 = arith.constant 0 : i32
          %dma_wait3A_178 = tpu.memref_slice %arg6[%run_scoped3A_166, %dma_wait3A_176, %dma_wait3A_177] : memref<4x10000x128xf32, #tpu.memory_space<hbm>> -> memref<1x10000x128xf32, #tpu.memory_space<hbm>>
          %dma_wait3A_179 = tpu.memref_squeeze %dma_wait3A_178 : memref<1x10000x128xf32, #tpu.memory_space<hbm>> -> memref<10000x128xf32, #tpu.memory_space<hbm>>
          %dma_wait3A_180 = arith.constant 0 : i32
          %dma_wait3A_181 = tpu.memref_slice %dma_wait3A_179[%mul3A_165, %dma_wait3A_180] : memref<10000x128xf32, #tpu.memory_space<hbm>> -> memref<1000x128xf32, #tpu.memory_space<hbm>>
          %dma_wait3A_182 = arith.constant 0 : i32
          %dma_wait3A_183 = tpu.memref_slice %arg12[%mul3A_165, %dma_wait3A_182] : memref<10000x128xf32, #tpu.memory_space<vmem_shared>> -> memref<1000x128xf32, #tpu.memory_space<vmem_shared>>
          tpu.wait_dma2 semaphore(%run_scoped3A_167 : memref<!tpu.dma_semaphore, #tpu.memory_space<semaphore_mem>>) src(%dma_wait3A_183 : memref<1000x128xf32, #tpu.memory_space<vmem_shared>>) dst(%dma_wait3A_181 : memref<1000x128xf32, #tpu.memory_space<hbm>>)
          tpu.yield
        }) : () -> ()
      } else {
      }
      %barrier3A_118 = arith.constant 0 : index
      tpu.barrier barrier_id(%barrier3A_118)
      %lt3A_119 = arith.constant 10 : i32
      %lt3A_120 = arith.cmpi slt, %arg1, %lt3A_119 : i32
      %convert_element_type3A_121 = arith.extui %lt3A_120 : i1 to i32
      %cond3A_122 = arith.constant 0 : i32
      %cond3A_123 = arith.cmpi ne, %convert_element_type3A_121, %cond3A_122 : i32
      scf.if %cond3A_123 {
        %mul3A = arith.constant 1000 : i32
        %mul3A_165 = arith.muli %arg1, %mul3A : i32
        "tpu.region"() ({
          %run_scoped3A_166 = tpu.sem_alloc : memref<!tpu.dma_semaphore, #tpu.memory_space<semaphore_mem>>
          %dma_start3A_167 = arith.constant 0 : i32
          %dma_start3A_168 = tpu.memref_slice %arg12[%mul3A_165, %dma_start3A_167] : memref<10000x128xf32, #tpu.memory_space<vmem_shared>> -> memref<1000x128xf32, #tpu.memory_space<vmem_shared>>
          tpu.enqueue_dma source(%arg5 : memref<1000x128xf32, #tpu.memory_space<hbm>>) target(%dma_start3A_168 : memref<1000x128xf32, #tpu.memory_space<vmem_shared>>) target_semaphore(%run_scoped3A_166 : memref<!tpu.dma_semaphore, #tpu.memory_space<semaphore_mem>>)
          %dma_wait3A_169 = arith.constant 0 : i32
          %dma_wait3A_170 = tpu.memref_slice %arg12[%mul3A_165, %dma_wait3A_169] : memref<10000x128xf32, #tpu.memory_space<vmem_shared>> -> memref<1000x128xf32, #tpu.memory_space<vmem_shared>>
          tpu.wait_dma2 semaphore(%run_scoped3A_166 : memref<!tpu.dma_semaphore, #tpu.memory_space<semaphore_mem>>) src(%arg5 : memref<1000x128xf32, #tpu.memory_space<hbm>>) dst(%dma_wait3A_170 : memref<1000x128xf32, #tpu.memory_space<vmem_shared>>)
          tpu.yield
        }) : () -> ()
      } else {
      }
      %barrier3A_124 = arith.constant 0 : index
      tpu.barrier barrier_id(%barrier3A_124)
      %scan3A_125 = arith.constant 0 : i32
      %scan3A_126 = arith.constant 3 : i32
      %scan3A_127 = arith.constant 0 : i32
      %scan3A_128 = arith.constant 41 : i32
      %scan3A_129 = arith.addi %scan3A_127, %scan3A_128 : i32
      %scan3A_130 = arith.constant 1 : i32
      scf.for %scan3A_165 = %scan3A_127 to %scan3A_129 step %scan3A_130  : i32 {
        %mul3A = arith.constant 3 : i32
        %mul3A_166 = arith.muli %mul3A, %scan3A_165 : i32
        %add3A = arith.constant 0 : i32
        %add3A_167 = arith.addi %mul3A_166, %add3A : i32
        %dma_wait3A_168 = arith.constant 0 : i32
        %dma_wait3A_169 = tpu.memref_slice %arg7[%add3A_167, %dma_wait3A_168] : memref<125x80xi32, #tpu.memory_space<vmem>> -> memref<1x80xi32, #tpu.memory_space<vmem>>
        %dma_wait3A_170 = tpu.memref_squeeze %dma_wait3A_169 : memref<1x80xi32, #tpu.memory_space<vmem>> -> memref<80xi32, #tpu.memory_space<vmem>>
        %dma_wait3A_171 = arith.constant 0 : i32
        %dma_wait3A_172 = arith.constant 0 : i32
        %dma_wait3A_173 = tpu.memref_slice %arg2[%scan3A_126, %dma_wait3A_171, %dma_wait3A_172] : memref<4x10000x128xf32, #tpu.memory_space<hbm>> -> memref<1x10000x128xf32, #tpu.memory_space<hbm>>
        %dma_wait3A_174 = tpu.memref_squeeze %dma_wait3A_173 : memref<1x10000x128xf32, #tpu.memory_space<hbm>> -> memref<10000x128xf32, #tpu.memory_space<hbm>>
        %dma_wait3A_175 = arith.constant 0 : i32
        %dma_wait3A_176 = arith.constant 0 : i32
        %dma_wait3A_177 = tpu.memref_slice %dma_wait3A_174[%dma_wait3A_175, %dma_wait3A_176] : memref<10000x128xf32, #tpu.memory_space<hbm>> -> memref<10000x128xf32, #tpu.memory_space<hbm>>
        tpu.wait_indirect_dma semaphore(%arg13 : memref<!tpu.dma_semaphore, #tpu.memory_space<semaphore_mem>>) src(%dma_wait3A_177 : memref<10000x128xf32, #tpu.memory_space<hbm>>) dst(%arg9 : memref<80x128xf32, #tpu.memory_space<vmem>>)
        "tpu.region"() ({
          %run_scoped3A_223 = tpu.sem_alloc : memref<!tpu.dma_semaphore, #tpu.memory_space<semaphore_mem>>
          %dma_start3A_224 = arith.constant 0 : i32
          %dma_start3A_225 = tpu.memref_slice %arg8[%add3A_167, %dma_start3A_224] : memref<125x80xi32, #tpu.memory_space<vmem>> -> memref<1x80xi32, #tpu.memory_space<vmem>>
          %dma_start3A_226 = tpu.memref_squeeze %dma_start3A_225 : memref<1x80xi32, #tpu.memory_space<vmem>> -> memref<80xi32, #tpu.memory_space<vmem>>
          %dma_start3A_227 = arith.constant 0 : i32
          %dma_start3A_228 = arith.constant 0 : i32
          %dma_start3A_229 = tpu.memref_slice %arg12[%dma_start3A_227, %dma_start3A_228] : memref<10000x128xf32, #tpu.memory_space<vmem_shared>> -> memref<10000x128xf32, #tpu.memory_space<vmem_shared>>
          tpu.enqueue_indirect_dma source(%arg9 : memref<80x128xf32, #tpu.memory_space<vmem>>) target(%dma_start3A_229 : memref<10000x128xf32, #tpu.memory_space<vmem_shared>>) offsets(%dma_start3A_226 : memref<80xi32, #tpu.memory_space<vmem>>) semaphore(%run_scoped3A_223 : memref<!tpu.dma_semaphore, #tpu.memory_space<semaphore_mem>>) {add = true}
          %dma_wait3A_230 = arith.constant 0 : i32
          %dma_wait3A_231 = tpu.memref_slice %arg8[%add3A_167, %dma_wait3A_230] : memref<125x80xi32, #tpu.memory_space<vmem>> -> memref<1x80xi32, #tpu.memory_space<vmem>>
          %dma_wait3A_232 = tpu.memref_squeeze %dma_wait3A_231 : memref<1x80xi32, #tpu.memory_space<vmem>> -> memref<80xi32, #tpu.memory_space<vmem>>
          %dma_wait3A_233 = arith.constant 0 : i32
          %dma_wait3A_234 = arith.constant 0 : i32
          %dma_wait3A_235 = tpu.memref_slice %arg12[%dma_wait3A_233, %dma_wait3A_234] : memref<10000x128xf32, #tpu.memory_space<vmem_shared>> -> memref<10000x128xf32, #tpu.memory_space<vmem_shared>>
          tpu.wait_indirect_dma semaphore(%run_scoped3A_223 : memref<!tpu.dma_semaphore, #tpu.memory_space<semaphore_mem>>) src(%arg9 : memref<80x128xf32, #tpu.memory_space<vmem>>) dst(%dma_wait3A_235 : memref<10000x128xf32, #tpu.memory_space<vmem_shared>>)
          tpu.yield
        }) : () -> ()
        %add3A_178 = arith.constant 3 : i32
        %add3A_179 = arith.addi %add3A_167, %add3A_178 : i32
        %lt3A_180 = arith.constant 125 : i32
        %lt3A_181 = arith.cmpi slt, %add3A_179, %lt3A_180 : i32
        %convert_element_type3A_182 = arith.extui %lt3A_181 : i1 to i32
        %cond3A_183 = arith.constant 0 : i32
        %cond3A_184 = arith.cmpi ne, %convert_element_type3A_182, %cond3A_183 : i32
        scf.if %cond3A_184 {
          %add3A_223 = arith.constant 3 : i32
          %add3A_224 = arith.addi %add3A_167, %add3A_223 : i32
          %dma_start3A_225 = arith.constant 0 : i32
          %dma_start3A_226 = tpu.memref_slice %arg7[%add3A_224, %dma_start3A_225] : memref<125x80xi32, #tpu.memory_space<vmem>> -> memref<1x80xi32, #tpu.memory_space<vmem>>
          %dma_start3A_227 = tpu.memref_squeeze %dma_start3A_226 : memref<1x80xi32, #tpu.memory_space<vmem>> -> memref<80xi32, #tpu.memory_space<vmem>>
          %dma_start3A_228 = arith.constant 0 : i32
          %dma_start3A_229 = arith.constant 0 : i32
          %dma_start3A_230 = tpu.memref_slice %arg2[%scan3A_126, %dma_start3A_228, %dma_start3A_229] : memref<4x10000x128xf32, #tpu.memory_space<hbm>> -> memref<1x10000x128xf32, #tpu.memory_space<hbm>>
          %dma_start3A_231 = tpu.memref_squeeze %dma_start3A_230 : memref<1x10000x128xf32, #tpu.memory_space<hbm>> -> memref<10000x128xf32, #tpu.memory_space<hbm>>
          %dma_start3A_232 = arith.constant 0 : i32
          %dma_start3A_233 = arith.constant 0 : i32
          %dma_start3A_234 = tpu.memref_slice %dma_start3A_231[%dma_start3A_232, %dma_start3A_233] : memref<10000x128xf32, #tpu.memory_space<hbm>> -> memref<10000x128xf32, #tpu.memory_space<hbm>>
          tpu.enqueue_indirect_dma source(%dma_start3A_234 : memref<10000x128xf32, #tpu.memory_space<hbm>>) target(%arg9 : memref<80x128xf32, #tpu.memory_space<vmem>>) offsets(%dma_start3A_227 : memref<80xi32, #tpu.memory_space<vmem>>) semaphore(%arg13 : memref<!tpu.dma_semaphore, #tpu.memory_space<semaphore_mem>>)
        } else {
        }
        %add3A_185 = arith.constant 1 : i32
        %add3A_186 = arith.addi %mul3A_166, %add3A_185 : i32
        %dma_wait3A_187 = arith.constant 0 : i32
        %dma_wait3A_188 = tpu.memref_slice %arg7[%add3A_186, %dma_wait3A_187] : memref<125x80xi32, #tpu.memory_space<vmem>> -> memref<1x80xi32, #tpu.memory_space<vmem>>
        %dma_wait3A_189 = tpu.memref_squeeze %dma_wait3A_188 : memref<1x80xi32, #tpu.memory_space<vmem>> -> memref<80xi32, #tpu.memory_space<vmem>>
        %dma_wait3A_190 = arith.constant 0 : i32
        %dma_wait3A_191 = arith.constant 0 : i32
        %dma_wait3A_192 = tpu.memref_slice %arg2[%scan3A_126, %dma_wait3A_190, %dma_wait3A_191] : memref<4x10000x128xf32, #tpu.memory_space<hbm>> -> memref<1x10000x128xf32, #tpu.memory_space<hbm>>
        %dma_wait3A_193 = tpu.memref_squeeze %dma_wait3A_192 : memref<1x10000x128xf32, #tpu.memory_space<hbm>> -> memref<10000x128xf32, #tpu.memory_space<hbm>>
        %dma_wait3A_194 = arith.constant 0 : i32
        %dma_wait3A_195 = arith.constant 0 : i32
        %dma_wait3A_196 = tpu.memref_slice %dma_wait3A_193[%dma_wait3A_194, %dma_wait3A_195] : memref<10000x128xf32, #tpu.memory_space<hbm>> -> memref<10000x128xf32, #tpu.memory_space<hbm>>
        tpu.wait_indirect_dma semaphore(%arg14 : memref<!tpu.dma_semaphore, #tpu.memory_space<semaphore_mem>>) src(%dma_wait3A_196 : memref<10000x128xf32, #tpu.memory_space<hbm>>) dst(%arg10 : memref<80x128xf32, #tpu.memory_space<vmem>>)
        "tpu.region"() ({
          %run_scoped3A_223 = tpu.sem_alloc : memref<!tpu.dma_semaphore, #tpu.memory_space<semaphore_mem>>
          %dma_start3A_224 = arith.constant 0 : i32
          %dma_start3A_225 = tpu.memref_slice %arg8[%add3A_186, %dma_start3A_224] : memref<125x80xi32, #tpu.memory_space<vmem>> -> memref<1x80xi32, #tpu.memory_space<vmem>>
          %dma_start3A_226 = tpu.memref_squeeze %dma_start3A_225 : memref<1x80xi32, #tpu.memory_space<vmem>> -> memref<80xi32, #tpu.memory_space<vmem>>
          %dma_start3A_227 = arith.constant 0 : i32
          %dma_start3A_228 = arith.constant 0 : i32
          %dma_start3A_229 = tpu.memref_slice %arg12[%dma_start3A_227, %dma_start3A_228] : memref<10000x128xf32, #tpu.memory_space<vmem_shared>> -> memref<10000x128xf32, #tpu.memory_space<vmem_shared>>
          tpu.enqueue_indirect_dma source(%arg10 : memref<80x128xf32, #tpu.memory_space<vmem>>) target(%dma_start3A_229 : memref<10000x128xf32, #tpu.memory_space<vmem_shared>>) offsets(%dma_start3A_226 : memref<80xi32, #tpu.memory_space<vmem>>) semaphore(%run_scoped3A_223 : memref<!tpu.dma_semaphore, #tpu.memory_space<semaphore_mem>>) {add = true}
          %dma_wait3A_230 = arith.constant 0 : i32
          %dma_wait3A_231 = tpu.memref_slice %arg8[%add3A_186, %dma_wait3A_230] : memref<125x80xi32, #tpu.memory_space<vmem>> -> memref<1x80xi32, #tpu.memory_space<vmem>>
          %dma_wait3A_232 = tpu.memref_squeeze %dma_wait3A_231 : memref<1x80xi32, #tpu.memory_space<vmem>> -> memref<80xi32, #tpu.memory_space<vmem>>
          %dma_wait3A_233 = arith.constant 0 : i32
          %dma_wait3A_234 = arith.constant 0 : i32
          %dma_wait3A_235 = tpu.memref_slice %arg12[%dma_wait3A_233, %dma_wait3A_234] : memref<10000x128xf32, #tpu.memory_space<vmem_shared>> -> memref<10000x128xf32, #tpu.memory_space<vmem_shared>>
          tpu.wait_indirect_dma semaphore(%run_scoped3A_223 : memref<!tpu.dma_semaphore, #tpu.memory_space<semaphore_mem>>) src(%arg10 : memref<80x128xf32, #tpu.memory_space<vmem>>) dst(%dma_wait3A_235 : memref<10000x128xf32, #tpu.memory_space<vmem_shared>>)
          tpu.yield
        }) : () -> ()
        %add3A_197 = arith.constant 3 : i32
        %add3A_198 = arith.addi %add3A_186, %add3A_197 : i32
        %lt3A_199 = arith.constant 125 : i32
        %lt3A_200 = arith.cmpi slt, %add3A_198, %lt3A_199 : i32
        %convert_element_type3A_201 = arith.extui %lt3A_200 : i1 to i32
        %cond3A_202 = arith.constant 0 : i32
        %cond3A_203 = arith.cmpi ne, %convert_element_type3A_201, %cond3A_202 : i32
        scf.if %cond3A_203 {
          %add3A_223 = arith.constant 3 : i32
          %add3A_224 = arith.addi %add3A_186, %add3A_223 : i32
          %dma_start3A_225 = arith.constant 0 : i32
          %dma_start3A_226 = tpu.memref_slice %arg7[%add3A_224, %dma_start3A_225] : memref<125x80xi32, #tpu.memory_space<vmem>> -> memref<1x80xi32, #tpu.memory_space<vmem>>
          %dma_start3A_227 = tpu.memref_squeeze %dma_start3A_226 : memref<1x80xi32, #tpu.memory_space<vmem>> -> memref<80xi32, #tpu.memory_space<vmem>>
          %dma_start3A_228 = arith.constant 0 : i32
          %dma_start3A_229 = arith.constant 0 : i32
          %dma_start3A_230 = tpu.memref_slice %arg2[%scan3A_126, %dma_start3A_228, %dma_start3A_229] : memref<4x10000x128xf32, #tpu.memory_space<hbm>> -> memref<1x10000x128xf32, #tpu.memory_space<hbm>>
          %dma_start3A_231 = tpu.memref_squeeze %dma_start3A_230 : memref<1x10000x128xf32, #tpu.memory_space<hbm>> -> memref<10000x128xf32, #tpu.memory_space<hbm>>
          %dma_start3A_232 = arith.constant 0 : i32
          %dma_start3A_233 = arith.constant 0 : i32
          %dma_start3A_234 = tpu.memref_slice %dma_start3A_231[%dma_start3A_232, %dma_start3A_233] : memref<10000x128xf32, #tpu.memory_space<hbm>> -> memref<10000x128xf32, #tpu.memory_space<hbm>>
          tpu.enqueue_indirect_dma source(%dma_start3A_234 : memref<10000x128xf32, #tpu.memory_space<hbm>>) target(%arg10 : memref<80x128xf32, #tpu.memory_space<vmem>>) offsets(%dma_start3A_227 : memref<80xi32, #tpu.memory_space<vmem>>) semaphore(%arg14 : memref<!tpu.dma_semaphore, #tpu.memory_space<semaphore_mem>>)
        } else {
        }
        %add3A_204 = arith.constant 2 : i32
        %add3A_205 = arith.addi %mul3A_166, %add3A_204 : i32
        %dma_wait3A_206 = arith.constant 0 : i32
        %dma_wait3A_207 = tpu.memref_slice %arg7[%add3A_205, %dma_wait3A_206] : memref<125x80xi32, #tpu.memory_space<vmem>> -> memref<1x80xi32, #tpu.memory_space<vmem>>
        %dma_wait3A_208 = tpu.memref_squeeze %dma_wait3A_207 : memref<1x80xi32, #tpu.memory_space<vmem>> -> memref<80xi32, #tpu.memory_space<vmem>>
        %dma_wait3A_209 = arith.constant 0 : i32
        %dma_wait3A_210 = arith.constant 0 : i32
        %dma_wait3A_211 = tpu.memref_slice %arg2[%scan3A_126, %dma_wait3A_209, %dma_wait3A_210] : memref<4x10000x128xf32, #tpu.memory_space<hbm>> -> memref<1x10000x128xf32, #tpu.memory_space<hbm>>
        %dma_wait3A_212 = tpu.memref_squeeze %dma_wait3A_211 : memref<1x10000x128xf32, #tpu.memory_space<hbm>> -> memref<10000x128xf32, #tpu.memory_space<hbm>>
        %dma_wait3A_213 = arith.constant 0 : i32
        %dma_wait3A_214 = arith.constant 0 : i32
        %dma_wait3A_215 = tpu.memref_slice %dma_wait3A_212[%dma_wait3A_213, %dma_wait3A_214] : memref<10000x128xf32, #tpu.memory_space<hbm>> -> memref<10000x128xf32, #tpu.memory_space<hbm>>
        tpu.wait_indirect_dma semaphore(%arg15 : memref<!tpu.dma_semaphore, #tpu.memory_space<semaphore_mem>>) src(%dma_wait3A_215 : memref<10000x128xf32, #tpu.memory_space<hbm>>) dst(%arg11 : memref<80x128xf32, #tpu.memory_space<vmem>>)
        "tpu.region"() ({
          %run_scoped3A_223 = tpu.sem_alloc : memref<!tpu.dma_semaphore, #tpu.memory_space<semaphore_mem>>
          %dma_start3A_224 = arith.constant 0 : i32
          %dma_start3A_225 = tpu.memref_slice %arg8[%add3A_205, %dma_start3A_224] : memref<125x80xi32, #tpu.memory_space<vmem>> -> memref<1x80xi32, #tpu.memory_space<vmem>>
          %dma_start3A_226 = tpu.memref_squeeze %dma_start3A_225 : memref<1x80xi32, #tpu.memory_space<vmem>> -> memref<80xi32, #tpu.memory_space<vmem>>
          %dma_start3A_227 = arith.constant 0 : i32
          %dma_start3A_228 = arith.constant 0 : i32
          %dma_start3A_229 = tpu.memref_slice %arg12[%dma_start3A_227, %dma_start3A_228] : memref<10000x128xf32, #tpu.memory_space<vmem_shared>> -> memref<10000x128xf32, #tpu.memory_space<vmem_shared>>
          tpu.enqueue_indirect_dma source(%arg11 : memref<80x128xf32, #tpu.memory_space<vmem>>) target(%dma_start3A_229 : memref<10000x128xf32, #tpu.memory_space<vmem_shared>>) offsets(%dma_start3A_226 : memref<80xi32, #tpu.memory_space<vmem>>) semaphore(%run_scoped3A_223 : memref<!tpu.dma_semaphore, #tpu.memory_space<semaphore_mem>>) {add = true}
          %dma_wait3A_230 = arith.constant 0 : i32
          %dma_wait3A_231 = tpu.memref_slice %arg8[%add3A_205, %dma_wait3A_230] : memref<125x80xi32, #tpu.memory_space<vmem>> -> memref<1x80xi32, #tpu.memory_space<vmem>>
          %dma_wait3A_232 = tpu.memref_squeeze %dma_wait3A_231 : memref<1x80xi32, #tpu.memory_space<vmem>> -> memref<80xi32, #tpu.memory_space<vmem>>
          %dma_wait3A_233 = arith.constant 0 : i32
          %dma_wait3A_234 = arith.constant 0 : i32
          %dma_wait3A_235 = tpu.memref_slice %arg12[%dma_wait3A_233, %dma_wait3A_234] : memref<10000x128xf32, #tpu.memory_space<vmem_shared>> -> memref<10000x128xf32, #tpu.memory_space<vmem_shared>>
          tpu.wait_indirect_dma semaphore(%run_scoped3A_223 : memref<!tpu.dma_semaphore, #tpu.memory_space<semaphore_mem>>) src(%arg11 : memref<80x128xf32, #tpu.memory_space<vmem>>) dst(%dma_wait3A_235 : memref<10000x128xf32, #tpu.memory_space<vmem_shared>>)
          tpu.yield
        }) : () -> ()
        %add3A_216 = arith.constant 3 : i32
        %add3A_217 = arith.addi %add3A_205, %add3A_216 : i32
        %lt3A_218 = arith.constant 125 : i32
        %lt3A_219 = arith.cmpi slt, %add3A_217, %lt3A_218 : i32
        %convert_element_type3A_220 = arith.extui %lt3A_219 : i1 to i32
        %cond3A_221 = arith.constant 0 : i32
        %cond3A_222 = arith.cmpi ne, %convert_element_type3A_220, %cond3A_221 : i32
        scf.if %cond3A_222 {
          %add3A_223 = arith.constant 3 : i32
          %add3A_224 = arith.addi %add3A_205, %add3A_223 : i32
          %dma_start3A_225 = arith.constant 0 : i32
          %dma_start3A_226 = tpu.memref_slice %arg7[%add3A_224, %dma_start3A_225] : memref<125x80xi32, #tpu.memory_space<vmem>> -> memref<1x80xi32, #tpu.memory_space<vmem>>
          %dma_start3A_227 = tpu.memref_squeeze %dma_start3A_226 : memref<1x80xi32, #tpu.memory_space<vmem>> -> memref<80xi32, #tpu.memory_space<vmem>>
          %dma_start3A_228 = arith.constant 0 : i32
          %dma_start3A_229 = arith.constant 0 : i32
          %dma_start3A_230 = tpu.memref_slice %arg2[%scan3A_126, %dma_start3A_228, %dma_start3A_229] : memref<4x10000x128xf32, #tpu.memory_space<hbm>> -> memref<1x10000x128xf32, #tpu.memory_space<hbm>>
          %dma_start3A_231 = tpu.memref_squeeze %dma_start3A_230 : memref<1x10000x128xf32, #tpu.memory_space<hbm>> -> memref<10000x128xf32, #tpu.memory_space<hbm>>
          %dma_start3A_232 = arith.constant 0 : i32
          %dma_start3A_233 = arith.constant 0 : i32
          %dma_start3A_234 = tpu.memref_slice %dma_start3A_231[%dma_start3A_232, %dma_start3A_233] : memref<10000x128xf32, #tpu.memory_space<hbm>> -> memref<10000x128xf32, #tpu.memory_space<hbm>>
          tpu.enqueue_indirect_dma source(%dma_start3A_234 : memref<10000x128xf32, #tpu.memory_space<hbm>>) target(%arg11 : memref<80x128xf32, #tpu.memory_space<vmem>>) offsets(%dma_start3A_227 : memref<80xi32, #tpu.memory_space<vmem>>) semaphore(%arg15 : memref<!tpu.dma_semaphore, #tpu.memory_space<semaphore_mem>>)
        } else {
        }
      }
      %scan3A_131 = arith.constant 41 : i32
      %dma_wait3A_132 = arith.constant 3 : i32
      %dma_wait3A_133 = arith.constant 123 : i32
      %dma_wait3A_134 = arith.constant 0 : i32
      %dma_wait3A_135 = tpu.memref_slice %arg7[%dma_wait3A_133, %dma_wait3A_134] : memref<125x80xi32, #tpu.memory_space<vmem>> -> memref<1x80xi32, #tpu.memory_space<vmem>>
      %dma_wait3A_136 = tpu.memref_squeeze %dma_wait3A_135 : memref<1x80xi32, #tpu.memory_space<vmem>> -> memref<80xi32, #tpu.memory_space<vmem>>
      %dma_wait3A_137 = arith.constant 0 : i32
      %dma_wait3A_138 = arith.constant 0 : i32
      %dma_wait3A_139 = tpu.memref_slice %arg2[%dma_wait3A_132, %dma_wait3A_137, %dma_wait3A_138] : memref<4x10000x128xf32, #tpu.memory_space<hbm>> -> memref<1x10000x128xf32, #tpu.memory_space<hbm>>
      %dma_wait3A_140 = tpu.memref_squeeze %dma_wait3A_139 : memref<1x10000x128xf32, #tpu.memory_space<hbm>> -> memref<10000x128xf32, #tpu.memory_space<hbm>>
      %dma_wait3A_141 = arith.constant 0 : i32
      %dma_wait3A_142 = arith.constant 0 : i32
      %dma_wait3A_143 = tpu.memref_slice %dma_wait3A_140[%dma_wait3A_141, %dma_wait3A_142] : memref<10000x128xf32, #tpu.memory_space<hbm>> -> memref<10000x128xf32, #tpu.memory_space<hbm>>
      tpu.wait_indirect_dma semaphore(%arg13 : memref<!tpu.dma_semaphore, #tpu.memory_space<semaphore_mem>>) src(%dma_wait3A_143 : memref<10000x128xf32, #tpu.memory_space<hbm>>) dst(%arg9 : memref<80x128xf32, #tpu.memory_space<vmem>>)
      %run_scoped3A_144 = arith.constant 123 : i32
      "tpu.region"() ({
        %run_scoped3A_165 = tpu.sem_alloc : memref<!tpu.dma_semaphore, #tpu.memory_space<semaphore_mem>>
        %dma_start3A_166 = arith.constant 0 : i32
        %dma_start3A_167 = tpu.memref_slice %arg8[%run_scoped3A_144, %dma_start3A_166] : memref<125x80xi32, #tpu.memory_space<vmem>> -> memref<1x80xi32, #tpu.memory_space<vmem>>
        %dma_start3A_168 = tpu.memref_squeeze %dma_start3A_167 : memref<1x80xi32, #tpu.memory_space<vmem>> -> memref<80xi32, #tpu.memory_space<vmem>>
        %dma_start3A_169 = arith.constant 0 : i32
        %dma_start3A_170 = arith.constant 0 : i32
        %dma_start3A_171 = tpu.memref_slice %arg12[%dma_start3A_169, %dma_start3A_170] : memref<10000x128xf32, #tpu.memory_space<vmem_shared>> -> memref<10000x128xf32, #tpu.memory_space<vmem_shared>>
        tpu.enqueue_indirect_dma source(%arg9 : memref<80x128xf32, #tpu.memory_space<vmem>>) target(%dma_start3A_171 : memref<10000x128xf32, #tpu.memory_space<vmem_shared>>) offsets(%dma_start3A_168 : memref<80xi32, #tpu.memory_space<vmem>>) semaphore(%run_scoped3A_165 : memref<!tpu.dma_semaphore, #tpu.memory_space<semaphore_mem>>) {add = true}
        %dma_wait3A_172 = arith.constant 0 : i32
        %dma_wait3A_173 = tpu.memref_slice %arg8[%run_scoped3A_144, %dma_wait3A_172] : memref<125x80xi32, #tpu.memory_space<vmem>> -> memref<1x80xi32, #tpu.memory_space<vmem>>
        %dma_wait3A_174 = tpu.memref_squeeze %dma_wait3A_173 : memref<1x80xi32, #tpu.memory_space<vmem>> -> memref<80xi32, #tpu.memory_space<vmem>>
        %dma_wait3A_175 = arith.constant 0 : i32
        %dma_wait3A_176 = arith.constant 0 : i32
        %dma_wait3A_177 = tpu.memref_slice %arg12[%dma_wait3A_175, %dma_wait3A_176] : memref<10000x128xf32, #tpu.memory_space<vmem_shared>> -> memref<10000x128xf32, #tpu.memory_space<vmem_shared>>
        tpu.wait_indirect_dma semaphore(%run_scoped3A_165 : memref<!tpu.dma_semaphore, #tpu.memory_space<semaphore_mem>>) src(%arg9 : memref<80x128xf32, #tpu.memory_space<vmem>>) dst(%dma_wait3A_177 : memref<10000x128xf32, #tpu.memory_space<vmem_shared>>)
        tpu.yield
      }) : () -> ()
      %dma_wait3A_145 = arith.constant 3 : i32
      %dma_wait3A_146 = arith.constant 124 : i32
      %dma_wait3A_147 = arith.constant 0 : i32
      %dma_wait3A_148 = tpu.memref_slice %arg7[%dma_wait3A_146, %dma_wait3A_147] : memref<125x80xi32, #tpu.memory_space<vmem>> -> memref<1x80xi32, #tpu.memory_space<vmem>>
      %dma_wait3A_149 = tpu.memref_squeeze %dma_wait3A_148 : memref<1x80xi32, #tpu.memory_space<vmem>> -> memref<80xi32, #tpu.memory_space<vmem>>
      %dma_wait3A_150 = arith.constant 0 : i32
      %dma_wait3A_151 = arith.constant 0 : i32
      %dma_wait3A_152 = tpu.memref_slice %arg2[%dma_wait3A_145, %dma_wait3A_150, %dma_wait3A_151] : memref<4x10000x128xf32, #tpu.memory_space<hbm>> -> memref<1x10000x128xf32, #tpu.memory_space<hbm>>
      %dma_wait3A_153 = tpu.memref_squeeze %dma_wait3A_152 : memref<1x10000x128xf32, #tpu.memory_space<hbm>> -> memref<10000x128xf32, #tpu.memory_space<hbm>>
      %dma_wait3A_154 = arith.constant 0 : i32
      %dma_wait3A_155 = arith.constant 0 : i32
      %dma_wait3A_156 = tpu.memref_slice %dma_wait3A_153[%dma_wait3A_154, %dma_wait3A_155] : memref<10000x128xf32, #tpu.memory_space<hbm>> -> memref<10000x128xf32, #tpu.memory_space<hbm>>
      tpu.wait_indirect_dma semaphore(%arg14 : memref<!tpu.dma_semaphore, #tpu.memory_space<semaphore_mem>>) src(%dma_wait3A_156 : memref<10000x128xf32, #tpu.memory_space<hbm>>) dst(%arg10 : memref<80x128xf32, #tpu.memory_space<vmem>>)
      %run_scoped3A_157 = arith.constant 124 : i32
      "tpu.region"() ({
        %run_scoped3A_165 = tpu.sem_alloc : memref<!tpu.dma_semaphore, #tpu.memory_space<semaphore_mem>>
        %dma_start3A_166 = arith.constant 0 : i32
        %dma_start3A_167 = tpu.memref_slice %arg8[%run_scoped3A_157, %dma_start3A_166] : memref<125x80xi32, #tpu.memory_space<vmem>> -> memref<1x80xi32, #tpu.memory_space<vmem>>
        %dma_start3A_168 = tpu.memref_squeeze %dma_start3A_167 : memref<1x80xi32, #tpu.memory_space<vmem>> -> memref<80xi32, #tpu.memory_space<vmem>>
        %dma_start3A_169 = arith.constant 0 : i32
        %dma_start3A_170 = arith.constant 0 : i32
        %dma_start3A_171 = tpu.memref_slice %arg12[%dma_start3A_169, %dma_start3A_170] : memref<10000x128xf32, #tpu.memory_space<vmem_shared>> -> memref<10000x128xf32, #tpu.memory_space<vmem_shared>>
        tpu.enqueue_indirect_dma source(%arg10 : memref<80x128xf32, #tpu.memory_space<vmem>>) target(%dma_start3A_171 : memref<10000x128xf32, #tpu.memory_space<vmem_shared>>) offsets(%dma_start3A_168 : memref<80xi32, #tpu.memory_space<vmem>>) semaphore(%run_scoped3A_165 : memref<!tpu.dma_semaphore, #tpu.memory_space<semaphore_mem>>) {add = true}
        %dma_wait3A_172 = arith.constant 0 : i32
        %dma_wait3A_173 = tpu.memref_slice %arg8[%run_scoped3A_157, %dma_wait3A_172] : memref<125x80xi32, #tpu.memory_space<vmem>> -> memref<1x80xi32, #tpu.memory_space<vmem>>
        %dma_wait3A_174 = tpu.memref_squeeze %dma_wait3A_173 : memref<1x80xi32, #tpu.memory_space<vmem>> -> memref<80xi32, #tpu.memory_space<vmem>>
        %dma_wait3A_175 = arith.constant 0 : i32
        %dma_wait3A_176 = arith.constant 0 : i32
        %dma_wait3A_177 = tpu.memref_slice %arg12[%dma_wait3A_175, %dma_wait3A_176] : memref<10000x128xf32, #tpu.memory_space<vmem_shared>> -> memref<10000x128xf32, #tpu.memory_space<vmem_shared>>
        tpu.wait_indirect_dma semaphore(%run_scoped3A_165 : memref<!tpu.dma_semaphore, #tpu.memory_space<semaphore_mem>>) src(%arg10 : memref<80x128xf32, #tpu.memory_space<vmem>>) dst(%dma_wait3A_177 : memref<10000x128xf32, #tpu.memory_space<vmem_shared>>)
        tpu.yield
      }) : () -> ()
      %barrier3A_158 = arith.constant 0 : index
      tpu.barrier barrier_id(%barrier3A_158)
      %lt3A_159 = arith.constant 10 : i32
      %lt3A_160 = arith.cmpi slt, %arg1, %lt3A_159 : i32
      %convert_element_type3A_161 = arith.extui %lt3A_160 : i1 to i32
      %cond3A_162 = arith.constant 0 : i32
      %cond3A_163 = arith.cmpi ne, %convert_element_type3A_161, %cond3A_162 : i32
      scf.if %cond3A_163 {
        %mul3A = arith.constant 1000 : i32
        %mul3A_165 = arith.muli %arg1, %mul3A : i32
        %run_scoped3A_166 = arith.constant 3 : i32
        "tpu.region"() ({
          %run_scoped3A_167 = tpu.sem_alloc : memref<!tpu.dma_semaphore, #tpu.memory_space<semaphore_mem>>
          %dma_start3A_168 = arith.constant 0 : i32
          %dma_start3A_169 = arith.constant 0 : i32
          %dma_start3A_170 = tpu.memref_slice %arg6[%run_scoped3A_166, %dma_start3A_168, %dma_start3A_169] : memref<4x10000x128xf32, #tpu.memory_space<hbm>> -> memref<1x10000x128xf32, #tpu.memory_space<hbm>>
          %dma_start3A_171 = tpu.memref_squeeze %dma_start3A_170 : memref<1x10000x128xf32, #tpu.memory_space<hbm>> -> memref<10000x128xf32, #tpu.memory_space<hbm>>
          %dma_start3A_172 = arith.constant 0 : i32
          %dma_start3A_173 = tpu.memref_slice %dma_start3A_171[%mul3A_165, %dma_start3A_172] : memref<10000x128xf32, #tpu.memory_space<hbm>> -> memref<1000x128xf32, #tpu.memory_space<hbm>>
          %dma_start3A_174 = arith.constant 0 : i32
          %dma_start3A_175 = tpu.memref_slice %arg12[%mul3A_165, %dma_start3A_174] : memref<10000x128xf32, #tpu.memory_space<vmem_shared>> -> memref<1000x128xf32, #tpu.memory_space<vmem_shared>>
          tpu.enqueue_dma source(%dma_start3A_175 : memref<1000x128xf32, #tpu.memory_space<vmem_shared>>) target(%dma_start3A_173 : memref<1000x128xf32, #tpu.memory_space<hbm>>) target_semaphore(%run_scoped3A_167 : memref<!tpu.dma_semaphore, #tpu.memory_space<semaphore_mem>>)
          %dma_wait3A_176 = arith.constant 0 : i32
          %dma_wait3A_177 = arith.constant 0 : i32
          %dma_wait3A_178 = tpu.memref_slice %arg6[%run_scoped3A_166, %dma_wait3A_176, %dma_wait3A_177] : memref<4x10000x128xf32, #tpu.memory_space<hbm>> -> memref<1x10000x128xf32, #tpu.memory_space<hbm>>
          %dma_wait3A_179 = tpu.memref_squeeze %dma_wait3A_178 : memref<1x10000x128xf32, #tpu.memory_space<hbm>> -> memref<10000x128xf32, #tpu.memory_space<hbm>>
          %dma_wait3A_180 = arith.constant 0 : i32
          %dma_wait3A_181 = tpu.memref_slice %dma_wait3A_179[%mul3A_165, %dma_wait3A_180] : memref<10000x128xf32, #tpu.memory_space<hbm>> -> memref<1000x128xf32, #tpu.memory_space<hbm>>
          %dma_wait3A_182 = arith.constant 0 : i32
          %dma_wait3A_183 = tpu.memref_slice %arg12[%mul3A_165, %dma_wait3A_182] : memref<10000x128xf32, #tpu.memory_space<vmem_shared>> -> memref<1000x128xf32, #tpu.memory_space<vmem_shared>>
          tpu.wait_dma2 semaphore(%run_scoped3A_167 : memref<!tpu.dma_semaphore, #tpu.memory_space<semaphore_mem>>) src(%dma_wait3A_183 : memref<1000x128xf32, #tpu.memory_space<vmem_shared>>) dst(%dma_wait3A_181 : memref<1000x128xf32, #tpu.memory_space<hbm>>)
          tpu.yield
        }) : () -> ()
      } else {
      }
      %barrier3A_164 = arith.constant 0 : index
      tpu.barrier barrier_id(%barrier3A_164)
    } else {
    }
    return
  }
}

#map = affine_map<(d0, d1) -> (0, 0, 0)>
#map1 = affine_map<(d0, d1) -> (0, 0)>
module attributes {stable_mosaic.version = 14 : i64} {
  func.func @_hop_body(%arg0: i32, %arg1: i32, %arg2: memref<4x10000x128xf32, #tpu.memory_space<hbm>>, %arg3: memref<16x125x80xi32, #tpu.memory_space<hbm>>, %arg4: memref<16x125x80xi32, #tpu.memory_space<hbm>>, %arg5: memref<1000x128xf32, #tpu.memory_space<hbm>>, %arg6: memref<4x10000x128xf32, #tpu.memory_space<hbm>>, %arg7: memref<125x80xi32, #tpu.memory_space<vmem>>, %arg8: memref<125x80xi32, #tpu.memory_space<vmem>>, %arg9: memref<80x128xf32, #tpu.memory_space<vmem>>, %arg10: memref<80x128xf32, #tpu.memory_space<vmem>>, %arg11: memref<80x128xf32, #tpu.memory_space<vmem>>, %arg12: memref<10000x128xf32, #tpu.memory_space<vmem_shared>>, %arg13: memref<!tpu.dma_semaphore, #tpu.memory_space<semaphore_mem>>, %arg14: memref<!tpu.dma_semaphore, #tpu.memory_space<semaphore_mem>>, %arg15: memref<!tpu.dma_semaphore, #tpu.memory_space<semaphore_mem>>) attributes {dimension_semantics = [#tpu.dimension_semantics<core_parallel>, #tpu.dimension_semantics<subcore_parallel>], iteration_bounds = array<i64: 2, 16>, scalar_prefetch = 0 : i64, scratch_operands = 9 : i64, tpu.core_type = #tpu.core_type<sc_vector_subcore>, window_params = [{transform_indices = #map}, {transform_indices = #map}, {transform_indices = #map}, {transform_indices = #map1}, {transform_indices = #map}]} {
    "tpu.region"() ({
      %run_scoped3A = tpu.sem_alloc : memref<!tpu.dma_semaphore, #tpu.memory_space<semaphore_mem>>
      %dma_start3A = arith.constant 0 : i32
      %dma_start3A_7 = arith.constant 0 : i32
      %dma_start3A_8 = tpu.memref_slice %arg3[%arg1, %dma_start3A, %dma_start3A_7] : memref<16x125x80xi32, #tpu.memory_space<hbm>> -> memref<1x125x80xi32, #tpu.memory_space<hbm>>
      %dma_start3A_9 = tpu.memref_squeeze %dma_start3A_8 : memref<1x125x80xi32, #tpu.memory_space<hbm>> -> memref<125x80xi32, #tpu.memory_space<hbm>>
      %dma_start3A_10 = arith.constant 0 : i32
      %dma_start3A_11 = arith.constant 0 : i32
      %dma_start3A_12 = tpu.memref_slice %arg3[%arg1, %dma_start3A_10, %dma_start3A_11] : memref<16x125x80xi32, #tpu.memory_space<hbm>> -> memref<1x125x80xi32, #tpu.memory_space<hbm>>
      %dma_start3A_13 = tpu.memref_squeeze %dma_start3A_12 : memref<1x125x80xi32, #tpu.memory_space<hbm>> -> memref<125x80xi32, #tpu.memory_space<hbm>>
      tpu.enqueue_dma source(%dma_start3A_13 : memref<125x80xi32, #tpu.memory_space<hbm>>) target(%arg7 : memref<125x80xi32, #tpu.memory_space<vmem>>) target_semaphore(%run_scoped3A : memref<!tpu.dma_semaphore, #tpu.memory_space<semaphore_mem>>)
      %dma_wait3A = arith.constant 0 : i32
      %dma_wait3A_14 = arith.constant 0 : i32
      %dma_wait3A_15 = tpu.memref_slice %arg3[%arg1, %dma_wait3A, %dma_wait3A_14] : memref<16x125x80xi32, #tpu.memory_space<hbm>> -> memref<1x125x80xi32, #tpu.memory_space<hbm>>
      %dma_wait3A_16 = tpu.memref_squeeze %dma_wait3A_15 : memref<1x125x80xi32, #tpu.memory_space<hbm>> -> memref<125x80xi32, #tpu.memory_space<hbm>>
      %dma_wait3A_17 = arith.constant 0 : i32
      %dma_wait3A_18 = arith.constant 0 : i32
      %dma_wait3A_19 = tpu.memref_slice %arg3[%arg1, %dma_wait3A_17, %dma_wait3A_18] : memref<16x125x80xi32, #tpu.memory_space<hbm>> -> memref<1x125x80xi32, #tpu.memory_space<hbm>>
      %dma_wait3A_20 = tpu.memref_squeeze %dma_wait3A_19 : memref<1x125x80xi32, #tpu.memory_space<hbm>> -> memref<125x80xi32, #tpu.memory_space<hbm>>
      tpu.wait_dma2 semaphore(%run_scoped3A : memref<!tpu.dma_semaphore, #tpu.memory_space<semaphore_mem>>) src(%dma_wait3A_20 : memref<125x80xi32, #tpu.memory_space<hbm>>) dst(%arg7 : memref<125x80xi32, #tpu.memory_space<vmem>>)
      tpu.yield
    }) : () -> ()
    "tpu.region"() ({
      %run_scoped3A = tpu.sem_alloc : memref<!tpu.dma_semaphore, #tpu.memory_space<semaphore_mem>>
      %dma_start3A = arith.constant 0 : i32
      %dma_start3A_7 = arith.constant 0 : i32
      %dma_start3A_8 = tpu.memref_slice %arg4[%arg1, %dma_start3A, %dma_start3A_7] : memref<16x125x80xi32, #tpu.memory_space<hbm>> -> memref<1x125x80xi32, #tpu.memory_space<hbm>>
      %dma_start3A_9 = tpu.memref_squeeze %dma_start3A_8 : memref<1x125x80xi32, #tpu.memory_space<hbm>> -> memref<125x80xi32, #tpu.memory_space<hbm>>
      %dma_start3A_10 = arith.constant 0 : i32
      %dma_start3A_11 = arith.constant 0 : i32
      %dma_start3A_12 = tpu.memref_slice %arg4[%arg1, %dma_start3A_10, %dma_start3A_11] : memref<16x125x80xi32, #tpu.memory_space<hbm>> -> memref<1x125x80xi32, #tpu.memory_space<hbm>>
      %dma_start3A_13 = tpu.memref_squeeze %dma_start3A_12 : memref<1x125x80xi32, #tpu.memory_space<hbm>> -> memref<125x80xi32, #tpu.memory_space<hbm>>
      tpu.enqueue_dma source(%dma_start3A_13 : memref<125x80xi32, #tpu.memory_space<hbm>>) target(%arg8 : memref<125x80xi32, #tpu.memory_space<vmem>>) target_semaphore(%run_scoped3A : memref<!tpu.dma_semaphore, #tpu.memory_space<semaphore_mem>>)
      %dma_wait3A = arith.constant 0 : i32
      %dma_wait3A_14 = arith.constant 0 : i32
      %dma_wait3A_15 = tpu.memref_slice %arg4[%arg1, %dma_wait3A, %dma_wait3A_14] : memref<16x125x80xi32, #tpu.memory_space<hbm>> -> memref<1x125x80xi32, #tpu.memory_space<hbm>>
      %dma_wait3A_16 = tpu.memref_squeeze %dma_wait3A_15 : memref<1x125x80xi32, #tpu.memory_space<hbm>> -> memref<125x80xi32, #tpu.memory_space<hbm>>
      %dma_wait3A_17 = arith.constant 0 : i32
      %dma_wait3A_18 = arith.constant 0 : i32
      %dma_wait3A_19 = tpu.memref_slice %arg4[%arg1, %dma_wait3A_17, %dma_wait3A_18] : memref<16x125x80xi32, #tpu.memory_space<hbm>> -> memref<1x125x80xi32, #tpu.memory_space<hbm>>
      %dma_wait3A_20 = tpu.memref_squeeze %dma_wait3A_19 : memref<1x125x80xi32, #tpu.memory_space<hbm>> -> memref<125x80xi32, #tpu.memory_space<hbm>>
      tpu.wait_dma2 semaphore(%run_scoped3A : memref<!tpu.dma_semaphore, #tpu.memory_space<semaphore_mem>>) src(%dma_wait3A_20 : memref<125x80xi32, #tpu.memory_space<hbm>>) dst(%arg8 : memref<125x80xi32, #tpu.memory_space<vmem>>)
      tpu.yield
    }) : () -> ()
    %eq3A = arith.constant 0 : i32
    %eq3A_0 = arith.cmpi eq, %arg0, %eq3A : i32
    %convert_element_type3A = arith.extui %eq3A_0 : i1 to i32
    %cond3A = arith.constant 0 : i32
    %cond3A_1 = arith.cmpi ne, %convert_element_type3A, %cond3A : i32
    scf.if %cond3A_1 {
      %dma_start3A = arith.constant 0 : i32
      %dma_start3A_7 = arith.constant 0 : i32
      %dma_start3A_8 = arith.constant 0 : i32
      %dma_start3A_9 = tpu.memref_slice %arg7[%dma_start3A_7, %dma_start3A_8] : memref<125x80xi32, #tpu.memory_space<vmem>> -> memref<1x80xi32, #tpu.memory_space<vmem>>
      %dma_start3A_10 = tpu.memref_squeeze %dma_start3A_9 : memref<1x80xi32, #tpu.memory_space<vmem>> -> memref<80xi32, #tpu.memory_space<vmem>>
      %dma_start3A_11 = arith.constant 0 : i32
      %dma_start3A_12 = arith.constant 0 : i32
      %dma_start3A_13 = tpu.memref_slice %arg2[%dma_start3A, %dma_start3A_11, %dma_start3A_12] : memref<4x10000x128xf32, #tpu.memory_space<hbm>> -> memref<1x10000x128xf32, #tpu.memory_space<hbm>>
      %dma_start3A_14 = tpu.memref_squeeze %dma_start3A_13 : memref<1x10000x128xf32, #tpu.memory_space<hbm>> -> memref<10000x128xf32, #tpu.memory_space<hbm>>
      %dma_start3A_15 = arith.constant 0 : i32
      %dma_start3A_16 = arith.constant 0 : i32
      %dma_start3A_17 = tpu.memref_slice %dma_start3A_14[%dma_start3A_15, %dma_start3A_16] : memref<10000x128xf32, #tpu.memory_space<hbm>> -> memref<10000x128xf32, #tpu.memory_space<hbm>>
      tpu.enqueue_indirect_dma source(%dma_start3A_17 : memref<10000x128xf32, #tpu.memory_space<hbm>>) target(%arg9 : memref<80x128xf32, #tpu.memory_space<vmem>>) offsets(%dma_start3A_10 : memref<80xi32, #tpu.memory_space<vmem>>) semaphore(%arg13 : memref<!tpu.dma_semaphore, #tpu.memory_space<semaphore_mem>>)
      %dma_start3A_18 = arith.constant 0 : i32
      %dma_start3A_19 = arith.constant 1 : i32
      %dma_start3A_20 = arith.constant 0 : i32
      %dma_start3A_21 = tpu.memref_slice %arg7[%dma_start3A_19, %dma_start3A_20] : memref<125x80xi32, #tpu.memory_space<vmem>> -> memref<1x80xi32, #tpu.memory_space<vmem>>
      %dma_start3A_22 = tpu.memref_squeeze %dma_start3A_21 : memref<1x80xi32, #tpu.memory_space<vmem>> -> memref<80xi32, #tpu.memory_space<vmem>>
      %dma_start3A_23 = arith.constant 0 : i32
      %dma_start3A_24 = arith.constant 0 : i32
      %dma_start3A_25 = tpu.memref_slice %arg2[%dma_start3A_18, %dma_start3A_23, %dma_start3A_24] : memref<4x10000x128xf32, #tpu.memory_space<hbm>> -> memref<1x10000x128xf32, #tpu.memory_space<hbm>>
      %dma_start3A_26 = tpu.memref_squeeze %dma_start3A_25 : memref<1x10000x128xf32, #tpu.memory_space<hbm>> -> memref<10000x128xf32, #tpu.memory_space<hbm>>
      %dma_start3A_27 = arith.constant 0 : i32
      %dma_start3A_28 = arith.constant 0 : i32
      %dma_start3A_29 = tpu.memref_slice %dma_start3A_26[%dma_start3A_27, %dma_start3A_28] : memref<10000x128xf32, #tpu.memory_space<hbm>> -> memref<10000x128xf32, #tpu.memory_space<hbm>>
      tpu.enqueue_indirect_dma source(%dma_start3A_29 : memref<10000x128xf32, #tpu.memory_space<hbm>>) target(%arg10 : memref<80x128xf32, #tpu.memory_space<vmem>>) offsets(%dma_start3A_22 : memref<80xi32, #tpu.memory_space<vmem>>) semaphore(%arg14 : memref<!tpu.dma_semaphore, #tpu.memory_space<semaphore_mem>>)
      %dma_start3A_30 = arith.constant 0 : i32
      %dma_start3A_31 = arith.constant 2 : i32
      %dma_start3A_32 = arith.constant 0 : i32
      %dma_start3A_33 = tpu.memref_slice %arg7[%dma_start3A_31, %dma_start3A_32] : memref<125x80xi32, #tpu.memory_space<vmem>> -> memref<1x80xi32, #tpu.memory_space<vmem>>
      %dma_start3A_34 = tpu.memref_squeeze %dma_start3A_33 : memref<1x80xi32, #tpu.memory_space<vmem>> -> memref<80xi32, #tpu.memory_space<vmem>>
      %dma_start3A_35 = arith.constant 0 : i32
      %dma_start3A_36 = arith.constant 0 : i32
      %dma_start3A_37 = tpu.memref_slice %arg2[%dma_start3A_30, %dma_start3A_35, %dma_start3A_36] : memref<4x10000x128xf32, #tpu.memory_space<hbm>> -> memref<1x10000x128xf32, #tpu.memory_space<hbm>>
      %dma_start3A_38 = tpu.memref_squeeze %dma_start3A_37 : memref<1x10000x128xf32, #tpu.memory_space<hbm>> -> memref<10000x128xf32, #tpu.memory_space<hbm>>
      %dma_start3A_39 = arith.constant 0 : i32
      %dma_start3A_40 = arith.constant 0 : i32
      %dma_start3A_41 = tpu.memref_slice %dma_start3A_38[%dma_start3A_39, %dma_start3A_40] : memref<10000x128xf32, #tpu.memory_space<hbm>> -> memref<10000x128xf32, #tpu.memory_space<hbm>>
      tpu.enqueue_indirect_dma source(%dma_start3A_41 : memref<10000x128xf32, #tpu.memory_space<hbm>>) target(%arg11 : memref<80x128xf32, #tpu.memory_space<vmem>>) offsets(%dma_start3A_34 : memref<80xi32, #tpu.memory_space<vmem>>) semaphore(%arg15 : memref<!tpu.dma_semaphore, #tpu.memory_space<semaphore_mem>>)
      %lt3A = arith.constant 10 : i32
      %lt3A_42 = arith.cmpi slt, %arg1, %lt3A : i32
      %convert_element_type3A_43 = arith.extui %lt3A_42 : i1 to i32
      %cond3A_44 = arith.constant 0 : i32
      %cond3A_45 = arith.cmpi ne, %convert_element_type3A_43, %cond3A_44 : i32
      scf.if %cond3A_45 {
        %mul3A = arith.constant 1000 : i32
        %mul3A_165 = arith.muli %arg1, %mul3A : i32
        "tpu.region"() ({
          %run_scoped3A_166 = tpu.sem_alloc : memref<!tpu.dma_semaphore, #tpu.memory_space<semaphore_mem>>
          %dma_start3A_167 = arith.constant 0 : i32
          %dma_start3A_168 = tpu.memref_slice %arg12[%mul3A_165, %dma_start3A_167] : memref<10000x128xf32, #tpu.memory_space<vmem_shared>> -> memref<1000x128xf32, #tpu.memory_space<vmem_shared>>
          tpu.enqueue_dma source(%arg5 : memref<1000x128xf32, #tpu.memory_space<hbm>>) target(%dma_start3A_168 : memref<1000x128xf32, #tpu.memory_space<vmem_shared>>) target_semaphore(%run_scoped3A_166 : memref<!tpu.dma_semaphore, #tpu.memory_space<semaphore_mem>>)
          %dma_wait3A_169 = arith.constant 0 : i32
          %dma_wait3A_170 = tpu.memref_slice %arg12[%mul3A_165, %dma_wait3A_169] : memref<10000x128xf32, #tpu.memory_space<vmem_shared>> -> memref<1000x128xf32, #tpu.memory_space<vmem_shared>>
          tpu.wait_dma2 semaphore(%run_scoped3A_166 : memref<!tpu.dma_semaphore, #tpu.memory_space<semaphore_mem>>) src(%arg5 : memref<1000x128xf32, #tpu.memory_space<hbm>>) dst(%dma_wait3A_170 : memref<1000x128xf32, #tpu.memory_space<vmem_shared>>)
          tpu.yield
        }) : () -> ()
      } else {
      }
      %barrier3A = arith.constant 0 : index
      tpu.barrier barrier_id(%barrier3A)
      %scan3A = arith.constant 0 : i32
      %scan3A_46 = arith.constant 0 : i32
      %scan3A_47 = arith.constant 0 : i32
      %scan3A_48 = arith.constant 41 : i32
      %scan3A_49 = arith.addi %scan3A_47, %scan3A_48 : i32
      %scan3A_50 = arith.constant 1 : i32
      scf.for %scan3A_165 = %scan3A_47 to %scan3A_49 step %scan3A_50  : i32 {
        %mul3A = arith.constant 3 : i32
        %mul3A_166 = arith.muli %mul3A, %scan3A_165 : i32
        %add3A = arith.constant 0 : i32
        %add3A_167 = arith.addi %mul3A_166, %add3A : i32
        %dma_wait3A_168 = arith.constant 0 : i32
        %dma_wait3A_169 = tpu.memref_slice %arg7[%add3A_167, %dma_wait3A_168] : memref<125x80xi32, #tpu.memory_space<vmem>> -> memref<1x80xi32, #tpu.memory_space<vmem>>
        %dma_wait3A_170 = tpu.memref_squeeze %dma_wait3A_169 : memref<1x80xi32, #tpu.memory_space<vmem>> -> memref<80xi32, #tpu.memory_space<vmem>>
        %dma_wait3A_171 = arith.constant 0 : i32
        %dma_wait3A_172 = arith.constant 0 : i32
        %dma_wait3A_173 = tpu.memref_slice %arg2[%scan3A_46, %dma_wait3A_171, %dma_wait3A_172] : memref<4x10000x128xf32, #tpu.memory_space<hbm>> -> memref<1x10000x128xf32, #tpu.memory_space<hbm>>
        %dma_wait3A_174 = tpu.memref_squeeze %dma_wait3A_173 : memref<1x10000x128xf32, #tpu.memory_space<hbm>> -> memref<10000x128xf32, #tpu.memory_space<hbm>>
        %dma_wait3A_175 = arith.constant 0 : i32
        %dma_wait3A_176 = arith.constant 0 : i32
        %dma_wait3A_177 = tpu.memref_slice %dma_wait3A_174[%dma_wait3A_175, %dma_wait3A_176] : memref<10000x128xf32, #tpu.memory_space<hbm>> -> memref<10000x128xf32, #tpu.memory_space<hbm>>
        tpu.wait_indirect_dma semaphore(%arg13 : memref<!tpu.dma_semaphore, #tpu.memory_space<semaphore_mem>>) src(%dma_wait3A_177 : memref<10000x128xf32, #tpu.memory_space<hbm>>) dst(%arg9 : memref<80x128xf32, #tpu.memory_space<vmem>>)
        "tpu.region"() ({
          %run_scoped3A_223 = tpu.sem_alloc : memref<!tpu.dma_semaphore, #tpu.memory_space<semaphore_mem>>
          %dma_start3A_224 = arith.constant 0 : i32
          %dma_start3A_225 = tpu.memref_slice %arg8[%add3A_167, %dma_start3A_224] : memref<125x80xi32, #tpu.memory_space<vmem>> -> memref<1x80xi32, #tpu.memory_space<vmem>>
          %dma_start3A_226 = tpu.memref_squeeze %dma_start3A_225 : memref<1x80xi32, #tpu.memory_space<vmem>> -> memref<80xi32, #tpu.memory_space<vmem>>
          %dma_start3A_227 = arith.constant 0 : i32
          %dma_start3A_228 = arith.constant 0 : i32
          %dma_start3A_229 = tpu.memref_slice %arg12[%dma_start3A_227, %dma_start3A_228] : memref<10000x128xf32, #tpu.memory_space<vmem_shared>> -> memref<10000x128xf32, #tpu.memory_space<vmem_shared>>
          tpu.enqueue_indirect_dma source(%arg9 : memref<80x128xf32, #tpu.memory_space<vmem>>) target(%dma_start3A_229 : memref<10000x128xf32, #tpu.memory_space<vmem_shared>>) offsets(%dma_start3A_226 : memref<80xi32, #tpu.memory_space<vmem>>) semaphore(%run_scoped3A_223 : memref<!tpu.dma_semaphore, #tpu.memory_space<semaphore_mem>>) {add = true}
          %dma_wait3A_230 = arith.constant 0 : i32
          %dma_wait3A_231 = tpu.memref_slice %arg8[%add3A_167, %dma_wait3A_230] : memref<125x80xi32, #tpu.memory_space<vmem>> -> memref<1x80xi32, #tpu.memory_space<vmem>>
          %dma_wait3A_232 = tpu.memref_squeeze %dma_wait3A_231 : memref<1x80xi32, #tpu.memory_space<vmem>> -> memref<80xi32, #tpu.memory_space<vmem>>
          %dma_wait3A_233 = arith.constant 0 : i32
          %dma_wait3A_234 = arith.constant 0 : i32
          %dma_wait3A_235 = tpu.memref_slice %arg12[%dma_wait3A_233, %dma_wait3A_234] : memref<10000x128xf32, #tpu.memory_space<vmem_shared>> -> memref<10000x128xf32, #tpu.memory_space<vmem_shared>>
          tpu.wait_indirect_dma semaphore(%run_scoped3A_223 : memref<!tpu.dma_semaphore, #tpu.memory_space<semaphore_mem>>) src(%arg9 : memref<80x128xf32, #tpu.memory_space<vmem>>) dst(%dma_wait3A_235 : memref<10000x128xf32, #tpu.memory_space<vmem_shared>>)
          tpu.yield
        }) : () -> ()
        %add3A_178 = arith.constant 3 : i32
        %add3A_179 = arith.addi %add3A_167, %add3A_178 : i32
        %lt3A_180 = arith.constant 125 : i32
        %lt3A_181 = arith.cmpi slt, %add3A_179, %lt3A_180 : i32
        %convert_element_type3A_182 = arith.extui %lt3A_181 : i1 to i32
        %cond3A_183 = arith.constant 0 : i32
        %cond3A_184 = arith.cmpi ne, %convert_element_type3A_182, %cond3A_183 : i32
        scf.if %cond3A_184 {
          %add3A_223 = arith.constant 3 : i32
          %add3A_224 = arith.addi %add3A_167, %add3A_223 : i32
          %dma_start3A_225 = arith.constant 0 : i32
          %dma_start3A_226 = tpu.memref_slice %arg7[%add3A_224, %dma_start3A_225] : memref<125x80xi32, #tpu.memory_space<vmem>> -> memref<1x80xi32, #tpu.memory_space<vmem>>
          %dma_start3A_227 = tpu.memref_squeeze %dma_start3A_226 : memref<1x80xi32, #tpu.memory_space<vmem>> -> memref<80xi32, #tpu.memory_space<vmem>>
          %dma_start3A_228 = arith.constant 0 : i32
          %dma_start3A_229 = arith.constant 0 : i32
          %dma_start3A_230 = tpu.memref_slice %arg2[%scan3A_46, %dma_start3A_228, %dma_start3A_229] : memref<4x10000x128xf32, #tpu.memory_space<hbm>> -> memref<1x10000x128xf32, #tpu.memory_space<hbm>>
          %dma_start3A_231 = tpu.memref_squeeze %dma_start3A_230 : memref<1x10000x128xf32, #tpu.memory_space<hbm>> -> memref<10000x128xf32, #tpu.memory_space<hbm>>
          %dma_start3A_232 = arith.constant 0 : i32
          %dma_start3A_233 = arith.constant 0 : i32
          %dma_start3A_234 = tpu.memref_slice %dma_start3A_231[%dma_start3A_232, %dma_start3A_233] : memref<10000x128xf32, #tpu.memory_space<hbm>> -> memref<10000x128xf32, #tpu.memory_space<hbm>>
          tpu.enqueue_indirect_dma source(%dma_start3A_234 : memref<10000x128xf32, #tpu.memory_space<hbm>>) target(%arg9 : memref<80x128xf32, #tpu.memory_space<vmem>>) offsets(%dma_start3A_227 : memref<80xi32, #tpu.memory_space<vmem>>) semaphore(%arg13 : memref<!tpu.dma_semaphore, #tpu.memory_space<semaphore_mem>>)
        } else {
        }
        %add3A_185 = arith.constant 1 : i32
        %add3A_186 = arith.addi %mul3A_166, %add3A_185 : i32
        %dma_wait3A_187 = arith.constant 0 : i32
        %dma_wait3A_188 = tpu.memref_slice %arg7[%add3A_186, %dma_wait3A_187] : memref<125x80xi32, #tpu.memory_space<vmem>> -> memref<1x80xi32, #tpu.memory_space<vmem>>
        %dma_wait3A_189 = tpu.memref_squeeze %dma_wait3A_188 : memref<1x80xi32, #tpu.memory_space<vmem>> -> memref<80xi32, #tpu.memory_space<vmem>>
        %dma_wait3A_190 = arith.constant 0 : i32
        %dma_wait3A_191 = arith.constant 0 : i32
        %dma_wait3A_192 = tpu.memref_slice %arg2[%scan3A_46, %dma_wait3A_190, %dma_wait3A_191] : memref<4x10000x128xf32, #tpu.memory_space<hbm>> -> memref<1x10000x128xf32, #tpu.memory_space<hbm>>
        %dma_wait3A_193 = tpu.memref_squeeze %dma_wait3A_192 : memref<1x10000x128xf32, #tpu.memory_space<hbm>> -> memref<10000x128xf32, #tpu.memory_space<hbm>>
        %dma_wait3A_194 = arith.constant 0 : i32
        %dma_wait3A_195 = arith.constant 0 : i32
        %dma_wait3A_196 = tpu.memref_slice %dma_wait3A_193[%dma_wait3A_194, %dma_wait3A_195] : memref<10000x128xf32, #tpu.memory_space<hbm>> -> memref<10000x128xf32, #tpu.memory_space<hbm>>
        tpu.wait_indirect_dma semaphore(%arg14 : memref<!tpu.dma_semaphore, #tpu.memory_space<semaphore_mem>>) src(%dma_wait3A_196 : memref<10000x128xf32, #tpu.memory_space<hbm>>) dst(%arg10 : memref<80x128xf32, #tpu.memory_space<vmem>>)
        "tpu.region"() ({
          %run_scoped3A_223 = tpu.sem_alloc : memref<!tpu.dma_semaphore, #tpu.memory_space<semaphore_mem>>
          %dma_start3A_224 = arith.constant 0 : i32
          %dma_start3A_225 = tpu.memref_slice %arg8[%add3A_186, %dma_start3A_224] : memref<125x80xi32, #tpu.memory_space<vmem>> -> memref<1x80xi32, #tpu.memory_space<vmem>>
          %dma_start3A_226 = tpu.memref_squeeze %dma_start3A_225 : memref<1x80xi32, #tpu.memory_space<vmem>> -> memref<80xi32, #tpu.memory_space<vmem>>
          %dma_start3A_227 = arith.constant 0 : i32
          %dma_start3A_228 = arith.constant 0 : i32
          %dma_start3A_229 = tpu.memref_slice %arg12[%dma_start3A_227, %dma_start3A_228] : memref<10000x128xf32, #tpu.memory_space<vmem_shared>> -> memref<10000x128xf32, #tpu.memory_space<vmem_shared>>
          tpu.enqueue_indirect_dma source(%arg10 : memref<80x128xf32, #tpu.memory_space<vmem>>) target(%dma_start3A_229 : memref<10000x128xf32, #tpu.memory_space<vmem_shared>>) offsets(%dma_start3A_226 : memref<80xi32, #tpu.memory_space<vmem>>) semaphore(%run_scoped3A_223 : memref<!tpu.dma_semaphore, #tpu.memory_space<semaphore_mem>>) {add = true}
          %dma_wait3A_230 = arith.constant 0 : i32
          %dma_wait3A_231 = tpu.memref_slice %arg8[%add3A_186, %dma_wait3A_230] : memref<125x80xi32, #tpu.memory_space<vmem>> -> memref<1x80xi32, #tpu.memory_space<vmem>>
          %dma_wait3A_232 = tpu.memref_squeeze %dma_wait3A_231 : memref<1x80xi32, #tpu.memory_space<vmem>> -> memref<80xi32, #tpu.memory_space<vmem>>
          %dma_wait3A_233 = arith.constant 0 : i32
          %dma_wait3A_234 = arith.constant 0 : i32
          %dma_wait3A_235 = tpu.memref_slice %arg12[%dma_wait3A_233, %dma_wait3A_234] : memref<10000x128xf32, #tpu.memory_space<vmem_shared>> -> memref<10000x128xf32, #tpu.memory_space<vmem_shared>>
          tpu.wait_indirect_dma semaphore(%run_scoped3A_223 : memref<!tpu.dma_semaphore, #tpu.memory_space<semaphore_mem>>) src(%arg10 : memref<80x128xf32, #tpu.memory_space<vmem>>) dst(%dma_wait3A_235 : memref<10000x128xf32, #tpu.memory_space<vmem_shared>>)
          tpu.yield
        }) : () -> ()
        %add3A_197 = arith.constant 3 : i32
        %add3A_198 = arith.addi %add3A_186, %add3A_197 : i32
        %lt3A_199 = arith.constant 125 : i32
        %lt3A_200 = arith.cmpi slt, %add3A_198, %lt3A_199 : i32
        %convert_element_type3A_201 = arith.extui %lt3A_200 : i1 to i32
        %cond3A_202 = arith.constant 0 : i32
        %cond3A_203 = arith.cmpi ne, %convert_element_type3A_201, %cond3A_202 : i32
        scf.if %cond3A_203 {
          %add3A_223 = arith.constant 3 : i32
          %add3A_224 = arith.addi %add3A_186, %add3A_223 : i32
          %dma_start3A_225 = arith.constant 0 : i32
          %dma_start3A_226 = tpu.memref_slice %arg7[%add3A_224, %dma_start3A_225] : memref<125x80xi32, #tpu.memory_space<vmem>> -> memref<1x80xi32, #tpu.memory_space<vmem>>
          %dma_start3A_227 = tpu.memref_squeeze %dma_start3A_226 : memref<1x80xi32, #tpu.memory_space<vmem>> -> memref<80xi32, #tpu.memory_space<vmem>>
          %dma_start3A_228 = arith.constant 0 : i32
          %dma_start3A_229 = arith.constant 0 : i32
          %dma_start3A_230 = tpu.memref_slice %arg2[%scan3A_46, %dma_start3A_228, %dma_start3A_229] : memref<4x10000x128xf32, #tpu.memory_space<hbm>> -> memref<1x10000x128xf32, #tpu.memory_space<hbm>>
          %dma_start3A_231 = tpu.memref_squeeze %dma_start3A_230 : memref<1x10000x128xf32, #tpu.memory_space<hbm>> -> memref<10000x128xf32, #tpu.memory_space<hbm>>
          %dma_start3A_232 = arith.constant 0 : i32
          %dma_start3A_233 = arith.constant 0 : i32
          %dma_start3A_234 = tpu.memref_slice %dma_start3A_231[%dma_start3A_232, %dma_start3A_233] : memref<10000x128xf32, #tpu.memory_space<hbm>> -> memref<10000x128xf32, #tpu.memory_space<hbm>>
          tpu.enqueue_indirect_dma source(%dma_start3A_234 : memref<10000x128xf32, #tpu.memory_space<hbm>>) target(%arg10 : memref<80x128xf32, #tpu.memory_space<vmem>>) offsets(%dma_start3A_227 : memref<80xi32, #tpu.memory_space<vmem>>) semaphore(%arg14 : memref<!tpu.dma_semaphore, #tpu.memory_space<semaphore_mem>>)
        } else {
        }
        %add3A_204 = arith.constant 2 : i32
        %add3A_205 = arith.addi %mul3A_166, %add3A_204 : i32
        %dma_wait3A_206 = arith.constant 0 : i32
        %dma_wait3A_207 = tpu.memref_slice %arg7[%add3A_205, %dma_wait3A_206] : memref<125x80xi32, #tpu.memory_space<vmem>> -> memref<1x80xi32, #tpu.memory_space<vmem>>
        %dma_wait3A_208 = tpu.memref_squeeze %dma_wait3A_207 : memref<1x80xi32, #tpu.memory_space<vmem>> -> memref<80xi32, #tpu.memory_space<vmem>>
        %dma_wait3A_209 = arith.constant 0 : i32
        %dma_wait3A_210 = arith.constant 0 : i32
        %dma_wait3A_211 = tpu.memref_slice %arg2[%scan3A_46, %dma_wait3A_209, %dma_wait3A_210] : memref<4x10000x128xf32, #tpu.memory_space<hbm>> -> memref<1x10000x128xf32, #tpu.memory_space<hbm>>
        %dma_wait3A_212 = tpu.memref_squeeze %dma_wait3A_211 : memref<1x10000x128xf32, #tpu.memory_space<hbm>> -> memref<10000x128xf32, #tpu.memory_space<hbm>>
        %dma_wait3A_213 = arith.constant 0 : i32
        %dma_wait3A_214 = arith.constant 0 : i32
        %dma_wait3A_215 = tpu.memref_slice %dma_wait3A_212[%dma_wait3A_213, %dma_wait3A_214] : memref<10000x128xf32, #tpu.memory_space<hbm>> -> memref<10000x128xf32, #tpu.memory_space<hbm>>
        tpu.wait_indirect_dma semaphore(%arg15 : memref<!tpu.dma_semaphore, #tpu.memory_space<semaphore_mem>>) src(%dma_wait3A_215 : memref<10000x128xf32, #tpu.memory_space<hbm>>) dst(%arg11 : memref<80x128xf32, #tpu.memory_space<vmem>>)
        "tpu.region"() ({
          %run_scoped3A_223 = tpu.sem_alloc : memref<!tpu.dma_semaphore, #tpu.memory_space<semaphore_mem>>
          %dma_start3A_224 = arith.constant 0 : i32
          %dma_start3A_225 = tpu.memref_slice %arg8[%add3A_205, %dma_start3A_224] : memref<125x80xi32, #tpu.memory_space<vmem>> -> memref<1x80xi32, #tpu.memory_space<vmem>>
          %dma_start3A_226 = tpu.memref_squeeze %dma_start3A_225 : memref<1x80xi32, #tpu.memory_space<vmem>> -> memref<80xi32, #tpu.memory_space<vmem>>
          %dma_start3A_227 = arith.constant 0 : i32
          %dma_start3A_228 = arith.constant 0 : i32
          %dma_start3A_229 = tpu.memref_slice %arg12[%dma_start3A_227, %dma_start3A_228] : memref<10000x128xf32, #tpu.memory_space<vmem_shared>> -> memref<10000x128xf32, #tpu.memory_space<vmem_shared>>
          tpu.enqueue_indirect_dma source(%arg11 : memref<80x128xf32, #tpu.memory_space<vmem>>) target(%dma_start3A_229 : memref<10000x128xf32, #tpu.memory_space<vmem_shared>>) offsets(%dma_start3A_226 : memref<80xi32, #tpu.memory_space<vmem>>) semaphore(%run_scoped3A_223 : memref<!tpu.dma_semaphore, #tpu.memory_space<semaphore_mem>>) {add = true}
          %dma_wait3A_230 = arith.constant 0 : i32
          %dma_wait3A_231 = tpu.memref_slice %arg8[%add3A_205, %dma_wait3A_230] : memref<125x80xi32, #tpu.memory_space<vmem>> -> memref<1x80xi32, #tpu.memory_space<vmem>>
          %dma_wait3A_232 = tpu.memref_squeeze %dma_wait3A_231 : memref<1x80xi32, #tpu.memory_space<vmem>> -> memref<80xi32, #tpu.memory_space<vmem>>
          %dma_wait3A_233 = arith.constant 0 : i32
          %dma_wait3A_234 = arith.constant 0 : i32
          %dma_wait3A_235 = tpu.memref_slice %arg12[%dma_wait3A_233, %dma_wait3A_234] : memref<10000x128xf32, #tpu.memory_space<vmem_shared>> -> memref<10000x128xf32, #tpu.memory_space<vmem_shared>>
          tpu.wait_indirect_dma semaphore(%run_scoped3A_223 : memref<!tpu.dma_semaphore, #tpu.memory_space<semaphore_mem>>) src(%arg11 : memref<80x128xf32, #tpu.memory_space<vmem>>) dst(%dma_wait3A_235 : memref<10000x128xf32, #tpu.memory_space<vmem_shared>>)
          tpu.yield
        }) : () -> ()
        %add3A_216 = arith.constant 3 : i32
        %add3A_217 = arith.addi %add3A_205, %add3A_216 : i32
        %lt3A_218 = arith.constant 125 : i32
        %lt3A_219 = arith.cmpi slt, %add3A_217, %lt3A_218 : i32
        %convert_element_type3A_220 = arith.extui %lt3A_219 : i1 to i32
        %cond3A_221 = arith.constant 0 : i32
        %cond3A_222 = arith.cmpi ne, %convert_element_type3A_220, %cond3A_221 : i32
        scf.if %cond3A_222 {
          %add3A_223 = arith.constant 3 : i32
          %add3A_224 = arith.addi %add3A_205, %add3A_223 : i32
          %dma_start3A_225 = arith.constant 0 : i32
          %dma_start3A_226 = tpu.memref_slice %arg7[%add3A_224, %dma_start3A_225] : memref<125x80xi32, #tpu.memory_space<vmem>> -> memref<1x80xi32, #tpu.memory_space<vmem>>
          %dma_start3A_227 = tpu.memref_squeeze %dma_start3A_226 : memref<1x80xi32, #tpu.memory_space<vmem>> -> memref<80xi32, #tpu.memory_space<vmem>>
          %dma_start3A_228 = arith.constant 0 : i32
          %dma_start3A_229 = arith.constant 0 : i32
          %dma_start3A_230 = tpu.memref_slice %arg2[%scan3A_46, %dma_start3A_228, %dma_start3A_229] : memref<4x10000x128xf32, #tpu.memory_space<hbm>> -> memref<1x10000x128xf32, #tpu.memory_space<hbm>>
          %dma_start3A_231 = tpu.memref_squeeze %dma_start3A_230 : memref<1x10000x128xf32, #tpu.memory_space<hbm>> -> memref<10000x128xf32, #tpu.memory_space<hbm>>
          %dma_start3A_232 = arith.constant 0 : i32
          %dma_start3A_233 = arith.constant 0 : i32
          %dma_start3A_234 = tpu.memref_slice %dma_start3A_231[%dma_start3A_232, %dma_start3A_233] : memref<10000x128xf32, #tpu.memory_space<hbm>> -> memref<10000x128xf32, #tpu.memory_space<hbm>>
          tpu.enqueue_indirect_dma source(%dma_start3A_234 : memref<10000x128xf32, #tpu.memory_space<hbm>>) target(%arg11 : memref<80x128xf32, #tpu.memory_space<vmem>>) offsets(%dma_start3A_227 : memref<80xi32, #tpu.memory_space<vmem>>) semaphore(%arg15 : memref<!tpu.dma_semaphore, #tpu.memory_space<semaphore_mem>>)
        } else {
        }
      }
      %scan3A_51 = arith.constant 41 : i32
      %dma_wait3A = arith.constant 0 : i32
      %dma_wait3A_52 = arith.constant 123 : i32
      %dma_wait3A_53 = arith.constant 0 : i32
      %dma_wait3A_54 = tpu.memref_slice %arg7[%dma_wait3A_52, %dma_wait3A_53] : memref<125x80xi32, #tpu.memory_space<vmem>> -> memref<1x80xi32, #tpu.memory_space<vmem>>
      %dma_wait3A_55 = tpu.memref_squeeze %dma_wait3A_54 : memref<1x80xi32, #tpu.memory_space<vmem>> -> memref<80xi32, #tpu.memory_space<vmem>>
      %dma_wait3A_56 = arith.constant 0 : i32
      %dma_wait3A_57 = arith.constant 0 : i32
      %dma_wait3A_58 = tpu.memref_slice %arg2[%dma_wait3A, %dma_wait3A_56, %dma_wait3A_57] : memref<4x10000x128xf32, #tpu.memory_space<hbm>> -> memref<1x10000x128xf32, #tpu.memory_space<hbm>>
      %dma_wait3A_59 = tpu.memref_squeeze %dma_wait3A_58 : memref<1x10000x128xf32, #tpu.memory_space<hbm>> -> memref<10000x128xf32, #tpu.memory_space<hbm>>
      %dma_wait3A_60 = arith.constant 0 : i32
      %dma_wait3A_61 = arith.constant 0 : i32
      %dma_wait3A_62 = tpu.memref_slice %dma_wait3A_59[%dma_wait3A_60, %dma_wait3A_61] : memref<10000x128xf32, #tpu.memory_space<hbm>> -> memref<10000x128xf32, #tpu.memory_space<hbm>>
      tpu.wait_indirect_dma semaphore(%arg13 : memref<!tpu.dma_semaphore, #tpu.memory_space<semaphore_mem>>) src(%dma_wait3A_62 : memref<10000x128xf32, #tpu.memory_space<hbm>>) dst(%arg9 : memref<80x128xf32, #tpu.memory_space<vmem>>)
      %run_scoped3A = arith.constant 123 : i32
      "tpu.region"() ({
        %run_scoped3A_165 = tpu.sem_alloc : memref<!tpu.dma_semaphore, #tpu.memory_space<semaphore_mem>>
        %dma_start3A_166 = arith.constant 0 : i32
        %dma_start3A_167 = tpu.memref_slice %arg8[%run_scoped3A, %dma_start3A_166] : memref<125x80xi32, #tpu.memory_space<vmem>> -> memref<1x80xi32, #tpu.memory_space<vmem>>
        %dma_start3A_168 = tpu.memref_squeeze %dma_start3A_167 : memref<1x80xi32, #tpu.memory_space<vmem>> -> memref<80xi32, #tpu.memory_space<vmem>>
        %dma_start3A_169 = arith.constant 0 : i32
        %dma_start3A_170 = arith.constant 0 : i32
        %dma_start3A_171 = tpu.memref_slice %arg12[%dma_start3A_169, %dma_start3A_170] : memref<10000x128xf32, #tpu.memory_space<vmem_shared>> -> memref<10000x128xf32, #tpu.memory_space<vmem_shared>>
        tpu.enqueue_indirect_dma source(%arg9 : memref<80x128xf32, #tpu.memory_space<vmem>>) target(%dma_start3A_171 : memref<10000x128xf32, #tpu.memory_space<vmem_shared>>) offsets(%dma_start3A_168 : memref<80xi32, #tpu.memory_space<vmem>>) semaphore(%run_scoped3A_165 : memref<!tpu.dma_semaphore, #tpu.memory_space<semaphore_mem>>) {add = true}
        %dma_wait3A_172 = arith.constant 0 : i32
        %dma_wait3A_173 = tpu.memref_slice %arg8[%run_scoped3A, %dma_wait3A_172] : memref<125x80xi32, #tpu.memory_space<vmem>> -> memref<1x80xi32, #tpu.memory_space<vmem>>
        %dma_wait3A_174 = tpu.memref_squeeze %dma_wait3A_173 : memref<1x80xi32, #tpu.memory_space<vmem>> -> memref<80xi32, #tpu.memory_space<vmem>>
        %dma_wait3A_175 = arith.constant 0 : i32
        %dma_wait3A_176 = arith.constant 0 : i32
        %dma_wait3A_177 = tpu.memref_slice %arg12[%dma_wait3A_175, %dma_wait3A_176] : memref<10000x128xf32, #tpu.memory_space<vmem_shared>> -> memref<10000x128xf32, #tpu.memory_space<vmem_shared>>
        tpu.wait_indirect_dma semaphore(%run_scoped3A_165 : memref<!tpu.dma_semaphore, #tpu.memory_space<semaphore_mem>>) src(%arg9 : memref<80x128xf32, #tpu.memory_space<vmem>>) dst(%dma_wait3A_177 : memref<10000x128xf32, #tpu.memory_space<vmem_shared>>)
        tpu.yield
      }) : () -> ()
      %dma_wait3A_63 = arith.constant 0 : i32
      %dma_wait3A_64 = arith.constant 124 : i32
      %dma_wait3A_65 = arith.constant 0 : i32
      %dma_wait3A_66 = tpu.memref_slice %arg7[%dma_wait3A_64, %dma_wait3A_65] : memref<125x80xi32, #tpu.memory_space<vmem>> -> memref<1x80xi32, #tpu.memory_space<vmem>>
      %dma_wait3A_67 = tpu.memref_squeeze %dma_wait3A_66 : memref<1x80xi32, #tpu.memory_space<vmem>> -> memref<80xi32, #tpu.memory_space<vmem>>
      %dma_wait3A_68 = arith.constant 0 : i32
      %dma_wait3A_69 = arith.constant 0 : i32
      %dma_wait3A_70 = tpu.memref_slice %arg2[%dma_wait3A_63, %dma_wait3A_68, %dma_wait3A_69] : memref<4x10000x128xf32, #tpu.memory_space<hbm>> -> memref<1x10000x128xf32, #tpu.memory_space<hbm>>
      %dma_wait3A_71 = tpu.memref_squeeze %dma_wait3A_70 : memref<1x10000x128xf32, #tpu.memory_space<hbm>> -> memref<10000x128xf32, #tpu.memory_space<hbm>>
      %dma_wait3A_72 = arith.constant 0 : i32
      %dma_wait3A_73 = arith.constant 0 : i32
      %dma_wait3A_74 = tpu.memref_slice %dma_wait3A_71[%dma_wait3A_72, %dma_wait3A_73] : memref<10000x128xf32, #tpu.memory_space<hbm>> -> memref<10000x128xf32, #tpu.memory_space<hbm>>
      tpu.wait_indirect_dma semaphore(%arg14 : memref<!tpu.dma_semaphore, #tpu.memory_space<semaphore_mem>>) src(%dma_wait3A_74 : memref<10000x128xf32, #tpu.memory_space<hbm>>) dst(%arg10 : memref<80x128xf32, #tpu.memory_space<vmem>>)
      %run_scoped3A_75 = arith.constant 124 : i32
      "tpu.region"() ({
        %run_scoped3A_165 = tpu.sem_alloc : memref<!tpu.dma_semaphore, #tpu.memory_space<semaphore_mem>>
        %dma_start3A_166 = arith.constant 0 : i32
        %dma_start3A_167 = tpu.memref_slice %arg8[%run_scoped3A_75, %dma_start3A_166] : memref<125x80xi32, #tpu.memory_space<vmem>> -> memref<1x80xi32, #tpu.memory_space<vmem>>
        %dma_start3A_168 = tpu.memref_squeeze %dma_start3A_167 : memref<1x80xi32, #tpu.memory_space<vmem>> -> memref<80xi32, #tpu.memory_space<vmem>>
        %dma_start3A_169 = arith.constant 0 : i32
        %dma_start3A_170 = arith.constant 0 : i32
        %dma_start3A_171 = tpu.memref_slice %arg12[%dma_start3A_169, %dma_start3A_170] : memref<10000x128xf32, #tpu.memory_space<vmem_shared>> -> memref<10000x128xf32, #tpu.memory_space<vmem_shared>>
        tpu.enqueue_indirect_dma source(%arg10 : memref<80x128xf32, #tpu.memory_space<vmem>>) target(%dma_start3A_171 : memref<10000x128xf32, #tpu.memory_space<vmem_shared>>) offsets(%dma_start3A_168 : memref<80xi32, #tpu.memory_space<vmem>>) semaphore(%run_scoped3A_165 : memref<!tpu.dma_semaphore, #tpu.memory_space<semaphore_mem>>) {add = true}
        %dma_wait3A_172 = arith.constant 0 : i32
        %dma_wait3A_173 = tpu.memref_slice %arg8[%run_scoped3A_75, %dma_wait3A_172] : memref<125x80xi32, #tpu.memory_space<vmem>> -> memref<1x80xi32, #tpu.memory_space<vmem>>
        %dma_wait3A_174 = tpu.memref_squeeze %dma_wait3A_173 : memref<1x80xi32, #tpu.memory_space<vmem>> -> memref<80xi32, #tpu.memory_space<vmem>>
        %dma_wait3A_175 = arith.constant 0 : i32
        %dma_wait3A_176 = arith.constant 0 : i32
        %dma_wait3A_177 = tpu.memref_slice %arg12[%dma_wait3A_175, %dma_wait3A_176] : memref<10000x128xf32, #tpu.memory_space<vmem_shared>> -> memref<10000x128xf32, #tpu.memory_space<vmem_shared>>
        tpu.wait_indirect_dma semaphore(%run_scoped3A_165 : memref<!tpu.dma_semaphore, #tpu.memory_space<semaphore_mem>>) src(%arg10 : memref<80x128xf32, #tpu.memory_space<vmem>>) dst(%dma_wait3A_177 : memref<10000x128xf32, #tpu.memory_space<vmem_shared>>)
        tpu.yield
      }) : () -> ()
      %dma_start3A_76 = arith.constant 1 : i32
      %dma_start3A_77 = arith.constant 0 : i32
      %dma_start3A_78 = arith.constant 0 : i32
      %dma_start3A_79 = tpu.memref_slice %arg7[%dma_start3A_77, %dma_start3A_78] : memref<125x80xi32, #tpu.memory_space<vmem>> -> memref<1x80xi32, #tpu.memory_space<vmem>>
      %dma_start3A_80 = tpu.memref_squeeze %dma_start3A_79 : memref<1x80xi32, #tpu.memory_space<vmem>> -> memref<80xi32, #tpu.memory_space<vmem>>
      %dma_start3A_81 = arith.constant 0 : i32
      %dma_start3A_82 = arith.constant 0 : i32
      %dma_start3A_83 = tpu.memref_slice %arg2[%dma_start3A_76, %dma_start3A_81, %dma_start3A_82] : memref<4x10000x128xf32, #tpu.memory_space<hbm>> -> memref<1x10000x128xf32, #tpu.memory_space<hbm>>
      %dma_start3A_84 = tpu.memref_squeeze %dma_start3A_83 : memref<1x10000x128xf32, #tpu.memory_space<hbm>> -> memref<10000x128xf32, #tpu.memory_space<hbm>>
      %dma_start3A_85 = arith.constant 0 : i32
      %dma_start3A_86 = arith.constant 0 : i32
      %dma_start3A_87 = tpu.memref_slice %dma_start3A_84[%dma_start3A_85, %dma_start3A_86] : memref<10000x128xf32, #tpu.memory_space<hbm>> -> memref<10000x128xf32, #tpu.memory_space<hbm>>
      tpu.enqueue_indirect_dma source(%dma_start3A_87 : memref<10000x128xf32, #tpu.memory_space<hbm>>) target(%arg9 : memref<80x128xf32, #tpu.memory_space<vmem>>) offsets(%dma_start3A_80 : memref<80xi32, #tpu.memory_space<vmem>>) semaphore(%arg13 : memref<!tpu.dma_semaphore, #tpu.memory_space<semaphore_mem>>)
      %dma_start3A_88 = arith.constant 1 : i32
      %dma_start3A_89 = arith.constant 1 : i32
      %dma_start3A_90 = arith.constant 0 : i32
      %dma_start3A_91 = tpu.memref_slice %arg7[%dma_start3A_89, %dma_start3A_90] : memref<125x80xi32, #tpu.memory_space<vmem>> -> memref<1x80xi32, #tpu.memory_space<vmem>>
      %dma_start3A_92 = tpu.memref_squeeze %dma_start3A_91 : memref<1x80xi32, #tpu.memory_space<vmem>> -> memref<80xi32, #tpu.memory_space<vmem>>
      %dma_start3A_93 = arith.constant 0 : i32
      %dma_start3A_94 = arith.constant 0 : i32
      %dma_start3A_95 = tpu.memref_slice %arg2[%dma_start3A_88, %dma_start3A_93, %dma_start3A_94] : memref<4x10000x128xf32, #tpu.memory_space<hbm>> -> memref<1x10000x128xf32, #tpu.memory_space<hbm>>
      %dma_start3A_96 = tpu.memref_squeeze %dma_start3A_95 : memref<1x10000x128xf32, #tpu.memory_space<hbm>> -> memref<10000x128xf32, #tpu.memory_space<hbm>>
      %dma_start3A_97 = arith.constant 0 : i32
      %dma_start3A_98 = arith.constant 0 : i32
      %dma_start3A_99 = tpu.memref_slice %dma_start3A_96[%dma_start3A_97, %dma_start3A_98] : memref<10000x128xf32, #tpu.memory_space<hbm>> -> memref<10000x128xf32, #tpu.memory_space<hbm>>
      tpu.enqueue_indirect_dma source(%dma_start3A_99 : memref<10000x128xf32, #tpu.memory_space<hbm>>) target(%arg10 : memref<80x128xf32, #tpu.memory_space<vmem>>) offsets(%dma_start3A_92 : memref<80xi32, #tpu.memory_space<vmem>>) semaphore(%arg14 : memref<!tpu.dma_semaphore, #tpu.memory_space<semaphore_mem>>)
      %dma_start3A_100 = arith.constant 1 : i32
      %dma_start3A_101 = arith.constant 2 : i32
      %dma_start3A_102 = arith.constant 0 : i32
      %dma_start3A_103 = tpu.memref_slice %arg7[%dma_start3A_101, %dma_start3A_102] : memref<125x80xi32, #tpu.memory_space<vmem>> -> memref<1x80xi32, #tpu.memory_space<vmem>>
      %dma_start3A_104 = tpu.memref_squeeze %dma_start3A_103 : memref<1x80xi32, #tpu.memory_space<vmem>> -> memref<80xi32, #tpu.memory_space<vmem>>
      %dma_start3A_105 = arith.constant 0 : i32
      %dma_start3A_106 = arith.constant 0 : i32
      %dma_start3A_107 = tpu.memref_slice %arg2[%dma_start3A_100, %dma_start3A_105, %dma_start3A_106] : memref<4x10000x128xf32, #tpu.memory_space<hbm>> -> memref<1x10000x128xf32, #tpu.memory_space<hbm>>
      %dma_start3A_108 = tpu.memref_squeeze %dma_start3A_107 : memref<1x10000x128xf32, #tpu.memory_space<hbm>> -> memref<10000x128xf32, #tpu.memory_space<hbm>>
      %dma_start3A_109 = arith.constant 0 : i32
      %dma_start3A_110 = arith.constant 0 : i32
      %dma_start3A_111 = tpu.memref_slice %dma_start3A_108[%dma_start3A_109, %dma_start3A_110] : memref<10000x128xf32, #tpu.memory_space<hbm>> -> memref<10000x128xf32, #tpu.memory_space<hbm>>
      tpu.enqueue_indirect_dma source(%dma_start3A_111 : memref<10000x128xf32, #tpu.memory_space<hbm>>) target(%arg11 : memref<80x128xf32, #tpu.memory_space<vmem>>) offsets(%dma_start3A_104 : memref<80xi32, #tpu.memory_space<vmem>>) semaphore(%arg15 : memref<!tpu.dma_semaphore, #tpu.memory_space<semaphore_mem>>)
      %barrier3A_112 = arith.constant 0 : index
      tpu.barrier barrier_id(%barrier3A_112)
      %lt3A_113 = arith.constant 10 : i32
      %lt3A_114 = arith.cmpi slt, %arg1, %lt3A_113 : i32
      %convert_element_type3A_115 = arith.extui %lt3A_114 : i1 to i32
      %cond3A_116 = arith.constant 0 : i32
      %cond3A_117 = arith.cmpi ne, %convert_element_type3A_115, %cond3A_116 : i32
      scf.if %cond3A_117 {
        %mul3A = arith.constant 1000 : i32
        %mul3A_165 = arith.muli %arg1, %mul3A : i32
        %run_scoped3A_166 = arith.constant 0 : i32
        "tpu.region"() ({
          %run_scoped3A_167 = tpu.sem_alloc : memref<!tpu.dma_semaphore, #tpu.memory_space<semaphore_mem>>
          %dma_start3A_168 = arith.constant 0 : i32
          %dma_start3A_169 = arith.constant 0 : i32
          %dma_start3A_170 = tpu.memref_slice %arg6[%run_scoped3A_166, %dma_start3A_168, %dma_start3A_169] : memref<4x10000x128xf32, #tpu.memory_space<hbm>> -> memref<1x10000x128xf32, #tpu.memory_space<hbm>>
          %dma_start3A_171 = tpu.memref_squeeze %dma_start3A_170 : memref<1x10000x128xf32, #tpu.memory_space<hbm>> -> memref<10000x128xf32, #tpu.memory_space<hbm>>
          %dma_start3A_172 = arith.constant 0 : i32
          %dma_start3A_173 = tpu.memref_slice %dma_start3A_171[%mul3A_165, %dma_start3A_172] : memref<10000x128xf32, #tpu.memory_space<hbm>> -> memref<1000x128xf32, #tpu.memory_space<hbm>>
          %dma_start3A_174 = arith.constant 0 : i32
          %dma_start3A_175 = tpu.memref_slice %arg12[%mul3A_165, %dma_start3A_174] : memref<10000x128xf32, #tpu.memory_space<vmem_shared>> -> memref<1000x128xf32, #tpu.memory_space<vmem_shared>>
          tpu.enqueue_dma source(%dma_start3A_175 : memref<1000x128xf32, #tpu.memory_space<vmem_shared>>) target(%dma_start3A_173 : memref<1000x128xf32, #tpu.memory_space<hbm>>) target_semaphore(%run_scoped3A_167 : memref<!tpu.dma_semaphore, #tpu.memory_space<semaphore_mem>>)
          %dma_wait3A_176 = arith.constant 0 : i32
          %dma_wait3A_177 = arith.constant 0 : i32
          %dma_wait3A_178 = tpu.memref_slice %arg6[%run_scoped3A_166, %dma_wait3A_176, %dma_wait3A_177] : memref<4x10000x128xf32, #tpu.memory_space<hbm>> -> memref<1x10000x128xf32, #tpu.memory_space<hbm>>
          %dma_wait3A_179 = tpu.memref_squeeze %dma_wait3A_178 : memref<1x10000x128xf32, #tpu.memory_space<hbm>> -> memref<10000x128xf32, #tpu.memory_space<hbm>>
          %dma_wait3A_180 = arith.constant 0 : i32
          %dma_wait3A_181 = tpu.memref_slice %dma_wait3A_179[%mul3A_165, %dma_wait3A_180] : memref<10000x128xf32, #tpu.memory_space<hbm>> -> memref<1000x128xf32, #tpu.memory_space<hbm>>
          %dma_wait3A_182 = arith.constant 0 : i32
          %dma_wait3A_183 = tpu.memref_slice %arg12[%mul3A_165, %dma_wait3A_182] : memref<10000x128xf32, #tpu.memory_space<vmem_shared>> -> memref<1000x128xf32, #tpu.memory_space<vmem_shared>>
          tpu.wait_dma2 semaphore(%run_scoped3A_167 : memref<!tpu.dma_semaphore, #tpu.memory_space<semaphore_mem>>) src(%dma_wait3A_183 : memref<1000x128xf32, #tpu.memory_space<vmem_shared>>) dst(%dma_wait3A_181 : memref<1000x128xf32, #tpu.memory_space<hbm>>)
          tpu.yield
        }) : () -> ()
      } else {
      }
      %barrier3A_118 = arith.constant 0 : index
      tpu.barrier barrier_id(%barrier3A_118)
      %lt3A_119 = arith.constant 10 : i32
      %lt3A_120 = arith.cmpi slt, %arg1, %lt3A_119 : i32
      %convert_element_type3A_121 = arith.extui %lt3A_120 : i1 to i32
      %cond3A_122 = arith.constant 0 : i32
      %cond3A_123 = arith.cmpi ne, %convert_element_type3A_121, %cond3A_122 : i32
      scf.if %cond3A_123 {
        %mul3A = arith.constant 1000 : i32
        %mul3A_165 = arith.muli %arg1, %mul3A : i32
        "tpu.region"() ({
          %run_scoped3A_166 = tpu.sem_alloc : memref<!tpu.dma_semaphore, #tpu.memory_space<semaphore_mem>>
          %dma_start3A_167 = arith.constant 0 : i32
          %dma_start3A_168 = tpu.memref_slice %arg12[%mul3A_165, %dma_start3A_167] : memref<10000x128xf32, #tpu.memory_space<vmem_shared>> -> memref<1000x128xf32, #tpu.memory_space<vmem_shared>>
          tpu.enqueue_dma source(%arg5 : memref<1000x128xf32, #tpu.memory_space<hbm>>) target(%dma_start3A_168 : memref<1000x128xf32, #tpu.memory_space<vmem_shared>>) target_semaphore(%run_scoped3A_166 : memref<!tpu.dma_semaphore, #tpu.memory_space<semaphore_mem>>)
          %dma_wait3A_169 = arith.constant 0 : i32
          %dma_wait3A_170 = tpu.memref_slice %arg12[%mul3A_165, %dma_wait3A_169] : memref<10000x128xf32, #tpu.memory_space<vmem_shared>> -> memref<1000x128xf32, #tpu.memory_space<vmem_shared>>
          tpu.wait_dma2 semaphore(%run_scoped3A_166 : memref<!tpu.dma_semaphore, #tpu.memory_space<semaphore_mem>>) src(%arg5 : memref<1000x128xf32, #tpu.memory_space<hbm>>) dst(%dma_wait3A_170 : memref<1000x128xf32, #tpu.memory_space<vmem_shared>>)
          tpu.yield
        }) : () -> ()
      } else {
      }
      %barrier3A_124 = arith.constant 0 : index
      tpu.barrier barrier_id(%barrier3A_124)
      %scan3A_125 = arith.constant 0 : i32
      %scan3A_126 = arith.constant 1 : i32
      %scan3A_127 = arith.constant 0 : i32
      %scan3A_128 = arith.constant 41 : i32
      %scan3A_129 = arith.addi %scan3A_127, %scan3A_128 : i32
      %scan3A_130 = arith.constant 1 : i32
      scf.for %scan3A_165 = %scan3A_127 to %scan3A_129 step %scan3A_130  : i32 {
        %mul3A = arith.constant 3 : i32
        %mul3A_166 = arith.muli %mul3A, %scan3A_165 : i32
        %add3A = arith.constant 0 : i32
        %add3A_167 = arith.addi %mul3A_166, %add3A : i32
        %dma_wait3A_168 = arith.constant 0 : i32
        %dma_wait3A_169 = tpu.memref_slice %arg7[%add3A_167, %dma_wait3A_168] : memref<125x80xi32, #tpu.memory_space<vmem>> -> memref<1x80xi32, #tpu.memory_space<vmem>>
        %dma_wait3A_170 = tpu.memref_squeeze %dma_wait3A_169 : memref<1x80xi32, #tpu.memory_space<vmem>> -> memref<80xi32, #tpu.memory_space<vmem>>
        %dma_wait3A_171 = arith.constant 0 : i32
        %dma_wait3A_172 = arith.constant 0 : i32
        %dma_wait3A_173 = tpu.memref_slice %arg2[%scan3A_126, %dma_wait3A_171, %dma_wait3A_172] : memref<4x10000x128xf32, #tpu.memory_space<hbm>> -> memref<1x10000x128xf32, #tpu.memory_space<hbm>>
        %dma_wait3A_174 = tpu.memref_squeeze %dma_wait3A_173 : memref<1x10000x128xf32, #tpu.memory_space<hbm>> -> memref<10000x128xf32, #tpu.memory_space<hbm>>
        %dma_wait3A_175 = arith.constant 0 : i32
        %dma_wait3A_176 = arith.constant 0 : i32
        %dma_wait3A_177 = tpu.memref_slice %dma_wait3A_174[%dma_wait3A_175, %dma_wait3A_176] : memref<10000x128xf32, #tpu.memory_space<hbm>> -> memref<10000x128xf32, #tpu.memory_space<hbm>>
        tpu.wait_indirect_dma semaphore(%arg13 : memref<!tpu.dma_semaphore, #tpu.memory_space<semaphore_mem>>) src(%dma_wait3A_177 : memref<10000x128xf32, #tpu.memory_space<hbm>>) dst(%arg9 : memref<80x128xf32, #tpu.memory_space<vmem>>)
        "tpu.region"() ({
          %run_scoped3A_223 = tpu.sem_alloc : memref<!tpu.dma_semaphore, #tpu.memory_space<semaphore_mem>>
          %dma_start3A_224 = arith.constant 0 : i32
          %dma_start3A_225 = tpu.memref_slice %arg8[%add3A_167, %dma_start3A_224] : memref<125x80xi32, #tpu.memory_space<vmem>> -> memref<1x80xi32, #tpu.memory_space<vmem>>
          %dma_start3A_226 = tpu.memref_squeeze %dma_start3A_225 : memref<1x80xi32, #tpu.memory_space<vmem>> -> memref<80xi32, #tpu.memory_space<vmem>>
          %dma_start3A_227 = arith.constant 0 : i32
          %dma_start3A_228 = arith.constant 0 : i32
          %dma_start3A_229 = tpu.memref_slice %arg12[%dma_start3A_227, %dma_start3A_228] : memref<10000x128xf32, #tpu.memory_space<vmem_shared>> -> memref<10000x128xf32, #tpu.memory_space<vmem_shared>>
          tpu.enqueue_indirect_dma source(%arg9 : memref<80x128xf32, #tpu.memory_space<vmem>>) target(%dma_start3A_229 : memref<10000x128xf32, #tpu.memory_space<vmem_shared>>) offsets(%dma_start3A_226 : memref<80xi32, #tpu.memory_space<vmem>>) semaphore(%run_scoped3A_223 : memref<!tpu.dma_semaphore, #tpu.memory_space<semaphore_mem>>) {add = true}
          %dma_wait3A_230 = arith.constant 0 : i32
          %dma_wait3A_231 = tpu.memref_slice %arg8[%add3A_167, %dma_wait3A_230] : memref<125x80xi32, #tpu.memory_space<vmem>> -> memref<1x80xi32, #tpu.memory_space<vmem>>
          %dma_wait3A_232 = tpu.memref_squeeze %dma_wait3A_231 : memref<1x80xi32, #tpu.memory_space<vmem>> -> memref<80xi32, #tpu.memory_space<vmem>>
          %dma_wait3A_233 = arith.constant 0 : i32
          %dma_wait3A_234 = arith.constant 0 : i32
          %dma_wait3A_235 = tpu.memref_slice %arg12[%dma_wait3A_233, %dma_wait3A_234] : memref<10000x128xf32, #tpu.memory_space<vmem_shared>> -> memref<10000x128xf32, #tpu.memory_space<vmem_shared>>
          tpu.wait_indirect_dma semaphore(%run_scoped3A_223 : memref<!tpu.dma_semaphore, #tpu.memory_space<semaphore_mem>>) src(%arg9 : memref<80x128xf32, #tpu.memory_space<vmem>>) dst(%dma_wait3A_235 : memref<10000x128xf32, #tpu.memory_space<vmem_shared>>)
          tpu.yield
        }) : () -> ()
        %add3A_178 = arith.constant 3 : i32
        %add3A_179 = arith.addi %add3A_167, %add3A_178 : i32
        %lt3A_180 = arith.constant 125 : i32
        %lt3A_181 = arith.cmpi slt, %add3A_179, %lt3A_180 : i32
        %convert_element_type3A_182 = arith.extui %lt3A_181 : i1 to i32
        %cond3A_183 = arith.constant 0 : i32
        %cond3A_184 = arith.cmpi ne, %convert_element_type3A_182, %cond3A_183 : i32
        scf.if %cond3A_184 {
          %add3A_223 = arith.constant 3 : i32
          %add3A_224 = arith.addi %add3A_167, %add3A_223 : i32
          %dma_start3A_225 = arith.constant 0 : i32
          %dma_start3A_226 = tpu.memref_slice %arg7[%add3A_224, %dma_start3A_225] : memref<125x80xi32, #tpu.memory_space<vmem>> -> memref<1x80xi32, #tpu.memory_space<vmem>>
          %dma_start3A_227 = tpu.memref_squeeze %dma_start3A_226 : memref<1x80xi32, #tpu.memory_space<vmem>> -> memref<80xi32, #tpu.memory_space<vmem>>
          %dma_start3A_228 = arith.constant 0 : i32
          %dma_start3A_229 = arith.constant 0 : i32
          %dma_start3A_230 = tpu.memref_slice %arg2[%scan3A_126, %dma_start3A_228, %dma_start3A_229] : memref<4x10000x128xf32, #tpu.memory_space<hbm>> -> memref<1x10000x128xf32, #tpu.memory_space<hbm>>
          %dma_start3A_231 = tpu.memref_squeeze %dma_start3A_230 : memref<1x10000x128xf32, #tpu.memory_space<hbm>> -> memref<10000x128xf32, #tpu.memory_space<hbm>>
          %dma_start3A_232 = arith.constant 0 : i32
          %dma_start3A_233 = arith.constant 0 : i32
          %dma_start3A_234 = tpu.memref_slice %dma_start3A_231[%dma_start3A_232, %dma_start3A_233] : memref<10000x128xf32, #tpu.memory_space<hbm>> -> memref<10000x128xf32, #tpu.memory_space<hbm>>
          tpu.enqueue_indirect_dma source(%dma_start3A_234 : memref<10000x128xf32, #tpu.memory_space<hbm>>) target(%arg9 : memref<80x128xf32, #tpu.memory_space<vmem>>) offsets(%dma_start3A_227 : memref<80xi32, #tpu.memory_space<vmem>>) semaphore(%arg13 : memref<!tpu.dma_semaphore, #tpu.memory_space<semaphore_mem>>)
        } else {
        }
        %add3A_185 = arith.constant 1 : i32
        %add3A_186 = arith.addi %mul3A_166, %add3A_185 : i32
        %dma_wait3A_187 = arith.constant 0 : i32
        %dma_wait3A_188 = tpu.memref_slice %arg7[%add3A_186, %dma_wait3A_187] : memref<125x80xi32, #tpu.memory_space<vmem>> -> memref<1x80xi32, #tpu.memory_space<vmem>>
        %dma_wait3A_189 = tpu.memref_squeeze %dma_wait3A_188 : memref<1x80xi32, #tpu.memory_space<vmem>> -> memref<80xi32, #tpu.memory_space<vmem>>
        %dma_wait3A_190 = arith.constant 0 : i32
        %dma_wait3A_191 = arith.constant 0 : i32
        %dma_wait3A_192 = tpu.memref_slice %arg2[%scan3A_126, %dma_wait3A_190, %dma_wait3A_191] : memref<4x10000x128xf32, #tpu.memory_space<hbm>> -> memref<1x10000x128xf32, #tpu.memory_space<hbm>>
        %dma_wait3A_193 = tpu.memref_squeeze %dma_wait3A_192 : memref<1x10000x128xf32, #tpu.memory_space<hbm>> -> memref<10000x128xf32, #tpu.memory_space<hbm>>
        %dma_wait3A_194 = arith.constant 0 : i32
        %dma_wait3A_195 = arith.constant 0 : i32
        %dma_wait3A_196 = tpu.memref_slice %dma_wait3A_193[%dma_wait3A_194, %dma_wait3A_195] : memref<10000x128xf32, #tpu.memory_space<hbm>> -> memref<10000x128xf32, #tpu.memory_space<hbm>>
        tpu.wait_indirect_dma semaphore(%arg14 : memref<!tpu.dma_semaphore, #tpu.memory_space<semaphore_mem>>) src(%dma_wait3A_196 : memref<10000x128xf32, #tpu.memory_space<hbm>>) dst(%arg10 : memref<80x128xf32, #tpu.memory_space<vmem>>)
        "tpu.region"() ({
          %run_scoped3A_223 = tpu.sem_alloc : memref<!tpu.dma_semaphore, #tpu.memory_space<semaphore_mem>>
          %dma_start3A_224 = arith.constant 0 : i32
          %dma_start3A_225 = tpu.memref_slice %arg8[%add3A_186, %dma_start3A_224] : memref<125x80xi32, #tpu.memory_space<vmem>> -> memref<1x80xi32, #tpu.memory_space<vmem>>
          %dma_start3A_226 = tpu.memref_squeeze %dma_start3A_225 : memref<1x80xi32, #tpu.memory_space<vmem>> -> memref<80xi32, #tpu.memory_space<vmem>>
          %dma_start3A_227 = arith.constant 0 : i32
          %dma_start3A_228 = arith.constant 0 : i32
          %dma_start3A_229 = tpu.memref_slice %arg12[%dma_start3A_227, %dma_start3A_228] : memref<10000x128xf32, #tpu.memory_space<vmem_shared>> -> memref<10000x128xf32, #tpu.memory_space<vmem_shared>>
          tpu.enqueue_indirect_dma source(%arg10 : memref<80x128xf32, #tpu.memory_space<vmem>>) target(%dma_start3A_229 : memref<10000x128xf32, #tpu.memory_space<vmem_shared>>) offsets(%dma_start3A_226 : memref<80xi32, #tpu.memory_space<vmem>>) semaphore(%run_scoped3A_223 : memref<!tpu.dma_semaphore, #tpu.memory_space<semaphore_mem>>) {add = true}
          %dma_wait3A_230 = arith.constant 0 : i32
          %dma_wait3A_231 = tpu.memref_slice %arg8[%add3A_186, %dma_wait3A_230] : memref<125x80xi32, #tpu.memory_space<vmem>> -> memref<1x80xi32, #tpu.memory_space<vmem>>
          %dma_wait3A_232 = tpu.memref_squeeze %dma_wait3A_231 : memref<1x80xi32, #tpu.memory_space<vmem>> -> memref<80xi32, #tpu.memory_space<vmem>>
          %dma_wait3A_233 = arith.constant 0 : i32
          %dma_wait3A_234 = arith.constant 0 : i32
          %dma_wait3A_235 = tpu.memref_slice %arg12[%dma_wait3A_233, %dma_wait3A_234] : memref<10000x128xf32, #tpu.memory_space<vmem_shared>> -> memref<10000x128xf32, #tpu.memory_space<vmem_shared>>
          tpu.wait_indirect_dma semaphore(%run_scoped3A_223 : memref<!tpu.dma_semaphore, #tpu.memory_space<semaphore_mem>>) src(%arg10 : memref<80x128xf32, #tpu.memory_space<vmem>>) dst(%dma_wait3A_235 : memref<10000x128xf32, #tpu.memory_space<vmem_shared>>)
          tpu.yield
        }) : () -> ()
        %add3A_197 = arith.constant 3 : i32
        %add3A_198 = arith.addi %add3A_186, %add3A_197 : i32
        %lt3A_199 = arith.constant 125 : i32
        %lt3A_200 = arith.cmpi slt, %add3A_198, %lt3A_199 : i32
        %convert_element_type3A_201 = arith.extui %lt3A_200 : i1 to i32
        %cond3A_202 = arith.constant 0 : i32
        %cond3A_203 = arith.cmpi ne, %convert_element_type3A_201, %cond3A_202 : i32
        scf.if %cond3A_203 {
          %add3A_223 = arith.constant 3 : i32
          %add3A_224 = arith.addi %add3A_186, %add3A_223 : i32
          %dma_start3A_225 = arith.constant 0 : i32
          %dma_start3A_226 = tpu.memref_slice %arg7[%add3A_224, %dma_start3A_225] : memref<125x80xi32, #tpu.memory_space<vmem>> -> memref<1x80xi32, #tpu.memory_space<vmem>>
          %dma_start3A_227 = tpu.memref_squeeze %dma_start3A_226 : memref<1x80xi32, #tpu.memory_space<vmem>> -> memref<80xi32, #tpu.memory_space<vmem>>
          %dma_start3A_228 = arith.constant 0 : i32
          %dma_start3A_229 = arith.constant 0 : i32
          %dma_start3A_230 = tpu.memref_slice %arg2[%scan3A_126, %dma_start3A_228, %dma_start3A_229] : memref<4x10000x128xf32, #tpu.memory_space<hbm>> -> memref<1x10000x128xf32, #tpu.memory_space<hbm>>
          %dma_start3A_231 = tpu.memref_squeeze %dma_start3A_230 : memref<1x10000x128xf32, #tpu.memory_space<hbm>> -> memref<10000x128xf32, #tpu.memory_space<hbm>>
          %dma_start3A_232 = arith.constant 0 : i32
          %dma_start3A_233 = arith.constant 0 : i32
          %dma_start3A_234 = tpu.memref_slice %dma_start3A_231[%dma_start3A_232, %dma_start3A_233] : memref<10000x128xf32, #tpu.memory_space<hbm>> -> memref<10000x128xf32, #tpu.memory_space<hbm>>
          tpu.enqueue_indirect_dma source(%dma_start3A_234 : memref<10000x128xf32, #tpu.memory_space<hbm>>) target(%arg10 : memref<80x128xf32, #tpu.memory_space<vmem>>) offsets(%dma_start3A_227 : memref<80xi32, #tpu.memory_space<vmem>>) semaphore(%arg14 : memref<!tpu.dma_semaphore, #tpu.memory_space<semaphore_mem>>)
        } else {
        }
        %add3A_204 = arith.constant 2 : i32
        %add3A_205 = arith.addi %mul3A_166, %add3A_204 : i32
        %dma_wait3A_206 = arith.constant 0 : i32
        %dma_wait3A_207 = tpu.memref_slice %arg7[%add3A_205, %dma_wait3A_206] : memref<125x80xi32, #tpu.memory_space<vmem>> -> memref<1x80xi32, #tpu.memory_space<vmem>>
        %dma_wait3A_208 = tpu.memref_squeeze %dma_wait3A_207 : memref<1x80xi32, #tpu.memory_space<vmem>> -> memref<80xi32, #tpu.memory_space<vmem>>
        %dma_wait3A_209 = arith.constant 0 : i32
        %dma_wait3A_210 = arith.constant 0 : i32
        %dma_wait3A_211 = tpu.memref_slice %arg2[%scan3A_126, %dma_wait3A_209, %dma_wait3A_210] : memref<4x10000x128xf32, #tpu.memory_space<hbm>> -> memref<1x10000x128xf32, #tpu.memory_space<hbm>>
        %dma_wait3A_212 = tpu.memref_squeeze %dma_wait3A_211 : memref<1x10000x128xf32, #tpu.memory_space<hbm>> -> memref<10000x128xf32, #tpu.memory_space<hbm>>
        %dma_wait3A_213 = arith.constant 0 : i32
        %dma_wait3A_214 = arith.constant 0 : i32
        %dma_wait3A_215 = tpu.memref_slice %dma_wait3A_212[%dma_wait3A_213, %dma_wait3A_214] : memref<10000x128xf32, #tpu.memory_space<hbm>> -> memref<10000x128xf32, #tpu.memory_space<hbm>>
        tpu.wait_indirect_dma semaphore(%arg15 : memref<!tpu.dma_semaphore, #tpu.memory_space<semaphore_mem>>) src(%dma_wait3A_215 : memref<10000x128xf32, #tpu.memory_space<hbm>>) dst(%arg11 : memref<80x128xf32, #tpu.memory_space<vmem>>)
        "tpu.region"() ({
          %run_scoped3A_223 = tpu.sem_alloc : memref<!tpu.dma_semaphore, #tpu.memory_space<semaphore_mem>>
          %dma_start3A_224 = arith.constant 0 : i32
          %dma_start3A_225 = tpu.memref_slice %arg8[%add3A_205, %dma_start3A_224] : memref<125x80xi32, #tpu.memory_space<vmem>> -> memref<1x80xi32, #tpu.memory_space<vmem>>
          %dma_start3A_226 = tpu.memref_squeeze %dma_start3A_225 : memref<1x80xi32, #tpu.memory_space<vmem>> -> memref<80xi32, #tpu.memory_space<vmem>>
          %dma_start3A_227 = arith.constant 0 : i32
          %dma_start3A_228 = arith.constant 0 : i32
          %dma_start3A_229 = tpu.memref_slice %arg12[%dma_start3A_227, %dma_start3A_228] : memref<10000x128xf32, #tpu.memory_space<vmem_shared>> -> memref<10000x128xf32, #tpu.memory_space<vmem_shared>>
          tpu.enqueue_indirect_dma source(%arg11 : memref<80x128xf32, #tpu.memory_space<vmem>>) target(%dma_start3A_229 : memref<10000x128xf32, #tpu.memory_space<vmem_shared>>) offsets(%dma_start3A_226 : memref<80xi32, #tpu.memory_space<vmem>>) semaphore(%run_scoped3A_223 : memref<!tpu.dma_semaphore, #tpu.memory_space<semaphore_mem>>) {add = true}
          %dma_wait3A_230 = arith.constant 0 : i32
          %dma_wait3A_231 = tpu.memref_slice %arg8[%add3A_205, %dma_wait3A_230] : memref<125x80xi32, #tpu.memory_space<vmem>> -> memref<1x80xi32, #tpu.memory_space<vmem>>
          %dma_wait3A_232 = tpu.memref_squeeze %dma_wait3A_231 : memref<1x80xi32, #tpu.memory_space<vmem>> -> memref<80xi32, #tpu.memory_space<vmem>>
          %dma_wait3A_233 = arith.constant 0 : i32
          %dma_wait3A_234 = arith.constant 0 : i32
          %dma_wait3A_235 = tpu.memref_slice %arg12[%dma_wait3A_233, %dma_wait3A_234] : memref<10000x128xf32, #tpu.memory_space<vmem_shared>> -> memref<10000x128xf32, #tpu.memory_space<vmem_shared>>
          tpu.wait_indirect_dma semaphore(%run_scoped3A_223 : memref<!tpu.dma_semaphore, #tpu.memory_space<semaphore_mem>>) src(%arg11 : memref<80x128xf32, #tpu.memory_space<vmem>>) dst(%dma_wait3A_235 : memref<10000x128xf32, #tpu.memory_space<vmem_shared>>)
          tpu.yield
        }) : () -> ()
        %add3A_216 = arith.constant 3 : i32
        %add3A_217 = arith.addi %add3A_205, %add3A_216 : i32
        %lt3A_218 = arith.constant 125 : i32
        %lt3A_219 = arith.cmpi slt, %add3A_217, %lt3A_218 : i32
        %convert_element_type3A_220 = arith.extui %lt3A_219 : i1 to i32
        %cond3A_221 = arith.constant 0 : i32
        %cond3A_222 = arith.cmpi ne, %convert_element_type3A_220, %cond3A_221 : i32
        scf.if %cond3A_222 {
          %add3A_223 = arith.constant 3 : i32
          %add3A_224 = arith.addi %add3A_205, %add3A_223 : i32
          %dma_start3A_225 = arith.constant 0 : i32
          %dma_start3A_226 = tpu.memref_slice %arg7[%add3A_224, %dma_start3A_225] : memref<125x80xi32, #tpu.memory_space<vmem>> -> memref<1x80xi32, #tpu.memory_space<vmem>>
          %dma_start3A_227 = tpu.memref_squeeze %dma_start3A_226 : memref<1x80xi32, #tpu.memory_space<vmem>> -> memref<80xi32, #tpu.memory_space<vmem>>
          %dma_start3A_228 = arith.constant 0 : i32
          %dma_start3A_229 = arith.constant 0 : i32
          %dma_start3A_230 = tpu.memref_slice %arg2[%scan3A_126, %dma_start3A_228, %dma_start3A_229] : memref<4x10000x128xf32, #tpu.memory_space<hbm>> -> memref<1x10000x128xf32, #tpu.memory_space<hbm>>
          %dma_start3A_231 = tpu.memref_squeeze %dma_start3A_230 : memref<1x10000x128xf32, #tpu.memory_space<hbm>> -> memref<10000x128xf32, #tpu.memory_space<hbm>>
          %dma_start3A_232 = arith.constant 0 : i32
          %dma_start3A_233 = arith.constant 0 : i32
          %dma_start3A_234 = tpu.memref_slice %dma_start3A_231[%dma_start3A_232, %dma_start3A_233] : memref<10000x128xf32, #tpu.memory_space<hbm>> -> memref<10000x128xf32, #tpu.memory_space<hbm>>
          tpu.enqueue_indirect_dma source(%dma_start3A_234 : memref<10000x128xf32, #tpu.memory_space<hbm>>) target(%arg11 : memref<80x128xf32, #tpu.memory_space<vmem>>) offsets(%dma_start3A_227 : memref<80xi32, #tpu.memory_space<vmem>>) semaphore(%arg15 : memref<!tpu.dma_semaphore, #tpu.memory_space<semaphore_mem>>)
        } else {
        }
      }
      %scan3A_131 = arith.constant 41 : i32
      %dma_wait3A_132 = arith.constant 1 : i32
      %dma_wait3A_133 = arith.constant 123 : i32
      %dma_wait3A_134 = arith.constant 0 : i32
      %dma_wait3A_135 = tpu.memref_slice %arg7[%dma_wait3A_133, %dma_wait3A_134] : memref<125x80xi32, #tpu.memory_space<vmem>> -> memref<1x80xi32, #tpu.memory_space<vmem>>
      %dma_wait3A_136 = tpu.memref_squeeze %dma_wait3A_135 : memref<1x80xi32, #tpu.memory_space<vmem>> -> memref<80xi32, #tpu.memory_space<vmem>>
      %dma_wait3A_137 = arith.constant 0 : i32
      %dma_wait3A_138 = arith.constant 0 : i32
      %dma_wait3A_139 = tpu.memref_slice %arg2[%dma_wait3A_132, %dma_wait3A_137, %dma_wait3A_138] : memref<4x10000x128xf32, #tpu.memory_space<hbm>> -> memref<1x10000x128xf32, #tpu.memory_space<hbm>>
      %dma_wait3A_140 = tpu.memref_squeeze %dma_wait3A_139 : memref<1x10000x128xf32, #tpu.memory_space<hbm>> -> memref<10000x128xf32, #tpu.memory_space<hbm>>
      %dma_wait3A_141 = arith.constant 0 : i32
      %dma_wait3A_142 = arith.constant 0 : i32
      %dma_wait3A_143 = tpu.memref_slice %dma_wait3A_140[%dma_wait3A_141, %dma_wait3A_142] : memref<10000x128xf32, #tpu.memory_space<hbm>> -> memref<10000x128xf32, #tpu.memory_space<hbm>>
      tpu.wait_indirect_dma semaphore(%arg13 : memref<!tpu.dma_semaphore, #tpu.memory_space<semaphore_mem>>) src(%dma_wait3A_143 : memref<10000x128xf32, #tpu.memory_space<hbm>>) dst(%arg9 : memref<80x128xf32, #tpu.memory_space<vmem>>)
      %run_scoped3A_144 = arith.constant 123 : i32
      "tpu.region"() ({
        %run_scoped3A_165 = tpu.sem_alloc : memref<!tpu.dma_semaphore, #tpu.memory_space<semaphore_mem>>
        %dma_start3A_166 = arith.constant 0 : i32
        %dma_start3A_167 = tpu.memref_slice %arg8[%run_scoped3A_144, %dma_start3A_166] : memref<125x80xi32, #tpu.memory_space<vmem>> -> memref<1x80xi32, #tpu.memory_space<vmem>>
        %dma_start3A_168 = tpu.memref_squeeze %dma_start3A_167 : memref<1x80xi32, #tpu.memory_space<vmem>> -> memref<80xi32, #tpu.memory_space<vmem>>
        %dma_start3A_169 = arith.constant 0 : i32
        %dma_start3A_170 = arith.constant 0 : i32
        %dma_start3A_171 = tpu.memref_slice %arg12[%dma_start3A_169, %dma_start3A_170] : memref<10000x128xf32, #tpu.memory_space<vmem_shared>> -> memref<10000x128xf32, #tpu.memory_space<vmem_shared>>
        tpu.enqueue_indirect_dma source(%arg9 : memref<80x128xf32, #tpu.memory_space<vmem>>) target(%dma_start3A_171 : memref<10000x128xf32, #tpu.memory_space<vmem_shared>>) offsets(%dma_start3A_168 : memref<80xi32, #tpu.memory_space<vmem>>) semaphore(%run_scoped3A_165 : memref<!tpu.dma_semaphore, #tpu.memory_space<semaphore_mem>>) {add = true}
        %dma_wait3A_172 = arith.constant 0 : i32
        %dma_wait3A_173 = tpu.memref_slice %arg8[%run_scoped3A_144, %dma_wait3A_172] : memref<125x80xi32, #tpu.memory_space<vmem>> -> memref<1x80xi32, #tpu.memory_space<vmem>>
        %dma_wait3A_174 = tpu.memref_squeeze %dma_wait3A_173 : memref<1x80xi32, #tpu.memory_space<vmem>> -> memref<80xi32, #tpu.memory_space<vmem>>
        %dma_wait3A_175 = arith.constant 0 : i32
        %dma_wait3A_176 = arith.constant 0 : i32
        %dma_wait3A_177 = tpu.memref_slice %arg12[%dma_wait3A_175, %dma_wait3A_176] : memref<10000x128xf32, #tpu.memory_space<vmem_shared>> -> memref<10000x128xf32, #tpu.memory_space<vmem_shared>>
        tpu.wait_indirect_dma semaphore(%run_scoped3A_165 : memref<!tpu.dma_semaphore, #tpu.memory_space<semaphore_mem>>) src(%arg9 : memref<80x128xf32, #tpu.memory_space<vmem>>) dst(%dma_wait3A_177 : memref<10000x128xf32, #tpu.memory_space<vmem_shared>>)
        tpu.yield
      }) : () -> ()
      %dma_wait3A_145 = arith.constant 1 : i32
      %dma_wait3A_146 = arith.constant 124 : i32
      %dma_wait3A_147 = arith.constant 0 : i32
      %dma_wait3A_148 = tpu.memref_slice %arg7[%dma_wait3A_146, %dma_wait3A_147] : memref<125x80xi32, #tpu.memory_space<vmem>> -> memref<1x80xi32, #tpu.memory_space<vmem>>
      %dma_wait3A_149 = tpu.memref_squeeze %dma_wait3A_148 : memref<1x80xi32, #tpu.memory_space<vmem>> -> memref<80xi32, #tpu.memory_space<vmem>>
      %dma_wait3A_150 = arith.constant 0 : i32
      %dma_wait3A_151 = arith.constant 0 : i32
      %dma_wait3A_152 = tpu.memref_slice %arg2[%dma_wait3A_145, %dma_wait3A_150, %dma_wait3A_151] : memref<4x10000x128xf32, #tpu.memory_space<hbm>> -> memref<1x10000x128xf32, #tpu.memory_space<hbm>>
      %dma_wait3A_153 = tpu.memref_squeeze %dma_wait3A_152 : memref<1x10000x128xf32, #tpu.memory_space<hbm>> -> memref<10000x128xf32, #tpu.memory_space<hbm>>
      %dma_wait3A_154 = arith.constant 0 : i32
      %dma_wait3A_155 = arith.constant 0 : i32
      %dma_wait3A_156 = tpu.memref_slice %dma_wait3A_153[%dma_wait3A_154, %dma_wait3A_155] : memref<10000x128xf32, #tpu.memory_space<hbm>> -> memref<10000x128xf32, #tpu.memory_space<hbm>>
      tpu.wait_indirect_dma semaphore(%arg14 : memref<!tpu.dma_semaphore, #tpu.memory_space<semaphore_mem>>) src(%dma_wait3A_156 : memref<10000x128xf32, #tpu.memory_space<hbm>>) dst(%arg10 : memref<80x128xf32, #tpu.memory_space<vmem>>)
      %run_scoped3A_157 = arith.constant 124 : i32
      "tpu.region"() ({
        %run_scoped3A_165 = tpu.sem_alloc : memref<!tpu.dma_semaphore, #tpu.memory_space<semaphore_mem>>
        %dma_start3A_166 = arith.constant 0 : i32
        %dma_start3A_167 = tpu.memref_slice %arg8[%run_scoped3A_157, %dma_start3A_166] : memref<125x80xi32, #tpu.memory_space<vmem>> -> memref<1x80xi32, #tpu.memory_space<vmem>>
        %dma_start3A_168 = tpu.memref_squeeze %dma_start3A_167 : memref<1x80xi32, #tpu.memory_space<vmem>> -> memref<80xi32, #tpu.memory_space<vmem>>
        %dma_start3A_169 = arith.constant 0 : i32
        %dma_start3A_170 = arith.constant 0 : i32
        %dma_start3A_171 = tpu.memref_slice %arg12[%dma_start3A_169, %dma_start3A_170] : memref<10000x128xf32, #tpu.memory_space<vmem_shared>> -> memref<10000x128xf32, #tpu.memory_space<vmem_shared>>
        tpu.enqueue_indirect_dma source(%arg10 : memref<80x128xf32, #tpu.memory_space<vmem>>) target(%dma_start3A_171 : memref<10000x128xf32, #tpu.memory_space<vmem_shared>>) offsets(%dma_start3A_168 : memref<80xi32, #tpu.memory_space<vmem>>) semaphore(%run_scoped3A_165 : memref<!tpu.dma_semaphore, #tpu.memory_space<semaphore_mem>>) {add = true}
        %dma_wait3A_172 = arith.constant 0 : i32
        %dma_wait3A_173 = tpu.memref_slice %arg8[%run_scoped3A_157, %dma_wait3A_172] : memref<125x80xi32, #tpu.memory_space<vmem>> -> memref<1x80xi32, #tpu.memory_space<vmem>>
        %dma_wait3A_174 = tpu.memref_squeeze %dma_wait3A_173 : memref<1x80xi32, #tpu.memory_space<vmem>> -> memref<80xi32, #tpu.memory_space<vmem>>
        %dma_wait3A_175 = arith.constant 0 : i32
        %dma_wait3A_176 = arith.constant 0 : i32
        %dma_wait3A_177 = tpu.memref_slice %arg12[%dma_wait3A_175, %dma_wait3A_176] : memref<10000x128xf32, #tpu.memory_space<vmem_shared>> -> memref<10000x128xf32, #tpu.memory_space<vmem_shared>>
        tpu.wait_indirect_dma semaphore(%run_scoped3A_165 : memref<!tpu.dma_semaphore, #tpu.memory_space<semaphore_mem>>) src(%arg10 : memref<80x128xf32, #tpu.memory_space<vmem>>) dst(%dma_wait3A_177 : memref<10000x128xf32, #tpu.memory_space<vmem_shared>>)
        tpu.yield
      }) : () -> ()
      %barrier3A_158 = arith.constant 0 : index
      tpu.barrier barrier_id(%barrier3A_158)
      %lt3A_159 = arith.constant 10 : i32
      %lt3A_160 = arith.cmpi slt, %arg1, %lt3A_159 : i32
      %convert_element_type3A_161 = arith.extui %lt3A_160 : i1 to i32
      %cond3A_162 = arith.constant 0 : i32
      %cond3A_163 = arith.cmpi ne, %convert_element_type3A_161, %cond3A_162 : i32
      scf.if %cond3A_163 {
        %mul3A = arith.constant 1000 : i32
        %mul3A_165 = arith.muli %arg1, %mul3A : i32
        %run_scoped3A_166 = arith.constant 1 : i32
        "tpu.region"() ({
          %run_scoped3A_167 = tpu.sem_alloc : memref<!tpu.dma_semaphore, #tpu.memory_space<semaphore_mem>>
          %dma_start3A_168 = arith.constant 0 : i32
          %dma_start3A_169 = arith.constant 0 : i32
          %dma_start3A_170 = tpu.memref_slice %arg6[%run_scoped3A_166, %dma_start3A_168, %dma_start3A_169] : memref<4x10000x128xf32, #tpu.memory_space<hbm>> -> memref<1x10000x128xf32, #tpu.memory_space<hbm>>
          %dma_start3A_171 = tpu.memref_squeeze %dma_start3A_170 : memref<1x10000x128xf32, #tpu.memory_space<hbm>> -> memref<10000x128xf32, #tpu.memory_space<hbm>>
          %dma_start3A_172 = arith.constant 0 : i32
          %dma_start3A_173 = tpu.memref_slice %dma_start3A_171[%mul3A_165, %dma_start3A_172] : memref<10000x128xf32, #tpu.memory_space<hbm>> -> memref<1000x128xf32, #tpu.memory_space<hbm>>
          %dma_start3A_174 = arith.constant 0 : i32
          %dma_start3A_175 = tpu.memref_slice %arg12[%mul3A_165, %dma_start3A_174] : memref<10000x128xf32, #tpu.memory_space<vmem_shared>> -> memref<1000x128xf32, #tpu.memory_space<vmem_shared>>
          tpu.enqueue_dma source(%dma_start3A_175 : memref<1000x128xf32, #tpu.memory_space<vmem_shared>>) target(%dma_start3A_173 : memref<1000x128xf32, #tpu.memory_space<hbm>>) target_semaphore(%run_scoped3A_167 : memref<!tpu.dma_semaphore, #tpu.memory_space<semaphore_mem>>)
          %dma_wait3A_176 = arith.constant 0 : i32
          %dma_wait3A_177 = arith.constant 0 : i32
          %dma_wait3A_178 = tpu.memref_slice %arg6[%run_scoped3A_166, %dma_wait3A_176, %dma_wait3A_177] : memref<4x10000x128xf32, #tpu.memory_space<hbm>> -> memref<1x10000x128xf32, #tpu.memory_space<hbm>>
          %dma_wait3A_179 = tpu.memref_squeeze %dma_wait3A_178 : memref<1x10000x128xf32, #tpu.memory_space<hbm>> -> memref<10000x128xf32, #tpu.memory_space<hbm>>
          %dma_wait3A_180 = arith.constant 0 : i32
          %dma_wait3A_181 = tpu.memref_slice %dma_wait3A_179[%mul3A_165, %dma_wait3A_180] : memref<10000x128xf32, #tpu.memory_space<hbm>> -> memref<1000x128xf32, #tpu.memory_space<hbm>>
          %dma_wait3A_182 = arith.constant 0 : i32
          %dma_wait3A_183 = tpu.memref_slice %arg12[%mul3A_165, %dma_wait3A_182] : memref<10000x128xf32, #tpu.memory_space<vmem_shared>> -> memref<1000x128xf32, #tpu.memory_space<vmem_shared>>
          tpu.wait_dma2 semaphore(%run_scoped3A_167 : memref<!tpu.dma_semaphore, #tpu.memory_space<semaphore_mem>>) src(%dma_wait3A_183 : memref<1000x128xf32, #tpu.memory_space<vmem_shared>>) dst(%dma_wait3A_181 : memref<1000x128xf32, #tpu.memory_space<hbm>>)
          tpu.yield
        }) : () -> ()
      } else {
      }
      %barrier3A_164 = arith.constant 0 : index
      tpu.barrier barrier_id(%barrier3A_164)
    } else {
    }
    %eq3A_2 = arith.constant 1 : i32
    %eq3A_3 = arith.cmpi eq, %arg0, %eq3A_2 : i32
    %convert_element_type3A_4 = arith.extui %eq3A_3 : i1 to i32
    %cond3A_5 = arith.constant 0 : i32
    %cond3A_6 = arith.cmpi ne, %convert_element_type3A_4, %cond3A_5 : i32
    scf.if %cond3A_6 {
      %dma_start3A = arith.constant 2 : i32
      %dma_start3A_7 = arith.constant 0 : i32
      %dma_start3A_8 = arith.constant 0 : i32
      %dma_start3A_9 = tpu.memref_slice %arg7[%dma_start3A_7, %dma_start3A_8] : memref<125x80xi32, #tpu.memory_space<vmem>> -> memref<1x80xi32, #tpu.memory_space<vmem>>
      %dma_start3A_10 = tpu.memref_squeeze %dma_start3A_9 : memref<1x80xi32, #tpu.memory_space<vmem>> -> memref<80xi32, #tpu.memory_space<vmem>>
      %dma_start3A_11 = arith.constant 0 : i32
      %dma_start3A_12 = arith.constant 0 : i32
      %dma_start3A_13 = tpu.memref_slice %arg2[%dma_start3A, %dma_start3A_11, %dma_start3A_12] : memref<4x10000x128xf32, #tpu.memory_space<hbm>> -> memref<1x10000x128xf32, #tpu.memory_space<hbm>>
      %dma_start3A_14 = tpu.memref_squeeze %dma_start3A_13 : memref<1x10000x128xf32, #tpu.memory_space<hbm>> -> memref<10000x128xf32, #tpu.memory_space<hbm>>
      %dma_start3A_15 = arith.constant 0 : i32
      %dma_start3A_16 = arith.constant 0 : i32
      %dma_start3A_17 = tpu.memref_slice %dma_start3A_14[%dma_start3A_15, %dma_start3A_16] : memref<10000x128xf32, #tpu.memory_space<hbm>> -> memref<10000x128xf32, #tpu.memory_space<hbm>>
      tpu.enqueue_indirect_dma source(%dma_start3A_17 : memref<10000x128xf32, #tpu.memory_space<hbm>>) target(%arg9 : memref<80x128xf32, #tpu.memory_space<vmem>>) offsets(%dma_start3A_10 : memref<80xi32, #tpu.memory_space<vmem>>) semaphore(%arg13 : memref<!tpu.dma_semaphore, #tpu.memory_space<semaphore_mem>>)
      %dma_start3A_18 = arith.constant 2 : i32
      %dma_start3A_19 = arith.constant 1 : i32
      %dma_start3A_20 = arith.constant 0 : i32
      %dma_start3A_21 = tpu.memref_slice %arg7[%dma_start3A_19, %dma_start3A_20] : memref<125x80xi32, #tpu.memory_space<vmem>> -> memref<1x80xi32, #tpu.memory_space<vmem>>
      %dma_start3A_22 = tpu.memref_squeeze %dma_start3A_21 : memref<1x80xi32, #tpu.memory_space<vmem>> -> memref<80xi32, #tpu.memory_space<vmem>>
      %dma_start3A_23 = arith.constant 0 : i32
      %dma_start3A_24 = arith.constant 0 : i32
      %dma_start3A_25 = tpu.memref_slice %arg2[%dma_start3A_18, %dma_start3A_23, %dma_start3A_24] : memref<4x10000x128xf32, #tpu.memory_space<hbm>> -> memref<1x10000x128xf32, #tpu.memory_space<hbm>>
      %dma_start3A_26 = tpu.memref_squeeze %dma_start3A_25 : memref<1x10000x128xf32, #tpu.memory_space<hbm>> -> memref<10000x128xf32, #tpu.memory_space<hbm>>
      %dma_start3A_27 = arith.constant 0 : i32
      %dma_start3A_28 = arith.constant 0 : i32
      %dma_start3A_29 = tpu.memref_slice %dma_start3A_26[%dma_start3A_27, %dma_start3A_28] : memref<10000x128xf32, #tpu.memory_space<hbm>> -> memref<10000x128xf32, #tpu.memory_space<hbm>>
      tpu.enqueue_indirect_dma source(%dma_start3A_29 : memref<10000x128xf32, #tpu.memory_space<hbm>>) target(%arg10 : memref<80x128xf32, #tpu.memory_space<vmem>>) offsets(%dma_start3A_22 : memref<80xi32, #tpu.memory_space<vmem>>) semaphore(%arg14 : memref<!tpu.dma_semaphore, #tpu.memory_space<semaphore_mem>>)
      %dma_start3A_30 = arith.constant 2 : i32
      %dma_start3A_31 = arith.constant 2 : i32
      %dma_start3A_32 = arith.constant 0 : i32
      %dma_start3A_33 = tpu.memref_slice %arg7[%dma_start3A_31, %dma_start3A_32] : memref<125x80xi32, #tpu.memory_space<vmem>> -> memref<1x80xi32, #tpu.memory_space<vmem>>
      %dma_start3A_34 = tpu.memref_squeeze %dma_start3A_33 : memref<1x80xi32, #tpu.memory_space<vmem>> -> memref<80xi32, #tpu.memory_space<vmem>>
      %dma_start3A_35 = arith.constant 0 : i32
      %dma_start3A_36 = arith.constant 0 : i32
      %dma_start3A_37 = tpu.memref_slice %arg2[%dma_start3A_30, %dma_start3A_35, %dma_start3A_36] : memref<4x10000x128xf32, #tpu.memory_space<hbm>> -> memref<1x10000x128xf32, #tpu.memory_space<hbm>>
      %dma_start3A_38 = tpu.memref_squeeze %dma_start3A_37 : memref<1x10000x128xf32, #tpu.memory_space<hbm>> -> memref<10000x128xf32, #tpu.memory_space<hbm>>
      %dma_start3A_39 = arith.constant 0 : i32
      %dma_start3A_40 = arith.constant 0 : i32
      %dma_start3A_41 = tpu.memref_slice %dma_start3A_38[%dma_start3A_39, %dma_start3A_40] : memref<10000x128xf32, #tpu.memory_space<hbm>> -> memref<10000x128xf32, #tpu.memory_space<hbm>>
      tpu.enqueue_indirect_dma source(%dma_start3A_41 : memref<10000x128xf32, #tpu.memory_space<hbm>>) target(%arg11 : memref<80x128xf32, #tpu.memory_space<vmem>>) offsets(%dma_start3A_34 : memref<80xi32, #tpu.memory_space<vmem>>) semaphore(%arg15 : memref<!tpu.dma_semaphore, #tpu.memory_space<semaphore_mem>>)
      %lt3A = arith.constant 10 : i32
      %lt3A_42 = arith.cmpi slt, %arg1, %lt3A : i32
      %convert_element_type3A_43 = arith.extui %lt3A_42 : i1 to i32
      %cond3A_44 = arith.constant 0 : i32
      %cond3A_45 = arith.cmpi ne, %convert_element_type3A_43, %cond3A_44 : i32
      scf.if %cond3A_45 {
        %mul3A = arith.constant 1000 : i32
        %mul3A_165 = arith.muli %arg1, %mul3A : i32
        "tpu.region"() ({
          %run_scoped3A_166 = tpu.sem_alloc : memref<!tpu.dma_semaphore, #tpu.memory_space<semaphore_mem>>
          %dma_start3A_167 = arith.constant 0 : i32
          %dma_start3A_168 = tpu.memref_slice %arg12[%mul3A_165, %dma_start3A_167] : memref<10000x128xf32, #tpu.memory_space<vmem_shared>> -> memref<1000x128xf32, #tpu.memory_space<vmem_shared>>
          tpu.enqueue_dma source(%arg5 : memref<1000x128xf32, #tpu.memory_space<hbm>>) target(%dma_start3A_168 : memref<1000x128xf32, #tpu.memory_space<vmem_shared>>) target_semaphore(%run_scoped3A_166 : memref<!tpu.dma_semaphore, #tpu.memory_space<semaphore_mem>>)
          %dma_wait3A_169 = arith.constant 0 : i32
          %dma_wait3A_170 = tpu.memref_slice %arg12[%mul3A_165, %dma_wait3A_169] : memref<10000x128xf32, #tpu.memory_space<vmem_shared>> -> memref<1000x128xf32, #tpu.memory_space<vmem_shared>>
          tpu.wait_dma2 semaphore(%run_scoped3A_166 : memref<!tpu.dma_semaphore, #tpu.memory_space<semaphore_mem>>) src(%arg5 : memref<1000x128xf32, #tpu.memory_space<hbm>>) dst(%dma_wait3A_170 : memref<1000x128xf32, #tpu.memory_space<vmem_shared>>)
          tpu.yield
        }) : () -> ()
      } else {
      }
      %barrier3A = arith.constant 0 : index
      tpu.barrier barrier_id(%barrier3A)
      %scan3A = arith.constant 0 : i32
      %scan3A_46 = arith.constant 2 : i32
      %scan3A_47 = arith.constant 0 : i32
      %scan3A_48 = arith.constant 41 : i32
      %scan3A_49 = arith.addi %scan3A_47, %scan3A_48 : i32
      %scan3A_50 = arith.constant 1 : i32
      scf.for %scan3A_165 = %scan3A_47 to %scan3A_49 step %scan3A_50  : i32 {
        %mul3A = arith.constant 3 : i32
        %mul3A_166 = arith.muli %mul3A, %scan3A_165 : i32
        %add3A = arith.constant 0 : i32
        %add3A_167 = arith.addi %mul3A_166, %add3A : i32
        %dma_wait3A_168 = arith.constant 0 : i32
        %dma_wait3A_169 = tpu.memref_slice %arg7[%add3A_167, %dma_wait3A_168] : memref<125x80xi32, #tpu.memory_space<vmem>> -> memref<1x80xi32, #tpu.memory_space<vmem>>
        %dma_wait3A_170 = tpu.memref_squeeze %dma_wait3A_169 : memref<1x80xi32, #tpu.memory_space<vmem>> -> memref<80xi32, #tpu.memory_space<vmem>>
        %dma_wait3A_171 = arith.constant 0 : i32
        %dma_wait3A_172 = arith.constant 0 : i32
        %dma_wait3A_173 = tpu.memref_slice %arg2[%scan3A_46, %dma_wait3A_171, %dma_wait3A_172] : memref<4x10000x128xf32, #tpu.memory_space<hbm>> -> memref<1x10000x128xf32, #tpu.memory_space<hbm>>
        %dma_wait3A_174 = tpu.memref_squeeze %dma_wait3A_173 : memref<1x10000x128xf32, #tpu.memory_space<hbm>> -> memref<10000x128xf32, #tpu.memory_space<hbm>>
        %dma_wait3A_175 = arith.constant 0 : i32
        %dma_wait3A_176 = arith.constant 0 : i32
        %dma_wait3A_177 = tpu.memref_slice %dma_wait3A_174[%dma_wait3A_175, %dma_wait3A_176] : memref<10000x128xf32, #tpu.memory_space<hbm>> -> memref<10000x128xf32, #tpu.memory_space<hbm>>
        tpu.wait_indirect_dma semaphore(%arg13 : memref<!tpu.dma_semaphore, #tpu.memory_space<semaphore_mem>>) src(%dma_wait3A_177 : memref<10000x128xf32, #tpu.memory_space<hbm>>) dst(%arg9 : memref<80x128xf32, #tpu.memory_space<vmem>>)
        "tpu.region"() ({
          %run_scoped3A_223 = tpu.sem_alloc : memref<!tpu.dma_semaphore, #tpu.memory_space<semaphore_mem>>
          %dma_start3A_224 = arith.constant 0 : i32
          %dma_start3A_225 = tpu.memref_slice %arg8[%add3A_167, %dma_start3A_224] : memref<125x80xi32, #tpu.memory_space<vmem>> -> memref<1x80xi32, #tpu.memory_space<vmem>>
          %dma_start3A_226 = tpu.memref_squeeze %dma_start3A_225 : memref<1x80xi32, #tpu.memory_space<vmem>> -> memref<80xi32, #tpu.memory_space<vmem>>
          %dma_start3A_227 = arith.constant 0 : i32
          %dma_start3A_228 = arith.constant 0 : i32
          %dma_start3A_229 = tpu.memref_slice %arg12[%dma_start3A_227, %dma_start3A_228] : memref<10000x128xf32, #tpu.memory_space<vmem_shared>> -> memref<10000x128xf32, #tpu.memory_space<vmem_shared>>
          tpu.enqueue_indirect_dma source(%arg9 : memref<80x128xf32, #tpu.memory_space<vmem>>) target(%dma_start3A_229 : memref<10000x128xf32, #tpu.memory_space<vmem_shared>>) offsets(%dma_start3A_226 : memref<80xi32, #tpu.memory_space<vmem>>) semaphore(%run_scoped3A_223 : memref<!tpu.dma_semaphore, #tpu.memory_space<semaphore_mem>>) {add = true}
          %dma_wait3A_230 = arith.constant 0 : i32
          %dma_wait3A_231 = tpu.memref_slice %arg8[%add3A_167, %dma_wait3A_230] : memref<125x80xi32, #tpu.memory_space<vmem>> -> memref<1x80xi32, #tpu.memory_space<vmem>>
          %dma_wait3A_232 = tpu.memref_squeeze %dma_wait3A_231 : memref<1x80xi32, #tpu.memory_space<vmem>> -> memref<80xi32, #tpu.memory_space<vmem>>
          %dma_wait3A_233 = arith.constant 0 : i32
          %dma_wait3A_234 = arith.constant 0 : i32
          %dma_wait3A_235 = tpu.memref_slice %arg12[%dma_wait3A_233, %dma_wait3A_234] : memref<10000x128xf32, #tpu.memory_space<vmem_shared>> -> memref<10000x128xf32, #tpu.memory_space<vmem_shared>>
          tpu.wait_indirect_dma semaphore(%run_scoped3A_223 : memref<!tpu.dma_semaphore, #tpu.memory_space<semaphore_mem>>) src(%arg9 : memref<80x128xf32, #tpu.memory_space<vmem>>) dst(%dma_wait3A_235 : memref<10000x128xf32, #tpu.memory_space<vmem_shared>>)
          tpu.yield
        }) : () -> ()
        %add3A_178 = arith.constant 3 : i32
        %add3A_179 = arith.addi %add3A_167, %add3A_178 : i32
        %lt3A_180 = arith.constant 125 : i32
        %lt3A_181 = arith.cmpi slt, %add3A_179, %lt3A_180 : i32
        %convert_element_type3A_182 = arith.extui %lt3A_181 : i1 to i32
        %cond3A_183 = arith.constant 0 : i32
        %cond3A_184 = arith.cmpi ne, %convert_element_type3A_182, %cond3A_183 : i32
        scf.if %cond3A_184 {
          %add3A_223 = arith.constant 3 : i32
          %add3A_224 = arith.addi %add3A_167, %add3A_223 : i32
          %dma_start3A_225 = arith.constant 0 : i32
          %dma_start3A_226 = tpu.memref_slice %arg7[%add3A_224, %dma_start3A_225] : memref<125x80xi32, #tpu.memory_space<vmem>> -> memref<1x80xi32, #tpu.memory_space<vmem>>
          %dma_start3A_227 = tpu.memref_squeeze %dma_start3A_226 : memref<1x80xi32, #tpu.memory_space<vmem>> -> memref<80xi32, #tpu.memory_space<vmem>>
          %dma_start3A_228 = arith.constant 0 : i32
          %dma_start3A_229 = arith.constant 0 : i32
          %dma_start3A_230 = tpu.memref_slice %arg2[%scan3A_46, %dma_start3A_228, %dma_start3A_229] : memref<4x10000x128xf32, #tpu.memory_space<hbm>> -> memref<1x10000x128xf32, #tpu.memory_space<hbm>>
          %dma_start3A_231 = tpu.memref_squeeze %dma_start3A_230 : memref<1x10000x128xf32, #tpu.memory_space<hbm>> -> memref<10000x128xf32, #tpu.memory_space<hbm>>
          %dma_start3A_232 = arith.constant 0 : i32
          %dma_start3A_233 = arith.constant 0 : i32
          %dma_start3A_234 = tpu.memref_slice %dma_start3A_231[%dma_start3A_232, %dma_start3A_233] : memref<10000x128xf32, #tpu.memory_space<hbm>> -> memref<10000x128xf32, #tpu.memory_space<hbm>>
          tpu.enqueue_indirect_dma source(%dma_start3A_234 : memref<10000x128xf32, #tpu.memory_space<hbm>>) target(%arg9 : memref<80x128xf32, #tpu.memory_space<vmem>>) offsets(%dma_start3A_227 : memref<80xi32, #tpu.memory_space<vmem>>) semaphore(%arg13 : memref<!tpu.dma_semaphore, #tpu.memory_space<semaphore_mem>>)
        } else {
        }
        %add3A_185 = arith.constant 1 : i32
        %add3A_186 = arith.addi %mul3A_166, %add3A_185 : i32
        %dma_wait3A_187 = arith.constant 0 : i32
        %dma_wait3A_188 = tpu.memref_slice %arg7[%add3A_186, %dma_wait3A_187] : memref<125x80xi32, #tpu.memory_space<vmem>> -> memref<1x80xi32, #tpu.memory_space<vmem>>
        %dma_wait3A_189 = tpu.memref_squeeze %dma_wait3A_188 : memref<1x80xi32, #tpu.memory_space<vmem>> -> memref<80xi32, #tpu.memory_space<vmem>>
        %dma_wait3A_190 = arith.constant 0 : i32
        %dma_wait3A_191 = arith.constant 0 : i32
        %dma_wait3A_192 = tpu.memref_slice %arg2[%scan3A_46, %dma_wait3A_190, %dma_wait3A_191] : memref<4x10000x128xf32, #tpu.memory_space<hbm>> -> memref<1x10000x128xf32, #tpu.memory_space<hbm>>
        %dma_wait3A_193 = tpu.memref_squeeze %dma_wait3A_192 : memref<1x10000x128xf32, #tpu.memory_space<hbm>> -> memref<10000x128xf32, #tpu.memory_space<hbm>>
        %dma_wait3A_194 = arith.constant 0 : i32
        %dma_wait3A_195 = arith.constant 0 : i32
        %dma_wait3A_196 = tpu.memref_slice %dma_wait3A_193[%dma_wait3A_194, %dma_wait3A_195] : memref<10000x128xf32, #tpu.memory_space<hbm>> -> memref<10000x128xf32, #tpu.memory_space<hbm>>
        tpu.wait_indirect_dma semaphore(%arg14 : memref<!tpu.dma_semaphore, #tpu.memory_space<semaphore_mem>>) src(%dma_wait3A_196 : memref<10000x128xf32, #tpu.memory_space<hbm>>) dst(%arg10 : memref<80x128xf32, #tpu.memory_space<vmem>>)
        "tpu.region"() ({
          %run_scoped3A_223 = tpu.sem_alloc : memref<!tpu.dma_semaphore, #tpu.memory_space<semaphore_mem>>
          %dma_start3A_224 = arith.constant 0 : i32
          %dma_start3A_225 = tpu.memref_slice %arg8[%add3A_186, %dma_start3A_224] : memref<125x80xi32, #tpu.memory_space<vmem>> -> memref<1x80xi32, #tpu.memory_space<vmem>>
          %dma_start3A_226 = tpu.memref_squeeze %dma_start3A_225 : memref<1x80xi32, #tpu.memory_space<vmem>> -> memref<80xi32, #tpu.memory_space<vmem>>
          %dma_start3A_227 = arith.constant 0 : i32
          %dma_start3A_228 = arith.constant 0 : i32
          %dma_start3A_229 = tpu.memref_slice %arg12[%dma_start3A_227, %dma_start3A_228] : memref<10000x128xf32, #tpu.memory_space<vmem_shared>> -> memref<10000x128xf32, #tpu.memory_space<vmem_shared>>
          tpu.enqueue_indirect_dma source(%arg10 : memref<80x128xf32, #tpu.memory_space<vmem>>) target(%dma_start3A_229 : memref<10000x128xf32, #tpu.memory_space<vmem_shared>>) offsets(%dma_start3A_226 : memref<80xi32, #tpu.memory_space<vmem>>) semaphore(%run_scoped3A_223 : memref<!tpu.dma_semaphore, #tpu.memory_space<semaphore_mem>>) {add = true}
          %dma_wait3A_230 = arith.constant 0 : i32
          %dma_wait3A_231 = tpu.memref_slice %arg8[%add3A_186, %dma_wait3A_230] : memref<125x80xi32, #tpu.memory_space<vmem>> -> memref<1x80xi32, #tpu.memory_space<vmem>>
          %dma_wait3A_232 = tpu.memref_squeeze %dma_wait3A_231 : memref<1x80xi32, #tpu.memory_space<vmem>> -> memref<80xi32, #tpu.memory_space<vmem>>
          %dma_wait3A_233 = arith.constant 0 : i32
          %dma_wait3A_234 = arith.constant 0 : i32
          %dma_wait3A_235 = tpu.memref_slice %arg12[%dma_wait3A_233, %dma_wait3A_234] : memref<10000x128xf32, #tpu.memory_space<vmem_shared>> -> memref<10000x128xf32, #tpu.memory_space<vmem_shared>>
          tpu.wait_indirect_dma semaphore(%run_scoped3A_223 : memref<!tpu.dma_semaphore, #tpu.memory_space<semaphore_mem>>) src(%arg10 : memref<80x128xf32, #tpu.memory_space<vmem>>) dst(%dma_wait3A_235 : memref<10000x128xf32, #tpu.memory_space<vmem_shared>>)
          tpu.yield
        }) : () -> ()
        %add3A_197 = arith.constant 3 : i32
        %add3A_198 = arith.addi %add3A_186, %add3A_197 : i32
        %lt3A_199 = arith.constant 125 : i32
        %lt3A_200 = arith.cmpi slt, %add3A_198, %lt3A_199 : i32
        %convert_element_type3A_201 = arith.extui %lt3A_200 : i1 to i32
        %cond3A_202 = arith.constant 0 : i32
        %cond3A_203 = arith.cmpi ne, %convert_element_type3A_201, %cond3A_202 : i32
        scf.if %cond3A_203 {
          %add3A_223 = arith.constant 3 : i32
          %add3A_224 = arith.addi %add3A_186, %add3A_223 : i32
          %dma_start3A_225 = arith.constant 0 : i32
          %dma_start3A_226 = tpu.memref_slice %arg7[%add3A_224, %dma_start3A_225] : memref<125x80xi32, #tpu.memory_space<vmem>> -> memref<1x80xi32, #tpu.memory_space<vmem>>
          %dma_start3A_227 = tpu.memref_squeeze %dma_start3A_226 : memref<1x80xi32, #tpu.memory_space<vmem>> -> memref<80xi32, #tpu.memory_space<vmem>>
          %dma_start3A_228 = arith.constant 0 : i32
          %dma_start3A_229 = arith.constant 0 : i32
          %dma_start3A_230 = tpu.memref_slice %arg2[%scan3A_46, %dma_start3A_228, %dma_start3A_229] : memref<4x10000x128xf32, #tpu.memory_space<hbm>> -> memref<1x10000x128xf32, #tpu.memory_space<hbm>>
          %dma_start3A_231 = tpu.memref_squeeze %dma_start3A_230 : memref<1x10000x128xf32, #tpu.memory_space<hbm>> -> memref<10000x128xf32, #tpu.memory_space<hbm>>
          %dma_start3A_232 = arith.constant 0 : i32
          %dma_start3A_233 = arith.constant 0 : i32
          %dma_start3A_234 = tpu.memref_slice %dma_start3A_231[%dma_start3A_232, %dma_start3A_233] : memref<10000x128xf32, #tpu.memory_space<hbm>> -> memref<10000x128xf32, #tpu.memory_space<hbm>>
          tpu.enqueue_indirect_dma source(%dma_start3A_234 : memref<10000x128xf32, #tpu.memory_space<hbm>>) target(%arg10 : memref<80x128xf32, #tpu.memory_space<vmem>>) offsets(%dma_start3A_227 : memref<80xi32, #tpu.memory_space<vmem>>) semaphore(%arg14 : memref<!tpu.dma_semaphore, #tpu.memory_space<semaphore_mem>>)
        } else {
        }
        %add3A_204 = arith.constant 2 : i32
        %add3A_205 = arith.addi %mul3A_166, %add3A_204 : i32
        %dma_wait3A_206 = arith.constant 0 : i32
        %dma_wait3A_207 = tpu.memref_slice %arg7[%add3A_205, %dma_wait3A_206] : memref<125x80xi32, #tpu.memory_space<vmem>> -> memref<1x80xi32, #tpu.memory_space<vmem>>
        %dma_wait3A_208 = tpu.memref_squeeze %dma_wait3A_207 : memref<1x80xi32, #tpu.memory_space<vmem>> -> memref<80xi32, #tpu.memory_space<vmem>>
        %dma_wait3A_209 = arith.constant 0 : i32
        %dma_wait3A_210 = arith.constant 0 : i32
        %dma_wait3A_211 = tpu.memref_slice %arg2[%scan3A_46, %dma_wait3A_209, %dma_wait3A_210] : memref<4x10000x128xf32, #tpu.memory_space<hbm>> -> memref<1x10000x128xf32, #tpu.memory_space<hbm>>
        %dma_wait3A_212 = tpu.memref_squeeze %dma_wait3A_211 : memref<1x10000x128xf32, #tpu.memory_space<hbm>> -> memref<10000x128xf32, #tpu.memory_space<hbm>>
        %dma_wait3A_213 = arith.constant 0 : i32
        %dma_wait3A_214 = arith.constant 0 : i32
        %dma_wait3A_215 = tpu.memref_slice %dma_wait3A_212[%dma_wait3A_213, %dma_wait3A_214] : memref<10000x128xf32, #tpu.memory_space<hbm>> -> memref<10000x128xf32, #tpu.memory_space<hbm>>
        tpu.wait_indirect_dma semaphore(%arg15 : memref<!tpu.dma_semaphore, #tpu.memory_space<semaphore_mem>>) src(%dma_wait3A_215 : memref<10000x128xf32, #tpu.memory_space<hbm>>) dst(%arg11 : memref<80x128xf32, #tpu.memory_space<vmem>>)
        "tpu.region"() ({
          %run_scoped3A_223 = tpu.sem_alloc : memref<!tpu.dma_semaphore, #tpu.memory_space<semaphore_mem>>
          %dma_start3A_224 = arith.constant 0 : i32
          %dma_start3A_225 = tpu.memref_slice %arg8[%add3A_205, %dma_start3A_224] : memref<125x80xi32, #tpu.memory_space<vmem>> -> memref<1x80xi32, #tpu.memory_space<vmem>>
          %dma_start3A_226 = tpu.memref_squeeze %dma_start3A_225 : memref<1x80xi32, #tpu.memory_space<vmem>> -> memref<80xi32, #tpu.memory_space<vmem>>
          %dma_start3A_227 = arith.constant 0 : i32
          %dma_start3A_228 = arith.constant 0 : i32
          %dma_start3A_229 = tpu.memref_slice %arg12[%dma_start3A_227, %dma_start3A_228] : memref<10000x128xf32, #tpu.memory_space<vmem_shared>> -> memref<10000x128xf32, #tpu.memory_space<vmem_shared>>
          tpu.enqueue_indirect_dma source(%arg11 : memref<80x128xf32, #tpu.memory_space<vmem>>) target(%dma_start3A_229 : memref<10000x128xf32, #tpu.memory_space<vmem_shared>>) offsets(%dma_start3A_226 : memref<80xi32, #tpu.memory_space<vmem>>) semaphore(%run_scoped3A_223 : memref<!tpu.dma_semaphore, #tpu.memory_space<semaphore_mem>>) {add = true}
          %dma_wait3A_230 = arith.constant 0 : i32
          %dma_wait3A_231 = tpu.memref_slice %arg8[%add3A_205, %dma_wait3A_230] : memref<125x80xi32, #tpu.memory_space<vmem>> -> memref<1x80xi32, #tpu.memory_space<vmem>>
          %dma_wait3A_232 = tpu.memref_squeeze %dma_wait3A_231 : memref<1x80xi32, #tpu.memory_space<vmem>> -> memref<80xi32, #tpu.memory_space<vmem>>
          %dma_wait3A_233 = arith.constant 0 : i32
          %dma_wait3A_234 = arith.constant 0 : i32
          %dma_wait3A_235 = tpu.memref_slice %arg12[%dma_wait3A_233, %dma_wait3A_234] : memref<10000x128xf32, #tpu.memory_space<vmem_shared>> -> memref<10000x128xf32, #tpu.memory_space<vmem_shared>>
          tpu.wait_indirect_dma semaphore(%run_scoped3A_223 : memref<!tpu.dma_semaphore, #tpu.memory_space<semaphore_mem>>) src(%arg11 : memref<80x128xf32, #tpu.memory_space<vmem>>) dst(%dma_wait3A_235 : memref<10000x128xf32, #tpu.memory_space<vmem_shared>>)
          tpu.yield
        }) : () -> ()
        %add3A_216 = arith.constant 3 : i32
        %add3A_217 = arith.addi %add3A_205, %add3A_216 : i32
        %lt3A_218 = arith.constant 125 : i32
        %lt3A_219 = arith.cmpi slt, %add3A_217, %lt3A_218 : i32
        %convert_element_type3A_220 = arith.extui %lt3A_219 : i1 to i32
        %cond3A_221 = arith.constant 0 : i32
        %cond3A_222 = arith.cmpi ne, %convert_element_type3A_220, %cond3A_221 : i32
        scf.if %cond3A_222 {
          %add3A_223 = arith.constant 3 : i32
          %add3A_224 = arith.addi %add3A_205, %add3A_223 : i32
          %dma_start3A_225 = arith.constant 0 : i32
          %dma_start3A_226 = tpu.memref_slice %arg7[%add3A_224, %dma_start3A_225] : memref<125x80xi32, #tpu.memory_space<vmem>> -> memref<1x80xi32, #tpu.memory_space<vmem>>
          %dma_start3A_227 = tpu.memref_squeeze %dma_start3A_226 : memref<1x80xi32, #tpu.memory_space<vmem>> -> memref<80xi32, #tpu.memory_space<vmem>>
          %dma_start3A_228 = arith.constant 0 : i32
          %dma_start3A_229 = arith.constant 0 : i32
          %dma_start3A_230 = tpu.memref_slice %arg2[%scan3A_46, %dma_start3A_228, %dma_start3A_229] : memref<4x10000x128xf32, #tpu.memory_space<hbm>> -> memref<1x10000x128xf32, #tpu.memory_space<hbm>>
          %dma_start3A_231 = tpu.memref_squeeze %dma_start3A_230 : memref<1x10000x128xf32, #tpu.memory_space<hbm>> -> memref<10000x128xf32, #tpu.memory_space<hbm>>
          %dma_start3A_232 = arith.constant 0 : i32
          %dma_start3A_233 = arith.constant 0 : i32
          %dma_start3A_234 = tpu.memref_slice %dma_start3A_231[%dma_start3A_232, %dma_start3A_233] : memref<10000x128xf32, #tpu.memory_space<hbm>> -> memref<10000x128xf32, #tpu.memory_space<hbm>>
          tpu.enqueue_indirect_dma source(%dma_start3A_234 : memref<10000x128xf32, #tpu.memory_space<hbm>>) target(%arg11 : memref<80x128xf32, #tpu.memory_space<vmem>>) offsets(%dma_start3A_227 : memref<80xi32, #tpu.memory_space<vmem>>) semaphore(%arg15 : memref<!tpu.dma_semaphore, #tpu.memory_space<semaphore_mem>>)
        } else {
        }
      }
      %scan3A_51 = arith.constant 41 : i32
      %dma_wait3A = arith.constant 2 : i32
      %dma_wait3A_52 = arith.constant 123 : i32
      %dma_wait3A_53 = arith.constant 0 : i32
      %dma_wait3A_54 = tpu.memref_slice %arg7[%dma_wait3A_52, %dma_wait3A_53] : memref<125x80xi32, #tpu.memory_space<vmem>> -> memref<1x80xi32, #tpu.memory_space<vmem>>
      %dma_wait3A_55 = tpu.memref_squeeze %dma_wait3A_54 : memref<1x80xi32, #tpu.memory_space<vmem>> -> memref<80xi32, #tpu.memory_space<vmem>>
      %dma_wait3A_56 = arith.constant 0 : i32
      %dma_wait3A_57 = arith.constant 0 : i32
      %dma_wait3A_58 = tpu.memref_slice %arg2[%dma_wait3A, %dma_wait3A_56, %dma_wait3A_57] : memref<4x10000x128xf32, #tpu.memory_space<hbm>> -> memref<1x10000x128xf32, #tpu.memory_space<hbm>>
      %dma_wait3A_59 = tpu.memref_squeeze %dma_wait3A_58 : memref<1x10000x128xf32, #tpu.memory_space<hbm>> -> memref<10000x128xf32, #tpu.memory_space<hbm>>
      %dma_wait3A_60 = arith.constant 0 : i32
      %dma_wait3A_61 = arith.constant 0 : i32
      %dma_wait3A_62 = tpu.memref_slice %dma_wait3A_59[%dma_wait3A_60, %dma_wait3A_61] : memref<10000x128xf32, #tpu.memory_space<hbm>> -> memref<10000x128xf32, #tpu.memory_space<hbm>>
      tpu.wait_indirect_dma semaphore(%arg13 : memref<!tpu.dma_semaphore, #tpu.memory_space<semaphore_mem>>) src(%dma_wait3A_62 : memref<10000x128xf32, #tpu.memory_space<hbm>>) dst(%arg9 : memref<80x128xf32, #tpu.memory_space<vmem>>)
      %run_scoped3A = arith.constant 123 : i32
      "tpu.region"() ({
        %run_scoped3A_165 = tpu.sem_alloc : memref<!tpu.dma_semaphore, #tpu.memory_space<semaphore_mem>>
        %dma_start3A_166 = arith.constant 0 : i32
        %dma_start3A_167 = tpu.memref_slice %arg8[%run_scoped3A, %dma_start3A_166] : memref<125x80xi32, #tpu.memory_space<vmem>> -> memref<1x80xi32, #tpu.memory_space<vmem>>
        %dma_start3A_168 = tpu.memref_squeeze %dma_start3A_167 : memref<1x80xi32, #tpu.memory_space<vmem>> -> memref<80xi32, #tpu.memory_space<vmem>>
        %dma_start3A_169 = arith.constant 0 : i32
        %dma_start3A_170 = arith.constant 0 : i32
        %dma_start3A_171 = tpu.memref_slice %arg12[%dma_start3A_169, %dma_start3A_170] : memref<10000x128xf32, #tpu.memory_space<vmem_shared>> -> memref<10000x128xf32, #tpu.memory_space<vmem_shared>>
        tpu.enqueue_indirect_dma source(%arg9 : memref<80x128xf32, #tpu.memory_space<vmem>>) target(%dma_start3A_171 : memref<10000x128xf32, #tpu.memory_space<vmem_shared>>) offsets(%dma_start3A_168 : memref<80xi32, #tpu.memory_space<vmem>>) semaphore(%run_scoped3A_165 : memref<!tpu.dma_semaphore, #tpu.memory_space<semaphore_mem>>) {add = true}
        %dma_wait3A_172 = arith.constant 0 : i32
        %dma_wait3A_173 = tpu.memref_slice %arg8[%run_scoped3A, %dma_wait3A_172] : memref<125x80xi32, #tpu.memory_space<vmem>> -> memref<1x80xi32, #tpu.memory_space<vmem>>
        %dma_wait3A_174 = tpu.memref_squeeze %dma_wait3A_173 : memref<1x80xi32, #tpu.memory_space<vmem>> -> memref<80xi32, #tpu.memory_space<vmem>>
        %dma_wait3A_175 = arith.constant 0 : i32
        %dma_wait3A_176 = arith.constant 0 : i32
        %dma_wait3A_177 = tpu.memref_slice %arg12[%dma_wait3A_175, %dma_wait3A_176] : memref<10000x128xf32, #tpu.memory_space<vmem_shared>> -> memref<10000x128xf32, #tpu.memory_space<vmem_shared>>
        tpu.wait_indirect_dma semaphore(%run_scoped3A_165 : memref<!tpu.dma_semaphore, #tpu.memory_space<semaphore_mem>>) src(%arg9 : memref<80x128xf32, #tpu.memory_space<vmem>>) dst(%dma_wait3A_177 : memref<10000x128xf32, #tpu.memory_space<vmem_shared>>)
        tpu.yield
      }) : () -> ()
      %dma_wait3A_63 = arith.constant 2 : i32
      %dma_wait3A_64 = arith.constant 124 : i32
      %dma_wait3A_65 = arith.constant 0 : i32
      %dma_wait3A_66 = tpu.memref_slice %arg7[%dma_wait3A_64, %dma_wait3A_65] : memref<125x80xi32, #tpu.memory_space<vmem>> -> memref<1x80xi32, #tpu.memory_space<vmem>>
      %dma_wait3A_67 = tpu.memref_squeeze %dma_wait3A_66 : memref<1x80xi32, #tpu.memory_space<vmem>> -> memref<80xi32, #tpu.memory_space<vmem>>
      %dma_wait3A_68 = arith.constant 0 : i32
      %dma_wait3A_69 = arith.constant 0 : i32
      %dma_wait3A_70 = tpu.memref_slice %arg2[%dma_wait3A_63, %dma_wait3A_68, %dma_wait3A_69] : memref<4x10000x128xf32, #tpu.memory_space<hbm>> -> memref<1x10000x128xf32, #tpu.memory_space<hbm>>
      %dma_wait3A_71 = tpu.memref_squeeze %dma_wait3A_70 : memref<1x10000x128xf32, #tpu.memory_space<hbm>> -> memref<10000x128xf32, #tpu.memory_space<hbm>>
      %dma_wait3A_72 = arith.constant 0 : i32
      %dma_wait3A_73 = arith.constant 0 : i32
      %dma_wait3A_74 = tpu.memref_slice %dma_wait3A_71[%dma_wait3A_72, %dma_wait3A_73] : memref<10000x128xf32, #tpu.memory_space<hbm>> -> memref<10000x128xf32, #tpu.memory_space<hbm>>
      tpu.wait_indirect_dma semaphore(%arg14 : memref<!tpu.dma_semaphore, #tpu.memory_space<semaphore_mem>>) src(%dma_wait3A_74 : memref<10000x128xf32, #tpu.memory_space<hbm>>) dst(%arg10 : memref<80x128xf32, #tpu.memory_space<vmem>>)
      %run_scoped3A_75 = arith.constant 124 : i32
      "tpu.region"() ({
        %run_scoped3A_165 = tpu.sem_alloc : memref<!tpu.dma_semaphore, #tpu.memory_space<semaphore_mem>>
        %dma_start3A_166 = arith.constant 0 : i32
        %dma_start3A_167 = tpu.memref_slice %arg8[%run_scoped3A_75, %dma_start3A_166] : memref<125x80xi32, #tpu.memory_space<vmem>> -> memref<1x80xi32, #tpu.memory_space<vmem>>
        %dma_start3A_168 = tpu.memref_squeeze %dma_start3A_167 : memref<1x80xi32, #tpu.memory_space<vmem>> -> memref<80xi32, #tpu.memory_space<vmem>>
        %dma_start3A_169 = arith.constant 0 : i32
        %dma_start3A_170 = arith.constant 0 : i32
        %dma_start3A_171 = tpu.memref_slice %arg12[%dma_start3A_169, %dma_start3A_170] : memref<10000x128xf32, #tpu.memory_space<vmem_shared>> -> memref<10000x128xf32, #tpu.memory_space<vmem_shared>>
        tpu.enqueue_indirect_dma source(%arg10 : memref<80x128xf32, #tpu.memory_space<vmem>>) target(%dma_start3A_171 : memref<10000x128xf32, #tpu.memory_space<vmem_shared>>) offsets(%dma_start3A_168 : memref<80xi32, #tpu.memory_space<vmem>>) semaphore(%run_scoped3A_165 : memref<!tpu.dma_semaphore, #tpu.memory_space<semaphore_mem>>) {add = true}
        %dma_wait3A_172 = arith.constant 0 : i32
        %dma_wait3A_173 = tpu.memref_slice %arg8[%run_scoped3A_75, %dma_wait3A_172] : memref<125x80xi32, #tpu.memory_space<vmem>> -> memref<1x80xi32, #tpu.memory_space<vmem>>
        %dma_wait3A_174 = tpu.memref_squeeze %dma_wait3A_173 : memref<1x80xi32, #tpu.memory_space<vmem>> -> memref<80xi32, #tpu.memory_space<vmem>>
        %dma_wait3A_175 = arith.constant 0 : i32
        %dma_wait3A_176 = arith.constant 0 : i32
        %dma_wait3A_177 = tpu.memref_slice %arg12[%dma_wait3A_175, %dma_wait3A_176] : memref<10000x128xf32, #tpu.memory_space<vmem_shared>> -> memref<10000x128xf32, #tpu.memory_space<vmem_shared>>
        tpu.wait_indirect_dma semaphore(%run_scoped3A_165 : memref<!tpu.dma_semaphore, #tpu.memory_space<semaphore_mem>>) src(%arg10 : memref<80x128xf32, #tpu.memory_space<vmem>>) dst(%dma_wait3A_177 : memref<10000x128xf32, #tpu.memory_space<vmem_shared>>)
        tpu.yield
      }) : () -> ()
      %dma_start3A_76 = arith.constant 3 : i32
      %dma_start3A_77 = arith.constant 0 : i32
      %dma_start3A_78 = arith.constant 0 : i32
      %dma_start3A_79 = tpu.memref_slice %arg7[%dma_start3A_77, %dma_start3A_78] : memref<125x80xi32, #tpu.memory_space<vmem>> -> memref<1x80xi32, #tpu.memory_space<vmem>>
      %dma_start3A_80 = tpu.memref_squeeze %dma_start3A_79 : memref<1x80xi32, #tpu.memory_space<vmem>> -> memref<80xi32, #tpu.memory_space<vmem>>
      %dma_start3A_81 = arith.constant 0 : i32
      %dma_start3A_82 = arith.constant 0 : i32
      %dma_start3A_83 = tpu.memref_slice %arg2[%dma_start3A_76, %dma_start3A_81, %dma_start3A_82] : memref<4x10000x128xf32, #tpu.memory_space<hbm>> -> memref<1x10000x128xf32, #tpu.memory_space<hbm>>
      %dma_start3A_84 = tpu.memref_squeeze %dma_start3A_83 : memref<1x10000x128xf32, #tpu.memory_space<hbm>> -> memref<10000x128xf32, #tpu.memory_space<hbm>>
      %dma_start3A_85 = arith.constant 0 : i32
      %dma_start3A_86 = arith.constant 0 : i32
      %dma_start3A_87 = tpu.memref_slice %dma_start3A_84[%dma_start3A_85, %dma_start3A_86] : memref<10000x128xf32, #tpu.memory_space<hbm>> -> memref<10000x128xf32, #tpu.memory_space<hbm>>
      tpu.enqueue_indirect_dma source(%dma_start3A_87 : memref<10000x128xf32, #tpu.memory_space<hbm>>) target(%arg9 : memref<80x128xf32, #tpu.memory_space<vmem>>) offsets(%dma_start3A_80 : memref<80xi32, #tpu.memory_space<vmem>>) semaphore(%arg13 : memref<!tpu.dma_semaphore, #tpu.memory_space<semaphore_mem>>)
      %dma_start3A_88 = arith.constant 3 : i32
      %dma_start3A_89 = arith.constant 1 : i32
      %dma_start3A_90 = arith.constant 0 : i32
      %dma_start3A_91 = tpu.memref_slice %arg7[%dma_start3A_89, %dma_start3A_90] : memref<125x80xi32, #tpu.memory_space<vmem>> -> memref<1x80xi32, #tpu.memory_space<vmem>>
      %dma_start3A_92 = tpu.memref_squeeze %dma_start3A_91 : memref<1x80xi32, #tpu.memory_space<vmem>> -> memref<80xi32, #tpu.memory_space<vmem>>
      %dma_start3A_93 = arith.constant 0 : i32
      %dma_start3A_94 = arith.constant 0 : i32
      %dma_start3A_95 = tpu.memref_slice %arg2[%dma_start3A_88, %dma_start3A_93, %dma_start3A_94] : memref<4x10000x128xf32, #tpu.memory_space<hbm>> -> memref<1x10000x128xf32, #tpu.memory_space<hbm>>
      %dma_start3A_96 = tpu.memref_squeeze %dma_start3A_95 : memref<1x10000x128xf32, #tpu.memory_space<hbm>> -> memref<10000x128xf32, #tpu.memory_space<hbm>>
      %dma_start3A_97 = arith.constant 0 : i32
      %dma_start3A_98 = arith.constant 0 : i32
      %dma_start3A_99 = tpu.memref_slice %dma_start3A_96[%dma_start3A_97, %dma_start3A_98] : memref<10000x128xf32, #tpu.memory_space<hbm>> -> memref<10000x128xf32, #tpu.memory_space<hbm>>
      tpu.enqueue_indirect_dma source(%dma_start3A_99 : memref<10000x128xf32, #tpu.memory_space<hbm>>) target(%arg10 : memref<80x128xf32, #tpu.memory_space<vmem>>) offsets(%dma_start3A_92 : memref<80xi32, #tpu.memory_space<vmem>>) semaphore(%arg14 : memref<!tpu.dma_semaphore, #tpu.memory_space<semaphore_mem>>)
      %dma_start3A_100 = arith.constant 3 : i32
      %dma_start3A_101 = arith.constant 2 : i32
      %dma_start3A_102 = arith.constant 0 : i32
      %dma_start3A_103 = tpu.memref_slice %arg7[%dma_start3A_101, %dma_start3A_102] : memref<125x80xi32, #tpu.memory_space<vmem>> -> memref<1x80xi32, #tpu.memory_space<vmem>>
      %dma_start3A_104 = tpu.memref_squeeze %dma_start3A_103 : memref<1x80xi32, #tpu.memory_space<vmem>> -> memref<80xi32, #tpu.memory_space<vmem>>
      %dma_start3A_105 = arith.constant 0 : i32
      %dma_start3A_106 = arith.constant 0 : i32
      %dma_start3A_107 = tpu.memref_slice %arg2[%dma_start3A_100, %dma_start3A_105, %dma_start3A_106] : memref<4x10000x128xf32, #tpu.memory_space<hbm>> -> memref<1x10000x128xf32, #tpu.memory_space<hbm>>
      %dma_start3A_108 = tpu.memref_squeeze %dma_start3A_107 : memref<1x10000x128xf32, #tpu.memory_space<hbm>> -> memref<10000x128xf32, #tpu.memory_space<hbm>>
      %dma_start3A_109 = arith.constant 0 : i32
      %dma_start3A_110 = arith.constant 0 : i32
      %dma_start3A_111 = tpu.memref_slice %dma_start3A_108[%dma_start3A_109, %dma_start3A_110] : memref<10000x128xf32, #tpu.memory_space<hbm>> -> memref<10000x128xf32, #tpu.memory_space<hbm>>
      tpu.enqueue_indirect_dma source(%dma_start3A_111 : memref<10000x128xf32, #tpu.memory_space<hbm>>) target(%arg11 : memref<80x128xf32, #tpu.memory_space<vmem>>) offsets(%dma_start3A_104 : memref<80xi32, #tpu.memory_space<vmem>>) semaphore(%arg15 : memref<!tpu.dma_semaphore, #tpu.memory_space<semaphore_mem>>)
      %barrier3A_112 = arith.constant 0 : index
      tpu.barrier barrier_id(%barrier3A_112)
      %lt3A_113 = arith.constant 10 : i32
      %lt3A_114 = arith.cmpi slt, %arg1, %lt3A_113 : i32
      %convert_element_type3A_115 = arith.extui %lt3A_114 : i1 to i32
      %cond3A_116 = arith.constant 0 : i32
      %cond3A_117 = arith.cmpi ne, %convert_element_type3A_115, %cond3A_116 : i32
      scf.if %cond3A_117 {
        %mul3A = arith.constant 1000 : i32
        %mul3A_165 = arith.muli %arg1, %mul3A : i32
        %run_scoped3A_166 = arith.constant 2 : i32
        "tpu.region"() ({
          %run_scoped3A_167 = tpu.sem_alloc : memref<!tpu.dma_semaphore, #tpu.memory_space<semaphore_mem>>
          %dma_start3A_168 = arith.constant 0 : i32
          %dma_start3A_169 = arith.constant 0 : i32
          %dma_start3A_170 = tpu.memref_slice %arg6[%run_scoped3A_166, %dma_start3A_168, %dma_start3A_169] : memref<4x10000x128xf32, #tpu.memory_space<hbm>> -> memref<1x10000x128xf32, #tpu.memory_space<hbm>>
          %dma_start3A_171 = tpu.memref_squeeze %dma_start3A_170 : memref<1x10000x128xf32, #tpu.memory_space<hbm>> -> memref<10000x128xf32, #tpu.memory_space<hbm>>
          %dma_start3A_172 = arith.constant 0 : i32
          %dma_start3A_173 = tpu.memref_slice %dma_start3A_171[%mul3A_165, %dma_start3A_172] : memref<10000x128xf32, #tpu.memory_space<hbm>> -> memref<1000x128xf32, #tpu.memory_space<hbm>>
          %dma_start3A_174 = arith.constant 0 : i32
          %dma_start3A_175 = tpu.memref_slice %arg12[%mul3A_165, %dma_start3A_174] : memref<10000x128xf32, #tpu.memory_space<vmem_shared>> -> memref<1000x128xf32, #tpu.memory_space<vmem_shared>>
          tpu.enqueue_dma source(%dma_start3A_175 : memref<1000x128xf32, #tpu.memory_space<vmem_shared>>) target(%dma_start3A_173 : memref<1000x128xf32, #tpu.memory_space<hbm>>) target_semaphore(%run_scoped3A_167 : memref<!tpu.dma_semaphore, #tpu.memory_space<semaphore_mem>>)
          %dma_wait3A_176 = arith.constant 0 : i32
          %dma_wait3A_177 = arith.constant 0 : i32
          %dma_wait3A_178 = tpu.memref_slice %arg6[%run_scoped3A_166, %dma_wait3A_176, %dma_wait3A_177] : memref<4x10000x128xf32, #tpu.memory_space<hbm>> -> memref<1x10000x128xf32, #tpu.memory_space<hbm>>
          %dma_wait3A_179 = tpu.memref_squeeze %dma_wait3A_178 : memref<1x10000x128xf32, #tpu.memory_space<hbm>> -> memref<10000x128xf32, #tpu.memory_space<hbm>>
          %dma_wait3A_180 = arith.constant 0 : i32
          %dma_wait3A_181 = tpu.memref_slice %dma_wait3A_179[%mul3A_165, %dma_wait3A_180] : memref<10000x128xf32, #tpu.memory_space<hbm>> -> memref<1000x128xf32, #tpu.memory_space<hbm>>
          %dma_wait3A_182 = arith.constant 0 : i32
          %dma_wait3A_183 = tpu.memref_slice %arg12[%mul3A_165, %dma_wait3A_182] : memref<10000x128xf32, #tpu.memory_space<vmem_shared>> -> memref<1000x128xf32, #tpu.memory_space<vmem_shared>>
          tpu.wait_dma2 semaphore(%run_scoped3A_167 : memref<!tpu.dma_semaphore, #tpu.memory_space<semaphore_mem>>) src(%dma_wait3A_183 : memref<1000x128xf32, #tpu.memory_space<vmem_shared>>) dst(%dma_wait3A_181 : memref<1000x128xf32, #tpu.memory_space<hbm>>)
          tpu.yield
        }) : () -> ()
      } else {
      }
      %barrier3A_118 = arith.constant 0 : index
      tpu.barrier barrier_id(%barrier3A_118)
      %lt3A_119 = arith.constant 10 : i32
      %lt3A_120 = arith.cmpi slt, %arg1, %lt3A_119 : i32
      %convert_element_type3A_121 = arith.extui %lt3A_120 : i1 to i32
      %cond3A_122 = arith.constant 0 : i32
      %cond3A_123 = arith.cmpi ne, %convert_element_type3A_121, %cond3A_122 : i32
      scf.if %cond3A_123 {
        %mul3A = arith.constant 1000 : i32
        %mul3A_165 = arith.muli %arg1, %mul3A : i32
        "tpu.region"() ({
          %run_scoped3A_166 = tpu.sem_alloc : memref<!tpu.dma_semaphore, #tpu.memory_space<semaphore_mem>>
          %dma_start3A_167 = arith.constant 0 : i32
          %dma_start3A_168 = tpu.memref_slice %arg12[%mul3A_165, %dma_start3A_167] : memref<10000x128xf32, #tpu.memory_space<vmem_shared>> -> memref<1000x128xf32, #tpu.memory_space<vmem_shared>>
          tpu.enqueue_dma source(%arg5 : memref<1000x128xf32, #tpu.memory_space<hbm>>) target(%dma_start3A_168 : memref<1000x128xf32, #tpu.memory_space<vmem_shared>>) target_semaphore(%run_scoped3A_166 : memref<!tpu.dma_semaphore, #tpu.memory_space<semaphore_mem>>)
          %dma_wait3A_169 = arith.constant 0 : i32
          %dma_wait3A_170 = tpu.memref_slice %arg12[%mul3A_165, %dma_wait3A_169] : memref<10000x128xf32, #tpu.memory_space<vmem_shared>> -> memref<1000x128xf32, #tpu.memory_space<vmem_shared>>
          tpu.wait_dma2 semaphore(%run_scoped3A_166 : memref<!tpu.dma_semaphore, #tpu.memory_space<semaphore_mem>>) src(%arg5 : memref<1000x128xf32, #tpu.memory_space<hbm>>) dst(%dma_wait3A_170 : memref<1000x128xf32, #tpu.memory_space<vmem_shared>>)
          tpu.yield
        }) : () -> ()
      } else {
      }
      %barrier3A_124 = arith.constant 0 : index
      tpu.barrier barrier_id(%barrier3A_124)
      %scan3A_125 = arith.constant 0 : i32
      %scan3A_126 = arith.constant 3 : i32
      %scan3A_127 = arith.constant 0 : i32
      %scan3A_128 = arith.constant 41 : i32
      %scan3A_129 = arith.addi %scan3A_127, %scan3A_128 : i32
      %scan3A_130 = arith.constant 1 : i32
      scf.for %scan3A_165 = %scan3A_127 to %scan3A_129 step %scan3A_130  : i32 {
        %mul3A = arith.constant 3 : i32
        %mul3A_166 = arith.muli %mul3A, %scan3A_165 : i32
        %add3A = arith.constant 0 : i32
        %add3A_167 = arith.addi %mul3A_166, %add3A : i32
        %dma_wait3A_168 = arith.constant 0 : i32
        %dma_wait3A_169 = tpu.memref_slice %arg7[%add3A_167, %dma_wait3A_168] : memref<125x80xi32, #tpu.memory_space<vmem>> -> memref<1x80xi32, #tpu.memory_space<vmem>>
        %dma_wait3A_170 = tpu.memref_squeeze %dma_wait3A_169 : memref<1x80xi32, #tpu.memory_space<vmem>> -> memref<80xi32, #tpu.memory_space<vmem>>
        %dma_wait3A_171 = arith.constant 0 : i32
        %dma_wait3A_172 = arith.constant 0 : i32
        %dma_wait3A_173 = tpu.memref_slice %arg2[%scan3A_126, %dma_wait3A_171, %dma_wait3A_172] : memref<4x10000x128xf32, #tpu.memory_space<hbm>> -> memref<1x10000x128xf32, #tpu.memory_space<hbm>>
        %dma_wait3A_174 = tpu.memref_squeeze %dma_wait3A_173 : memref<1x10000x128xf32, #tpu.memory_space<hbm>> -> memref<10000x128xf32, #tpu.memory_space<hbm>>
        %dma_wait3A_175 = arith.constant 0 : i32
        %dma_wait3A_176 = arith.constant 0 : i32
        %dma_wait3A_177 = tpu.memref_slice %dma_wait3A_174[%dma_wait3A_175, %dma_wait3A_176] : memref<10000x128xf32, #tpu.memory_space<hbm>> -> memref<10000x128xf32, #tpu.memory_space<hbm>>
        tpu.wait_indirect_dma semaphore(%arg13 : memref<!tpu.dma_semaphore, #tpu.memory_space<semaphore_mem>>) src(%dma_wait3A_177 : memref<10000x128xf32, #tpu.memory_space<hbm>>) dst(%arg9 : memref<80x128xf32, #tpu.memory_space<vmem>>)
        "tpu.region"() ({
          %run_scoped3A_223 = tpu.sem_alloc : memref<!tpu.dma_semaphore, #tpu.memory_space<semaphore_mem>>
          %dma_start3A_224 = arith.constant 0 : i32
          %dma_start3A_225 = tpu.memref_slice %arg8[%add3A_167, %dma_start3A_224] : memref<125x80xi32, #tpu.memory_space<vmem>> -> memref<1x80xi32, #tpu.memory_space<vmem>>
          %dma_start3A_226 = tpu.memref_squeeze %dma_start3A_225 : memref<1x80xi32, #tpu.memory_space<vmem>> -> memref<80xi32, #tpu.memory_space<vmem>>
          %dma_start3A_227 = arith.constant 0 : i32
          %dma_start3A_228 = arith.constant 0 : i32
          %dma_start3A_229 = tpu.memref_slice %arg12[%dma_start3A_227, %dma_start3A_228] : memref<10000x128xf32, #tpu.memory_space<vmem_shared>> -> memref<10000x128xf32, #tpu.memory_space<vmem_shared>>
          tpu.enqueue_indirect_dma source(%arg9 : memref<80x128xf32, #tpu.memory_space<vmem>>) target(%dma_start3A_229 : memref<10000x128xf32, #tpu.memory_space<vmem_shared>>) offsets(%dma_start3A_226 : memref<80xi32, #tpu.memory_space<vmem>>) semaphore(%run_scoped3A_223 : memref<!tpu.dma_semaphore, #tpu.memory_space<semaphore_mem>>) {add = true}
          %dma_wait3A_230 = arith.constant 0 : i32
          %dma_wait3A_231 = tpu.memref_slice %arg8[%add3A_167, %dma_wait3A_230] : memref<125x80xi32, #tpu.memory_space<vmem>> -> memref<1x80xi32, #tpu.memory_space<vmem>>
          %dma_wait3A_232 = tpu.memref_squeeze %dma_wait3A_231 : memref<1x80xi32, #tpu.memory_space<vmem>> -> memref<80xi32, #tpu.memory_space<vmem>>
          %dma_wait3A_233 = arith.constant 0 : i32
          %dma_wait3A_234 = arith.constant 0 : i32
          %dma_wait3A_235 = tpu.memref_slice %arg12[%dma_wait3A_233, %dma_wait3A_234] : memref<10000x128xf32, #tpu.memory_space<vmem_shared>> -> memref<10000x128xf32, #tpu.memory_space<vmem_shared>>
          tpu.wait_indirect_dma semaphore(%run_scoped3A_223 : memref<!tpu.dma_semaphore, #tpu.memory_space<semaphore_mem>>) src(%arg9 : memref<80x128xf32, #tpu.memory_space<vmem>>) dst(%dma_wait3A_235 : memref<10000x128xf32, #tpu.memory_space<vmem_shared>>)
          tpu.yield
        }) : () -> ()
        %add3A_178 = arith.constant 3 : i32
        %add3A_179 = arith.addi %add3A_167, %add3A_178 : i32
        %lt3A_180 = arith.constant 125 : i32
        %lt3A_181 = arith.cmpi slt, %add3A_179, %lt3A_180 : i32
        %convert_element_type3A_182 = arith.extui %lt3A_181 : i1 to i32
        %cond3A_183 = arith.constant 0 : i32
        %cond3A_184 = arith.cmpi ne, %convert_element_type3A_182, %cond3A_183 : i32
        scf.if %cond3A_184 {
          %add3A_223 = arith.constant 3 : i32
          %add3A_224 = arith.addi %add3A_167, %add3A_223 : i32
          %dma_start3A_225 = arith.constant 0 : i32
          %dma_start3A_226 = tpu.memref_slice %arg7[%add3A_224, %dma_start3A_225] : memref<125x80xi32, #tpu.memory_space<vmem>> -> memref<1x80xi32, #tpu.memory_space<vmem>>
          %dma_start3A_227 = tpu.memref_squeeze %dma_start3A_226 : memref<1x80xi32, #tpu.memory_space<vmem>> -> memref<80xi32, #tpu.memory_space<vmem>>
          %dma_start3A_228 = arith.constant 0 : i32
          %dma_start3A_229 = arith.constant 0 : i32
          %dma_start3A_230 = tpu.memref_slice %arg2[%scan3A_126, %dma_start3A_228, %dma_start3A_229] : memref<4x10000x128xf32, #tpu.memory_space<hbm>> -> memref<1x10000x128xf32, #tpu.memory_space<hbm>>
          %dma_start3A_231 = tpu.memref_squeeze %dma_start3A_230 : memref<1x10000x128xf32, #tpu.memory_space<hbm>> -> memref<10000x128xf32, #tpu.memory_space<hbm>>
          %dma_start3A_232 = arith.constant 0 : i32
          %dma_start3A_233 = arith.constant 0 : i32
          %dma_start3A_234 = tpu.memref_slice %dma_start3A_231[%dma_start3A_232, %dma_start3A_233] : memref<10000x128xf32, #tpu.memory_space<hbm>> -> memref<10000x128xf32, #tpu.memory_space<hbm>>
          tpu.enqueue_indirect_dma source(%dma_start3A_234 : memref<10000x128xf32, #tpu.memory_space<hbm>>) target(%arg9 : memref<80x128xf32, #tpu.memory_space<vmem>>) offsets(%dma_start3A_227 : memref<80xi32, #tpu.memory_space<vmem>>) semaphore(%arg13 : memref<!tpu.dma_semaphore, #tpu.memory_space<semaphore_mem>>)
        } else {
        }
        %add3A_185 = arith.constant 1 : i32
        %add3A_186 = arith.addi %mul3A_166, %add3A_185 : i32
        %dma_wait3A_187 = arith.constant 0 : i32
        %dma_wait3A_188 = tpu.memref_slice %arg7[%add3A_186, %dma_wait3A_187] : memref<125x80xi32, #tpu.memory_space<vmem>> -> memref<1x80xi32, #tpu.memory_space<vmem>>
        %dma_wait3A_189 = tpu.memref_squeeze %dma_wait3A_188 : memref<1x80xi32, #tpu.memory_space<vmem>> -> memref<80xi32, #tpu.memory_space<vmem>>
        %dma_wait3A_190 = arith.constant 0 : i32
        %dma_wait3A_191 = arith.constant 0 : i32
        %dma_wait3A_192 = tpu.memref_slice %arg2[%scan3A_126, %dma_wait3A_190, %dma_wait3A_191] : memref<4x10000x128xf32, #tpu.memory_space<hbm>> -> memref<1x10000x128xf32, #tpu.memory_space<hbm>>
        %dma_wait3A_193 = tpu.memref_squeeze %dma_wait3A_192 : memref<1x10000x128xf32, #tpu.memory_space<hbm>> -> memref<10000x128xf32, #tpu.memory_space<hbm>>
        %dma_wait3A_194 = arith.constant 0 : i32
        %dma_wait3A_195 = arith.constant 0 : i32
        %dma_wait3A_196 = tpu.memref_slice %dma_wait3A_193[%dma_wait3A_194, %dma_wait3A_195] : memref<10000x128xf32, #tpu.memory_space<hbm>> -> memref<10000x128xf32, #tpu.memory_space<hbm>>
        tpu.wait_indirect_dma semaphore(%arg14 : memref<!tpu.dma_semaphore, #tpu.memory_space<semaphore_mem>>) src(%dma_wait3A_196 : memref<10000x128xf32, #tpu.memory_space<hbm>>) dst(%arg10 : memref<80x128xf32, #tpu.memory_space<vmem>>)
        "tpu.region"() ({
          %run_scoped3A_223 = tpu.sem_alloc : memref<!tpu.dma_semaphore, #tpu.memory_space<semaphore_mem>>
          %dma_start3A_224 = arith.constant 0 : i32
          %dma_start3A_225 = tpu.memref_slice %arg8[%add3A_186, %dma_start3A_224] : memref<125x80xi32, #tpu.memory_space<vmem>> -> memref<1x80xi32, #tpu.memory_space<vmem>>
          %dma_start3A_226 = tpu.memref_squeeze %dma_start3A_225 : memref<1x80xi32, #tpu.memory_space<vmem>> -> memref<80xi32, #tpu.memory_space<vmem>>
          %dma_start3A_227 = arith.constant 0 : i32
          %dma_start3A_228 = arith.constant 0 : i32
          %dma_start3A_229 = tpu.memref_slice %arg12[%dma_start3A_227, %dma_start3A_228] : memref<10000x128xf32, #tpu.memory_space<vmem_shared>> -> memref<10000x128xf32, #tpu.memory_space<vmem_shared>>
          tpu.enqueue_indirect_dma source(%arg10 : memref<80x128xf32, #tpu.memory_space<vmem>>) target(%dma_start3A_229 : memref<10000x128xf32, #tpu.memory_space<vmem_shared>>) offsets(%dma_start3A_226 : memref<80xi32, #tpu.memory_space<vmem>>) semaphore(%run_scoped3A_223 : memref<!tpu.dma_semaphore, #tpu.memory_space<semaphore_mem>>) {add = true}
          %dma_wait3A_230 = arith.constant 0 : i32
          %dma_wait3A_231 = tpu.memref_slice %arg8[%add3A_186, %dma_wait3A_230] : memref<125x80xi32, #tpu.memory_space<vmem>> -> memref<1x80xi32, #tpu.memory_space<vmem>>
          %dma_wait3A_232 = tpu.memref_squeeze %dma_wait3A_231 : memref<1x80xi32, #tpu.memory_space<vmem>> -> memref<80xi32, #tpu.memory_space<vmem>>
          %dma_wait3A_233 = arith.constant 0 : i32
          %dma_wait3A_234 = arith.constant 0 : i32
          %dma_wait3A_235 = tpu.memref_slice %arg12[%dma_wait3A_233, %dma_wait3A_234] : memref<10000x128xf32, #tpu.memory_space<vmem_shared>> -> memref<10000x128xf32, #tpu.memory_space<vmem_shared>>
          tpu.wait_indirect_dma semaphore(%run_scoped3A_223 : memref<!tpu.dma_semaphore, #tpu.memory_space<semaphore_mem>>) src(%arg10 : memref<80x128xf32, #tpu.memory_space<vmem>>) dst(%dma_wait3A_235 : memref<10000x128xf32, #tpu.memory_space<vmem_shared>>)
          tpu.yield
        }) : () -> ()
        %add3A_197 = arith.constant 3 : i32
        %add3A_198 = arith.addi %add3A_186, %add3A_197 : i32
        %lt3A_199 = arith.constant 125 : i32
        %lt3A_200 = arith.cmpi slt, %add3A_198, %lt3A_199 : i32
        %convert_element_type3A_201 = arith.extui %lt3A_200 : i1 to i32
        %cond3A_202 = arith.constant 0 : i32
        %cond3A_203 = arith.cmpi ne, %convert_element_type3A_201, %cond3A_202 : i32
        scf.if %cond3A_203 {
          %add3A_223 = arith.constant 3 : i32
          %add3A_224 = arith.addi %add3A_186, %add3A_223 : i32
          %dma_start3A_225 = arith.constant 0 : i32
          %dma_start3A_226 = tpu.memref_slice %arg7[%add3A_224, %dma_start3A_225] : memref<125x80xi32, #tpu.memory_space<vmem>> -> memref<1x80xi32, #tpu.memory_space<vmem>>
          %dma_start3A_227 = tpu.memref_squeeze %dma_start3A_226 : memref<1x80xi32, #tpu.memory_space<vmem>> -> memref<80xi32, #tpu.memory_space<vmem>>
          %dma_start3A_228 = arith.constant 0 : i32
          %dma_start3A_229 = arith.constant 0 : i32
          %dma_start3A_230 = tpu.memref_slice %arg2[%scan3A_126, %dma_start3A_228, %dma_start3A_229] : memref<4x10000x128xf32, #tpu.memory_space<hbm>> -> memref<1x10000x128xf32, #tpu.memory_space<hbm>>
          %dma_start3A_231 = tpu.memref_squeeze %dma_start3A_230 : memref<1x10000x128xf32, #tpu.memory_space<hbm>> -> memref<10000x128xf32, #tpu.memory_space<hbm>>
          %dma_start3A_232 = arith.constant 0 : i32
          %dma_start3A_233 = arith.constant 0 : i32
          %dma_start3A_234 = tpu.memref_slice %dma_start3A_231[%dma_start3A_232, %dma_start3A_233] : memref<10000x128xf32, #tpu.memory_space<hbm>> -> memref<10000x128xf32, #tpu.memory_space<hbm>>
          tpu.enqueue_indirect_dma source(%dma_start3A_234 : memref<10000x128xf32, #tpu.memory_space<hbm>>) target(%arg10 : memref<80x128xf32, #tpu.memory_space<vmem>>) offsets(%dma_start3A_227 : memref<80xi32, #tpu.memory_space<vmem>>) semaphore(%arg14 : memref<!tpu.dma_semaphore, #tpu.memory_space<semaphore_mem>>)
        } else {
        }
        %add3A_204 = arith.constant 2 : i32
        %add3A_205 = arith.addi %mul3A_166, %add3A_204 : i32
        %dma_wait3A_206 = arith.constant 0 : i32
        %dma_wait3A_207 = tpu.memref_slice %arg7[%add3A_205, %dma_wait3A_206] : memref<125x80xi32, #tpu.memory_space<vmem>> -> memref<1x80xi32, #tpu.memory_space<vmem>>
        %dma_wait3A_208 = tpu.memref_squeeze %dma_wait3A_207 : memref<1x80xi32, #tpu.memory_space<vmem>> -> memref<80xi32, #tpu.memory_space<vmem>>
        %dma_wait3A_209 = arith.constant 0 : i32
        %dma_wait3A_210 = arith.constant 0 : i32
        %dma_wait3A_211 = tpu.memref_slice %arg2[%scan3A_126, %dma_wait3A_209, %dma_wait3A_210] : memref<4x10000x128xf32, #tpu.memory_space<hbm>> -> memref<1x10000x128xf32, #tpu.memory_space<hbm>>
        %dma_wait3A_212 = tpu.memref_squeeze %dma_wait3A_211 : memref<1x10000x128xf32, #tpu.memory_space<hbm>> -> memref<10000x128xf32, #tpu.memory_space<hbm>>
        %dma_wait3A_213 = arith.constant 0 : i32
        %dma_wait3A_214 = arith.constant 0 : i32
        %dma_wait3A_215 = tpu.memref_slice %dma_wait3A_212[%dma_wait3A_213, %dma_wait3A_214] : memref<10000x128xf32, #tpu.memory_space<hbm>> -> memref<10000x128xf32, #tpu.memory_space<hbm>>
        tpu.wait_indirect_dma semaphore(%arg15 : memref<!tpu.dma_semaphore, #tpu.memory_space<semaphore_mem>>) src(%dma_wait3A_215 : memref<10000x128xf32, #tpu.memory_space<hbm>>) dst(%arg11 : memref<80x128xf32, #tpu.memory_space<vmem>>)
        "tpu.region"() ({
          %run_scoped3A_223 = tpu.sem_alloc : memref<!tpu.dma_semaphore, #tpu.memory_space<semaphore_mem>>
          %dma_start3A_224 = arith.constant 0 : i32
          %dma_start3A_225 = tpu.memref_slice %arg8[%add3A_205, %dma_start3A_224] : memref<125x80xi32, #tpu.memory_space<vmem>> -> memref<1x80xi32, #tpu.memory_space<vmem>>
          %dma_start3A_226 = tpu.memref_squeeze %dma_start3A_225 : memref<1x80xi32, #tpu.memory_space<vmem>> -> memref<80xi32, #tpu.memory_space<vmem>>
          %dma_start3A_227 = arith.constant 0 : i32
          %dma_start3A_228 = arith.constant 0 : i32
          %dma_start3A_229 = tpu.memref_slice %arg12[%dma_start3A_227, %dma_start3A_228] : memref<10000x128xf32, #tpu.memory_space<vmem_shared>> -> memref<10000x128xf32, #tpu.memory_space<vmem_shared>>
          tpu.enqueue_indirect_dma source(%arg11 : memref<80x128xf32, #tpu.memory_space<vmem>>) target(%dma_start3A_229 : memref<10000x128xf32, #tpu.memory_space<vmem_shared>>) offsets(%dma_start3A_226 : memref<80xi32, #tpu.memory_space<vmem>>) semaphore(%run_scoped3A_223 : memref<!tpu.dma_semaphore, #tpu.memory_space<semaphore_mem>>) {add = true}
          %dma_wait3A_230 = arith.constant 0 : i32
          %dma_wait3A_231 = tpu.memref_slice %arg8[%add3A_205, %dma_wait3A_230] : memref<125x80xi32, #tpu.memory_space<vmem>> -> memref<1x80xi32, #tpu.memory_space<vmem>>
          %dma_wait3A_232 = tpu.memref_squeeze %dma_wait3A_231 : memref<1x80xi32, #tpu.memory_space<vmem>> -> memref<80xi32, #tpu.memory_space<vmem>>
          %dma_wait3A_233 = arith.constant 0 : i32
          %dma_wait3A_234 = arith.constant 0 : i32
          %dma_wait3A_235 = tpu.memref_slice %arg12[%dma_wait3A_233, %dma_wait3A_234] : memref<10000x128xf32, #tpu.memory_space<vmem_shared>> -> memref<10000x128xf32, #tpu.memory_space<vmem_shared>>
          tpu.wait_indirect_dma semaphore(%run_scoped3A_223 : memref<!tpu.dma_semaphore, #tpu.memory_space<semaphore_mem>>) src(%arg11 : memref<80x128xf32, #tpu.memory_space<vmem>>) dst(%dma_wait3A_235 : memref<10000x128xf32, #tpu.memory_space<vmem_shared>>)
          tpu.yield
        }) : () -> ()
        %add3A_216 = arith.constant 3 : i32
        %add3A_217 = arith.addi %add3A_205, %add3A_216 : i32
        %lt3A_218 = arith.constant 125 : i32
        %lt3A_219 = arith.cmpi slt, %add3A_217, %lt3A_218 : i32
        %convert_element_type3A_220 = arith.extui %lt3A_219 : i1 to i32
        %cond3A_221 = arith.constant 0 : i32
        %cond3A_222 = arith.cmpi ne, %convert_element_type3A_220, %cond3A_221 : i32
        scf.if %cond3A_222 {
          %add3A_223 = arith.constant 3 : i32
          %add3A_224 = arith.addi %add3A_205, %add3A_223 : i32
          %dma_start3A_225 = arith.constant 0 : i32
          %dma_start3A_226 = tpu.memref_slice %arg7[%add3A_224, %dma_start3A_225] : memref<125x80xi32, #tpu.memory_space<vmem>> -> memref<1x80xi32, #tpu.memory_space<vmem>>
          %dma_start3A_227 = tpu.memref_squeeze %dma_start3A_226 : memref<1x80xi32, #tpu.memory_space<vmem>> -> memref<80xi32, #tpu.memory_space<vmem>>
          %dma_start3A_228 = arith.constant 0 : i32
          %dma_start3A_229 = arith.constant 0 : i32
          %dma_start3A_230 = tpu.memref_slice %arg2[%scan3A_126, %dma_start3A_228, %dma_start3A_229] : memref<4x10000x128xf32, #tpu.memory_space<hbm>> -> memref<1x10000x128xf32, #tpu.memory_space<hbm>>
          %dma_start3A_231 = tpu.memref_squeeze %dma_start3A_230 : memref<1x10000x128xf32, #tpu.memory_space<hbm>> -> memref<10000x128xf32, #tpu.memory_space<hbm>>
          %dma_start3A_232 = arith.constant 0 : i32
          %dma_start3A_233 = arith.constant 0 : i32
          %dma_start3A_234 = tpu.memref_slice %dma_start3A_231[%dma_start3A_232, %dma_start3A_233] : memref<10000x128xf32, #tpu.memory_space<hbm>> -> memref<10000x128xf32, #tpu.memory_space<hbm>>
          tpu.enqueue_indirect_dma source(%dma_start3A_234 : memref<10000x128xf32, #tpu.memory_space<hbm>>) target(%arg11 : memref<80x128xf32, #tpu.memory_space<vmem>>) offsets(%dma_start3A_227 : memref<80xi32, #tpu.memory_space<vmem>>) semaphore(%arg15 : memref<!tpu.dma_semaphore, #tpu.memory_space<semaphore_mem>>)
        } else {
        }
      }
      %scan3A_131 = arith.constant 41 : i32
      %dma_wait3A_132 = arith.constant 3 : i32
      %dma_wait3A_133 = arith.constant 123 : i32
      %dma_wait3A_134 = arith.constant 0 : i32
      %dma_wait3A_135 = tpu.memref_slice %arg7[%dma_wait3A_133, %dma_wait3A_134] : memref<125x80xi32, #tpu.memory_space<vmem>> -> memref<1x80xi32, #tpu.memory_space<vmem>>
      %dma_wait3A_136 = tpu.memref_squeeze %dma_wait3A_135 : memref<1x80xi32, #tpu.memory_space<vmem>> -> memref<80xi32, #tpu.memory_space<vmem>>
      %dma_wait3A_137 = arith.constant 0 : i32
      %dma_wait3A_138 = arith.constant 0 : i32
      %dma_wait3A_139 = tpu.memref_slice %arg2[%dma_wait3A_132, %dma_wait3A_137, %dma_wait3A_138] : memref<4x10000x128xf32, #tpu.memory_space<hbm>> -> memref<1x10000x128xf32, #tpu.memory_space<hbm>>
      %dma_wait3A_140 = tpu.memref_squeeze %dma_wait3A_139 : memref<1x10000x128xf32, #tpu.memory_space<hbm>> -> memref<10000x128xf32, #tpu.memory_space<hbm>>
      %dma_wait3A_141 = arith.constant 0 : i32
      %dma_wait3A_142 = arith.constant 0 : i32
      %dma_wait3A_143 = tpu.memref_slice %dma_wait3A_140[%dma_wait3A_141, %dma_wait3A_142] : memref<10000x128xf32, #tpu.memory_space<hbm>> -> memref<10000x128xf32, #tpu.memory_space<hbm>>
      tpu.wait_indirect_dma semaphore(%arg13 : memref<!tpu.dma_semaphore, #tpu.memory_space<semaphore_mem>>) src(%dma_wait3A_143 : memref<10000x128xf32, #tpu.memory_space<hbm>>) dst(%arg9 : memref<80x128xf32, #tpu.memory_space<vmem>>)
      %run_scoped3A_144 = arith.constant 123 : i32
      "tpu.region"() ({
        %run_scoped3A_165 = tpu.sem_alloc : memref<!tpu.dma_semaphore, #tpu.memory_space<semaphore_mem>>
        %dma_start3A_166 = arith.constant 0 : i32
        %dma_start3A_167 = tpu.memref_slice %arg8[%run_scoped3A_144, %dma_start3A_166] : memref<125x80xi32, #tpu.memory_space<vmem>> -> memref<1x80xi32, #tpu.memory_space<vmem>>
        %dma_start3A_168 = tpu.memref_squeeze %dma_start3A_167 : memref<1x80xi32, #tpu.memory_space<vmem>> -> memref<80xi32, #tpu.memory_space<vmem>>
        %dma_start3A_169 = arith.constant 0 : i32
        %dma_start3A_170 = arith.constant 0 : i32
        %dma_start3A_171 = tpu.memref_slice %arg12[%dma_start3A_169, %dma_start3A_170] : memref<10000x128xf32, #tpu.memory_space<vmem_shared>> -> memref<10000x128xf32, #tpu.memory_space<vmem_shared>>
        tpu.enqueue_indirect_dma source(%arg9 : memref<80x128xf32, #tpu.memory_space<vmem>>) target(%dma_start3A_171 : memref<10000x128xf32, #tpu.memory_space<vmem_shared>>) offsets(%dma_start3A_168 : memref<80xi32, #tpu.memory_space<vmem>>) semaphore(%run_scoped3A_165 : memref<!tpu.dma_semaphore, #tpu.memory_space<semaphore_mem>>) {add = true}
        %dma_wait3A_172 = arith.constant 0 : i32
        %dma_wait3A_173 = tpu.memref_slice %arg8[%run_scoped3A_144, %dma_wait3A_172] : memref<125x80xi32, #tpu.memory_space<vmem>> -> memref<1x80xi32, #tpu.memory_space<vmem>>
        %dma_wait3A_174 = tpu.memref_squeeze %dma_wait3A_173 : memref<1x80xi32, #tpu.memory_space<vmem>> -> memref<80xi32, #tpu.memory_space<vmem>>
        %dma_wait3A_175 = arith.constant 0 : i32
        %dma_wait3A_176 = arith.constant 0 : i32
        %dma_wait3A_177 = tpu.memref_slice %arg12[%dma_wait3A_175, %dma_wait3A_176] : memref<10000x128xf32, #tpu.memory_space<vmem_shared>> -> memref<10000x128xf32, #tpu.memory_space<vmem_shared>>
        tpu.wait_indirect_dma semaphore(%run_scoped3A_165 : memref<!tpu.dma_semaphore, #tpu.memory_space<semaphore_mem>>) src(%arg9 : memref<80x128xf32, #tpu.memory_space<vmem>>) dst(%dma_wait3A_177 : memref<10000x128xf32, #tpu.memory_space<vmem_shared>>)
        tpu.yield
      }) : () -> ()
      %dma_wait3A_145 = arith.constant 3 : i32
      %dma_wait3A_146 = arith.constant 124 : i32
      %dma_wait3A_147 = arith.constant 0 : i32
      %dma_wait3A_148 = tpu.memref_slice %arg7[%dma_wait3A_146, %dma_wait3A_147] : memref<125x80xi32, #tpu.memory_space<vmem>> -> memref<1x80xi32, #tpu.memory_space<vmem>>
      %dma_wait3A_149 = tpu.memref_squeeze %dma_wait3A_148 : memref<1x80xi32, #tpu.memory_space<vmem>> -> memref<80xi32, #tpu.memory_space<vmem>>
      %dma_wait3A_150 = arith.constant 0 : i32
      %dma_wait3A_151 = arith.constant 0 : i32
      %dma_wait3A_152 = tpu.memref_slice %arg2[%dma_wait3A_145, %dma_wait3A_150, %dma_wait3A_151] : memref<4x10000x128xf32, #tpu.memory_space<hbm>> -> memref<1x10000x128xf32, #tpu.memory_space<hbm>>
      %dma_wait3A_153 = tpu.memref_squeeze %dma_wait3A_152 : memref<1x10000x128xf32, #tpu.memory_space<hbm>> -> memref<10000x128xf32, #tpu.memory_space<hbm>>
      %dma_wait3A_154 = arith.constant 0 : i32
      %dma_wait3A_155 = arith.constant 0 : i32
      %dma_wait3A_156 = tpu.memref_slice %dma_wait3A_153[%dma_wait3A_154, %dma_wait3A_155] : memref<10000x128xf32, #tpu.memory_space<hbm>> -> memref<10000x128xf32, #tpu.memory_space<hbm>>
      tpu.wait_indirect_dma semaphore(%arg14 : memref<!tpu.dma_semaphore, #tpu.memory_space<semaphore_mem>>) src(%dma_wait3A_156 : memref<10000x128xf32, #tpu.memory_space<hbm>>) dst(%arg10 : memref<80x128xf32, #tpu.memory_space<vmem>>)
      %run_scoped3A_157 = arith.constant 124 : i32
      "tpu.region"() ({
        %run_scoped3A_165 = tpu.sem_alloc : memref<!tpu.dma_semaphore, #tpu.memory_space<semaphore_mem>>
        %dma_start3A_166 = arith.constant 0 : i32
        %dma_start3A_167 = tpu.memref_slice %arg8[%run_scoped3A_157, %dma_start3A_166] : memref<125x80xi32, #tpu.memory_space<vmem>> -> memref<1x80xi32, #tpu.memory_space<vmem>>
        %dma_start3A_168 = tpu.memref_squeeze %dma_start3A_167 : memref<1x80xi32, #tpu.memory_space<vmem>> -> memref<80xi32, #tpu.memory_space<vmem>>
        %dma_start3A_169 = arith.constant 0 : i32
        %dma_start3A_170 = arith.constant 0 : i32
        %dma_start3A_171 = tpu.memref_slice %arg12[%dma_start3A_169, %dma_start3A_170] : memref<10000x128xf32, #tpu.memory_space<vmem_shared>> -> memref<10000x128xf32, #tpu.memory_space<vmem_shared>>
        tpu.enqueue_indirect_dma source(%arg10 : memref<80x128xf32, #tpu.memory_space<vmem>>) target(%dma_start3A_171 : memref<10000x128xf32, #tpu.memory_space<vmem_shared>>) offsets(%dma_start3A_168 : memref<80xi32, #tpu.memory_space<vmem>>) semaphore(%run_scoped3A_165 : memref<!tpu.dma_semaphore, #tpu.memory_space<semaphore_mem>>) {add = true}
        %dma_wait3A_172 = arith.constant 0 : i32
        %dma_wait3A_173 = tpu.memref_slice %arg8[%run_scoped3A_157, %dma_wait3A_172] : memref<125x80xi32, #tpu.memory_space<vmem>> -> memref<1x80xi32, #tpu.memory_space<vmem>>
        %dma_wait3A_174 = tpu.memref_squeeze %dma_wait3A_173 : memref<1x80xi32, #tpu.memory_space<vmem>> -> memref<80xi32, #tpu.memory_space<vmem>>
        %dma_wait3A_175 = arith.constant 0 : i32
        %dma_wait3A_176 = arith.constant 0 : i32
        %dma_wait3A_177 = tpu.memref_slice %arg12[%dma_wait3A_175, %dma_wait3A_176] : memref<10000x128xf32, #tpu.memory_space<vmem_shared>> -> memref<10000x128xf32, #tpu.memory_space<vmem_shared>>
        tpu.wait_indirect_dma semaphore(%run_scoped3A_165 : memref<!tpu.dma_semaphore, #tpu.memory_space<semaphore_mem>>) src(%arg10 : memref<80x128xf32, #tpu.memory_space<vmem>>) dst(%dma_wait3A_177 : memref<10000x128xf32, #tpu.memory_space<vmem_shared>>)
        tpu.yield
      }) : () -> ()
      %barrier3A_158 = arith.constant 0 : index
      tpu.barrier barrier_id(%barrier3A_158)
      %lt3A_159 = arith.constant 10 : i32
      %lt3A_160 = arith.cmpi slt, %arg1, %lt3A_159 : i32
      %convert_element_type3A_161 = arith.extui %lt3A_160 : i1 to i32
      %cond3A_162 = arith.constant 0 : i32
      %cond3A_163 = arith.cmpi ne, %convert_element_type3A_161, %cond3A_162 : i32
      scf.if %cond3A_163 {
        %mul3A = arith.constant 1000 : i32
        %mul3A_165 = arith.muli %arg1, %mul3A : i32
        %run_scoped3A_166 = arith.constant 3 : i32
        "tpu.region"() ({
          %run_scoped3A_167 = tpu.sem_alloc : memref<!tpu.dma_semaphore, #tpu.memory_space<semaphore_mem>>
          %dma_start3A_168 = arith.constant 0 : i32
          %dma_start3A_169 = arith.constant 0 : i32
          %dma_start3A_170 = tpu.memref_slice %arg6[%run_scoped3A_166, %dma_start3A_168, %dma_start3A_169] : memref<4x10000x128xf32, #tpu.memory_space<hbm>> -> memref<1x10000x128xf32, #tpu.memory_space<hbm>>
          %dma_start3A_171 = tpu.memref_squeeze %dma_start3A_170 : memref<1x10000x128xf32, #tpu.memory_space<hbm>> -> memref<10000x128xf32, #tpu.memory_space<hbm>>
          %dma_start3A_172 = arith.constant 0 : i32
          %dma_start3A_173 = tpu.memref_slice %dma_start3A_171[%mul3A_165, %dma_start3A_172] : memref<10000x128xf32, #tpu.memory_space<hbm>> -> memref<1000x128xf32, #tpu.memory_space<hbm>>
          %dma_start3A_174 = arith.constant 0 : i32
          %dma_start3A_175 = tpu.memref_slice %arg12[%mul3A_165, %dma_start3A_174] : memref<10000x128xf32, #tpu.memory_space<vmem_shared>> -> memref<1000x128xf32, #tpu.memory_space<vmem_shared>>
          tpu.enqueue_dma source(%dma_start3A_175 : memref<1000x128xf32, #tpu.memory_space<vmem_shared>>) target(%dma_start3A_173 : memref<1000x128xf32, #tpu.memory_space<hbm>>) target_semaphore(%run_scoped3A_167 : memref<!tpu.dma_semaphore, #tpu.memory_space<semaphore_mem>>)
          %dma_wait3A_176 = arith.constant 0 : i32
          %dma_wait3A_177 = arith.constant 0 : i32
          %dma_wait3A_178 = tpu.memref_slice %arg6[%run_scoped3A_166, %dma_wait3A_176, %dma_wait3A_177] : memref<4x10000x128xf32, #tpu.memory_space<hbm>> -> memref<1x10000x128xf32, #tpu.memory_space<hbm>>
          %dma_wait3A_179 = tpu.memref_squeeze %dma_wait3A_178 : memref<1x10000x128xf32, #tpu.memory_space<hbm>> -> memref<10000x128xf32, #tpu.memory_space<hbm>>
          %dma_wait3A_180 = arith.constant 0 : i32
          %dma_wait3A_181 = tpu.memref_slice %dma_wait3A_179[%mul3A_165, %dma_wait3A_180] : memref<10000x128xf32, #tpu.memory_space<hbm>> -> memref<1000x128xf32, #tpu.memory_space<hbm>>
          %dma_wait3A_182 = arith.constant 0 : i32
          %dma_wait3A_183 = tpu.memref_slice %arg12[%mul3A_165, %dma_wait3A_182] : memref<10000x128xf32, #tpu.memory_space<vmem_shared>> -> memref<1000x128xf32, #tpu.memory_space<vmem_shared>>
          tpu.wait_dma2 semaphore(%run_scoped3A_167 : memref<!tpu.dma_semaphore, #tpu.memory_space<semaphore_mem>>) src(%dma_wait3A_183 : memref<1000x128xf32, #tpu.memory_space<vmem_shared>>) dst(%dma_wait3A_181 : memref<1000x128xf32, #tpu.memory_space<hbm>>)
          tpu.yield
        }) : () -> ()
      } else {
      }
      %barrier3A_164 = arith.constant 0 : index
      tpu.barrier barrier_id(%barrier3A_164)
    } else {
    }
    return
  }
}

module attributes {stable_mosaic.version = 14 : i64} {
  func.func @_proj_body(%arg0: i32, %arg1: memref<1000x256xf32, #tpu.memory_space<vmem>>, %arg2: memref<256x512xf32, #tpu.memory_space<vmem>>, %arg3: memref<1x512xf32, #tpu.memory_space<vmem>>, %arg4: memref<1000x16xf32, #tpu.memory_space<vmem>>, %arg5: memref<4x1000x128xf32, #tpu.memory_space<vmem>>, %arg6: memref<1000x16xf32, #tpu.memory_space<vmem>>, %arg7: memref<1000x16xf32, #tpu.memory_space<vmem>>) attributes {dimension_semantics = [#tpu.dimension_semantics<arbitrary>], iteration_bounds = array<i64: 10>, scalar_prefetch = 0 : i64, scratch_operands = 0 : i64, tpu.core_type = #tpu.core_type<tc>, window_params = [{transform_indices = @transform_0, window_bounds = array<i64: 1000, 256>}, {pipeline_mode = #tpu.pipeline_mode<synchronous>, transform_indices = @transform_1, window_bounds = array<i64: 256, 512>}, {pipeline_mode = #tpu.pipeline_mode<synchronous>, transform_indices = @transform_2, window_bounds = array<i64: 1, 512>}, {transform_indices = @transform_3, window_bounds = array<i64: 1000, 16>}, {transform_indices = @transform_4, window_bounds = array<i64: 4, 1000, 128>}, {transform_indices = @transform_5, window_bounds = array<i64: 1000, 16>}, {transform_indices = @transform_6, window_bounds = array<i64: 1000, 16>}]} {
    %get3A = arith.constant 0 : index
    %get3A_0 = arith.constant 0 : index
    %get3A_1 = vector.load %arg1[%get3A, %get3A_0] : memref<1000x256xf32, #tpu.memory_space<vmem>>, vector<1000x256xf32>
    %get3A_2 = arith.constant 0 : index
    %get3A_3 = arith.constant 0 : index
    %get3A_4 = vector.load %arg2[%get3A_2, %get3A_3] : memref<256x512xf32, #tpu.memory_space<vmem>>, vector<256x512xf32>
    %dot_general3A = arith.constant dense<0.000000e+00> : vector<1000x512xf32>
    %dot_general3A_5 = tpu.matmul %get3A_1, %get3A_4, %dot_general3A {dimension_numbers = #tpu.dot_dimension_numbers<[1], [0], [0], [1], [0, 0, 1, 1], [], []>, transpose_lhs_hint = false} : vector<1000x256xf32>, vector<256x512xf32>, vector<1000x512xf32> -> vector<1000x512xf32>
    %get3A_6 = arith.constant 0 : index
    %get3A_7 = arith.constant 0 : index
    %get3A_8 = vector.load %arg3[%get3A_6, %get3A_7] : memref<1x512xf32, #tpu.memory_space<vmem>>, vector<1x512xf32>
    %add3A = vector.broadcast %get3A_8 : vector<1x512xf32> to vector<1000x512xf32>
    %add3A_9 = arith.addf %dot_general3A_5, %add3A : vector<1000x512xf32>
    %get3A_10 = arith.constant 0 : index
    %get3A_11 = arith.constant 0 : index
    %get3A_12 = vector.load %arg4[%get3A_10, %get3A_11] : memref<1000x16xf32, #tpu.memory_space<vmem>>, vector<1000x1xf32>
    %max3A = arith.constant 1.000000e+00 : f32
    %max3A_13 = vector.broadcast %max3A : f32 to vector<1000x1xf32>
    %max3A_14 = arith.maximumf %get3A_12, %max3A_13 : vector<1000x1xf32>
    %rsqrt3A = math.rsqrt %max3A_14 : vector<1000x1xf32>
    %mul3A = vector.broadcast %rsqrt3A : vector<1000x1xf32> to vector<1000x512xf32>
    %mul3A_15 = arith.mulf %add3A_9, %mul3A : vector<1000x512xf32>
    %slice3A = vector.extract_strided_slice %mul3A_15 {offsets = [0, 0], sizes = [1000, 128], strides = [1, 1]} : vector<1000x512xf32> to vector<1000x128xf32>
    %swap3A = arith.constant 0 : index
    %swap3A_16 = arith.constant 0 : index
    %swap3A_17 = arith.constant 0 : index
    %swap3A_18 = vector.load %arg5[%swap3A, %swap3A_16, %swap3A_17] : memref<4x1000x128xf32, #tpu.memory_space<vmem>>, vector<1x1000x128xf32>
    %swap3A_19 = vector.shape_cast %swap3A_18 : vector<1x1000x128xf32> to vector<1000x128xf32>
    %swap3A_20 = vector.shape_cast %slice3A : vector<1000x128xf32> to vector<1x1000x128xf32>
    tpu.vector_store %arg5[%swap3A, %swap3A_16, %swap3A_17], %swap3A_20 {strides = array<i32>} : memref<4x1000x128xf32, #tpu.memory_space<vmem>>, vector<1x1000x128xf32>,
    %slice3A_21 = vector.extract_strided_slice %mul3A_15 {offsets = [0, 128], sizes = [1000, 128], strides = [1, 1]} : vector<1000x512xf32> to vector<1000x128xf32>
    %swap3A_22 = arith.constant 1 : index
    %swap3A_23 = arith.constant 0 : index
    %swap3A_24 = arith.constant 0 : index
    %swap3A_25 = vector.load %arg5[%swap3A_22, %swap3A_23, %swap3A_24] : memref<4x1000x128xf32, #tpu.memory_space<vmem>>, vector<1x1000x128xf32>
    %swap3A_26 = vector.shape_cast %swap3A_25 : vector<1x1000x128xf32> to vector<1000x128xf32>
    %swap3A_27 = vector.shape_cast %slice3A_21 : vector<1000x128xf32> to vector<1x1000x128xf32>
    tpu.vector_store %arg5[%swap3A_22, %swap3A_23, %swap3A_24], %swap3A_27 {strides = array<i32>} : memref<4x1000x128xf32, #tpu.memory_space<vmem>>, vector<1x1000x128xf32>,
    %slice3A_28 = vector.extract_strided_slice %mul3A_15 {offsets = [0, 256], sizes = [1000, 128], strides = [1, 1]} : vector<1000x512xf32> to vector<1000x128xf32>
    %swap3A_29 = arith.constant 2 : index
    %swap3A_30 = arith.constant 0 : index
    %swap3A_31 = arith.constant 0 : index
    %swap3A_32 = vector.load %arg5[%swap3A_29, %swap3A_30, %swap3A_31] : memref<4x1000x128xf32, #tpu.memory_space<vmem>>, vector<1x1000x128xf32>
    %swap3A_33 = vector.shape_cast %swap3A_32 : vector<1x1000x128xf32> to vector<1000x128xf32>
    %swap3A_34 = vector.shape_cast %slice3A_28 : vector<1000x128xf32> to vector<1x1000x128xf32>
    tpu.vector_store %arg5[%swap3A_29, %swap3A_30, %swap3A_31], %swap3A_34 {strides = array<i32>} : memref<4x1000x128xf32, #tpu.memory_space<vmem>>, vector<1x1000x128xf32>,
    %slice3A_35 = vector.extract_strided_slice %mul3A_15 {offsets = [0, 384], sizes = [1000, 128], strides = [1, 1]} : vector<1000x512xf32> to vector<1000x128xf32>
    %swap3A_36 = arith.constant 3 : index
    %swap3A_37 = arith.constant 0 : index
    %swap3A_38 = arith.constant 0 : index
    %swap3A_39 = vector.load %arg5[%swap3A_36, %swap3A_37, %swap3A_38] : memref<4x1000x128xf32, #tpu.memory_space<vmem>>, vector<1x1000x128xf32>
    %swap3A_40 = vector.shape_cast %swap3A_39 : vector<1x1000x128xf32> to vector<1000x128xf32>
    %swap3A_41 = vector.shape_cast %slice3A_35 : vector<1000x128xf32> to vector<1x1000x128xf32>
    tpu.vector_store %arg5[%swap3A_36, %swap3A_37, %swap3A_38], %swap3A_41 {strides = array<i32>} : memref<4x1000x128xf32, #tpu.memory_space<vmem>>, vector<1x1000x128xf32>,
    %broadcast_in_dim3A = vector.shape_cast %rsqrt3A : vector<1000x1xf32> to vector<1000x1xf32>
    %broadcast_in_dim3A_42 = vector.broadcast %broadcast_in_dim3A : vector<1000x1xf32> to vector<1000x16xf32>
    %swap3A_43 = arith.constant 0 : index
    %swap3A_44 = arith.constant 0 : index
    %swap3A_45 = vector.load %arg6[%swap3A_43, %swap3A_44] : memref<1000x16xf32, #tpu.memory_space<vmem>>, vector<1000x16xf32>
    tpu.vector_store %arg6[%swap3A_43, %swap3A_44], %broadcast_in_dim3A_42 {strides = array<i32>} : memref<1000x16xf32, #tpu.memory_space<vmem>>, vector<1000x16xf32>,
    %div3A = arith.constant 1.000000e+00 : f32
    %div3A_46 = vector.broadcast %div3A : f32 to vector<1000x1xf32>
    %div3A_47 = arith.divf %div3A_46, %max3A_14 : vector<1000x1xf32>
    %broadcast_in_dim3A_48 = vector.shape_cast %div3A_47 : vector<1000x1xf32> to vector<1000x1xf32>
    %broadcast_in_dim3A_49 = vector.broadcast %broadcast_in_dim3A_48 : vector<1000x1xf32> to vector<1000x16xf32>
    %swap3A_50 = arith.constant 0 : index
    %swap3A_51 = arith.constant 0 : index
    %swap3A_52 = vector.load %arg7[%swap3A_50, %swap3A_51] : memref<1000x16xf32, #tpu.memory_space<vmem>>, vector<1000x16xf32>
    tpu.vector_store %arg7[%swap3A_50, %swap3A_51], %broadcast_in_dim3A_49 {strides = array<i32>} : memref<1000x16xf32, #tpu.memory_space<vmem>>, vector<1000x16xf32>,
    return
  }
  func.func @transform_0(%arg0: i32) -> (i32, i32) {
    %c0_i32 = arith.constant 0 : i32
    %c0_i32_0 = arith.constant 0 : i32
    return %arg0, %c0_i32 : i32, i32
  }
  func.func @transform_1(%arg0: i32) -> (i32, i32) {
    %c0_i32 = arith.constant 0 : i32
    %c0_i32_0 = arith.constant 0 : i32
    %c0_i32_1 = arith.constant 0 : i32
    return %c0_i32, %c0_i32_0 : i32, i32
  }
  func.func @transform_2(%arg0: i32) -> (i32, i32) {
    %c0_i32 = arith.constant 0 : i32
    %c0_i32_0 = arith.constant 0 : i32
    %c0_i32_1 = arith.constant 0 : i32
    return %c0_i32, %c0_i32_0 : i32, i32
  }
  func.func @transform_3(%arg0: i32) -> (i32, i32) {
    %c0_i32 = arith.constant 0 : i32
    %c0_i32_0 = arith.constant 0 : i32
    return %arg0, %c0_i32 : i32, i32
  }
  func.func @transform_4(%arg0: i32) -> (i32, i32, i32) {
    %c0_i32 = arith.constant 0 : i32
    %c0_i32_0 = arith.constant 0 : i32
    %c0_i32_1 = arith.constant 0 : i32
    return %c0_i32, %arg0, %c0_i32_0 : i32, i32, i32
  }
  func.func @transform_5(%arg0: i32) -> (i32, i32) {
    %c0_i32 = arith.constant 0 : i32
    %c0_i32_0 = arith.constant 0 : i32
    return %arg0, %c0_i32 : i32, i32
  }
  func.func @transform_6(%arg0: i32) -> (i32, i32) {
    %c0_i32 = arith.constant 0 : i32
    %c0_i32_0 = arith.constant 0 : i32
    return %arg0, %c0_i32 : i32, i32
  }
}

module attributes {stable_mosaic.version = 14 : i64} {
  func.func @_mid_body(%arg0: i32, %arg1: i32, %arg2: memref<1x1000x128xf32, #tpu.memory_space<vmem>>, %arg3: memref<1000x16xf32, #tpu.memory_space<vmem>>, %arg4: memref<1x1000x128xf32, #tpu.memory_space<vmem>>) attributes {dimension_semantics = [#tpu.dimension_semantics<arbitrary>, #tpu.dimension_semantics<arbitrary>], iteration_bounds = array<i64: 4, 10>, scalar_prefetch = 0 : i64, scratch_operands = 0 : i64, tpu.core_type = #tpu.core_type<tc>, window_params = [{transform_indices = @transform_0, window_bounds = array<i64: 1, 1000, 128>}, {transform_indices = @transform_1, window_bounds = array<i64: 1000, 16>}, {transform_indices = @transform_2, window_bounds = array<i64: 1, 1000, 128>}]} {
    %get3A = arith.constant 0 : index
    %get3A_0 = arith.constant 0 : index
    %get3A_1 = arith.constant 0 : index
    %get3A_2 = vector.load %arg2[%get3A, %get3A_0, %get3A_1] : memref<1x1000x128xf32, #tpu.memory_space<vmem>>, vector<1x1000x128xf32>
    %get3A_3 = arith.constant 0 : index
    %get3A_4 = arith.constant 0 : index
    %get3A_5 = vector.load %arg3[%get3A_3, %get3A_4] : memref<1000x16xf32, #tpu.memory_space<vmem>>, vector<1000x1xf32>
    %broadcast_in_dim3A = vector.shape_cast %get3A_5 : vector<1000x1xf32> to vector<1x1000x1xf32>
    %mul3A = vector.broadcast %broadcast_in_dim3A : vector<1x1000x1xf32> to vector<1x1000x128xf32>
    %mul3A_6 = arith.mulf %get3A_2, %mul3A : vector<1x1000x128xf32>
    %swap3A = arith.constant 0 : index
    %swap3A_7 = arith.constant 0 : index
    %swap3A_8 = arith.constant 0 : index
    %swap3A_9 = vector.load %arg4[%swap3A, %swap3A_7, %swap3A_8] : memref<1x1000x128xf32, #tpu.memory_space<vmem>>, vector<1x1000x128xf32>
    tpu.vector_store %arg4[%swap3A, %swap3A_7, %swap3A_8], %mul3A_6 {strides = array<i32>} : memref<1x1000x128xf32, #tpu.memory_space<vmem>>, vector<1x1000x128xf32>,
    return
  }
  func.func @transform_0(%arg0: i32, %arg1: i32) -> (i32, i32, i32) {
    %c0_i32 = arith.constant 0 : i32
    %c0_i32_0 = arith.constant 0 : i32
    return %arg0, %arg1, %c0_i32 : i32, i32, i32
  }
  func.func @transform_1(%arg0: i32, %arg1: i32) -> (i32, i32) {
    %c0_i32 = arith.constant 0 : i32
    %c0_i32_0 = arith.constant 0 : i32
    return %arg1, %c0_i32 : i32, i32
  }
  func.func @transform_2(%arg0: i32, %arg1: i32) -> (i32, i32, i32) {
    %c0_i32 = arith.constant 0 : i32
    %c0_i32_0 = arith.constant 0 : i32
    return %arg0, %arg1, %c0_i32 : i32, i32, i32
  }
}

module attributes {stable_mosaic.version = 14 : i64} {
  func.func @_fin_body(%arg0: i32, %arg1: memref<4x1000x128xf32, #tpu.memory_space<vmem>>, %arg2: memref<1000x16xf32, #tpu.memory_space<vmem>>, %arg3: memref<1000x512xf32, #tpu.memory_space<vmem>>) attributes {dimension_semantics = [#tpu.dimension_semantics<arbitrary>], iteration_bounds = array<i64: 10>, scalar_prefetch = 0 : i64, scratch_operands = 0 : i64, tpu.core_type = #tpu.core_type<tc>, window_params = [{transform_indices = @transform_0, window_bounds = array<i64: 4, 1000, 128>}, {transform_indices = @transform_1, window_bounds = array<i64: 1000, 16>}, {transform_indices = @transform_2, window_bounds = array<i64: 1000, 512>}]} {
    %get3A = arith.constant 0 : index
    %get3A_0 = arith.constant 0 : index
    %get3A_1 = vector.load %arg2[%get3A, %get3A_0] : memref<1000x16xf32, #tpu.memory_space<vmem>>, vector<1000x1xf32>
    %get3A_2 = arith.constant 0 : index
    %get3A_3 = arith.constant 0 : index
    %get3A_4 = arith.constant 0 : index
    %get3A_5 = vector.load %arg1[%get3A_2, %get3A_3, %get3A_4] : memref<4x1000x128xf32, #tpu.memory_space<vmem>>, vector<1x1000x128xf32>
    %get3A_6 = vector.shape_cast %get3A_5 : vector<1x1000x128xf32> to vector<1000x128xf32>
    %mul3A = vector.broadcast %get3A_1 : vector<1000x1xf32> to vector<1000x128xf32>
    %mul3A_7 = arith.mulf %get3A_6, %mul3A : vector<1000x128xf32>
    %swap3A = arith.constant 0 : index
    %swap3A_8 = arith.constant 0 : index
    %swap3A_9 = vector.load %arg3[%swap3A, %swap3A_8] : memref<1000x512xf32, #tpu.memory_space<vmem>>, vector<1000x128xf32>
    tpu.vector_store %arg3[%swap3A, %swap3A_8], %mul3A_7 {strides = array<i32>} : memref<1000x512xf32, #tpu.memory_space<vmem>>, vector<1000x128xf32>,
    %get3A_10 = arith.constant 1 : index
    %get3A_11 = arith.constant 0 : index
    %get3A_12 = arith.constant 0 : index
    %get3A_13 = vector.load %arg1[%get3A_10, %get3A_11, %get3A_12] : memref<4x1000x128xf32, #tpu.memory_space<vmem>>, vector<1x1000x128xf32>
    %get3A_14 = vector.shape_cast %get3A_13 : vector<1x1000x128xf32> to vector<1000x128xf32>
    %mul3A_15 = vector.broadcast %get3A_1 : vector<1000x1xf32> to vector<1000x128xf32>
    %mul3A_16 = arith.mulf %get3A_14, %mul3A_15 : vector<1000x128xf32>
    %swap3A_17 = arith.constant 0 : index
    %swap3A_18 = arith.constant 128 : index
    %swap3A_19 = vector.load %arg3[%swap3A_17, %swap3A_18] : memref<1000x512xf32, #tpu.memory_space<vmem>>, vector<1000x128xf32>
    tpu.vector_store %arg3[%swap3A_17, %swap3A_18], %mul3A_16 {strides = array<i32>} : memref<1000x512xf32, #tpu.memory_space<vmem>>, vector<1000x128xf32>,
    %get3A_20 = arith.constant 2 : index
    %get3A_21 = arith.constant 0 : index
    %get3A_22 = arith.constant 0 : index
    %get3A_23 = vector.load %arg1[%get3A_20, %get3A_21, %get3A_22] : memref<4x1000x128xf32, #tpu.memory_space<vmem>>, vector<1x1000x128xf32>
    %get3A_24 = vector.shape_cast %get3A_23 : vector<1x1000x128xf32> to vector<1000x128xf32>
    %mul3A_25 = vector.broadcast %get3A_1 : vector<1000x1xf32> to vector<1000x128xf32>
    %mul3A_26 = arith.mulf %get3A_24, %mul3A_25 : vector<1000x128xf32>
    %swap3A_27 = arith.constant 0 : index
    %swap3A_28 = arith.constant 256 : index
    %swap3A_29 = vector.load %arg3[%swap3A_27, %swap3A_28] : memref<1000x512xf32, #tpu.memory_space<vmem>>, vector<1000x128xf32>
    tpu.vector_store %arg3[%swap3A_27, %swap3A_28], %mul3A_26 {strides = array<i32>} : memref<1000x512xf32, #tpu.memory_space<vmem>>, vector<1000x128xf32>,
    %get3A_30 = arith.constant 3 : index
    %get3A_31 = arith.constant 0 : index
    %get3A_32 = arith.constant 0 : index
    %get3A_33 = vector.load %arg1[%get3A_30, %get3A_31, %get3A_32] : memref<4x1000x128xf32, #tpu.memory_space<vmem>>, vector<1x1000x128xf32>
    %get3A_34 = vector.shape_cast %get3A_33 : vector<1x1000x128xf32> to vector<1000x128xf32>
    %mul3A_35 = vector.broadcast %get3A_1 : vector<1000x1xf32> to vector<1000x128xf32>
    %mul3A_36 = arith.mulf %get3A_34, %mul3A_35 : vector<1000x128xf32>
    %swap3A_37 = arith.constant 0 : index
    %swap3A_38 = arith.constant 384 : index
    %swap3A_39 = vector.load %arg3[%swap3A_37, %swap3A_38] : memref<1000x512xf32, #tpu.memory_space<vmem>>, vector<1000x128xf32>
    tpu.vector_store %arg3[%swap3A_37, %swap3A_38], %mul3A_36 {strides = array<i32>} : memref<1000x512xf32, #tpu.memory_space<vmem>>, vector<1000x128xf32>,
    return
  }
  func.func @transform_0(%arg0: i32) -> (i32, i32, i32) {
    %c0_i32 = arith.constant 0 : i32
    %c0_i32_0 = arith.constant 0 : i32
    %c0_i32_1 = arith.constant 0 : i32
    return %c0_i32, %arg0, %c0_i32_0 : i32, i32, i32
  }
  func.func @transform_1(%arg0: i32) -> (i32, i32) {
    %c0_i32 = arith.constant 0 : i32
    %c0_i32_0 = arith.constant 0 : i32
    return %arg0, %c0_i32 : i32, i32
  }
  func.func @transform_2(%arg0: i32) -> (i32, i32) {
    %c0_i32 = arith.constant 0 : i32
    %c0_i32_0 = arith.constant 0 : i32
    return %arg0, %c0_i32 : i32, i32
  }
}

</mosaic_0001>

<sc_bundles>
// kernel: kernel.11.cloned.1.call-start
scs
__scs_entry_jumppad:
0x0: {  	(pc) =	sbr.rel $0x88, $3  }
0x1: {  	(tag) =	ssettag $0x0;
	lr =	simm.s32 $0x1  }
0x2: {  	[smem:$0x3F9D] =	sst lr;
	_ =	strace $0xD0000000  }
0x3: {  	_ = 	snop  }
0x4: {  	_ = 	snop  }
0x5: {  	_ = 	snop  }
0x6: {  	_ = 	snop  }
0x7: {  	_ = 	snop  }
__scs_overlays_trampoline_lowered:
0x8: {  	[smem:$0x3FAC] =	sst s0  }
0x9: {  	[smem:$0x3FAD] =	sst s1  }
0xa: {  	[smem:$0x3FAE] =	sst s2  }
0xb: {  	[smem:$0x3FAF] =	sst s3  }
0xc: {  	[smem:$0x3FB0] =	sst s4  }
0xd: {  	[smem:$0x3FB1] =	sst s5  }
0xe: {  	[smem:$0x3FB2] =	sst s6  }
0xf: {  	[smem:$0x3FB3] =	sst s7  }
0x10: {  	[smem:$0x3FB4] =	sst s8  }
0x11: {  	[smem:$0x3FB5] =	sst s9;
	s0 =	simm.s32 @!p0 $0x0  }
0x12: {  	s1 =	sld [smem:$0x3F9B];
	s0 =	simm.s32 @p0 $0x1  }
0x13: {  	[smem:$0x3FB6] =	sst s0;
	s0 =	simm.s32 @!p1 $0x0  }
0x14: {  	s2 =	sld [smem:$0x3F9A];
	s0 =	simm.s32 @p1 $0x1  }
0x15: {  	[smem:$0x3FB7] =	sst s0;
	s0 =	simm.s32 @!p2 $0x0  }
0x16: {  	s3 =	sld [smem:$0x3FDB];
	s0 =	simm.s32 @p2 $0x1  }
0x17: {  	s4 =	simm.s32 $0x1BF5;
	[smem:$0x3FB9] =	sst s0  }
0x18: {  	s0 =	sld [smem:$0x3F9C];
	_ =	swait.ge [sflag:s4], $0x0  }
0x19: {  	s7 =	sld [smem:$0x3F9D]  }
0x1a: {  	s8 =	sadd.s32 $0xFFFFE003, lr  }
0x1b: {  	s9 =	sadd.s32 $0xFFFFFEF7, lr;
	s5 =	simm.s32 $0xFFFFFFFF;
	p2 =	slt.u32 s8, $0xFFFFF086  }
0x1c: {  	p1 =	slt.u32 s9, $0xF7A;
	s5 =	simm.s32 @!p2 $0x0  }
0x1d: {  	s5 =	simm.s32 @p1 $0x1;
	p0 =	seq.s32 s7, s2  }
0x1e: {  	s7 =	smul.u32 @!p0 $0xF7A, s2;
	p2 =	seq.s32 @!p0 s5, $0x0  }
0x1f: {  	s9 =	smul.u32 $0xF7A, s1;
	s8 =	simm.s32 @!p0 $0x1BF5;
	p2 =	por !p2, p0  }
0x20: {  	[sflag:s8] =	ssyncset.s32 @!p0 $0xFFFFF086;
	s6 =	sadd.s32 @!p0 s3, s7;
	s7 =	simm.s32 @!p0 $0x108  }
0x21: {  	s3 =	sadd.s32 s3, s9;
	s6 =	sadd.s32 @!p0 $0x88, s6;
	s7 =	simm.s32 @p2 $0x1082  }
0x22: {  	[simem:s7], [sflag:s8] =	dma.local @!p0 [hbm:s6], $0xF7A  }
0x23: {  	s9 =	sor.u32 $0xD0000000, s2;
	s6 =	simm.s32 $0x108;
	_ =	swait.ge @!p0 [sflag:s8], $0x0  }
0x24: {  	s3 =	sadd.s32 $0x88, s3;
	s6 =	simm.s32 @!p1 $0x1082;
	[sflag:s4] =	ssyncset.s32 $0xFFFFF086  }
0x25: {  	[simem:s6], [sflag:s4] =	dma.local [hbm:s3], $0xF7A  }
0x26: {  	[smem:$0x3F9D] =	sst s1;
	(tag) =	ssettag s2;
	_ =	strace s9  }
0x27: {  	s1 =	sld [smem:$0x3FAD]  }
0x28: {  	s2 =	sld [smem:$0x3FAE]  }
0x29: {  	s4 =	sld [smem:$0x3FB0]  }
0x2a: {  	p0 =	seq.s32 s5, $0x0;
	s5 =	sld [smem:$0x3FB1]  }
0x2b: {  	s6 =	sld [smem:$0x3FB2]  }
0x2c: {  	s7 =	sld [smem:$0x3FB3]  }
0x2d: {  	s3 =	simm.s32 $0x108;
	s8 =	sld [smem:$0x3FB4]  }
0x2e: {  	s3 =	simm.s32 @!p0 $0x1082;
	s9 =	sld [smem:$0x3FB5]  }
0x2f: {  	lr =	sadd.s32 s0, s3;
	s0 =	sld [smem:$0x3FAC]  }
0x30: {  	s3 =	sld [smem:$0x3FAF]  }
0x31: {  	[smem:$0x3FB8] =	sst s10  }
0x32: {  	s10 =	sld [smem:$0x3FB6];
	_ =	sdelay $0x3  }
0x33: {  	p0 =	seq.s32 s10, $0x1;
	s10 =	sld [smem:$0x3FB8];
	_ =	sdelay $0x3  }
0x34: {  	[smem:$0x3FB8] =	sst s10  }
0x35: {  	s10 =	sld [smem:$0x3FB7];
	_ =	sdelay $0x3  }
0x36: {  	p1 =	seq.s32 s10, $0x1;
	s10 =	sld [smem:$0x3FB8];
	_ =	sdelay $0x3  }
0x37: {  	[smem:$0x3FB8] =	sst s10  }
0x38: {  	s10 =	sld [smem:$0x3FB9]  }
0x39: {  	_ = 	snop;
	(pc) =	sbr.ind lr, $3  }
0x3a: {  	_ = 	snop  }
0x3b: {  	_ = 	snop  }
0x3c: {  	p2 =	seq.s32 s10, $0x1;
	s10 =	sld [smem:$0x3FB8]  }
0x3d: {  	_ =	shalt  }
0x3e: {  	_ =	shalt  }
0x3f: {  	_ =	shalt  }
0x40: {  	_ =	shalt  }
0x41: {  	_ =	shalt  }
0x42: {  	_ =	shalt  }
0x43: {  	_ =	shalt  }
0x44: {  	_ =	shalt  }
0x45: {  	_ =	shalt  }
0x46: {  	_ =	shalt  }
0x47: {  	_ =	shalt  }
0x48: {  	_ =	shalt  }
0x49: {  	_ =	shalt  }
0x4a: {  	_ =	shalt  }
0x4b: {  	_ =	shalt  }
0x4c: {  	_ =	shalt  }
0x4d: {  	_ =	shalt  }
0x4e: {  	_ =	shalt  }
0x4f: {  	_ =	shalt  }
0x50: {  	_ =	shalt  }
0x51: {  	_ =	shalt  }
0x52: {  	_ =	shalt  }
0x53: {  	_ =	shalt  }
0x54: {  	_ =	shalt  }
0x55: {  	_ =	shalt  }
0x56: {  	_ =	shalt  }
0x57: {  	_ =	shalt  }
0x58: {  	_ =	shalt  }
0x59: {  	_ =	shalt  }
0x5a: {  	_ =	shalt  }
0x5b: {  	_ =	shalt  }
0x5c: {  	_ =	shalt  }
0x5d: {  	_ =	shalt  }
0x5e: {  	_ =	shalt  }
0x5f: {  	_ =	shalt  }
0x60: {  	_ =	shalt  }
0x61: {  	_ =	shalt  }
0x62: {  	_ =	shalt  }
0x63: {  	_ =	shalt  }
0x64: {  	_ =	shalt  }
0x65: {  	_ =	shalt  }
0x66: {  	_ =	shalt  }
0x67: {  	_ =	shalt  }
0x68: {  	_ =	shalt  }
0x69: {  	_ =	shalt  }
0x6a: {  	_ =	shalt  }
0x6b: {  	_ =	shalt  }
0x6c: {  	_ =	shalt  }
0x6d: {  	_ =	shalt  }
0x6e: {  	_ =	shalt  }
0x6f: {  	_ =	shalt  }
0x70: {  	_ =	shalt  }
0x71: {  	_ =	shalt  }
0x72: {  	_ =	shalt  }
0x73: {  	_ =	shalt  }
0x74: {  	_ =	shalt  }
0x75: {  	_ =	shalt  }
0x76: {  	_ =	shalt  }
0x77: {  	_ =	shalt  }
0x78: {  	_ =	shalt  }
0x79: {  	_ =	shalt  }
0x7a: {  	_ =	shalt  }
0x7b: {  	_ =	shalt  }
0x7c: {  	_ =	shalt  }
0x7d: {  	_ =	shalt  }
0x7e: {  	_ =	shalt  }
0x7f: {  	_ =	shalt  }
0x80: {  	_ =	shalt  }
0x81: {  	_ =	shalt  }
0x82: {  	_ =	shalt  }
0x83: {  	_ =	shalt  }
0x84: {  	_ =	shalt  }
0x85: {  	_ =	shalt  }
0x86: {  	_ =	shalt  }
0x87: {  	_ =	shalt  }
.Lfunc_end0:
.L_simem_size_0:
called_computation.1_lowered:
.L_overlay_start_0:
0x88: {  	s2 =	sld [smem:$0x3FD9]  }
0x89: {  	s3 =	sld [smem:$0x3FFE];
	_ =	sdelay $0x1  }
0x8a: {  	s1 =	srdreg.scid  }
0x8b: {  	s0 =	sand.u32 $0x1, s1  }
0x8c: {  	s17 =	sshll.u32 s0, $0xA;
	s2 =	sadd.s32 s3, s2  }
0x8d: {  	s2 =	sadd.s32 s2, s17  }
0x8e: {  	[smem:$0x3FC4] =	sst s2  }
0x8f: {  	_ = 	snop  }
0x90: {  	s2 =	sld [smem:$0x3FD0];
	(tm) =	ssettm $0x1  }
0x91: {  	s18 =	sld [smem:$0x3FFB];
	_ =	sdelay $0x3  }
0x92: {  	_ =	strace s18  }
0x93: {  	s3 =	sld [smem:$0x3FFC];
	_ =	sdelay $0x3  }
0x94: {  	_ =	strace s3  }
0x95: {  	s3 =	sld [smem:$0x3FFD];
	_ =	sdelay $0x3  }
0x96: {  	_ =	strace s3  }
0x97: {  	_ =	strace $0x8FFFFFFF  }
0x98: {  	s19 =	sld [smem:$0x3FDB];
	_ =	sdelay $0x1  }
0x99: {  	s4 =	simm.s32 $_scs_section_size  }
0x9a: {  	s5 =	simm.s32 $_size__tile_overlayer_lowered;
	s6 =	simm.s32 $_tile_overlayer_lowered  }
0x9b: {  	s22 =	simm.s32 $0x1BFF;
	s21 =	sshll.u32 s6, $0x1;
	s3 =	sadd.s32 s4, s19  }
0x9c: {  	s7 =	simm.s32 $0x0;
	s20 =	sshll.u32 s5, $0x1;
	s5 =	sadd.s32 s21, s3  }
0x9d: {  	[timem:s7], [sflag:s22] =	dma.local [hbm:s5], s20  }
0x9e: {  	_ =	swait.ge [sflag:s22], s20  }
0x9f: {  	s4 =	ssub.s32 $0x0, s20;
	[sflag:s22] =	ssyncset.done $0x0  }
0xa0: {  	[sflag:s22] =	ssyncadd.s32 s4;
	_ =	sdelay $0x1  }
0xa1: {  	s23 =	simm.s32 $0x1B8B  }
0xa2: {  	_ =	swait.ge [sflag:s23], $0x1  }
0xa3: {  	[sflag:s23] =	ssyncset.done $0x0  }
0xa4: {  	s25 =	simm.s32 $0x1B8E;
	s24 =	sld [smem:$0x3FFE];
	[sflag:s23] =	ssyncadd.s32 $0xFFFFFFFF  }
0xa5: {  	s26 =	simm.s32 $execute0_lowered;
	[smem:$0x3FD2] =	sst s25  }
0xa6: {  	s5 =	sshll.u32 s26, $0x1;
	_ =	strace $0x80000049;
	[dreg:$0x1] =	wrdreg $0xFFFFFFFF  }
0xa7: {  	s28 =	simm.s32 $_size_execute0_lowered;
	s3 =	sadd.s32 s3, s5;
	[dreg:$0x0] =	wrdreg $0x0  }
0xa8: {  	s5 =	sshll.u32 s28, $0x1;
	[dreg:$0x2] =	wrdreg s3  }
0xa9: {  	[dreg:$0x3] =	wrdreg s5  }
0xaa: {  	[dreg:$0x4] =	wrdreg $0xC0  }
0xab: {  	_ =	task [dreg:s7], $0x5FFFF  }
0xac: {  	[dreg:$0x1] =	wrdreg $0xFFFFFFFF  }
0xad: {  	[dreg:$0x0] =	wrdreg $0x60  }
0xae: {  	[dreg:$0x2] =	wrdreg s2  }
0xaf: {  	[dreg:$0x3] =	wrdreg s24  }
0xb0: {  	[dreg:$0x4] =	wrdreg $0xC6200  }
0xb1: {  	[dreg:$0x5] =	wrdreg $0x9  }
0xb2: {  	_ =	task.clear_ibuf [dreg:s7], $0x6FFFF;
	_ =	strace $0x90000049  }
0xb3: {  	s29 =	simm.s32 $0x9;
	_ =	strace $0x8000004B  }
0xb4: {  	_ =	swait.ge [sflag:s29], $0x1  }
0xb5: {  	[sflag:s29] =	ssyncadd.s32 $0xFFFFFFFF  }
0xb6: {  	_ =	strace $0x9000004B  }
0xb7: {  	_ =	sfence  }
0xb8: {  	s30 =	sld [smem:$0x0];
	_ =	sdelay $0x2  }
0xb9: {  	s31 =	sshll.u32 s1, $0xD;
	s1 =	sshrl.u32 s1, $0x2  }
0xba: {  	s3 =	sand.u32 $0x4000, s31;
	s1 =	sadd.s32 s1, s30  }
0xbb: {  	s0 =	sor.u32 s3, s0;
	s1 =	sshll.u32 s1, $0x11  }
0xbc: {  	s0 =	sor.u32 s1, s0  }
0xbd: {  	s0 =	sadd.s32 $0x8F2B, s0  }
0xbe: {  	[sflag:s0] =	ssyncadd.remote.s32 $0x1  }
0xbf: {  	_ =	sfence.sel $0xFFFF  }
0xc0: {  	[dreg:$0x0] =	wrdreg $0xFFFFFFFF;
	(pc) =	sbr.abs _section_cstart, $3  }
0xc1: {  	[dreg:$0x1] =	wrdreg $0xFFFFFFFF  }
0xc2: {  	_ =	task.clear_ibuf [dreg:s7], $0x2FFFF;
	_ =	strace $0x9FFFFFFF  }
0xc3: {  	(tm) =	ssettm $0x7FFFFFFF  }
tec
execute0_lowered:
.L_overlay_start_1:
0x0: {  	(tag) =	ssettag $0x1  }
0x1: {  	s1 =	rddreg [dreg:$0x0]  }
0x2: {  	s0 =	rddreg [dreg:$0x1]  }
0x3: {  	s3 =	rddreg [dreg:$0x2];
	s4 =	simm.s32 $0x0;
	s13 =	stileid.u32  }
0x4: {  	s6 =	srdreg.scid;
	s18 =	simm.s32 $0x4;
	s20 =	simm.s32 $0x50  }
0x5: {  	s21 =	simm.s32 $0x4E20;
	s22 =	simm.s32 $0x7620;
	s28 =	simm.s32 $0x2  }
0x6: {  	s29 =	simm.s32 $0x3;
	s30 =	simm.s32 $0x4C90;
	s2 =	smul.u32 $0x4E2, s13  }
0x7: {  	s31 =	simm.s32 $0x2670;
	s19 =	simm.s32 $0x26C0;
	s5 =	smul.u32 $0x1F400, s13  }
0x8: {  	[smem:$0x7FF] =	sst s4;
	s7 =	sand.u32 $0x1, s6;
	s9 =	smul.u32 $0x7D000, s13  }
0x9: {  	s6 =	sadd.s32 $0xA400, s0;
	s26 =	sadd.s32 $0x35500, s0;
	s14 =	sadd.s32 $0x4E200, s1  }
0xa: {  	s15 =	sadd.s32 $0x75300, s1;
	p1 =	sgt.u32 s13, $0x9;
	p2 =	slt.u32 s13, $0xA  }
0xb: {  	s13 =	simm.s32 $0x4D80;
	_ =	strace $0x8000004A;
	s8 =	ssub.s32 $0x2, s7  }
0xc: {  	p0 =	seq.s32 s7, $0x1;
	[dreg:$0x9] =	wrdreg s26;
	s26 =	simm.s32 $0x1  }
0xd: {  	s2 =	sadd.s32 s2, s0;
	s16 =	sshrl.u32 s5, $0x3;
	s10 =	sshrl.u32 s8, $0x1  }
0xe: {  	s9 =	sshrl.u32 s9, $0x2;
	s23 =	sadd.s32 $0x400, s2;
	[dreg:$0x4] =	wrdreg s16  }
0xf: {  	s12 =	sadd.s32 s5, s3;
	s2 =	sadd.s32 $0x5400, s2;
	[dreg:$0x5] =	wrdreg s23  }
0x10: {  	s11 =	sadd.s32 s16, s0;
	s24 =	sadd.s32 s9, s3;
	[dreg:$0x6] =	wrdreg s2  }
0x11: {  	s8 =	ssub.s32 s8, s10;
	s10 =	sadd.s32 $0x27100, s1;
	[dreg:$0x7] =	wrdreg s24  }
.Ltmp0:
0x12: {  	s25 =	sadd.s32 $0xE400, s11;
	s2 =	sadd.s32 $0x5C600, s0;
	(pc) =	sbr.rel .LBB2_1-.Ltmp0, $4  }
0x13: {  	s0 =	sadd.s32 $0x83700, s0;
	s17 =	smax.u32 s8, $0x1;
	s23 =	simm.s32 $0xA0  }
0x14: {  	s24 =	simm.s32 $0x9E20;
	s11 =	simm.s32 $0x4D30;
	[dreg:$0x8] =	wrdreg s25  }
0x15: {  	[dreg:$0xa] =	wrdreg s0;
	s0 =	sadd.s32 @!p1 s16, s2;
	s16 =	simm.s32 $0x4DD0  }
0x16: {  	s25 =	simm.s32 $0x0;
	[dreg:$0xb] =	wrdreg s0;
	s0 =	simm.s32 $0x4CE0  }
.LBB2_12:
0x17: {  	s5 =	stileid.u32  }
0x18: {  	s7 =	rddreg [dreg:$0x4];
	s5 =	sshll.u32 s5, $0x6  }
0x19: {  	s9 =	sshrl.u32 s12, $0x3;
	s2 =	sadd.s32 s7, s2;
	s5 =	sor.u32 $0x1C04, s5  }
0x1a: {  	[hbm:s2], [sflag:s5] =	dma.local [spmem:s9], $0x3E80  }
0x1b: {  	_ =	swait.ge [sflag:s18], $0x3E80  }
0x1c: {  	[sflag:s18] =	ssyncset.done $0x0  }
0x1d: {  	[sflag:s18] =	ssyncadd.s32 $0xFFFFC180  }
.LBB2_13:
0x1e: {  	s25 =	sadd.s32 $0x1, s25  }
0x1f: {  	p3 =	sne.s32 s25, s17  }
.Ltmp1:
0x20: {  	_ = 	snop;
	(pc) =	sbr.rel @!p3 .LBB2_14-.Ltmp1, $2  }
0x21: {  	_ =	sdelay $0x1  }
0x22: {  	[bflag:$0x0] =	sbarrier.arrive $0xFFFF;
	_ =	sdelay $0x1  }
.LBB2_1:
0x23: {  	s2 =	rddreg [dreg:$0x5]  }
0x24: {  	[tilespmem:s4], [sflag:$0x4] =	stream.linear.gather [hbm4b:s2+s4], $0x2710, $0x38;
	[tilespmem:$0x1FEA0] =	vst v63  }
0x25: {  	_ =	swait.ge [sflag:s18], $0x2710  }
0x26: {  	s5 =	simm.s32 $0x2710;
	s2 =	stileid.u32;
	[sflag:s18] =	ssyncset.done $0x0  }
.Ltmp2:
0x27: {  	s9 =	rddreg [dreg:$0x6];
	[sflag:s18] =	ssyncadd.s32 $0xFFFFD8F0;
	(pc) =	sbr.rel @!p0 .LBB2_2-.Ltmp2, $4  }
0x28: {  	[tilespmem:s5], [sflag:$0x4] =	stream.linear.gather [hbm4b:s9+s4], $0x2710, $0x38;
	[tilespmem:$0x1FEA0] =	vst v63  }
0x29: {  	s2 =	sshll.u32 @!p1 s2, $0x6;
	_ =	swait.ge [sflag:s18], $0x2710  }
0x2a: {  	s2 =	sor.u32 @!p1 $0x1C04, s2;
	[sflag:s18] =	ssyncset.done $0x0;
	s5 =	rddreg [dreg:$0x7]  }
0x2b: {  	[sflag:s18] =	ssyncadd.s32 $0xFFFFD8F0;
	s7 =	sshrl.u32 @!p1 s5, $0x3;
	s5 =	sshrl.u32 @!p1 s12, $0x3  }
0x2c: {  	[tilespmem:s21], [sflag:$0x1] =	stream.indirect.gather [hbm4b:s14+s20], $0x80, s4, s20, $0xb8;
	[tilespmem:$0x1FEA0] =	vst v63  }
0x2d: {  	_ = 	snop  }
0x2e: {  	[tilespmem:s22], [sflag:$0x2] =	stream.indirect.gather [hbm4b:s14+s20], $0x80, s20, s20, $0xb8;
	[tilespmem:$0x1FEA0] =	vst v63  }
0x2f: {  	_ = 	snop  }
0x30: {  	[tilespmem:s24], [sflag:$0x3] =	stream.indirect.gather [hbm4b:s14+s20], $0x80, s23, s20, $0xb8;
	[tilespmem:$0x1FEA0] =	vst v63  }
0x31: {  	[spmem:s7], [sflag:s2] =	dma.local @!p1 [hbm:s6], $0x3E80  }
0x32: {  	s7 =	simm.s32 @!p1 $0x4  }
0x33: {  	_ =	swait.ge @!p1 [sflag:s7], $0x3E80  }
0x34: {  	[sflag:s7] =	ssyncset.done @!p1 $0x0  }
0x35: {  	[sflag:s7] =	ssyncadd.s32 @!p1 $0xFFFFC180  }
0x36: {  	[bflag:$0x0] =	sbarrier.arrive $0xFFFF  }
0x37: {  	_ =	swait.ge [sflag:s26], $0x2800  }
0x38: {  	[sflag:s26] =	ssyncset.done $0x0  }
0x39: {  	s9 =	simm.s32 $0x2710;
	[sflag:s26] =	ssyncadd.s32 $0xFFFFD800  }
0x3a: {  	[spmem:s3] =	stream.indirect.scatter.add.f32 [tilespmem:s21], [sflag:$0x4], $0x80, s9, s20, $0xb8;
	[tilespmem:$0x1FEA0] =	vst v63  }
0x3b: {  	_ =	swait.ge [sflag:s18], $0x2800  }
0x3c: {  	[sflag:s18] =	ssyncset.done $0x0  }
0x3d: {  	s8 =	simm.s32 $0xF0;
	[sflag:s18] =	ssyncadd.s32 $0xFFFFD800  }
0x3e: {  	[tilespmem:s21], [sflag:$0x1] =	stream.indirect.gather [hbm4b:s14+s20], $0x80, s8, s20, $0xb8;
	[tilespmem:$0x1FEA0] =	vst v63  }
0x3f: {  	_ =	swait.ge [sflag:s28], $0x2800  }
0x40: {  	[sflag:s28] =	ssyncset.done $0x0  }
0x41: {  	s9 =	simm.s32 $0x2760;
	[sflag:s28] =	ssyncadd.s32 $0xFFFFD800  }
0x42: {  	[spmem:s3] =	stream.indirect.scatter.add.f32 [tilespmem:s22], [sflag:$0x4], $0x80, s9, s20, $0xb8;
	[tilespmem:$0x1FEA0] =	vst v63  }
0x43: {  	_ =	swait.ge [sflag:s18], $0x2800  }
0x44: {  	[sflag:s18] =	ssyncset.done $0x0  }
0x45: {  	s8 =	simm.s32 $0x140;
	[sflag:s18] =	ssyncadd.s32 $0xFFFFD800  }
0x46: {  	[tilespmem:s22], [sflag:$0x2] =	stream.indirect.gather [hbm4b:s14+s20], $0x80, s8, s20, $0xb8;
	[tilespmem:$0x1FEA0] =	vst v63  }
0x47: {  	_ =	swait.ge [sflag:s29], $0x2800  }
0x48: {  	[sflag:s29] =	ssyncset.done $0x0  }
0x49: {  	s9 =	simm.s32 $0x27B0;
	[sflag:s29] =	ssyncadd.s32 $0xFFFFD800  }
0x4a: {  	[spmem:s3] =	stream.indirect.scatter.add.f32 [tilespmem:s24], [sflag:$0x4], $0x80, s9, s20, $0xb8;
	[tilespmem:$0x1FEA0] =	vst v63  }
0x4b: {  	_ =	swait.ge [sflag:s18], $0x2800  }
0x4c: {  	[sflag:s18] =	ssyncset.done $0x0  }
0x4d: {  	s7 =	simm.s32 $0x3C0;
	s8 =	simm.s32 $0x190;
	[sflag:s18] =	ssyncadd.s32 $0xFFFFD800  }
.LBB2_8:
0x4e: {  	[tilespmem:s24], [sflag:$0x3] =	stream.indirect.gather [hbm4b:s14+s20], $0x80, s8, s20, $0xb8;
	[tilespmem:$0x1FEA0] =	vst v63  }
0x4f: {  	s8 =	smov.u32 s7  }
0x50: {  	p3 =	sne.s32 s7, $0x9240;
	s7 =	sadd.s32 $0x3C0, s7;
	_ =	swait.ge [sflag:s26], $0x2800  }
0x51: {  	s8 =	sshra.s32 s8, $0x2;
	[sflag:s26] =	ssyncset.done $0x0  }
0x52: {  	s9 =	sadd.s32 $0x2710, s8;
	[sflag:s26] =	ssyncadd.s32 $0xFFFFD800  }
0x53: {  	[spmem:s3] =	stream.indirect.scatter.add.f32 [tilespmem:s21], [sflag:$0x4], $0x80, s9, s20, $0xb8;
	[tilespmem:$0x1FEA0] =	vst v63  }
0x54: {  	_ =	swait.ge [sflag:s18], $0x2800  }
0x55: {  	[sflag:s18] =	ssyncset.done $0x0  }
0x56: {  	s9 =	sadd.s32 $0xF0, s8;
	[sflag:s18] =	ssyncadd.s32 $0xFFFFD800  }
0x57: {  	[tilespmem:s21], [sflag:$0x1] =	stream.indirect.gather [hbm4b:s14+s20], $0x80, s9, s20, $0xb8;
	[tilespmem:$0x1FEA0] =	vst v63  }
0x58: {  	_ =	swait.ge [sflag:s28], $0x2800  }
0x59: {  	[sflag:s28] =	ssyncset.done $0x0  }
0x5a: {  	s9 =	sadd.s32 $0x2760, s8;
	[sflag:s28] =	ssyncadd.s32 $0xFFFFD800  }
0x5b: {  	[spmem:s3] =	stream.indirect.scatter.add.f32 [tilespmem:s22], [sflag:$0x4], $0x80, s9, s20, $0xb8;
	[tilespmem:$0x1FEA0] =	vst v63  }
0x5c: {  	_ =	swait.ge [sflag:s18], $0x2800  }
0x5d: {  	[sflag:s18] =	ssyncset.done $0x0  }
0x5e: {  	s9 =	sadd.s32 $0x140, s8;
	[sflag:s18] =	ssyncadd.s32 $0xFFFFD800  }
0x5f: {  	[tilespmem:s22], [sflag:$0x2] =	stream.indirect.gather [hbm4b:s14+s20], $0x80, s9, s20, $0xb8;
	[tilespmem:$0x1FEA0] =	vst v63  }
0x60: {  	_ =	swait.ge [sflag:s29], $0x2800  }
0x61: {  	[sflag:s29] =	ssyncset.done $0x0  }
.Ltmp3:
0x62: {  	s9 =	sadd.s32 $0x27B0, s8;
	[sflag:s29] =	ssyncadd.s32 $0xFFFFD800;
	(pc) =	sbr.rel @p3 .LBB2_8-.Ltmp3, $4  }
0x63: {  	[spmem:s3] =	stream.indirect.scatter.add.f32 [tilespmem:s24], [sflag:$0x4], $0x80, s9, s20, $0xb8;
	[tilespmem:$0x1FEA0] =	vst v63  }
0x64: {  	_ =	swait.ge [sflag:s18], $0x2800  }
0x65: {  	[sflag:s18] =	ssyncset.done $0x0  }
0x66: {  	s8 =	sadd.s32 $0x190, s8;
	[sflag:s18] =	ssyncadd.s32 $0xFFFFD800  }
0x67: {  	[tilespmem:s24], [sflag:$0x3] =	stream.indirect.gather [hbm4b:s14+s20], $0x80, s8, s20, $0xb8;
	[tilespmem:$0x1FEA0] =	vst v63  }
0x68: {  	_ =	swait.ge [sflag:s26], $0x2800  }
0x69: {  	[sflag:s26] =	ssyncset.done $0x0  }
0x6a: {  	[sflag:s26] =	ssyncadd.s32 $0xFFFFD800  }
0x6b: {  	[spmem:s3] =	stream.indirect.scatter.add.f32 [tilespmem:s21], [sflag:$0x4], $0x80, s30, s20, $0xb8;
	[tilespmem:$0x1FEA0] =	vst v63  }
0x6c: {  	_ =	swait.ge [sflag:s18], $0x2800  }
0x6d: {  	[sflag:s18] =	ssyncset.done $0x0  }
0x6e: {  	[sflag:s18] =	ssyncadd.s32 $0xFFFFD800  }
0x6f: {  	[tilespmem:s21], [sflag:$0x1] =	stream.indirect.gather [hbm4b:s14+s20], $0x80, s31, s20, $0xb8;
	[tilespmem:$0x1FEA0] =	vst v63  }
0x70: {  	_ =	swait.ge [sflag:s28], $0x2800  }
0x71: {  	[sflag:s28] =	ssyncset.done $0x0  }
0x72: {  	[sflag:s28] =	ssyncadd.s32 $0xFFFFD800  }
0x73: {  	[spmem:s3] =	stream.indirect.scatter.add.f32 [tilespmem:s22], [sflag:$0x4], $0x80, s0, s20, $0xb8;
	[tilespmem:$0x1FEA0] =	vst v63  }
0x74: {  	_ =	swait.ge [sflag:s18], $0x2800  }
0x75: {  	[sflag:s18] =	ssyncset.done $0x0  }
0x76: {  	[sflag:s18] =	ssyncadd.s32 $0xFFFFD800  }
0x77: {  	[tilespmem:s22], [sflag:$0x2] =	stream.indirect.gather [hbm4b:s14+s20], $0x80, s19, s20, $0xb8;
	[tilespmem:$0x1FEA0] =	vst v63  }
0x78: {  	_ =	swait.ge [sflag:s29], $0x2800  }
0x79: {  	[sflag:s29] =	ssyncset.done $0x0  }
0x7a: {  	[sflag:s29] =	ssyncadd.s32 $0xFFFFD800  }
0x7b: {  	[spmem:s3] =	stream.indirect.scatter.add.f32 [tilespmem:s24], [sflag:$0x4], $0x80, s11, s20, $0xb8;
	[tilespmem:$0x1FEA0] =	vst v63  }
0x7c: {  	_ =	swait.ge [sflag:s18], $0x2800  }
0x7d: {  	[sflag:s18] =	ssyncset.done $0x0  }
0x7e: {  	[sflag:s18] =	ssyncadd.s32 $0xFFFFD800  }
0x7f: {  	_ =	swait.ge [sflag:s26], $0x2800  }
0x80: {  	[sflag:s26] =	ssyncset.done $0x0  }
0x81: {  	[sflag:s26] =	ssyncadd.s32 $0xFFFFD800  }
0x82: {  	[spmem:s3] =	stream.indirect.scatter.add.f32 [tilespmem:s21], [sflag:$0x4], $0x80, s13, s20, $0xb8;
	[tilespmem:$0x1FEA0] =	vst v63  }
0x83: {  	_ =	swait.ge [sflag:s18], $0x2800  }
0x84: {  	[sflag:s18] =	ssyncset.done $0x0  }
0x85: {  	[sflag:s18] =	ssyncadd.s32 $0xFFFFD800  }
0x86: {  	_ =	swait.ge [sflag:s28], $0x2800  }
0x87: {  	[sflag:s28] =	ssyncset.done $0x0  }
0x88: {  	[sflag:s28] =	ssyncadd.s32 $0xFFFFD800  }
0x89: {  	[spmem:s3] =	stream.indirect.scatter.add.f32 [tilespmem:s22], [sflag:$0x4], $0x80, s16, s20, $0xb8;
	[tilespmem:$0x1FEA0] =	vst v63  }
0x8a: {  	_ =	swait.ge [sflag:s18], $0x2800  }
0x8b: {  	[sflag:s18] =	ssyncset.done $0x0  }
0x8c: {  	[sflag:s18] =	ssyncadd.s32 $0xFFFFD800  }
0x8d: {  	[tilespmem:s21], [sflag:$0x1] =	stream.indirect.gather [hbm4b:s15+s20], $0x80, s4, s20, $0xb8;
	[tilespmem:$0x1FEA0] =	vst v63  }
0x8e: {  	_ = 	snop  }
0x8f: {  	[tilespmem:s22], [sflag:$0x2] =	stream.indirect.gather [hbm4b:s15+s20], $0x80, s20, s20, $0xb8;
	[tilespmem:$0x1FEA0] =	vst v63  }
0x90: {  	_ = 	snop  }
0x91: {  	[tilespmem:s24], [sflag:$0x3] =	stream.indirect.gather [hbm4b:s15+s20], $0x80, s23, s20, $0xb8;
	[tilespmem:$0x1FEA0] =	vst v63  }
0x92: {  	[bflag:$0x0] =	sbarrier.arrive $0xFFFF  }
0x93: {  	[bflag:$0x0] =	sbarrier.arrive @p1 $0xFFFF  }
0x94: {  	s7 =	rddreg [dreg:$0xb]  }
0x95: {  	[hbm:s7], [sflag:s2] =	dma.local @!p1 [spmem:s5], $0x3E80  }
0x96: {  	s7 =	simm.s32 @!p1 $0x4  }
0x97: {  	_ =	swait.ge @!p1 [sflag:s7], $0x3E80  }
0x98: {  	[sflag:s7] =	ssyncset.done @!p1 $0x0  }
0x99: {  	[sflag:s7] =	ssyncadd.s32 @!p1 $0xFFFFC180  }
0x9a: {  	[bflag:$0x0] =	sbarrier.arrive @!p1 $0xFFFF  }
0x9b: {  	[spmem:s5], [sflag:s2] =	dma.local @!p1 [hbm:s6], $0x3E80  }
0x9c: {  	_ =	swait.ge @!p1 [sflag:s7], $0x3E80  }
0x9d: {  	[sflag:s7] =	ssyncset.done @!p1 $0x0  }
0x9e: {  	[sflag:s7] =	ssyncadd.s32 @!p1 $0xFFFFC180  }
0x9f: {  	[bflag:$0x0] =	sbarrier.arrive $0xFFFF  }
0xa0: {  	_ =	swait.ge [sflag:s26], $0x2800  }
0xa1: {  	[sflag:s26] =	ssyncset.done $0x0  }
0xa2: {  	s9 =	simm.s32 $0x2710;
	[sflag:s26] =	ssyncadd.s32 $0xFFFFD800  }
0xa3: {  	[spmem:s3] =	stream.indirect.scatter.add.f32 [tilespmem:s21], [sflag:$0x4], $0x80, s9, s20, $0xb8;
	[tilespmem:$0x1FEA0] =	vst v63  }
0xa4: {  	_ =	swait.ge [sflag:s18], $0x2800  }
0xa5: {  	[sflag:s18] =	ssyncset.done $0x0  }
0xa6: {  	s5 =	simm.s32 $0xF0;
	[sflag:s18] =	ssyncadd.s32 $0xFFFFD800  }
0xa7: {  	[tilespmem:s21], [sflag:$0x1] =	stream.indirect.gather [hbm4b:s15+s20], $0x80, s5, s20, $0xb8;
	[tilespmem:$0x1FEA0] =	vst v63  }
0xa8: {  	_ =	swait.ge [sflag:s28], $0x2800  }
0xa9: {  	[sflag:s28] =	ssyncset.done $0x0  }
0xaa: {  	s7 =	simm.s32 $0x2760;
	[sflag:s28] =	ssyncadd.s32 $0xFFFFD800  }
0xab: {  	[spmem:s3] =	stream.indirect.scatter.add.f32 [tilespmem:s22], [sflag:$0x4], $0x80, s7, s20, $0xb8;
	[tilespmem:$0x1FEA0] =	vst v63  }
0xac: {  	_ =	swait.ge [sflag:s18], $0x2800  }
0xad: {  	[sflag:s18] =	ssyncset.done $0x0  }
0xae: {  	s8 =	simm.s32 $0x140;
	[sflag:s18] =	ssyncadd.s32 $0xFFFFD800  }
0xaf: {  	[tilespmem:s22], [sflag:$0x2] =	stream.indirect.gather [hbm4b:s15+s20], $0x80, s8, s20, $0xb8;
	[tilespmem:$0x1FEA0] =	vst v63  }
0xb0: {  	_ =	swait.ge [sflag:s29], $0x2800  }
0xb1: {  	[sflag:s29] =	ssyncset.done $0x0  }
0xb2: {  	s9 =	simm.s32 $0x27B0;
	[sflag:s29] =	ssyncadd.s32 $0xFFFFD800  }
0xb3: {  	[spmem:s3] =	stream.indirect.scatter.add.f32 [tilespmem:s24], [sflag:$0x4], $0x80, s9, s20, $0xb8;
	[tilespmem:$0x1FEA0] =	vst v63  }
0xb4: {  	_ =	swait.ge [sflag:s18], $0x2800  }
0xb5: {  	[sflag:s18] =	ssyncset.done $0x0  }
0xb6: {  	s2 =	simm.s32 $0x3C0;
	s5 =	simm.s32 $0x190;
	[sflag:s18] =	ssyncadd.s32 $0xFFFFD800  }
.LBB2_10:
0xb7: {  	[tilespmem:s24], [sflag:$0x3] =	stream.indirect.gather [hbm4b:s15+s20], $0x80, s5, s20, $0xb8;
	[tilespmem:$0x1FEA0] =	vst v63  }
0xb8: {  	s5 =	smov.u32 s2  }
0xb9: {  	p3 =	sne.s32 s2, $0x9240;
	s2 =	sadd.s32 $0x3C0, s2;
	_ =	swait.ge [sflag:s26], $0x2800  }
0xba: {  	s5 =	sshra.s32 s5, $0x2;
	[sflag:s26] =	ssyncset.done $0x0  }
0xbb: {  	s7 =	sadd.s32 $0x2710, s5;
	[sflag:s26] =	ssyncadd.s32 $0xFFFFD800  }
0xbc: {  	[spmem:s3] =	stream.indirect.scatter.add.f32 [tilespmem:s21], [sflag:$0x4], $0x80, s7, s20, $0xb8;
	[tilespmem:$0x1FEA0] =	vst v63  }
0xbd: {  	_ =	swait.ge [sflag:s18], $0x2800  }
0xbe: {  	[sflag:s18] =	ssyncset.done $0x0  }
0xbf: {  	s7 =	sadd.s32 $0xF0, s5;
	[sflag:s18] =	ssyncadd.s32 $0xFFFFD800  }
0xc0: {  	[tilespmem:s21], [sflag:$0x1] =	stream.indirect.gather [hbm4b:s15+s20], $0x80, s7, s20, $0xb8;
	[tilespmem:$0x1FEA0] =	vst v63  }
0xc1: {  	_ =	swait.ge [sflag:s28], $0x2800  }
0xc2: {  	[sflag:s28] =	ssyncset.done $0x0  }
0xc3: {  	s7 =	sadd.s32 $0x2760, s5;
	[sflag:s28] =	ssyncadd.s32 $0xFFFFD800  }
0xc4: {  	[spmem:s3] =	stream.indirect.scatter.add.f32 [tilespmem:s22], [sflag:$0x4], $0x80, s7, s20, $0xb8;
	[tilespmem:$0x1FEA0] =	vst v63  }
0xc5: {  	_ =	swait.ge [sflag:s18], $0x2800  }
0xc6: {  	[sflag:s18] =	ssyncset.done $0x0  }
0xc7: {  	s7 =	sadd.s32 $0x140, s5;
	[sflag:s18] =	ssyncadd.s32 $0xFFFFD800  }
0xc8: {  	[tilespmem:s22], [sflag:$0x2] =	stream.indirect.gather [hbm4b:s15+s20], $0x80, s7, s20, $0xb8;
	[tilespmem:$0x1FEA0] =	vst v63  }
0xc9: {  	_ =	swait.ge [sflag:s29], $0x2800  }
0xca: {  	[sflag:s29] =	ssyncset.done $0x0  }
.Ltmp4:
0xcb: {  	s7 =	sadd.s32 $0x27B0, s5;
	[sflag:s29] =	ssyncadd.s32 $0xFFFFD800;
	(pc) =	sbr.rel @p3 .LBB2_10-.Ltmp4, $4  }
0xcc: {  	[spmem:s3] =	stream.indirect.scatter.add.f32 [tilespmem:s24], [sflag:$0x4], $0x80, s7, s20, $0xb8;
	[tilespmem:$0x1FEA0] =	vst v63  }
0xcd: {  	_ =	swait.ge [sflag:s18], $0x2800  }
0xce: {  	[sflag:s18] =	ssyncset.done $0x0  }
0xcf: {  	s5 =	sadd.s32 $0x190, s5;
	[sflag:s18] =	ssyncadd.s32 $0xFFFFD800  }
0xd0: {  	[tilespmem:s24], [sflag:$0x3] =	stream.indirect.gather [hbm4b:s15+s20], $0x80, s5, s20, $0xb8;
	[tilespmem:$0x1FEA0] =	vst v63  }
0xd1: {  	_ =	swait.ge [sflag:s26], $0x2800  }
0xd2: {  	[sflag:s26] =	ssyncset.done $0x0  }
0xd3: {  	[sflag:s26] =	ssyncadd.s32 $0xFFFFD800  }
0xd4: {  	[spmem:s3] =	stream.indirect.scatter.add.f32 [tilespmem:s21], [sflag:$0x4], $0x80, s30, s20, $0xb8;
	[tilespmem:$0x1FEA0] =	vst v63  }
0xd5: {  	_ =	swait.ge [sflag:s18], $0x2800  }
0xd6: {  	[sflag:s18] =	ssyncset.done $0x0  }
0xd7: {  	[sflag:s18] =	ssyncadd.s32 $0xFFFFD800  }
0xd8: {  	[tilespmem:s21], [sflag:$0x1] =	stream.indirect.gather [hbm4b:s15+s20], $0x80, s31, s20, $0xb8;
	[tilespmem:$0x1FEA0] =	vst v63  }
0xd9: {  	_ =	swait.ge [sflag:s28], $0x2800  }
0xda: {  	[sflag:s28] =	ssyncset.done $0x0  }
0xdb: {  	[sflag:s28] =	ssyncadd.s32 $0xFFFFD800  }
0xdc: {  	[spmem:s3] =	stream.indirect.scatter.add.f32 [tilespmem:s22], [sflag:$0x4], $0x80, s0, s20, $0xb8;
	[tilespmem:$0x1FEA0] =	vst v63  }
0xdd: {  	_ =	swait.ge [sflag:s18], $0x2800  }
0xde: {  	[sflag:s18] =	ssyncset.done $0x0  }
0xdf: {  	[sflag:s18] =	ssyncadd.s32 $0xFFFFD800  }
0xe0: {  	[tilespmem:s22], [sflag:$0x2] =	stream.indirect.gather [hbm4b:s15+s20], $0x80, s19, s20, $0xb8;
	[tilespmem:$0x1FEA0] =	vst v63  }
0xe1: {  	_ =	swait.ge [sflag:s29], $0x2800  }
0xe2: {  	[sflag:s29] =	ssyncset.done $0x0  }
0xe3: {  	[sflag:s29] =	ssyncadd.s32 $0xFFFFD800  }
0xe4: {  	[spmem:s3] =	stream.indirect.scatter.add.f32 [tilespmem:s24], [sflag:$0x4], $0x80, s11, s20, $0xb8;
	[tilespmem:$0x1FEA0] =	vst v63  }
0xe5: {  	_ =	swait.ge [sflag:s18], $0x2800  }
0xe6: {  	[sflag:s18] =	ssyncset.done $0x0  }
0xe7: {  	[sflag:s18] =	ssyncadd.s32 $0xFFFFD800  }
0xe8: {  	_ =	swait.ge [sflag:s26], $0x2800  }
0xe9: {  	[sflag:s26] =	ssyncset.done $0x0  }
0xea: {  	[sflag:s26] =	ssyncadd.s32 $0xFFFFD800  }
0xeb: {  	[spmem:s3] =	stream.indirect.scatter.add.f32 [tilespmem:s21], [sflag:$0x4], $0x80, s13, s20, $0xb8;
	[tilespmem:$0x1FEA0] =	vst v63  }
0xec: {  	_ =	swait.ge [sflag:s18], $0x2800  }
0xed: {  	[sflag:s18] =	ssyncset.done $0x0  }
0xee: {  	[sflag:s18] =	ssyncadd.s32 $0xFFFFD800  }
0xef: {  	_ =	swait.ge [sflag:s28], $0x2800  }
0xf0: {  	[sflag:s28] =	ssyncset.done $0x0  }
0xf1: {  	[sflag:s28] =	ssyncadd.s32 $0xFFFFD800  }
0xf2: {  	[spmem:s3] =	stream.indirect.scatter.add.f32 [tilespmem:s22], [sflag:$0x4], $0x80, s16, s20, $0xb8;
	[tilespmem:$0x1FEA0] =	vst v63  }
.Ltmp5:
0xf3: {  	_ =	swait.ge [sflag:s18], $0x2800;
	(pc) =	sbr.rel @p1 .LBB2_13-.Ltmp5, $4  }
.Ltmp6:
0xf4: {  	[sflag:s18] =	ssyncset.done $0x0;
	(pc) =	sbr.rel @!p1 .LBB2_12-.Ltmp6, $4  }
0xf5: {  	[sflag:s18] =	ssyncadd.s32 $0xFFFFD800  }
0xf6: {  	[bflag:$0x0] =	sbarrier.arrive $0xFFFF  }
0xf7: {  	s2 =	rddreg [dreg:$0xa]  }
0xf8: {  	_ = 	snop  }
.LBB2_2:
0xf9: {  	[tilespmem:s21], [sflag:$0x1] =	stream.indirect.gather [hbm4b:s1+s20], $0x80, s4, s20, $0xb8;
	[tilespmem:$0x1FEA0] =	vst v63  }
0xfa: {  	_ = 	snop  }
0xfb: {  	[tilespmem:s22], [sflag:$0x2] =	stream.indirect.gather [hbm4b:s1+s20], $0x80, s20, s20, $0xb8;
	[tilespmem:$0x1FEA0] =	vst v63  }
0xfc: {  	_ = 	snop  }
0xfd: {  	[tilespmem:s24], [sflag:$0x3] =	stream.indirect.gather [hbm4b:s1+s20], $0x80, s23, s20, $0xb8;
	[tilespmem:$0x1FEA0] =	vst v63  }
0xfe: {  	[spmem:s7], [sflag:s2] =	dma.local @!p1 [hbm:s6], $0x3E80  }
0xff: {  	s7 =	simm.s32 @!p1 $0x4  }
0x100: {  	_ =	swait.ge @!p1 [sflag:s7], $0x3E80  }
0x101: {  	[sflag:s7] =	ssyncset.done @!p1 $0x0  }
0x102: {  	[sflag:s7] =	ssyncadd.s32 @!p1 $0xFFFFC180  }
0x103: {  	[bflag:$0x0] =	sbarrier.arrive $0xFFFF  }
0x104: {  	_ =	swait.ge [sflag:s26], $0x2800  }
0x105: {  	[sflag:s26] =	ssyncset.done $0x0  }
0x106: {  	s9 =	simm.s32 $0x2710;
	[sflag:s26] =	ssyncadd.s32 $0xFFFFD800  }
0x107: {  	[spmem:s3] =	stream.indirect.scatter.add.f32 [tilespmem:s21], [sflag:$0x4], $0x80, s9, s20, $0xb8;
	[tilespmem:$0x1FEA0] =	vst v63  }
0x108: {  	_ =	swait.ge [sflag:s18], $0x2800  }
0x109: {  	[sflag:s18] =	ssyncset.done $0x0  }
0x10a: {  	s8 =	simm.s32 $0xF0;
	[sflag:s18] =	ssyncadd.s32 $0xFFFFD800  }
0x10b: {  	[tilespmem:s21], [sflag:$0x1] =	stream.indirect.gather [hbm4b:s1+s20], $0x80, s8, s20, $0xb8;
	[tilespmem:$0x1FEA0] =	vst v63  }
0x10c: {  	_ =	swait.ge [sflag:s28], $0x2800  }
0x10d: {  	[sflag:s28] =	ssyncset.done $0x0  }
0x10e: {  	s9 =	simm.s32 $0x2760;
	[sflag:s28] =	ssyncadd.s32 $0xFFFFD800  }
0x10f: {  	[spmem:s3] =	stream.indirect.scatter.add.f32 [tilespmem:s22], [sflag:$0x4], $0x80, s9, s20, $0xb8;
	[tilespmem:$0x1FEA0] =	vst v63  }
0x110: {  	_ =	swait.ge [sflag:s18], $0x2800  }
0x111: {  	[sflag:s18] =	ssyncset.done $0x0  }
0x112: {  	s8 =	simm.s32 $0x140;
	[sflag:s18] =	ssyncadd.s32 $0xFFFFD800  }
0x113: {  	[tilespmem:s22], [sflag:$0x2] =	stream.indirect.gather [hbm4b:s1+s20], $0x80, s8, s20, $0xb8;
	[tilespmem:$0x1FEA0] =	vst v63  }
0x114: {  	_ =	swait.ge [sflag:s29], $0x2800  }
0x115: {  	[sflag:s29] =	ssyncset.done $0x0  }
0x116: {  	s9 =	simm.s32 $0x27B0;
	[sflag:s29] =	ssyncadd.s32 $0xFFFFD800  }
0x117: {  	[spmem:s3] =	stream.indirect.scatter.add.f32 [tilespmem:s24], [sflag:$0x4], $0x80, s9, s20, $0xb8;
	[tilespmem:$0x1FEA0] =	vst v63  }
0x118: {  	_ =	swait.ge [sflag:s18], $0x2800  }
0x119: {  	[sflag:s18] =	ssyncset.done $0x0  }
0x11a: {  	s7 =	simm.s32 $0x3C0;
	s8 =	simm.s32 $0x190;
	[sflag:s18] =	ssyncadd.s32 $0xFFFFD800  }
.LBB2_3:
0x11b: {  	[tilespmem:s24], [sflag:$0x3] =	stream.indirect.gather [hbm4b:s1+s20], $0x80, s8, s20, $0xb8;
	[tilespmem:$0x1FEA0] =	vst v63  }
0x11c: {  	s8 =	smov.u32 s7  }
0x11d: {  	p3 =	sne.s32 s7, $0x9240;
	s7 =	sadd.s32 $0x3C0, s7;
	_ =	swait.ge [sflag:s26], $0x2800  }
0x11e: {  	s8 =	sshra.s32 s8, $0x2;
	[sflag:s26] =	ssyncset.done $0x0  }
0x11f: {  	s9 =	sadd.s32 $0x2710, s8;
	[sflag:s26] =	ssyncadd.s32 $0xFFFFD800  }
0x120: {  	[spmem:s3] =	stream.indirect.scatter.add.f32 [tilespmem:s21], [sflag:$0x4], $0x80, s9, s20, $0xb8;
	[tilespmem:$0x1FEA0] =	vst v63  }
0x121: {  	_ =	swait.ge [sflag:s18], $0x2800  }
0x122: {  	[sflag:s18] =	ssyncset.done $0x0  }
0x123: {  	s9 =	sadd.s32 $0xF0, s8;
	[sflag:s18] =	ssyncadd.s32 $0xFFFFD800  }
0x124: {  	[tilespmem:s21], [sflag:$0x1] =	stream.indirect.gather [hbm4b:s1+s20], $0x80, s9, s20, $0xb8;
	[tilespmem:$0x1FEA0] =	vst v63  }
0x125: {  	_ =	swait.ge [sflag:s28], $0x2800  }
0x126: {  	[sflag:s28] =	ssyncset.done $0x0  }
0x127: {  	s9 =	sadd.s32 $0x2760, s8;
	[sflag:s28] =	ssyncadd.s32 $0xFFFFD800  }
0x128: {  	[spmem:s3] =	stream.indirect.scatter.add.f32 [tilespmem:s22], [sflag:$0x4], $0x80, s9, s20, $0xb8;
	[tilespmem:$0x1FEA0] =	vst v63  }
0x129: {  	_ =	swait.ge [sflag:s18], $0x2800  }
0x12a: {  	[sflag:s18] =	ssyncset.done $0x0  }
0x12b: {  	s9 =	sadd.s32 $0x140, s8;
	[sflag:s18] =	ssyncadd.s32 $0xFFFFD800  }
0x12c: {  	[tilespmem:s22], [sflag:$0x2] =	stream.indirect.gather [hbm4b:s1+s20], $0x80, s9, s20, $0xb8;
	[tilespmem:$0x1FEA0] =	vst v63  }
0x12d: {  	_ =	swait.ge [sflag:s29], $0x2800  }
0x12e: {  	[sflag:s29] =	ssyncset.done $0x0  }
.Ltmp7:
0x12f: {  	s9 =	sadd.s32 $0x27B0, s8;
	[sflag:s29] =	ssyncadd.s32 $0xFFFFD800;
	(pc) =	sbr.rel @p3 .LBB2_3-.Ltmp7, $4  }
0x130: {  	[spmem:s3] =	stream.indirect.scatter.add.f32 [tilespmem:s24], [sflag:$0x4], $0x80, s9, s20, $0xb8;
	[tilespmem:$0x1FEA0] =	vst v63  }
0x131: {  	_ =	swait.ge [sflag:s18], $0x2800  }
0x132: {  	[sflag:s18] =	ssyncset.done $0x0  }
0x133: {  	s8 =	sadd.s32 $0x190, s8;
	[sflag:s18] =	ssyncadd.s32 $0xFFFFD800  }
0x134: {  	[tilespmem:s24], [sflag:$0x3] =	stream.indirect.gather [hbm4b:s1+s20], $0x80, s8, s20, $0xb8;
	[tilespmem:$0x1FEA0] =	vst v63  }
0x135: {  	_ =	swait.ge [sflag:s26], $0x2800  }
0x136: {  	[sflag:s26] =	ssyncset.done $0x0  }
0x137: {  	[sflag:s26] =	ssyncadd.s32 $0xFFFFD800  }
0x138: {  	[spmem:s3] =	stream.indirect.scatter.add.f32 [tilespmem:s21], [sflag:$0x4], $0x80, s30, s20, $0xb8;
	[tilespmem:$0x1FEA0] =	vst v63  }
0x139: {  	_ =	swait.ge [sflag:s18], $0x2800  }
0x13a: {  	[sflag:s18] =	ssyncset.done $0x0  }
0x13b: {  	[sflag:s18] =	ssyncadd.s32 $0xFFFFD800  }
0x13c: {  	[tilespmem:s21], [sflag:$0x1] =	stream.indirect.gather [hbm4b:s1+s20], $0x80, s31, s20, $0xb8;
	[tilespmem:$0x1FEA0] =	vst v63  }
0x13d: {  	_ =	swait.ge [sflag:s28], $0x2800  }
0x13e: {  	[sflag:s28] =	ssyncset.done $0x0  }
0x13f: {  	[sflag:s28] =	ssyncadd.s32 $0xFFFFD800  }
0x140: {  	[spmem:s3] =	stream.indirect.scatter.add.f32 [tilespmem:s22], [sflag:$0x4], $0x80, s0, s20, $0xb8;
	[tilespmem:$0x1FEA0] =	vst v63  }
0x141: {  	_ =	swait.ge [sflag:s18], $0x2800  }
0x142: {  	[sflag:s18] =	ssyncset.done $0x0  }
0x143: {  	[sflag:s18] =	ssyncadd.s32 $0xFFFFD800  }
0x144: {  	[tilespmem:s22], [sflag:$0x2] =	stream.indirect.gather [hbm4b:s1+s20], $0x80, s19, s20, $0xb8;
	[tilespmem:$0x1FEA0] =	vst v63  }
0x145: {  	_ =	swait.ge [sflag:s29], $0x2800  }
0x146: {  	[sflag:s29] =	ssyncset.done $0x0  }
0x147: {  	[sflag:s29] =	ssyncadd.s32 $0xFFFFD800  }
0x148: {  	[spmem:s3] =	stream.indirect.scatter.add.f32 [tilespmem:s24], [sflag:$0x4], $0x80, s11, s20, $0xb8;
	[tilespmem:$0x1FEA0] =	vst v63  }
0x149: {  	_ =	swait.ge [sflag:s18], $0x2800  }
0x14a: {  	[sflag:s18] =	ssyncset.done $0x0  }
0x14b: {  	[sflag:s18] =	ssyncadd.s32 $0xFFFFD800  }
0x14c: {  	_ =	swait.ge [sflag:s26], $0x2800  }
0x14d: {  	[sflag:s26] =	ssyncset.done $0x0  }
0x14e: {  	[sflag:s26] =	ssyncadd.s32 $0xFFFFD800  }
0x14f: {  	[spmem:s3] =	stream.indirect.scatter.add.f32 [tilespmem:s21], [sflag:$0x4], $0x80, s13, s20, $0xb8;
	[tilespmem:$0x1FEA0] =	vst v63  }
0x150: {  	_ =	swait.ge [sflag:s18], $0x2800  }
0x151: {  	[sflag:s18] =	ssyncset.done $0x0  }
0x152: {  	[sflag:s18] =	ssyncadd.s32 $0xFFFFD800  }
0x153: {  	_ =	swait.ge [sflag:s28], $0x2800  }
0x154: {  	[sflag:s28] =	ssyncset.done $0x0  }
0x155: {  	[sflag:s28] =	ssyncadd.s32 $0xFFFFD800  }
0x156: {  	[spmem:s3] =	stream.indirect.scatter.add.f32 [tilespmem:s22], [sflag:$0x4], $0x80, s16, s20, $0xb8;
	[tilespmem:$0x1FEA0] =	vst v63  }
0x157: {  	_ =	swait.ge [sflag:s18], $0x2800  }
0x158: {  	[sflag:s18] =	ssyncset.done $0x0  }
0x159: {  	[sflag:s18] =	ssyncadd.s32 $0xFFFFD800  }
0x15a: {  	[tilespmem:s21], [sflag:$0x1] =	stream.indirect.gather [hbm4b:s10+s20], $0x80, s4, s20, $0xb8;
	[tilespmem:$0x1FEA0] =	vst v63  }
0x15b: {  	_ = 	snop  }
0x15c: {  	[tilespmem:s22], [sflag:$0x2] =	stream.indirect.gather [hbm4b:s10+s20], $0x80, s20, s20, $0xb8;
	[tilespmem:$0x1FEA0] =	vst v63  }
0x15d: {  	_ = 	snop  }
0x15e: {  	[tilespmem:s24], [sflag:$0x3] =	stream.indirect.gather [hbm4b:s10+s20], $0x80, s23, s20, $0xb8;
	[tilespmem:$0x1FEA0] =	vst v63  }
0x15f: {  	[bflag:$0x0] =	sbarrier.arrive $0xFFFF  }
0x160: {  	[bflag:$0x0] =	sbarrier.arrive @p1 $0xFFFF  }
0x161: {  	s7 =	rddreg [dreg:$0x8]  }
0x162: {  	[hbm:s7], [sflag:s2] =	dma.local @!p1 [spmem:s5], $0x3E80  }
0x163: {  	s7 =	simm.s32 @!p1 $0x4  }
0x164: {  	_ =	swait.ge @!p1 [sflag:s7], $0x3E80  }
0x165: {  	[sflag:s7] =	ssyncset.done @!p1 $0x0  }
0x166: {  	[sflag:s7] =	ssyncadd.s32 @!p1 $0xFFFFC180  }
0x167: {  	[bflag:$0x0] =	sbarrier.arrive @!p1 $0xFFFF  }
0x168: {  	[spmem:s5], [sflag:s2] =	dma.local @!p1 [hbm:s6], $0x3E80  }
0x169: {  	_ =	swait.ge @!p1 [sflag:s7], $0x3E80  }
0x16a: {  	[sflag:s7] =	ssyncset.done @!p1 $0x0  }
0x16b: {  	[sflag:s7] =	ssyncadd.s32 @!p1 $0xFFFFC180  }
0x16c: {  	[bflag:$0x0] =	sbarrier.arrive $0xFFFF  }
0x16d: {  	_ =	swait.ge [sflag:s26], $0x2800  }
0x16e: {  	[sflag:s26] =	ssyncset.done $0x0  }
0x16f: {  	s9 =	simm.s32 $0x2710;
	[sflag:s26] =	ssyncadd.s32 $0xFFFFD800  }
0x170: {  	[spmem:s3] =	stream.indirect.scatter.add.f32 [tilespmem:s21], [sflag:$0x4], $0x80, s9, s20, $0xb8;
	[tilespmem:$0x1FEA0] =	vst v63  }
0x171: {  	_ =	swait.ge [sflag:s18], $0x2800  }
0x172: {  	[sflag:s18] =	ssyncset.done $0x0  }
0x173: {  	s5 =	simm.s32 $0xF0;
	[sflag:s18] =	ssyncadd.s32 $0xFFFFD800  }
0x174: {  	[tilespmem:s21], [sflag:$0x1] =	stream.indirect.gather [hbm4b:s10+s20], $0x80, s5, s20, $0xb8;
	[tilespmem:$0x1FEA0] =	vst v63  }
0x175: {  	_ =	swait.ge [sflag:s28], $0x2800  }
0x176: {  	[sflag:s28] =	ssyncset.done $0x0  }
0x177: {  	s7 =	simm.s32 $0x2760;
	[sflag:s28] =	ssyncadd.s32 $0xFFFFD800  }
0x178: {  	[spmem:s3] =	stream.indirect.scatter.add.f32 [tilespmem:s22], [sflag:$0x4], $0x80, s7, s20, $0xb8;
	[tilespmem:$0x1FEA0] =	vst v63  }
0x179: {  	_ =	swait.ge [sflag:s18], $0x2800  }
0x17a: {  	[sflag:s18] =	ssyncset.done $0x0  }
0x17b: {  	s8 =	simm.s32 $0x140;
	[sflag:s18] =	ssyncadd.s32 $0xFFFFD800  }
0x17c: {  	[tilespmem:s22], [sflag:$0x2] =	stream.indirect.gather [hbm4b:s10+s20], $0x80, s8, s20, $0xb8;
	[tilespmem:$0x1FEA0] =	vst v63  }
0x17d: {  	_ =	swait.ge [sflag:s29], $0x2800  }
0x17e: {  	[sflag:s29] =	ssyncset.done $0x0  }
0x17f: {  	s9 =	simm.s32 $0x27B0;
	[sflag:s29] =	ssyncadd.s32 $0xFFFFD800  }
0x180: {  	[spmem:s3] =	stream.indirect.scatter.add.f32 [tilespmem:s24], [sflag:$0x4], $0x80, s9, s20, $0xb8;
	[tilespmem:$0x1FEA0] =	vst v63  }
0x181: {  	_ =	swait.ge [sflag:s18], $0x2800  }
0x182: {  	[sflag:s18] =	ssyncset.done $0x0  }
0x183: {  	s2 =	simm.s32 $0x3C0;
	s5 =	simm.s32 $0x190;
	[sflag:s18] =	ssyncadd.s32 $0xFFFFD800  }
.LBB2_5:
0x184: {  	[tilespmem:s24], [sflag:$0x3] =	stream.indirect.gather [hbm4b:s10+s20], $0x80, s5, s20, $0xb8;
	[tilespmem:$0x1FEA0] =	vst v63  }
0x185: {  	s5 =	smov.u32 s2  }
0x186: {  	p3 =	sne.s32 s2, $0x9240;
	s2 =	sadd.s32 $0x3C0, s2;
	_ =	swait.ge [sflag:s26], $0x2800  }
0x187: {  	s5 =	sshra.s32 s5, $0x2;
	[sflag:s26] =	ssyncset.done $0x0  }
0x188: {  	s7 =	sadd.s32 $0x2710, s5;
	[sflag:s26] =	ssyncadd.s32 $0xFFFFD800  }
0x189: {  	[spmem:s3] =	stream.indirect.scatter.add.f32 [tilespmem:s21], [sflag:$0x4], $0x80, s7, s20, $0xb8;
	[tilespmem:$0x1FEA0] =	vst v63  }
0x18a: {  	_ =	swait.ge [sflag:s18], $0x2800  }
0x18b: {  	[sflag:s18] =	ssyncset.done $0x0  }
0x18c: {  	s7 =	sadd.s32 $0xF0, s5;
	[sflag:s18] =	ssyncadd.s32 $0xFFFFD800  }
0x18d: {  	[tilespmem:s21], [sflag:$0x1] =	stream.indirect.gather [hbm4b:s10+s20], $0x80, s7, s20, $0xb8;
	[tilespmem:$0x1FEA0] =	vst v63  }
0x18e: {  	_ =	swait.ge [sflag:s28], $0x2800  }
0x18f: {  	[sflag:s28] =	ssyncset.done $0x0  }
0x190: {  	s7 =	sadd.s32 $0x2760, s5;
	[sflag:s28] =	ssyncadd.s32 $0xFFFFD800  }
0x191: {  	[spmem:s3] =	stream.indirect.scatter.add.f32 [tilespmem:s22], [sflag:$0x4], $0x80, s7, s20, $0xb8;
	[tilespmem:$0x1FEA0] =	vst v63  }
0x192: {  	_ =	swait.ge [sflag:s18], $0x2800  }
0x193: {  	[sflag:s18] =	ssyncset.done $0x0  }
0x194: {  	s7 =	sadd.s32 $0x140, s5;
	[sflag:s18] =	ssyncadd.s32 $0xFFFFD800  }
0x195: {  	[tilespmem:s22], [sflag:$0x2] =	stream.indirect.gather [hbm4b:s10+s20], $0x80, s7, s20, $0xb8;
	[tilespmem:$0x1FEA0] =	vst v63  }
0x196: {  	_ =	swait.ge [sflag:s29], $0x2800  }
0x197: {  	[sflag:s29] =	ssyncset.done $0x0  }
.Ltmp8:
0x198: {  	s7 =	sadd.s32 $0x27B0, s5;
	[sflag:s29] =	ssyncadd.s32 $0xFFFFD800;
	(pc) =	sbr.rel @p3 .LBB2_5-.Ltmp8, $4  }
0x199: {  	[spmem:s3] =	stream.indirect.scatter.add.f32 [tilespmem:s24], [sflag:$0x4], $0x80, s7, s20, $0xb8;
	[tilespmem:$0x1FEA0] =	vst v63  }
0x19a: {  	_ =	swait.ge [sflag:s18], $0x2800  }
0x19b: {  	[sflag:s18] =	ssyncset.done $0x0  }
0x19c: {  	s5 =	sadd.s32 $0x190, s5;
	[sflag:s18] =	ssyncadd.s32 $0xFFFFD800  }
0x19d: {  	[tilespmem:s24], [sflag:$0x3] =	stream.indirect.gather [hbm4b:s10+s20], $0x80, s5, s20, $0xb8;
	[tilespmem:$0x1FEA0] =	vst v63  }
0x19e: {  	_ =	swait.ge [sflag:s26], $0x2800  }
0x19f: {  	[sflag:s26] =	ssyncset.done $0x0  }
0x1a0: {  	[sflag:s26] =	ssyncadd.s32 $0xFFFFD800  }
0x1a1: {  	[spmem:s3] =	stream.indirect.scatter.add.f32 [tilespmem:s21], [sflag:$0x4], $0x80, s30, s20, $0xb8;
	[tilespmem:$0x1FEA0] =	vst v63  }
0x1a2: {  	_ =	swait.ge [sflag:s18], $0x2800  }
0x1a3: {  	[sflag:s18] =	ssyncset.done $0x0  }
0x1a4: {  	[sflag:s18] =	ssyncadd.s32 $0xFFFFD800  }
0x1a5: {  	[tilespmem:s21], [sflag:$0x1] =	stream.indirect.gather [hbm4b:s10+s20], $0x80, s31, s20, $0xb8;
	[tilespmem:$0x1FEA0] =	vst v63  }
0x1a6: {  	_ =	swait.ge [sflag:s28], $0x2800  }
0x1a7: {  	[sflag:s28] =	ssyncset.done $0x0  }
0x1a8: {  	[sflag:s28] =	ssyncadd.s32 $0xFFFFD800  }
0x1a9: {  	[spmem:s3] =	stream.indirect.scatter.add.f32 [tilespmem:s22], [sflag:$0x4], $0x80, s0, s20, $0xb8;
	[tilespmem:$0x1FEA0] =	vst v63  }
0x1aa: {  	_ =	swait.ge [sflag:s18], $0x2800  }
0x1ab: {  	[sflag:s18] =	ssyncset.done $0x0  }
0x1ac: {  	[sflag:s18] =	ssyncadd.s32 $0xFFFFD800  }
0x1ad: {  	[tilespmem:s22], [sflag:$0x2] =	stream.indirect.gather [hbm4b:s10+s20], $0x80, s19, s20, $0xb8;
	[tilespmem:$0x1FEA0] =	vst v63  }
0x1ae: {  	_ =	swait.ge [sflag:s29], $0x2800  }
0x1af: {  	[sflag:s29] =	ssyncset.done $0x0  }
0x1b0: {  	[sflag:s29] =	ssyncadd.s32 $0xFFFFD800  }
0x1b1: {  	[spmem:s3] =	stream.indirect.scatter.add.f32 [tilespmem:s24], [sflag:$0x4], $0x80, s11, s20, $0xb8;
	[tilespmem:$0x1FEA0] =	vst v63  }
0x1b2: {  	_ =	swait.ge [sflag:s18], $0x2800  }
0x1b3: {  	[sflag:s18] =	ssyncset.done $0x0  }
0x1b4: {  	[sflag:s18] =	ssyncadd.s32 $0xFFFFD800  }
0x1b5: {  	_ =	swait.ge [sflag:s26], $0x2800  }
0x1b6: {  	[sflag:s26] =	ssyncset.done $0x0  }
0x1b7: {  	[sflag:s26] =	ssyncadd.s32 $0xFFFFD800  }
0x1b8: {  	[spmem:s3] =	stream.indirect.scatter.add.f32 [tilespmem:s21], [sflag:$0x4], $0x80, s13, s20, $0xb8;
	[tilespmem:$0x1FEA0] =	vst v63  }
0x1b9: {  	_ =	swait.ge [sflag:s18], $0x2800  }
0x1ba: {  	[sflag:s18] =	ssyncset.done $0x0  }
0x1bb: {  	[sflag:s18] =	ssyncadd.s32 $0xFFFFD800  }
0x1bc: {  	_ =	swait.ge [sflag:s28], $0x2800  }
0x1bd: {  	[sflag:s28] =	ssyncset.done $0x0  }
0x1be: {  	[sflag:s28] =	ssyncadd.s32 $0xFFFFD800  }
0x1bf: {  	[spmem:s3] =	stream.indirect.scatter.add.f32 [tilespmem:s22], [sflag:$0x4], $0x80, s16, s20, $0xb8;
	[tilespmem:$0x1FEA0] =	vst v63  }
.Ltmp9:
0x1c0: {  	_ =	swait.ge [sflag:s18], $0x2800;
	(pc) =	sbr.rel @p2 .LBB2_12-.Ltmp9, $4  }
.Ltmp10:
0x1c1: {  	[sflag:s18] =	ssyncset.done $0x0;
	(pc) =	sbr.rel @!p2 .LBB2_13-.Ltmp10, $4  }
0x1c2: {  	[sflag:s18] =	ssyncadd.s32 $0xFFFFD800  }
0x1c3: {  	[bflag:$0x0] =	sbarrier.arrive $0xFFFF  }
0x1c4: {  	s2 =	rddreg [dreg:$0x9]  }
0x1c5: {  	_ = 	snop  }
.LBB2_14:
0x1c6: {  	_ =	sfence.sel $0x180000  }
0x1c7: {  	[bflag:$0x0] =	sbarrier.arrive $0xFFFF  }
0x1c8: {  	_ =	strace $0x9000004A  }
0x1c9: {  	s0 =	stileid.u32;
	[bflag:$0x2] =	sbarrier.arrive $0xFFFF  }
0x1ca: {  	p0 =	sne.s32 s0, $0x0;
	s0 =	rddreg [dreg:$0x3]  }
0x1cb: {  	s0 =	sadd.s32 @!p0 $0x100000, s0  }
0x1cc: {  	[sflag:s0] =	ssyncadd.tile.s32 @!p0 $0x1;
	_ =	shalt  }
.Lfunc_end2:
_tile_overlayer_lowered:
.L_overlay_start_2:
0x1cd: {  	(tag) =	ssettag $0x2  }
0x1ce: {  	s0 =	rddreg [dreg:$0x0];
	s2 =	stileid.u32  }
0x1cf: {  	s1 =	rddreg [dreg:$0x1];
	p0 =	sne.s32 s2, $0x0  }
0x1d0: {  	s3 =	rddreg [dreg:$0x2];
	[bflag:$0x3] =	sbarrier.arrive $0xFFFF;
	s2 =	simm.s32 @!p0 $0x1C04  }
0x1d1: {  	[timem:s3], [sflag:s2] =	dma.local @!p0 [hbm:s0], s1  }
0x1d2: {  	s0 =	simm.s32 @!p0 $0x4  }
0x1d3: {  	_ =	swait.ge @!p0 [sflag:s0], s1  }
0x1d4: {  	s1 =	ssub.s32 @!p0 $0x0, s1;
	[sflag:s0] =	ssyncset.done @!p0 $0x0  }
0x1d5: {  	[sflag:s0] =	ssyncadd.s32 @!p0 s1  }
0x1d6: {  	[bflag:$0x3] =	sbarrier.arrive $0xFFFF  }
0x1d7: {  	_ =	shalt  }

// kernel: kernel.14.cloned.1.call-start
scs
__scs_entry_jumppad:
0x0: {  	(pc) =	sbr.rel $0x88, $3  }
0x1: {  	(tag) =	ssettag $0x0;
	lr =	simm.s32 $0x1  }
0x2: {  	[smem:$0x3F9D] =	sst lr;
	_ =	strace $0xD0000000  }
0x3: {  	_ = 	snop  }
0x4: {  	_ = 	snop  }
0x5: {  	_ = 	snop  }
0x6: {  	_ = 	snop  }
0x7: {  	_ = 	snop  }
__scs_overlays_trampoline_lowered:
0x8: {  	[smem:$0x3FAC] =	sst s0  }
0x9: {  	[smem:$0x3FAD] =	sst s1  }
0xa: {  	[smem:$0x3FAE] =	sst s2  }
0xb: {  	[smem:$0x3FAF] =	sst s3  }
0xc: {  	[smem:$0x3FB0] =	sst s4  }
0xd: {  	[smem:$0x3FB1] =	sst s5  }
0xe: {  	[smem:$0x3FB2] =	sst s6  }
0xf: {  	[smem:$0x3FB3] =	sst s7  }
0x10: {  	[smem:$0x3FB4] =	sst s8  }
0x11: {  	[smem:$0x3FB5] =	sst s9;
	s0 =	simm.s32 @!p0 $0x0  }
0x12: {  	s1 =	sld [smem:$0x3F9B];
	s0 =	simm.s32 @p0 $0x1  }
0x13: {  	[smem:$0x3FB6] =	sst s0;
	s0 =	simm.s32 @!p1 $0x0  }
0x14: {  	s2 =	sld [smem:$0x3F9A];
	s0 =	simm.s32 @p1 $0x1  }
0x15: {  	[smem:$0x3FB7] =	sst s0;
	s0 =	simm.s32 @!p2 $0x0  }
0x16: {  	s3 =	sld [smem:$0x3FDB];
	s0 =	simm.s32 @p2 $0x1  }
0x17: {  	s4 =	simm.s32 $0x1BF5;
	[smem:$0x3FB9] =	sst s0  }
0x18: {  	s0 =	sld [smem:$0x3F9C];
	_ =	swait.ge [sflag:s4], $0x0  }
0x19: {  	s7 =	sld [smem:$0x3F9D]  }
0x1a: {  	s8 =	sadd.s32 $0xFFFFE003, lr  }
0x1b: {  	s9 =	sadd.s32 $0xFFFFFEF7, lr;
	s5 =	simm.s32 $0xFFFFFFFF;
	p2 =	slt.u32 s8, $0xFFFFF086  }
0x1c: {  	p1 =	slt.u32 s9, $0xF7A;
	s5 =	simm.s32 @!p2 $0x0  }
0x1d: {  	s5 =	simm.s32 @p1 $0x1;
	p0 =	seq.s32 s7, s2  }
0x1e: {  	s7 =	smul.u32 @!p0 $0xF7A, s2;
	p2 =	seq.s32 @!p0 s5, $0x0  }
0x1f: {  	s9 =	smul.u32 $0xF7A, s1;
	s8 =	simm.s32 @!p0 $0x1BF5;
	p2 =	por !p2, p0  }
0x20: {  	[sflag:s8] =	ssyncset.s32 @!p0 $0xFFFFF086;
	s6 =	sadd.s32 @!p0 s3, s7;
	s7 =	simm.s32 @!p0 $0x108  }
0x21: {  	s3 =	sadd.s32 s3, s9;
	s6 =	sadd.s32 @!p0 $0x88, s6;
	s7 =	simm.s32 @p2 $0x1082  }
0x22: {  	[simem:s7], [sflag:s8] =	dma.local @!p0 [hbm:s6], $0xF7A  }
0x23: {  	s9 =	sor.u32 $0xD0000000, s2;
	s6 =	simm.s32 $0x108;
	_ =	swait.ge @!p0 [sflag:s8], $0x0  }
0x24: {  	s3 =	sadd.s32 $0x88, s3;
	s6 =	simm.s32 @!p1 $0x1082;
	[sflag:s4] =	ssyncset.s32 $0xFFFFF086  }
0x25: {  	[simem:s6], [sflag:s4] =	dma.local [hbm:s3], $0xF7A  }
0x26: {  	[smem:$0x3F9D] =	sst s1;
	(tag) =	ssettag s2;
	_ =	strace s9  }
0x27: {  	s1 =	sld [smem:$0x3FAD]  }
0x28: {  	s2 =	sld [smem:$0x3FAE]  }
0x29: {  	s4 =	sld [smem:$0x3FB0]  }
0x2a: {  	p0 =	seq.s32 s5, $0x0;
	s5 =	sld [smem:$0x3FB1]  }
0x2b: {  	s6 =	sld [smem:$0x3FB2]  }
0x2c: {  	s7 =	sld [smem:$0x3FB3]  }
0x2d: {  	s3 =	simm.s32 $0x108;
	s8 =	sld [smem:$0x3FB4]  }
0x2e: {  	s3 =	simm.s32 @!p0 $0x1082;
	s9 =	sld [smem:$0x3FB5]  }
0x2f: {  	lr =	sadd.s32 s0, s3;
	s0 =	sld [smem:$0x3FAC]  }
0x30: {  	s3 =	sld [smem:$0x3FAF]  }
0x31: {  	[smem:$0x3FB8] =	sst s10  }
0x32: {  	s10 =	sld [smem:$0x3FB6];
	_ =	sdelay $0x3  }
0x33: {  	p0 =	seq.s32 s10, $0x1;
	s10 =	sld [smem:$0x3FB8];
	_ =	sdelay $0x3  }
0x34: {  	[smem:$0x3FB8] =	sst s10  }
0x35: {  	s10 =	sld [smem:$0x3FB7];
	_ =	sdelay $0x3  }
0x36: {  	p1 =	seq.s32 s10, $0x1;
	s10 =	sld [smem:$0x3FB8];
	_ =	sdelay $0x3  }
0x37: {  	[smem:$0x3FB8] =	sst s10  }
0x38: {  	s10 =	sld [smem:$0x3FB9]  }
0x39: {  	_ = 	snop;
	(pc) =	sbr.ind lr, $3  }
0x3a: {  	_ = 	snop  }
0x3b: {  	_ = 	snop  }
0x3c: {  	p2 =	seq.s32 s10, $0x1;
	s10 =	sld [smem:$0x3FB8]  }
0x3d: {  	_ =	shalt  }
0x3e: {  	_ =	shalt  }
0x3f: {  	_ =	shalt  }
0x40: {  	_ =	shalt  }
0x41: {  	_ =	shalt  }
0x42: {  	_ =	shalt  }
0x43: {  	_ =	shalt  }
0x44: {  	_ =	shalt  }
0x45: {  	_ =	shalt  }
0x46: {  	_ =	shalt  }
0x47: {  	_ =	shalt  }
0x48: {  	_ =	shalt  }
0x49: {  	_ =	shalt  }
0x4a: {  	_ =	shalt  }
0x4b: {  	_ =	shalt  }
0x4c: {  	_ =	shalt  }
0x4d: {  	_ =	shalt  }
0x4e: {  	_ =	shalt  }
0x4f: {  	_ =	shalt  }
0x50: {  	_ =	shalt  }
0x51: {  	_ =	shalt  }
0x52: {  	_ =	shalt  }
0x53: {  	_ =	shalt  }
0x54: {  	_ =	shalt  }
0x55: {  	_ =	shalt  }
0x56: {  	_ =	shalt  }
0x57: {  	_ =	shalt  }
0x58: {  	_ =	shalt  }
0x59: {  	_ =	shalt  }
0x5a: {  	_ =	shalt  }
0x5b: {  	_ =	shalt  }
0x5c: {  	_ =	shalt  }
0x5d: {  	_ =	shalt  }
0x5e: {  	_ =	shalt  }
0x5f: {  	_ =	shalt  }
0x60: {  	_ =	shalt  }
0x61: {  	_ =	shalt  }
0x62: {  	_ =	shalt  }
0x63: {  	_ =	shalt  }
0x64: {  	_ =	shalt  }
0x65: {  	_ =	shalt  }
0x66: {  	_ =	shalt  }
0x67: {  	_ =	shalt  }
0x68: {  	_ =	shalt  }
0x69: {  	_ =	shalt  }
0x6a: {  	_ =	shalt  }
0x6b: {  	_ =	shalt  }
0x6c: {  	_ =	shalt  }
0x6d: {  	_ =	shalt  }
0x6e: {  	_ =	shalt  }
0x6f: {  	_ =	shalt  }
0x70: {  	_ =	shalt  }
0x71: {  	_ =	shalt  }
0x72: {  	_ =	shalt  }
0x73: {  	_ =	shalt  }
0x74: {  	_ =	shalt  }
0x75: {  	_ =	shalt  }
0x76: {  	_ =	shalt  }
0x77: {  	_ =	shalt  }
0x78: {  	_ =	shalt  }
0x79: {  	_ =	shalt  }
0x7a: {  	_ =	shalt  }
0x7b: {  	_ =	shalt  }
0x7c: {  	_ =	shalt  }
0x7d: {  	_ =	shalt  }
0x7e: {  	_ =	shalt  }
0x7f: {  	_ =	shalt  }
0x80: {  	_ =	shalt  }
0x81: {  	_ =	shalt  }
0x82: {  	_ =	shalt  }
0x83: {  	_ =	shalt  }
0x84: {  	_ =	shalt  }
0x85: {  	_ =	shalt  }
0x86: {  	_ =	shalt  }
0x87: {  	_ =	shalt  }
.Lfunc_end0:
.L_simem_size_0:
called_computation.2_lowered:
.L_overlay_start_0:
0x88: {  	s2 =	sld [smem:$0x3FD9]  }
0x89: {  	s3 =	sld [smem:$0x3FFE];
	_ =	sdelay $0x1  }
0x8a: {  	s1 =	srdreg.scid  }
0x8b: {  	s0 =	sand.u32 $0x1, s1  }
0x8c: {  	s17 =	sshll.u32 s0, $0xA;
	s2 =	sadd.s32 s3, s2  }
0x8d: {  	s2 =	sadd.s32 s2, s17  }
0x8e: {  	[smem:$0x3FC4] =	sst s2  }
0x8f: {  	_ = 	snop  }
0x90: {  	s2 =	sld [smem:$0x3FD0];
	(tm) =	ssettm $0x1  }
0x91: {  	s18 =	sld [smem:$0x3FFB];
	_ =	sdelay $0x3  }
0x92: {  	_ =	strace s18  }
0x93: {  	s3 =	sld [smem:$0x3FFC];
	_ =	sdelay $0x3  }
0x94: {  	_ =	strace s3  }
0x95: {  	s3 =	sld [smem:$0x3FFD];
	_ =	sdelay $0x3  }
0x96: {  	_ =	strace s3  }
0x97: {  	_ =	strace $0x8FFFFFFF  }
0x98: {  	s19 =	sld [smem:$0x3FDB];
	_ =	sdelay $0x1  }
0x99: {  	s4 =	simm.s32 $_scs_section_size  }
0x9a: {  	s5 =	simm.s32 $_size__tile_overlayer_lowered;
	s6 =	simm.s32 $_tile_overlayer_lowered  }
0x9b: {  	s22 =	simm.s32 $0x1BFF;
	s21 =	sshll.u32 s6, $0x1;
	s3 =	sadd.s32 s4, s19  }
0x9c: {  	s7 =	simm.s32 $0x0;
	s20 =	sshll.u32 s5, $0x1;
	s5 =	sadd.s32 s21, s3  }
0x9d: {  	[timem:s7], [sflag:s22] =	dma.local [hbm:s5], s20  }
0x9e: {  	_ =	swait.ge [sflag:s22], s20  }
0x9f: {  	s4 =	ssub.s32 $0x0, s20;
	[sflag:s22] =	ssyncset.done $0x0  }
0xa0: {  	[sflag:s22] =	ssyncadd.s32 s4;
	_ =	sdelay $0x1  }
0xa1: {  	s23 =	simm.s32 $0x1B8B  }
0xa2: {  	_ =	swait.ge [sflag:s23], $0x1  }
0xa3: {  	[sflag:s23] =	ssyncset.done $0x0  }
0xa4: {  	s25 =	simm.s32 $0x1B8E;
	s24 =	sld [smem:$0x3FFE];
	[sflag:s23] =	ssyncadd.s32 $0xFFFFFFFF  }
0xa5: {  	s26 =	simm.s32 $execute0_lowered;
	[smem:$0x3FD2] =	sst s25  }
0xa6: {  	s5 =	sshll.u32 s26, $0x1;
	_ =	strace $0x8000004C;
	[dreg:$0x1] =	wrdreg $0xFFFFFFFF  }
0xa7: {  	s28 =	simm.s32 $_size_execute0_lowered;
	s3 =	sadd.s32 s3, s5;
	[dreg:$0x0] =	wrdreg $0x0  }
0xa8: {  	s5 =	sshll.u32 s28, $0x1;
	[dreg:$0x2] =	wrdreg s3  }
0xa9: {  	[dreg:$0x3] =	wrdreg s5  }
0xaa: {  	[dreg:$0x4] =	wrdreg $0xC0  }
0xab: {  	_ =	task [dreg:s7], $0x5FFFF  }
0xac: {  	[dreg:$0x1] =	wrdreg $0xFFFFFFFF  }
0xad: {  	[dreg:$0x0] =	wrdreg $0x60  }
0xae: {  	[dreg:$0x2] =	wrdreg s2  }
0xaf: {  	[dreg:$0x3] =	wrdreg s24  }
0xb0: {  	[dreg:$0x4] =	wrdreg $0xC6200  }
0xb1: {  	[dreg:$0x5] =	wrdreg $0x9  }
0xb2: {  	_ =	task.clear_ibuf [dreg:s7], $0x6FFFF;
	_ =	strace $0x9000004C  }
0xb3: {  	s29 =	simm.s32 $0x9;
	_ =	strace $0x8000004E  }
0xb4: {  	_ =	swait.ge [sflag:s29], $0x1  }
0xb5: {  	[sflag:s29] =	ssyncadd.s32 $0xFFFFFFFF  }
0xb6: {  	_ =	strace $0x9000004E  }
0xb7: {  	_ =	sfence  }
0xb8: {  	s30 =	sld [smem:$0x0];
	_ =	sdelay $0x2  }
0xb9: {  	s31 =	sshll.u32 s1, $0xD;
	s1 =	sshrl.u32 s1, $0x2  }
0xba: {  	s3 =	sand.u32 $0x4000, s31;
	s1 =	sadd.s32 s1, s30  }
0xbb: {  	s0 =	sor.u32 s3, s0;
	s1 =	sshll.u32 s1, $0x11  }
0xbc: {  	s0 =	sor.u32 s1, s0  }
0xbd: {  	s0 =	sadd.s32 $0x8F2B, s0  }
0xbe: {  	[sflag:s0] =	ssyncadd.remote.s32 $0x1  }
0xbf: {  	_ =	sfence.sel $0xFFFF  }
0xc0: {  	[dreg:$0x0] =	wrdreg $0xFFFFFFFF;
	(pc) =	sbr.abs _section_cstart, $3  }
0xc1: {  	[dreg:$0x1] =	wrdreg $0xFFFFFFFF  }
0xc2: {  	_ =	task.clear_ibuf [dreg:s7], $0x2FFFF;
	_ =	strace $0x9FFFFFFF  }
0xc3: {  	(tm) =	ssettm $0x7FFFFFFF  }
tec
execute0_lowered:
.L_overlay_start_1:
0x0: {  	(tag) =	ssettag $0x1  }
0x1: {  	s1 =	rddreg [dreg:$0x0]  }
0x2: {  	s0 =	rddreg [dreg:$0x1]  }
0x3: {  	s3 =	rddreg [dreg:$0x2];
	s4 =	simm.s32 $0x0;
	s13 =	stileid.u32  }
0x4: {  	s6 =	srdreg.scid;
	s18 =	simm.s32 $0x4;
	s20 =	simm.s32 $0x50  }
0x5: {  	s21 =	simm.s32 $0x4E20;
	s22 =	simm.s32 $0x7620;
	s28 =	simm.s32 $0x2  }
0x6: {  	s29 =	simm.s32 $0x3;
	s30 =	simm.s32 $0x4C90;
	s2 =	smul.u32 $0x4E2, s13  }
0x7: {  	s31 =	simm.s32 $0x2670;
	s19 =	simm.s32 $0x26C0;
	s5 =	smul.u32 $0x1F400, s13  }
0x8: {  	[smem:$0x7FF] =	sst s4;
	s7 =	sand.u32 $0x1, s6;
	s9 =	smul.u32 $0x7D000, s13  }
0x9: {  	s6 =	sadd.s32 $0xA400, s0;
	s26 =	sadd.s32 $0x35500, s0;
	s14 =	sadd.s32 $0x4E200, s1  }
0xa: {  	s15 =	sadd.s32 $0x75300, s1;
	p1 =	sgt.u32 s13, $0x9;
	p2 =	slt.u32 s13, $0xA  }
0xb: {  	s13 =	simm.s32 $0x4D80;
	_ =	strace $0x8000004D;
	s8 =	ssub.s32 $0x2, s7  }
0xc: {  	p0 =	seq.s32 s7, $0x1;
	[dreg:$0x9] =	wrdreg s26;
	s26 =	simm.s32 $0x1  }
0xd: {  	s2 =	sadd.s32 s2, s0;
	s16 =	sshrl.u32 s5, $0x3;
	s10 =	sshrl.u32 s8, $0x1  }
0xe: {  	s9 =	sshrl.u32 s9, $0x2;
	s23 =	sadd.s32 $0x400, s2;
	[dreg:$0x4] =	wrdreg s16  }
0xf: {  	s12 =	sadd.s32 s5, s3;
	s2 =	sadd.s32 $0x5400, s2;
	[dreg:$0x5] =	wrdreg s23  }
0x10: {  	s11 =	sadd.s32 s16, s0;
	s24 =	sadd.s32 s9, s3;
	[dreg:$0x6] =	wrdreg s2  }
0x11: {  	s8 =	ssub.s32 s8, s10;
	s10 =	sadd.s32 $0x27100, s1;
	[dreg:$0x7] =	wrdreg s24  }
.Ltmp0:
0x12: {  	s25 =	sadd.s32 $0xE400, s11;
	s2 =	sadd.s32 $0x5C600, s0;
	(pc) =	sbr.rel .LBB2_1-.Ltmp0, $4  }
0x13: {  	s0 =	sadd.s32 $0x83700, s0;
	s17 =	smax.u32 s8, $0x1;
	s23 =	simm.s32 $0xA0  }
0x14: {  	s24 =	simm.s32 $0x9E20;
	s11 =	simm.s32 $0x4D30;
	[dreg:$0x8] =	wrdreg s25  }
0x15: {  	[dreg:$0xa] =	wrdreg s0;
	s0 =	sadd.s32 @!p1 s16, s2;
	s16 =	simm.s32 $0x4DD0  }
0x16: {  	s25 =	simm.s32 $0x0;
	[dreg:$0xb] =	wrdreg s0;
	s0 =	simm.s32 $0x4CE0  }
.LBB2_12:
0x17: {  	s5 =	stileid.u32  }
0x18: {  	s7 =	rddreg [dreg:$0x4];
	s5 =	sshll.u32 s5, $0x6  }
0x19: {  	s9 =	sshrl.u32 s12, $0x3;
	s2 =	sadd.s32 s7, s2;
	s5 =	sor.u32 $0x1C04, s5  }
0x1a: {  	[hbm:s2], [sflag:s5] =	dma.local [spmem:s9], $0x3E80  }
0x1b: {  	_ =	swait.ge [sflag:s18], $0x3E80  }
0x1c: {  	[sflag:s18] =	ssyncset.done $0x0  }
0x1d: {  	[sflag:s18] =	ssyncadd.s32 $0xFFFFC180  }
.LBB2_13:
0x1e: {  	s25 =	sadd.s32 $0x1, s25  }
0x1f: {  	p3 =	sne.s32 s25, s17  }
.Ltmp1:
0x20: {  	_ = 	snop;
	(pc) =	sbr.rel @!p3 .LBB2_14-.Ltmp1, $2  }
0x21: {  	_ =	sdelay $0x1  }
0x22: {  	[bflag:$0x0] =	sbarrier.arrive $0xFFFF;
	_ =	sdelay $0x1  }
.LBB2_1:
0x23: {  	s2 =	rddreg [dreg:$0x5]  }
0x24: {  	[tilespmem:s4], [sflag:$0x4] =	stream.linear.gather [hbm4b:s2+s4], $0x2710, $0x38;
	[tilespmem:$0x1FEA0] =	vst v63  }
0x25: {  	_ =	swait.ge [sflag:s18], $0x2710  }
0x26: {  	s5 =	simm.s32 $0x2710;
	s2 =	stileid.u32;
	[sflag:s18] =	ssyncset.done $0x0  }
.Ltmp2:
0x27: {  	s9 =	rddreg [dreg:$0x6];
	[sflag:s18] =	ssyncadd.s32 $0xFFFFD8F0;
	(pc) =	sbr.rel @!p0 .LBB2_2-.Ltmp2, $4  }
0x28: {  	[tilespmem:s5], [sflag:$0x4] =	stream.linear.gather [hbm4b:s9+s4], $0x2710, $0x38;
	[tilespmem:$0x1FEA0] =	vst v63  }
0x29: {  	s2 =	sshll.u32 @!p1 s2, $0x6;
	_ =	swait.ge [sflag:s18], $0x2710  }
0x2a: {  	s2 =	sor.u32 @!p1 $0x1C04, s2;
	[sflag:s18] =	ssyncset.done $0x0;
	s5 =	rddreg [dreg:$0x7]  }
0x2b: {  	[sflag:s18] =	ssyncadd.s32 $0xFFFFD8F0;
	s7 =	sshrl.u32 @!p1 s5, $0x3;
	s5 =	sshrl.u32 @!p1 s12, $0x3  }
0x2c: {  	[tilespmem:s21], [sflag:$0x1] =	stream.indirect.gather [hbm4b:s14+s20], $0x80, s4, s20, $0xb8;
	[tilespmem:$0x1FEA0] =	vst v63  }
0x2d: {  	_ = 	snop  }
0x2e: {  	[tilespmem:s22], [sflag:$0x2] =	stream.indirect.gather [hbm4b:s14+s20], $0x80, s20, s20, $0xb8;
	[tilespmem:$0x1FEA0] =	vst v63  }
0x2f: {  	_ = 	snop  }
0x30: {  	[tilespmem:s24], [sflag:$0x3] =	stream.indirect.gather [hbm4b:s14+s20], $0x80, s23, s20, $0xb8;
	[tilespmem:$0x1FEA0] =	vst v63  }
0x31: {  	[spmem:s7], [sflag:s2] =	dma.local @!p1 [hbm:s6], $0x3E80  }
0x32: {  	s7 =	simm.s32 @!p1 $0x4  }
0x33: {  	_ =	swait.ge @!p1 [sflag:s7], $0x3E80  }
0x34: {  	[sflag:s7] =	ssyncset.done @!p1 $0x0  }
0x35: {  	[sflag:s7] =	ssyncadd.s32 @!p1 $0xFFFFC180  }
0x36: {  	[bflag:$0x0] =	sbarrier.arrive $0xFFFF  }
0x37: {  	_ =	swait.ge [sflag:s26], $0x2800  }
0x38: {  	[sflag:s26] =	ssyncset.done $0x0  }
0x39: {  	s9 =	simm.s32 $0x2710;
	[sflag:s26] =	ssyncadd.s32 $0xFFFFD800  }
0x3a: {  	[spmem:s3] =	stream.indirect.scatter.add.f32 [tilespmem:s21], [sflag:$0x4], $0x80, s9, s20, $0xb8;
	[tilespmem:$0x1FEA0] =	vst v63  }
0x3b: {  	_ =	swait.ge [sflag:s18], $0x2800  }
0x3c: {  	[sflag:s18] =	ssyncset.done $0x0  }
0x3d: {  	s8 =	simm.s32 $0xF0;
	[sflag:s18] =	ssyncadd.s32 $0xFFFFD800  }
0x3e: {  	[tilespmem:s21], [sflag:$0x1] =	stream.indirect.gather [hbm4b:s14+s20], $0x80, s8, s20, $0xb8;
	[tilespmem:$0x1FEA0] =	vst v63  }
0x3f: {  	_ =	swait.ge [sflag:s28], $0x2800  }
0x40: {  	[sflag:s28] =	ssyncset.done $0x0  }
0x41: {  	s9 =	simm.s32 $0x2760;
	[sflag:s28] =	ssyncadd.s32 $0xFFFFD800  }
0x42: {  	[spmem:s3] =	stream.indirect.scatter.add.f32 [tilespmem:s22], [sflag:$0x4], $0x80, s9, s20, $0xb8;
	[tilespmem:$0x1FEA0] =	vst v63  }
0x43: {  	_ =	swait.ge [sflag:s18], $0x2800  }
0x44: {  	[sflag:s18] =	ssyncset.done $0x0  }
0x45: {  	s8 =	simm.s32 $0x140;
	[sflag:s18] =	ssyncadd.s32 $0xFFFFD800  }
0x46: {  	[tilespmem:s22], [sflag:$0x2] =	stream.indirect.gather [hbm4b:s14+s20], $0x80, s8, s20, $0xb8;
	[tilespmem:$0x1FEA0] =	vst v63  }
0x47: {  	_ =	swait.ge [sflag:s29], $0x2800  }
0x48: {  	[sflag:s29] =	ssyncset.done $0x0  }
0x49: {  	s9 =	simm.s32 $0x27B0;
	[sflag:s29] =	ssyncadd.s32 $0xFFFFD800  }
0x4a: {  	[spmem:s3] =	stream.indirect.scatter.add.f32 [tilespmem:s24], [sflag:$0x4], $0x80, s9, s20, $0xb8;
	[tilespmem:$0x1FEA0] =	vst v63  }
0x4b: {  	_ =	swait.ge [sflag:s18], $0x2800  }
0x4c: {  	[sflag:s18] =	ssyncset.done $0x0  }
0x4d: {  	s7 =	simm.s32 $0x3C0;
	s8 =	simm.s32 $0x190;
	[sflag:s18] =	ssyncadd.s32 $0xFFFFD800  }
.LBB2_8:
0x4e: {  	[tilespmem:s24], [sflag:$0x3] =	stream.indirect.gather [hbm4b:s14+s20], $0x80, s8, s20, $0xb8;
	[tilespmem:$0x1FEA0] =	vst v63  }
0x4f: {  	s8 =	smov.u32 s7  }
0x50: {  	p3 =	sne.s32 s7, $0x9240;
	s7 =	sadd.s32 $0x3C0, s7;
	_ =	swait.ge [sflag:s26], $0x2800  }
0x51: {  	s8 =	sshra.s32 s8, $0x2;
	[sflag:s26] =	ssyncset.done $0x0  }
0x52: {  	s9 =	sadd.s32 $0x2710, s8;
	[sflag:s26] =	ssyncadd.s32 $0xFFFFD800  }
0x53: {  	[spmem:s3] =	stream.indirect.scatter.add.f32 [tilespmem:s21], [sflag:$0x4], $0x80, s9, s20, $0xb8;
	[tilespmem:$0x1FEA0] =	vst v63  }
0x54: {  	_ =	swait.ge [sflag:s18], $0x2800  }
0x55: {  	[sflag:s18] =	ssyncset.done $0x0  }
0x56: {  	s9 =	sadd.s32 $0xF0, s8;
	[sflag:s18] =	ssyncadd.s32 $0xFFFFD800  }
0x57: {  	[tilespmem:s21], [sflag:$0x1] =	stream.indirect.gather [hbm4b:s14+s20], $0x80, s9, s20, $0xb8;
	[tilespmem:$0x1FEA0] =	vst v63  }
0x58: {  	_ =	swait.ge [sflag:s28], $0x2800  }
0x59: {  	[sflag:s28] =	ssyncset.done $0x0  }
0x5a: {  	s9 =	sadd.s32 $0x2760, s8;
	[sflag:s28] =	ssyncadd.s32 $0xFFFFD800  }
0x5b: {  	[spmem:s3] =	stream.indirect.scatter.add.f32 [tilespmem:s22], [sflag:$0x4], $0x80, s9, s20, $0xb8;
	[tilespmem:$0x1FEA0] =	vst v63  }
0x5c: {  	_ =	swait.ge [sflag:s18], $0x2800  }
0x5d: {  	[sflag:s18] =	ssyncset.done $0x0  }
0x5e: {  	s9 =	sadd.s32 $0x140, s8;
	[sflag:s18] =	ssyncadd.s32 $0xFFFFD800  }
0x5f: {  	[tilespmem:s22], [sflag:$0x2] =	stream.indirect.gather [hbm4b:s14+s20], $0x80, s9, s20, $0xb8;
	[tilespmem:$0x1FEA0] =	vst v63  }
0x60: {  	_ =	swait.ge [sflag:s29], $0x2800  }
0x61: {  	[sflag:s29] =	ssyncset.done $0x0  }
.Ltmp3:
0x62: {  	s9 =	sadd.s32 $0x27B0, s8;
	[sflag:s29] =	ssyncadd.s32 $0xFFFFD800;
	(pc) =	sbr.rel @p3 .LBB2_8-.Ltmp3, $4  }
0x63: {  	[spmem:s3] =	stream.indirect.scatter.add.f32 [tilespmem:s24], [sflag:$0x4], $0x80, s9, s20, $0xb8;
	[tilespmem:$0x1FEA0] =	vst v63  }
0x64: {  	_ =	swait.ge [sflag:s18], $0x2800  }
0x65: {  	[sflag:s18] =	ssyncset.done $0x0  }
0x66: {  	s8 =	sadd.s32 $0x190, s8;
	[sflag:s18] =	ssyncadd.s32 $0xFFFFD800  }
0x67: {  	[tilespmem:s24], [sflag:$0x3] =	stream.indirect.gather [hbm4b:s14+s20], $0x80, s8, s20, $0xb8;
	[tilespmem:$0x1FEA0] =	vst v63  }
0x68: {  	_ =	swait.ge [sflag:s26], $0x2800  }
0x69: {  	[sflag:s26] =	ssyncset.done $0x0  }
0x6a: {  	[sflag:s26] =	ssyncadd.s32 $0xFFFFD800  }
0x6b: {  	[spmem:s3] =	stream.indirect.scatter.add.f32 [tilespmem:s21], [sflag:$0x4], $0x80, s30, s20, $0xb8;
	[tilespmem:$0x1FEA0] =	vst v63  }
0x6c: {  	_ =	swait.ge [sflag:s18], $0x2800  }
0x6d: {  	[sflag:s18] =	ssyncset.done $0x0  }
0x6e: {  	[sflag:s18] =	ssyncadd.s32 $0xFFFFD800  }
0x6f: {  	[tilespmem:s21], [sflag:$0x1] =	stream.indirect.gather [hbm4b:s14+s20], $0x80, s31, s20, $0xb8;
	[tilespmem:$0x1FEA0] =	vst v63  }
0x70: {  	_ =	swait.ge [sflag:s28], $0x2800  }
0x71: {  	[sflag:s28] =	ssyncset.done $0x0  }
0x72: {  	[sflag:s28] =	ssyncadd.s32 $0xFFFFD800  }
0x73: {  	[spmem:s3] =	stream.indirect.scatter.add.f32 [tilespmem:s22], [sflag:$0x4], $0x80, s0, s20, $0xb8;
	[tilespmem:$0x1FEA0] =	vst v63  }
0x74: {  	_ =	swait.ge [sflag:s18], $0x2800  }
0x75: {  	[sflag:s18] =	ssyncset.done $0x0  }
0x76: {  	[sflag:s18] =	ssyncadd.s32 $0xFFFFD800  }
0x77: {  	[tilespmem:s22], [sflag:$0x2] =	stream.indirect.gather [hbm4b:s14+s20], $0x80, s19, s20, $0xb8;
	[tilespmem:$0x1FEA0] =	vst v63  }
0x78: {  	_ =	swait.ge [sflag:s29], $0x2800  }
0x79: {  	[sflag:s29] =	ssyncset.done $0x0  }
0x7a: {  	[sflag:s29] =	ssyncadd.s32 $0xFFFFD800  }
0x7b: {  	[spmem:s3] =	stream.indirect.scatter.add.f32 [tilespmem:s24], [sflag:$0x4], $0x80, s11, s20, $0xb8;
	[tilespmem:$0x1FEA0] =	vst v63  }
0x7c: {  	_ =	swait.ge [sflag:s18], $0x2800  }
0x7d: {  	[sflag:s18] =	ssyncset.done $0x0  }
0x7e: {  	[sflag:s18] =	ssyncadd.s32 $0xFFFFD800  }
0x7f: {  	_ =	swait.ge [sflag:s26], $0x2800  }
0x80: {  	[sflag:s26] =	ssyncset.done $0x0  }
0x81: {  	[sflag:s26] =	ssyncadd.s32 $0xFFFFD800  }
0x82: {  	[spmem:s3] =	stream.indirect.scatter.add.f32 [tilespmem:s21], [sflag:$0x4], $0x80, s13, s20, $0xb8;
	[tilespmem:$0x1FEA0] =	vst v63  }
0x83: {  	_ =	swait.ge [sflag:s18], $0x2800  }
0x84: {  	[sflag:s18] =	ssyncset.done $0x0  }
0x85: {  	[sflag:s18] =	ssyncadd.s32 $0xFFFFD800  }
0x86: {  	_ =	swait.ge [sflag:s28], $0x2800  }
0x87: {  	[sflag:s28] =	ssyncset.done $0x0  }
0x88: {  	[sflag:s28] =	ssyncadd.s32 $0xFFFFD800  }
0x89: {  	[spmem:s3] =	stream.indirect.scatter.add.f32 [tilespmem:s22], [sflag:$0x4], $0x80, s16, s20, $0xb8;
	[tilespmem:$0x1FEA0] =	vst v63  }
0x8a: {  	_ =	swait.ge [sflag:s18], $0x2800  }
0x8b: {  	[sflag:s18] =	ssyncset.done $0x0  }
0x8c: {  	[sflag:s18] =	ssyncadd.s32 $0xFFFFD800  }
0x8d: {  	[tilespmem:s21], [sflag:$0x1] =	stream.indirect.gather [hbm4b:s15+s20], $0x80, s4, s20, $0xb8;
	[tilespmem:$0x1FEA0] =	vst v63  }
0x8e: {  	_ = 	snop  }
0x8f: {  	[tilespmem:s22], [sflag:$0x2] =	stream.indirect.gather [hbm4b:s15+s20], $0x80, s20, s20, $0xb8;
	[tilespmem:$0x1FEA0] =	vst v63  }
0x90: {  	_ = 	snop  }
0x91: {  	[tilespmem:s24], [sflag:$0x3] =	stream.indirect.gather [hbm4b:s15+s20], $0x80, s23, s20, $0xb8;
	[tilespmem:$0x1FEA0] =	vst v63  }
0x92: {  	[bflag:$0x0] =	sbarrier.arrive $0xFFFF  }
0x93: {  	[bflag:$0x0] =	sbarrier.arrive @p1 $0xFFFF  }
0x94: {  	s7 =	rddreg [dreg:$0xb]  }
0x95: {  	[hbm:s7], [sflag:s2] =	dma.local @!p1 [spmem:s5], $0x3E80  }
0x96: {  	s7 =	simm.s32 @!p1 $0x4  }
0x97: {  	_ =	swait.ge @!p1 [sflag:s7], $0x3E80  }
0x98: {  	[sflag:s7] =	ssyncset.done @!p1 $0x0  }
0x99: {  	[sflag:s7] =	ssyncadd.s32 @!p1 $0xFFFFC180  }
0x9a: {  	[bflag:$0x0] =	sbarrier.arrive @!p1 $0xFFFF  }
0x9b: {  	[spmem:s5], [sflag:s2] =	dma.local @!p1 [hbm:s6], $0x3E80  }
0x9c: {  	_ =	swait.ge @!p1 [sflag:s7], $0x3E80  }
0x9d: {  	[sflag:s7] =	ssyncset.done @!p1 $0x0  }
0x9e: {  	[sflag:s7] =	ssyncadd.s32 @!p1 $0xFFFFC180  }
0x9f: {  	[bflag:$0x0] =	sbarrier.arrive $0xFFFF  }
0xa0: {  	_ =	swait.ge [sflag:s26], $0x2800  }
0xa1: {  	[sflag:s26] =	ssyncset.done $0x0  }
0xa2: {  	s9 =	simm.s32 $0x2710;
	[sflag:s26] =	ssyncadd.s32 $0xFFFFD800  }
0xa3: {  	[spmem:s3] =	stream.indirect.scatter.add.f32 [tilespmem:s21], [sflag:$0x4], $0x80, s9, s20, $0xb8;
	[tilespmem:$0x1FEA0] =	vst v63  }
0xa4: {  	_ =	swait.ge [sflag:s18], $0x2800  }
0xa5: {  	[sflag:s18] =	ssyncset.done $0x0  }
0xa6: {  	s5 =	simm.s32 $0xF0;
	[sflag:s18] =	ssyncadd.s32 $0xFFFFD800  }
0xa7: {  	[tilespmem:s21], [sflag:$0x1] =	stream.indirect.gather [hbm4b:s15+s20], $0x80, s5, s20, $0xb8;
	[tilespmem:$0x1FEA0] =	vst v63  }
0xa8: {  	_ =	swait.ge [sflag:s28], $0x2800  }
0xa9: {  	[sflag:s28] =	ssyncset.done $0x0  }
0xaa: {  	s7 =	simm.s32 $0x2760;
	[sflag:s28] =	ssyncadd.s32 $0xFFFFD800  }
0xab: {  	[spmem:s3] =	stream.indirect.scatter.add.f32 [tilespmem:s22], [sflag:$0x4], $0x80, s7, s20, $0xb8;
	[tilespmem:$0x1FEA0] =	vst v63  }
0xac: {  	_ =	swait.ge [sflag:s18], $0x2800  }
0xad: {  	[sflag:s18] =	ssyncset.done $0x0  }
0xae: {  	s8 =	simm.s32 $0x140;
	[sflag:s18] =	ssyncadd.s32 $0xFFFFD800  }
0xaf: {  	[tilespmem:s22], [sflag:$0x2] =	stream.indirect.gather [hbm4b:s15+s20], $0x80, s8, s20, $0xb8;
	[tilespmem:$0x1FEA0] =	vst v63  }
0xb0: {  	_ =	swait.ge [sflag:s29], $0x2800  }
0xb1: {  	[sflag:s29] =	ssyncset.done $0x0  }
0xb2: {  	s9 =	simm.s32 $0x27B0;
	[sflag:s29] =	ssyncadd.s32 $0xFFFFD800  }
0xb3: {  	[spmem:s3] =	stream.indirect.scatter.add.f32 [tilespmem:s24], [sflag:$0x4], $0x80, s9, s20, $0xb8;
	[tilespmem:$0x1FEA0] =	vst v63  }
0xb4: {  	_ =	swait.ge [sflag:s18], $0x2800  }
0xb5: {  	[sflag:s18] =	ssyncset.done $0x0  }
0xb6: {  	s2 =	simm.s32 $0x3C0;
	s5 =	simm.s32 $0x190;
	[sflag:s18] =	ssyncadd.s32 $0xFFFFD800  }
.LBB2_10:
0xb7: {  	[tilespmem:s24], [sflag:$0x3] =	stream.indirect.gather [hbm4b:s15+s20], $0x80, s5, s20, $0xb8;
	[tilespmem:$0x1FEA0] =	vst v63  }
0xb8: {  	s5 =	smov.u32 s2  }
0xb9: {  	p3 =	sne.s32 s2, $0x9240;
	s2 =	sadd.s32 $0x3C0, s2;
	_ =	swait.ge [sflag:s26], $0x2800  }
0xba: {  	s5 =	sshra.s32 s5, $0x2;
	[sflag:s26] =	ssyncset.done $0x0  }
0xbb: {  	s7 =	sadd.s32 $0x2710, s5;
	[sflag:s26] =	ssyncadd.s32 $0xFFFFD800  }
0xbc: {  	[spmem:s3] =	stream.indirect.scatter.add.f32 [tilespmem:s21], [sflag:$0x4], $0x80, s7, s20, $0xb8;
	[tilespmem:$0x1FEA0] =	vst v63  }
0xbd: {  	_ =	swait.ge [sflag:s18], $0x2800  }
0xbe: {  	[sflag:s18] =	ssyncset.done $0x0  }
0xbf: {  	s7 =	sadd.s32 $0xF0, s5;
	[sflag:s18] =	ssyncadd.s32 $0xFFFFD800  }
0xc0: {  	[tilespmem:s21], [sflag:$0x1] =	stream.indirect.gather [hbm4b:s15+s20], $0x80, s7, s20, $0xb8;
	[tilespmem:$0x1FEA0] =	vst v63  }
0xc1: {  	_ =	swait.ge [sflag:s28], $0x2800  }
0xc2: {  	[sflag:s28] =	ssyncset.done $0x0  }
0xc3: {  	s7 =	sadd.s32 $0x2760, s5;
	[sflag:s28] =	ssyncadd.s32 $0xFFFFD800  }
0xc4: {  	[spmem:s3] =	stream.indirect.scatter.add.f32 [tilespmem:s22], [sflag:$0x4], $0x80, s7, s20, $0xb8;
	[tilespmem:$0x1FEA0] =	vst v63  }
0xc5: {  	_ =	swait.ge [sflag:s18], $0x2800  }
0xc6: {  	[sflag:s18] =	ssyncset.done $0x0  }
0xc7: {  	s7 =	sadd.s32 $0x140, s5;
	[sflag:s18] =	ssyncadd.s32 $0xFFFFD800  }
0xc8: {  	[tilespmem:s22], [sflag:$0x2] =	stream.indirect.gather [hbm4b:s15+s20], $0x80, s7, s20, $0xb8;
	[tilespmem:$0x1FEA0] =	vst v63  }
0xc9: {  	_ =	swait.ge [sflag:s29], $0x2800  }
0xca: {  	[sflag:s29] =	ssyncset.done $0x0  }
.Ltmp4:
0xcb: {  	s7 =	sadd.s32 $0x27B0, s5;
	[sflag:s29] =	ssyncadd.s32 $0xFFFFD800;
	(pc) =	sbr.rel @p3 .LBB2_10-.Ltmp4, $4  }
0xcc: {  	[spmem:s3] =	stream.indirect.scatter.add.f32 [tilespmem:s24], [sflag:$0x4], $0x80, s7, s20, $0xb8;
	[tilespmem:$0x1FEA0] =	vst v63  }
0xcd: {  	_ =	swait.ge [sflag:s18], $0x2800  }
0xce: {  	[sflag:s18] =	ssyncset.done $0x0  }
0xcf: {  	s5 =	sadd.s32 $0x190, s5;
	[sflag:s18] =	ssyncadd.s32 $0xFFFFD800  }
0xd0: {  	[tilespmem:s24], [sflag:$0x3] =	stream.indirect.gather [hbm4b:s15+s20], $0x80, s5, s20, $0xb8;
	[tilespmem:$0x1FEA0] =	vst v63  }
0xd1: {  	_ =	swait.ge [sflag:s26], $0x2800  }
0xd2: {  	[sflag:s26] =	ssyncset.done $0x0  }
0xd3: {  	[sflag:s26] =	ssyncadd.s32 $0xFFFFD800  }
0xd4: {  	[spmem:s3] =	stream.indirect.scatter.add.f32 [tilespmem:s21], [sflag:$0x4], $0x80, s30, s20, $0xb8;
	[tilespmem:$0x1FEA0] =	vst v63  }
0xd5: {  	_ =	swait.ge [sflag:s18], $0x2800  }
0xd6: {  	[sflag:s18] =	ssyncset.done $0x0  }
0xd7: {  	[sflag:s18] =	ssyncadd.s32 $0xFFFFD800  }
0xd8: {  	[tilespmem:s21], [sflag:$0x1] =	stream.indirect.gather [hbm4b:s15+s20], $0x80, s31, s20, $0xb8;
	[tilespmem:$0x1FEA0] =	vst v63  }
0xd9: {  	_ =	swait.ge [sflag:s28], $0x2800  }
0xda: {  	[sflag:s28] =	ssyncset.done $0x0  }
0xdb: {  	[sflag:s28] =	ssyncadd.s32 $0xFFFFD800  }
0xdc: {  	[spmem:s3] =	stream.indirect.scatter.add.f32 [tilespmem:s22], [sflag:$0x4], $0x80, s0, s20, $0xb8;
	[tilespmem:$0x1FEA0] =	vst v63  }
0xdd: {  	_ =	swait.ge [sflag:s18], $0x2800  }
0xde: {  	[sflag:s18] =	ssyncset.done $0x0  }
0xdf: {  	[sflag:s18] =	ssyncadd.s32 $0xFFFFD800  }
0xe0: {  	[tilespmem:s22], [sflag:$0x2] =	stream.indirect.gather [hbm4b:s15+s20], $0x80, s19, s20, $0xb8;
	[tilespmem:$0x1FEA0] =	vst v63  }
0xe1: {  	_ =	swait.ge [sflag:s29], $0x2800  }
0xe2: {  	[sflag:s29] =	ssyncset.done $0x0  }
0xe3: {  	[sflag:s29] =	ssyncadd.s32 $0xFFFFD800  }
0xe4: {  	[spmem:s3] =	stream.indirect.scatter.add.f32 [tilespmem:s24], [sflag:$0x4], $0x80, s11, s20, $0xb8;
	[tilespmem:$0x1FEA0] =	vst v63  }
0xe5: {  	_ =	swait.ge [sflag:s18], $0x2800  }
0xe6: {  	[sflag:s18] =	ssyncset.done $0x0  }
0xe7: {  	[sflag:s18] =	ssyncadd.s32 $0xFFFFD800  }
0xe8: {  	_ =	swait.ge [sflag:s26], $0x2800  }
0xe9: {  	[sflag:s26] =	ssyncset.done $0x0  }
0xea: {  	[sflag:s26] =	ssyncadd.s32 $0xFFFFD800  }
0xeb: {  	[spmem:s3] =	stream.indirect.scatter.add.f32 [tilespmem:s21], [sflag:$0x4], $0x80, s13, s20, $0xb8;
	[tilespmem:$0x1FEA0] =	vst v63  }
0xec: {  	_ =	swait.ge [sflag:s18], $0x2800  }
0xed: {  	[sflag:s18] =	ssyncset.done $0x0  }
0xee: {  	[sflag:s18] =	ssyncadd.s32 $0xFFFFD800  }
0xef: {  	_ =	swait.ge [sflag:s28], $0x2800  }
0xf0: {  	[sflag:s28] =	ssyncset.done $0x0  }
0xf1: {  	[sflag:s28] =	ssyncadd.s32 $0xFFFFD800  }
0xf2: {  	[spmem:s3] =	stream.indirect.scatter.add.f32 [tilespmem:s22], [sflag:$0x4], $0x80, s16, s20, $0xb8;
	[tilespmem:$0x1FEA0] =	vst v63  }
.Ltmp5:
0xf3: {  	_ =	swait.ge [sflag:s18], $0x2800;
	(pc) =	sbr.rel @p1 .LBB2_13-.Ltmp5, $4  }
.Ltmp6:
0xf4: {  	[sflag:s18] =	ssyncset.done $0x0;
	(pc) =	sbr.rel @!p1 .LBB2_12-.Ltmp6, $4  }
0xf5: {  	[sflag:s18] =	ssyncadd.s32 $0xFFFFD800  }
0xf6: {  	[bflag:$0x0] =	sbarrier.arrive $0xFFFF  }
0xf7: {  	s2 =	rddreg [dreg:$0xa]  }
0xf8: {  	_ = 	snop  }
.LBB2_2:
0xf9: {  	[tilespmem:s21], [sflag:$0x1] =	stream.indirect.gather [hbm4b:s1+s20], $0x80, s4, s20, $0xb8;
	[tilespmem:$0x1FEA0] =	vst v63  }
0xfa: {  	_ = 	snop  }
0xfb: {  	[tilespmem:s22], [sflag:$0x2] =	stream.indirect.gather [hbm4b:s1+s20], $0x80, s20, s20, $0xb8;
	[tilespmem:$0x1FEA0] =	vst v63  }
0xfc: {  	_ = 	snop  }
0xfd: {  	[tilespmem:s24], [sflag:$0x3] =	stream.indirect.gather [hbm4b:s1+s20], $0x80, s23, s20, $0xb8;
	[tilespmem:$0x1FEA0] =	vst v63  }
0xfe: {  	[spmem:s7], [sflag:s2] =	dma.local @!p1 [hbm:s6], $0x3E80  }
0xff: {  	s7 =	simm.s32 @!p1 $0x4  }
0x100: {  	_ =	swait.ge @!p1 [sflag:s7], $0x3E80  }
0x101: {  	[sflag:s7] =	ssyncset.done @!p1 $0x0  }
0x102: {  	[sflag:s7] =	ssyncadd.s32 @!p1 $0xFFFFC180  }
0x103: {  	[bflag:$0x0] =	sbarrier.arrive $0xFFFF  }
0x104: {  	_ =	swait.ge [sflag:s26], $0x2800  }
0x105: {  	[sflag:s26] =	ssyncset.done $0x0  }
0x106: {  	s9 =	simm.s32 $0x2710;
	[sflag:s26] =	ssyncadd.s32 $0xFFFFD800  }
0x107: {  	[spmem:s3] =	stream.indirect.scatter.add.f32 [tilespmem:s21], [sflag:$0x4], $0x80, s9, s20, $0xb8;
	[tilespmem:$0x1FEA0] =	vst v63  }
0x108: {  	_ =	swait.ge [sflag:s18], $0x2800  }
0x109: {  	[sflag:s18] =	ssyncset.done $0x0  }
0x10a: {  	s8 =	simm.s32 $0xF0;
	[sflag:s18] =	ssyncadd.s32 $0xFFFFD800  }
0x10b: {  	[tilespmem:s21], [sflag:$0x1] =	stream.indirect.gather [hbm4b:s1+s20], $0x80, s8, s20, $0xb8;
	[tilespmem:$0x1FEA0] =	vst v63  }
0x10c: {  	_ =	swait.ge [sflag:s28], $0x2800  }
0x10d: {  	[sflag:s28] =	ssyncset.done $0x0  }
0x10e: {  	s9 =	simm.s32 $0x2760;
	[sflag:s28] =	ssyncadd.s32 $0xFFFFD800  }
0x10f: {  	[spmem:s3] =	stream.indirect.scatter.add.f32 [tilespmem:s22], [sflag:$0x4], $0x80, s9, s20, $0xb8;
	[tilespmem:$0x1FEA0] =	vst v63  }
0x110: {  	_ =	swait.ge [sflag:s18], $0x2800  }
0x111: {  	[sflag:s18] =	ssyncset.done $0x0  }
0x112: {  	s8 =	simm.s32 $0x140;
	[sflag:s18] =	ssyncadd.s32 $0xFFFFD800  }
0x113: {  	[tilespmem:s22], [sflag:$0x2] =	stream.indirect.gather [hbm4b:s1+s20], $0x80, s8, s20, $0xb8;
	[tilespmem:$0x1FEA0] =	vst v63  }
0x114: {  	_ =	swait.ge [sflag:s29], $0x2800  }
0x115: {  	[sflag:s29] =	ssyncset.done $0x0  }
0x116: {  	s9 =	simm.s32 $0x27B0;
	[sflag:s29] =	ssyncadd.s32 $0xFFFFD800  }
0x117: {  	[spmem:s3] =	stream.indirect.scatter.add.f32 [tilespmem:s24], [sflag:$0x4], $0x80, s9, s20, $0xb8;
	[tilespmem:$0x1FEA0] =	vst v63  }
0x118: {  	_ =	swait.ge [sflag:s18], $0x2800  }
0x119: {  	[sflag:s18] =	ssyncset.done $0x0  }
0x11a: {  	s7 =	simm.s32 $0x3C0;
	s8 =	simm.s32 $0x190;
	[sflag:s18] =	ssyncadd.s32 $0xFFFFD800  }
.LBB2_3:
0x11b: {  	[tilespmem:s24], [sflag:$0x3] =	stream.indirect.gather [hbm4b:s1+s20], $0x80, s8, s20, $0xb8;
	[tilespmem:$0x1FEA0] =	vst v63  }
0x11c: {  	s8 =	smov.u32 s7  }
0x11d: {  	p3 =	sne.s32 s7, $0x9240;
	s7 =	sadd.s32 $0x3C0, s7;
	_ =	swait.ge [sflag:s26], $0x2800  }
0x11e: {  	s8 =	sshra.s32 s8, $0x2;
	[sflag:s26] =	ssyncset.done $0x0  }
0x11f: {  	s9 =	sadd.s32 $0x2710, s8;
	[sflag:s26] =	ssyncadd.s32 $0xFFFFD800  }
0x120: {  	[spmem:s3] =	stream.indirect.scatter.add.f32 [tilespmem:s21], [sflag:$0x4], $0x80, s9, s20, $0xb8;
	[tilespmem:$0x1FEA0] =	vst v63  }
0x121: {  	_ =	swait.ge [sflag:s18], $0x2800  }
0x122: {  	[sflag:s18] =	ssyncset.done $0x0  }
0x123: {  	s9 =	sadd.s32 $0xF0, s8;
	[sflag:s18] =	ssyncadd.s32 $0xFFFFD800  }
0x124: {  	[tilespmem:s21], [sflag:$0x1] =	stream.indirect.gather [hbm4b:s1+s20], $0x80, s9, s20, $0xb8;
	[tilespmem:$0x1FEA0] =	vst v63  }
0x125: {  	_ =	swait.ge [sflag:s28], $0x2800  }
0x126: {  	[sflag:s28] =	ssyncset.done $0x0  }
0x127: {  	s9 =	sadd.s32 $0x2760, s8;
	[sflag:s28] =	ssyncadd.s32 $0xFFFFD800  }
0x128: {  	[spmem:s3] =	stream.indirect.scatter.add.f32 [tilespmem:s22], [sflag:$0x4], $0x80, s9, s20, $0xb8;
	[tilespmem:$0x1FEA0] =	vst v63  }
0x129: {  	_ =	swait.ge [sflag:s18], $0x2800  }
0x12a: {  	[sflag:s18] =	ssyncset.done $0x0  }
0x12b: {  	s9 =	sadd.s32 $0x140, s8;
	[sflag:s18] =	ssyncadd.s32 $0xFFFFD800  }
0x12c: {  	[tilespmem:s22], [sflag:$0x2] =	stream.indirect.gather [hbm4b:s1+s20], $0x80, s9, s20, $0xb8;
	[tilespmem:$0x1FEA0] =	vst v63  }
0x12d: {  	_ =	swait.ge [sflag:s29], $0x2800  }
0x12e: {  	[sflag:s29] =	ssyncset.done $0x0  }
.Ltmp7:
0x12f: {  	s9 =	sadd.s32 $0x27B0, s8;
	[sflag:s29] =	ssyncadd.s32 $0xFFFFD800;
	(pc) =	sbr.rel @p3 .LBB2_3-.Ltmp7, $4  }
0x130: {  	[spmem:s3] =	stream.indirect.scatter.add.f32 [tilespmem:s24], [sflag:$0x4], $0x80, s9, s20, $0xb8;
	[tilespmem:$0x1FEA0] =	vst v63  }
0x131: {  	_ =	swait.ge [sflag:s18], $0x2800  }
0x132: {  	[sflag:s18] =	ssyncset.done $0x0  }
0x133: {  	s8 =	sadd.s32 $0x190, s8;
	[sflag:s18] =	ssyncadd.s32 $0xFFFFD800  }
0x134: {  	[tilespmem:s24], [sflag:$0x3] =	stream.indirect.gather [hbm4b:s1+s20], $0x80, s8, s20, $0xb8;
	[tilespmem:$0x1FEA0] =	vst v63  }
0x135: {  	_ =	swait.ge [sflag:s26], $0x2800  }
0x136: {  	[sflag:s26] =	ssyncset.done $0x0  }
0x137: {  	[sflag:s26] =	ssyncadd.s32 $0xFFFFD800  }
0x138: {  	[spmem:s3] =	stream.indirect.scatter.add.f32 [tilespmem:s21], [sflag:$0x4], $0x80, s30, s20, $0xb8;
	[tilespmem:$0x1FEA0] =	vst v63  }
0x139: {  	_ =	swait.ge [sflag:s18], $0x2800  }
0x13a: {  	[sflag:s18] =	ssyncset.done $0x0  }
0x13b: {  	[sflag:s18] =	ssyncadd.s32 $0xFFFFD800  }
0x13c: {  	[tilespmem:s21], [sflag:$0x1] =	stream.indirect.gather [hbm4b:s1+s20], $0x80, s31, s20, $0xb8;
	[tilespmem:$0x1FEA0] =	vst v63  }
0x13d: {  	_ =	swait.ge [sflag:s28], $0x2800  }
0x13e: {  	[sflag:s28] =	ssyncset.done $0x0  }
0x13f: {  	[sflag:s28] =	ssyncadd.s32 $0xFFFFD800  }
0x140: {  	[spmem:s3] =	stream.indirect.scatter.add.f32 [tilespmem:s22], [sflag:$0x4], $0x80, s0, s20, $0xb8;
	[tilespmem:$0x1FEA0] =	vst v63  }
0x141: {  	_ =	swait.ge [sflag:s18], $0x2800  }
0x142: {  	[sflag:s18] =	ssyncset.done $0x0  }
0x143: {  	[sflag:s18] =	ssyncadd.s32 $0xFFFFD800  }
0x144: {  	[tilespmem:s22], [sflag:$0x2] =	stream.indirect.gather [hbm4b:s1+s20], $0x80, s19, s20, $0xb8;
	[tilespmem:$0x1FEA0] =	vst v63  }
0x145: {  	_ =	swait.ge [sflag:s29], $0x2800  }
0x146: {  	[sflag:s29] =	ssyncset.done $0x0  }
0x147: {  	[sflag:s29] =	ssyncadd.s32 $0xFFFFD800  }
0x148: {  	[spmem:s3] =	stream.indirect.scatter.add.f32 [tilespmem:s24], [sflag:$0x4], $0x80, s11, s20, $0xb8;
	[tilespmem:$0x1FEA0] =	vst v63  }
0x149: {  	_ =	swait.ge [sflag:s18], $0x2800  }
0x14a: {  	[sflag:s18] =	ssyncset.done $0x0  }
0x14b: {  	[sflag:s18] =	ssyncadd.s32 $0xFFFFD800  }
0x14c: {  	_ =	swait.ge [sflag:s26], $0x2800  }
0x14d: {  	[sflag:s26] =	ssyncset.done $0x0  }
0x14e: {  	[sflag:s26] =	ssyncadd.s32 $0xFFFFD800  }
0x14f: {  	[spmem:s3] =	stream.indirect.scatter.add.f32 [tilespmem:s21], [sflag:$0x4], $0x80, s13, s20, $0xb8;
	[tilespmem:$0x1FEA0] =	vst v63  }
0x150: {  	_ =	swait.ge [sflag:s18], $0x2800  }
0x151: {  	[sflag:s18] =	ssyncset.done $0x0  }
0x152: {  	[sflag:s18] =	ssyncadd.s32 $0xFFFFD800  }
0x153: {  	_ =	swait.ge [sflag:s28], $0x2800  }
0x154: {  	[sflag:s28] =	ssyncset.done $0x0  }
0x155: {  	[sflag:s28] =	ssyncadd.s32 $0xFFFFD800  }
0x156: {  	[spmem:s3] =	stream.indirect.scatter.add.f32 [tilespmem:s22], [sflag:$0x4], $0x80, s16, s20, $0xb8;
	[tilespmem:$0x1FEA0] =	vst v63  }
0x157: {  	_ =	swait.ge [sflag:s18], $0x2800  }
0x158: {  	[sflag:s18] =	ssyncset.done $0x0  }
0x159: {  	[sflag:s18] =	ssyncadd.s32 $0xFFFFD800  }
0x15a: {  	[tilespmem:s21], [sflag:$0x1] =	stream.indirect.gather [hbm4b:s10+s20], $0x80, s4, s20, $0xb8;
	[tilespmem:$0x1FEA0] =	vst v63  }
0x15b: {  	_ = 	snop  }
0x15c: {  	[tilespmem:s22], [sflag:$0x2] =	stream.indirect.gather [hbm4b:s10+s20], $0x80, s20, s20, $0xb8;
	[tilespmem:$0x1FEA0] =	vst v63  }
0x15d: {  	_ = 	snop  }
0x15e: {  	[tilespmem:s24], [sflag:$0x3] =	stream.indirect.gather [hbm4b:s10+s20], $0x80, s23, s20, $0xb8;
	[tilespmem:$0x1FEA0] =	vst v63  }
0x15f: {  	[bflag:$0x0] =	sbarrier.arrive $0xFFFF  }
0x160: {  	[bflag:$0x0] =	sbarrier.arrive @p1 $0xFFFF  }
0x161: {  	s7 =	rddreg [dreg:$0x8]  }
0x162: {  	[hbm:s7], [sflag:s2] =	dma.local @!p1 [spmem:s5], $0x3E80  }
0x163: {  	s7 =	simm.s32 @!p1 $0x4  }
0x164: {  	_ =	swait.ge @!p1 [sflag:s7], $0x3E80  }
0x165: {  	[sflag:s7] =	ssyncset.done @!p1 $0x0  }
0x166: {  	[sflag:s7] =	ssyncadd.s32 @!p1 $0xFFFFC180  }
0x167: {  	[bflag:$0x0] =	sbarrier.arrive @!p1 $0xFFFF  }
0x168: {  	[spmem:s5], [sflag:s2] =	dma.local @!p1 [hbm:s6], $0x3E80  }
0x169: {  	_ =	swait.ge @!p1 [sflag:s7], $0x3E80  }
0x16a: {  	[sflag:s7] =	ssyncset.done @!p1 $0x0  }
0x16b: {  	[sflag:s7] =	ssyncadd.s32 @!p1 $0xFFFFC180  }
0x16c: {  	[bflag:$0x0] =	sbarrier.arrive $0xFFFF  }
0x16d: {  	_ =	swait.ge [sflag:s26], $0x2800  }
0x16e: {  	[sflag:s26] =	ssyncset.done $0x0  }
0x16f: {  	s9 =	simm.s32 $0x2710;
	[sflag:s26] =	ssyncadd.s32 $0xFFFFD800  }
0x170: {  	[spmem:s3] =	stream.indirect.scatter.add.f32 [tilespmem:s21], [sflag:$0x4], $0x80, s9, s20, $0xb8;
	[tilespmem:$0x1FEA0] =	vst v63  }
0x171: {  	_ =	swait.ge [sflag:s18], $0x2800  }
0x172: {  	[sflag:s18] =	ssyncset.done $0x0  }
0x173: {  	s5 =	simm.s32 $0xF0;
	[sflag:s18] =	ssyncadd.s32 $0xFFFFD800  }
0x174: {  	[tilespmem:s21], [sflag:$0x1] =	stream.indirect.gather [hbm4b:s10+s20], $0x80, s5, s20, $0xb8;
	[tilespmem:$0x1FEA0] =	vst v63  }
0x175: {  	_ =	swait.ge [sflag:s28], $0x2800  }
0x176: {  	[sflag:s28] =	ssyncset.done $0x0  }
0x177: {  	s7 =	simm.s32 $0x2760;
	[sflag:s28] =	ssyncadd.s32 $0xFFFFD800  }
0x178: {  	[spmem:s3] =	stream.indirect.scatter.add.f32 [tilespmem:s22], [sflag:$0x4], $0x80, s7, s20, $0xb8;
	[tilespmem:$0x1FEA0] =	vst v63  }
0x179: {  	_ =	swait.ge [sflag:s18], $0x2800  }
0x17a: {  	[sflag:s18] =	ssyncset.done $0x0  }
0x17b: {  	s8 =	simm.s32 $0x140;
	[sflag:s18] =	ssyncadd.s32 $0xFFFFD800  }
0x17c: {  	[tilespmem:s22], [sflag:$0x2] =	stream.indirect.gather [hbm4b:s10+s20], $0x80, s8, s20, $0xb8;
	[tilespmem:$0x1FEA0] =	vst v63  }
0x17d: {  	_ =	swait.ge [sflag:s29], $0x2800  }
0x17e: {  	[sflag:s29] =	ssyncset.done $0x0  }
0x17f: {  	s9 =	simm.s32 $0x27B0;
	[sflag:s29] =	ssyncadd.s32 $0xFFFFD800  }
0x180: {  	[spmem:s3] =	stream.indirect.scatter.add.f32 [tilespmem:s24], [sflag:$0x4], $0x80, s9, s20, $0xb8;
	[tilespmem:$0x1FEA0] =	vst v63  }
0x181: {  	_ =	swait.ge [sflag:s18], $0x2800  }
0x182: {  	[sflag:s18] =	ssyncset.done $0x0  }
0x183: {  	s2 =	simm.s32 $0x3C0;
	s5 =	simm.s32 $0x190;
	[sflag:s18] =	ssyncadd.s32 $0xFFFFD800  }
.LBB2_5:
0x184: {  	[tilespmem:s24], [sflag:$0x3] =	stream.indirect.gather [hbm4b:s10+s20], $0x80, s5, s20, $0xb8;
	[tilespmem:$0x1FEA0] =	vst v63  }
0x185: {  	s5 =	smov.u32 s2  }
0x186: {  	p3 =	sne.s32 s2, $0x9240;
	s2 =	sadd.s32 $0x3C0, s2;
	_ =	swait.ge [sflag:s26], $0x2800  }
0x187: {  	s5 =	sshra.s32 s5, $0x2;
	[sflag:s26] =	ssyncset.done $0x0  }
0x188: {  	s7 =	sadd.s32 $0x2710, s5;
	[sflag:s26] =	ssyncadd.s32 $0xFFFFD800  }
0x189: {  	[spmem:s3] =	stream.indirect.scatter.add.f32 [tilespmem:s21], [sflag:$0x4], $0x80, s7, s20, $0xb8;
	[tilespmem:$0x1FEA0] =	vst v63  }
0x18a: {  	_ =	swait.ge [sflag:s18], $0x2800  }
0x18b: {  	[sflag:s18] =	ssyncset.done $0x0  }
0x18c: {  	s7 =	sadd.s32 $0xF0, s5;
	[sflag:s18] =	ssyncadd.s32 $0xFFFFD800  }
0x18d: {  	[tilespmem:s21], [sflag:$0x1] =	stream.indirect.gather [hbm4b:s10+s20], $0x80, s7, s20, $0xb8;
	[tilespmem:$0x1FEA0] =	vst v63  }
0x18e: {  	_ =	swait.ge [sflag:s28], $0x2800  }
0x18f: {  	[sflag:s28] =	ssyncset.done $0x0  }
0x190: {  	s7 =	sadd.s32 $0x2760, s5;
	[sflag:s28] =	ssyncadd.s32 $0xFFFFD800  }
0x191: {  	[spmem:s3] =	stream.indirect.scatter.add.f32 [tilespmem:s22], [sflag:$0x4], $0x80, s7, s20, $0xb8;
	[tilespmem:$0x1FEA0] =	vst v63  }
0x192: {  	_ =	swait.ge [sflag:s18], $0x2800  }
0x193: {  	[sflag:s18] =	ssyncset.done $0x0  }
0x194: {  	s7 =	sadd.s32 $0x140, s5;
	[sflag:s18] =	ssyncadd.s32 $0xFFFFD800  }
0x195: {  	[tilespmem:s22], [sflag:$0x2] =	stream.indirect.gather [hbm4b:s10+s20], $0x80, s7, s20, $0xb8;
	[tilespmem:$0x1FEA0] =	vst v63  }
0x196: {  	_ =	swait.ge [sflag:s29], $0x2800  }
0x197: {  	[sflag:s29] =	ssyncset.done $0x0  }
.Ltmp8:
0x198: {  	s7 =	sadd.s32 $0x27B0, s5;
	[sflag:s29] =	ssyncadd.s32 $0xFFFFD800;
	(pc) =	sbr.rel @p3 .LBB2_5-.Ltmp8, $4  }
0x199: {  	[spmem:s3] =	stream.indirect.scatter.add.f32 [tilespmem:s24], [sflag:$0x4], $0x80, s7, s20, $0xb8;
	[tilespmem:$0x1FEA0] =	vst v63  }
0x19a: {  	_ =	swait.ge [sflag:s18], $0x2800  }
0x19b: {  	[sflag:s18] =	ssyncset.done $0x0  }
0x19c: {  	s5 =	sadd.s32 $0x190, s5;
	[sflag:s18] =	ssyncadd.s32 $0xFFFFD800  }
0x19d: {  	[tilespmem:s24], [sflag:$0x3] =	stream.indirect.gather [hbm4b:s10+s20], $0x80, s5, s20, $0xb8;
	[tilespmem:$0x1FEA0] =	vst v63  }
0x19e: {  	_ =	swait.ge [sflag:s26], $0x2800  }
0x19f: {  	[sflag:s26] =	ssyncset.done $0x0  }
0x1a0: {  	[sflag:s26] =	ssyncadd.s32 $0xFFFFD800  }
0x1a1: {  	[spmem:s3] =	stream.indirect.scatter.add.f32 [tilespmem:s21], [sflag:$0x4], $0x80, s30, s20, $0xb8;
	[tilespmem:$0x1FEA0] =	vst v63  }
0x1a2: {  	_ =	swait.ge [sflag:s18], $0x2800  }
0x1a3: {  	[sflag:s18] =	ssyncset.done $0x0  }
0x1a4: {  	[sflag:s18] =	ssyncadd.s32 $0xFFFFD800  }
0x1a5: {  	[tilespmem:s21], [sflag:$0x1] =	stream.indirect.gather [hbm4b:s10+s20], $0x80, s31, s20, $0xb8;
	[tilespmem:$0x1FEA0] =	vst v63  }
0x1a6: {  	_ =	swait.ge [sflag:s28], $0x2800  }
0x1a7: {  	[sflag:s28] =	ssyncset.done $0x0  }
0x1a8: {  	[sflag:s28] =	ssyncadd.s32 $0xFFFFD800  }
0x1a9: {  	[spmem:s3] =	stream.indirect.scatter.add.f32 [tilespmem:s22], [sflag:$0x4], $0x80, s0, s20, $0xb8;
	[tilespmem:$0x1FEA0] =	vst v63  }
0x1aa: {  	_ =	swait.ge [sflag:s18], $0x2800  }
0x1ab: {  	[sflag:s18] =	ssyncset.done $0x0  }
0x1ac: {  	[sflag:s18] =	ssyncadd.s32 $0xFFFFD800  }
0x1ad: {  	[tilespmem:s22], [sflag:$0x2] =	stream.indirect.gather [hbm4b:s10+s20], $0x80, s19, s20, $0xb8;
	[tilespmem:$0x1FEA0] =	vst v63  }
0x1ae: {  	_ =	swait.ge [sflag:s29], $0x2800  }
0x1af: {  	[sflag:s29] =	ssyncset.done $0x0  }
0x1b0: {  	[sflag:s29] =	ssyncadd.s32 $0xFFFFD800  }
0x1b1: {  	[spmem:s3] =	stream.indirect.scatter.add.f32 [tilespmem:s24], [sflag:$0x4], $0x80, s11, s20, $0xb8;
	[tilespmem:$0x1FEA0] =	vst v63  }
0x1b2: {  	_ =	swait.ge [sflag:s18], $0x2800  }
0x1b3: {  	[sflag:s18] =	ssyncset.done $0x0  }
0x1b4: {  	[sflag:s18] =	ssyncadd.s32 $0xFFFFD800  }
0x1b5: {  	_ =	swait.ge [sflag:s26], $0x2800  }
0x1b6: {  	[sflag:s26] =	ssyncset.done $0x0  }
0x1b7: {  	[sflag:s26] =	ssyncadd.s32 $0xFFFFD800  }
0x1b8: {  	[spmem:s3] =	stream.indirect.scatter.add.f32 [tilespmem:s21], [sflag:$0x4], $0x80, s13, s20, $0xb8;
	[tilespmem:$0x1FEA0] =	vst v63  }
0x1b9: {  	_ =	swait.ge [sflag:s18], $0x2800  }
0x1ba: {  	[sflag:s18] =	ssyncset.done $0x0  }
0x1bb: {  	[sflag:s18] =	ssyncadd.s32 $0xFFFFD800  }
0x1bc: {  	_ =	swait.ge [sflag:s28], $0x2800  }
0x1bd: {  	[sflag:s28] =	ssyncset.done $0x0  }
0x1be: {  	[sflag:s28] =	ssyncadd.s32 $0xFFFFD800  }
0x1bf: {  	[spmem:s3] =	stream.indirect.scatter.add.f32 [tilespmem:s22], [sflag:$0x4], $0x80, s16, s20, $0xb8;
	[tilespmem:$0x1FEA0] =	vst v63  }
.Ltmp9:
0x1c0: {  	_ =	swait.ge [sflag:s18], $0x2800;
	(pc) =	sbr.rel @p2 .LBB2_12-.Ltmp9, $4  }
.Ltmp10:
0x1c1: {  	[sflag:s18] =	ssyncset.done $0x0;
	(pc) =	sbr.rel @!p2 .LBB2_13-.Ltmp10, $4  }
0x1c2: {  	[sflag:s18] =	ssyncadd.s32 $0xFFFFD800  }
0x1c3: {  	[bflag:$0x0] =	sbarrier.arrive $0xFFFF  }
0x1c4: {  	s2 =	rddreg [dreg:$0x9]  }
0x1c5: {  	_ = 	snop  }
.LBB2_14:
0x1c6: {  	_ =	sfence.sel $0x180000  }
0x1c7: {  	[bflag:$0x0] =	sbarrier.arrive $0xFFFF  }
0x1c8: {  	_ =	strace $0x9000004D  }
0x1c9: {  	s0 =	stileid.u32;
	[bflag:$0x2] =	sbarrier.arrive $0xFFFF  }
0x1ca: {  	p0 =	sne.s32 s0, $0x0;
	s0 =	rddreg [dreg:$0x3]  }
0x1cb: {  	s0 =	sadd.s32 @!p0 $0x100000, s0  }
0x1cc: {  	[sflag:s0] =	ssyncadd.tile.s32 @!p0 $0x1;
	_ =	shalt  }
.Lfunc_end2:
_tile_overlayer_lowered:
.L_overlay_start_2:
0x1cd: {  	(tag) =	ssettag $0x2  }
0x1ce: {  	s0 =	rddreg [dreg:$0x0];
	s2 =	stileid.u32  }
0x1cf: {  	s1 =	rddreg [dreg:$0x1];
	p0 =	sne.s32 s2, $0x0  }
0x1d0: {  	s3 =	rddreg [dreg:$0x2];
	[bflag:$0x3] =	sbarrier.arrive $0xFFFF;
	s2 =	simm.s32 @!p0 $0x1C04  }
0x1d1: {  	[timem:s3], [sflag:s2] =	dma.local @!p0 [hbm:s0], s1  }
0x1d2: {  	s0 =	simm.s32 @!p0 $0x4  }
0x1d3: {  	_ =	swait.ge @!p0 [sflag:s0], s1  }
0x1d4: {  	s1 =	ssub.s32 @!p0 $0x0, s1;
	[sflag:s0] =	ssyncset.done @!p0 $0x0  }
0x1d5: {  	[sflag:s0] =	ssyncadd.s32 @!p0 s1  }
0x1d6: {  	[bflag:$0x3] =	sbarrier.arrive $0xFFFF  }
0x1d7: {  	_ =	shalt  }

// kernel: kernel.8.cloned.1.call-start
scs
__scs_entry_jumppad:
0x0: {  	(pc) =	sbr.rel $0x88, $3  }
0x1: {  	(tag) =	ssettag $0x0;
	lr =	simm.s32 $0x1  }
0x2: {  	[smem:$0x3F9D] =	sst lr;
	_ =	strace $0xD0000000  }
0x3: {  	_ = 	snop  }
0x4: {  	_ = 	snop  }
0x5: {  	_ = 	snop  }
0x6: {  	_ = 	snop  }
0x7: {  	_ = 	snop  }
__scs_overlays_trampoline_lowered:
0x8: {  	[smem:$0x3FAC] =	sst s0  }
0x9: {  	[smem:$0x3FAD] =	sst s1  }
0xa: {  	[smem:$0x3FAE] =	sst s2  }
0xb: {  	[smem:$0x3FAF] =	sst s3  }
0xc: {  	[smem:$0x3FB0] =	sst s4  }
0xd: {  	[smem:$0x3FB1] =	sst s5  }
0xe: {  	[smem:$0x3FB2] =	sst s6  }
0xf: {  	[smem:$0x3FB3] =	sst s7  }
0x10: {  	[smem:$0x3FB4] =	sst s8  }
0x11: {  	[smem:$0x3FB5] =	sst s9;
	s0 =	simm.s32 @!p0 $0x0  }
0x12: {  	s1 =	sld [smem:$0x3F9B];
	s0 =	simm.s32 @p0 $0x1  }
0x13: {  	[smem:$0x3FB6] =	sst s0;
	s0 =	simm.s32 @!p1 $0x0  }
0x14: {  	s2 =	sld [smem:$0x3F9A];
	s0 =	simm.s32 @p1 $0x1  }
0x15: {  	[smem:$0x3FB7] =	sst s0;
	s0 =	simm.s32 @!p2 $0x0  }
0x16: {  	s3 =	sld [smem:$0x3FDB];
	s0 =	simm.s32 @p2 $0x1  }
0x17: {  	s4 =	simm.s32 $0x1BF5;
	[smem:$0x3FB9] =	sst s0  }
0x18: {  	s0 =	sld [smem:$0x3F9C];
	_ =	swait.ge [sflag:s4], $0x0  }
0x19: {  	s7 =	sld [smem:$0x3F9D]  }
0x1a: {  	s8 =	sadd.s32 $0xFFFFE003, lr  }
0x1b: {  	s9 =	sadd.s32 $0xFFFFFEF7, lr;
	s5 =	simm.s32 $0xFFFFFFFF;
	p2 =	slt.u32 s8, $0xFFFFF086  }
0x1c: {  	p1 =	slt.u32 s9, $0xF7A;
	s5 =	simm.s32 @!p2 $0x0  }
0x1d: {  	s5 =	simm.s32 @p1 $0x1;
	p0 =	seq.s32 s7, s2  }
0x1e: {  	s7 =	smul.u32 @!p0 $0xF7A, s2;
	p2 =	seq.s32 @!p0 s5, $0x0  }
0x1f: {  	s9 =	smul.u32 $0xF7A, s1;
	s8 =	simm.s32 @!p0 $0x1BF5;
	p2 =	por !p2, p0  }
0x20: {  	[sflag:s8] =	ssyncset.s32 @!p0 $0xFFFFF086;
	s6 =	sadd.s32 @!p0 s3, s7;
	s7 =	simm.s32 @!p0 $0x108  }
0x21: {  	s3 =	sadd.s32 s3, s9;
	s6 =	sadd.s32 @!p0 $0x88, s6;
	s7 =	simm.s32 @p2 $0x1082  }
0x22: {  	[simem:s7], [sflag:s8] =	dma.local @!p0 [hbm:s6], $0xF7A  }
0x23: {  	s9 =	sor.u32 $0xD0000000, s2;
	s6 =	simm.s32 $0x108;
	_ =	swait.ge @!p0 [sflag:s8], $0x0  }
0x24: {  	s3 =	sadd.s32 $0x88, s3;
	s6 =	simm.s32 @!p1 $0x1082;
	[sflag:s4] =	ssyncset.s32 $0xFFFFF086  }
0x25: {  	[simem:s6], [sflag:s4] =	dma.local [hbm:s3], $0xF7A  }
0x26: {  	[smem:$0x3F9D] =	sst s1;
	(tag) =	ssettag s2;
	_ =	strace s9  }
0x27: {  	s1 =	sld [smem:$0x3FAD]  }
0x28: {  	s2 =	sld [smem:$0x3FAE]  }
0x29: {  	s4 =	sld [smem:$0x3FB0]  }
0x2a: {  	p0 =	seq.s32 s5, $0x0;
	s5 =	sld [smem:$0x3FB1]  }
0x2b: {  	s6 =	sld [smem:$0x3FB2]  }
0x2c: {  	s7 =	sld [smem:$0x3FB3]  }
0x2d: {  	s3 =	simm.s32 $0x108;
	s8 =	sld [smem:$0x3FB4]  }
0x2e: {  	s3 =	simm.s32 @!p0 $0x1082;
	s9 =	sld [smem:$0x3FB5]  }
0x2f: {  	lr =	sadd.s32 s0, s3;
	s0 =	sld [smem:$0x3FAC]  }
0x30: {  	s3 =	sld [smem:$0x3FAF]  }
0x31: {  	[smem:$0x3FB8] =	sst s10  }
0x32: {  	s10 =	sld [smem:$0x3FB6];
	_ =	sdelay $0x3  }
0x33: {  	p0 =	seq.s32 s10, $0x1;
	s10 =	sld [smem:$0x3FB8];
	_ =	sdelay $0x3  }
0x34: {  	[smem:$0x3FB8] =	sst s10  }
0x35: {  	s10 =	sld [smem:$0x3FB7];
	_ =	sdelay $0x3  }
0x36: {  	p1 =	seq.s32 s10, $0x1;
	s10 =	sld [smem:$0x3FB8];
	_ =	sdelay $0x3  }
0x37: {  	[smem:$0x3FB8] =	sst s10  }
0x38: {  	s10 =	sld [smem:$0x3FB9]  }
0x39: {  	_ = 	snop;
	(pc) =	sbr.ind lr, $3  }
0x3a: {  	_ = 	snop  }
0x3b: {  	_ = 	snop  }
0x3c: {  	p2 =	seq.s32 s10, $0x1;
	s10 =	sld [smem:$0x3FB8]  }
0x3d: {  	_ =	shalt  }
0x3e: {  	_ =	shalt  }
0x3f: {  	_ =	shalt  }
0x40: {  	_ =	shalt  }
0x41: {  	_ =	shalt  }
0x42: {  	_ =	shalt  }
0x43: {  	_ =	shalt  }
0x44: {  	_ =	shalt  }
0x45: {  	_ =	shalt  }
0x46: {  	_ =	shalt  }
0x47: {  	_ =	shalt  }
0x48: {  	_ =	shalt  }
0x49: {  	_ =	shalt  }
0x4a: {  	_ =	shalt  }
0x4b: {  	_ =	shalt  }
0x4c: {  	_ =	shalt  }
0x4d: {  	_ =	shalt  }
0x4e: {  	_ =	shalt  }
0x4f: {  	_ =	shalt  }
0x50: {  	_ =	shalt  }
0x51: {  	_ =	shalt  }
0x52: {  	_ =	shalt  }
0x53: {  	_ =	shalt  }
0x54: {  	_ =	shalt  }
0x55: {  	_ =	shalt  }
0x56: {  	_ =	shalt  }
0x57: {  	_ =	shalt  }
0x58: {  	_ =	shalt  }
0x59: {  	_ =	shalt  }
0x5a: {  	_ =	shalt  }
0x5b: {  	_ =	shalt  }
0x5c: {  	_ =	shalt  }
0x5d: {  	_ =	shalt  }
0x5e: {  	_ =	shalt  }
0x5f: {  	_ =	shalt  }
0x60: {  	_ =	shalt  }
0x61: {  	_ =	shalt  }
0x62: {  	_ =	shalt  }
0x63: {  	_ =	shalt  }
0x64: {  	_ =	shalt  }
0x65: {  	_ =	shalt  }
0x66: {  	_ =	shalt  }
0x67: {  	_ =	shalt  }
0x68: {  	_ =	shalt  }
0x69: {  	_ =	shalt  }
0x6a: {  	_ =	shalt  }
0x6b: {  	_ =	shalt  }
0x6c: {  	_ =	shalt  }
0x6d: {  	_ =	shalt  }
0x6e: {  	_ =	shalt  }
0x6f: {  	_ =	shalt  }
0x70: {  	_ =	shalt  }
0x71: {  	_ =	shalt  }
0x72: {  	_ =	shalt  }
0x73: {  	_ =	shalt  }
0x74: {  	_ =	shalt  }
0x75: {  	_ =	shalt  }
0x76: {  	_ =	shalt  }
0x77: {  	_ =	shalt  }
0x78: {  	_ =	shalt  }
0x79: {  	_ =	shalt  }
0x7a: {  	_ =	shalt  }
0x7b: {  	_ =	shalt  }
0x7c: {  	_ =	shalt  }
0x7d: {  	_ =	shalt  }
0x7e: {  	_ =	shalt  }
0x7f: {  	_ =	shalt  }
0x80: {  	_ =	shalt  }
0x81: {  	_ =	shalt  }
0x82: {  	_ =	shalt  }
0x83: {  	_ =	shalt  }
0x84: {  	_ =	shalt  }
0x85: {  	_ =	shalt  }
0x86: {  	_ =	shalt  }
0x87: {  	_ =	shalt  }
.Lfunc_end0:
.L_simem_size_0:
called_computation_lowered:
.L_overlay_start_0:
0x88: {  	s2 =	sld [smem:$0x3FD9]  }
0x89: {  	s3 =	sld [smem:$0x3FFE];
	_ =	sdelay $0x1  }
0x8a: {  	s1 =	srdreg.scid  }
0x8b: {  	s0 =	sand.u32 $0x1, s1  }
0x8c: {  	s17 =	sshll.u32 s0, $0xA;
	s2 =	sadd.s32 s3, s2  }
0x8d: {  	s2 =	sadd.s32 s2, s17  }
0x8e: {  	[smem:$0x3FC4] =	sst s2  }
0x8f: {  	_ = 	snop  }
0x90: {  	s2 =	sld [smem:$0x3FD0];
	(tm) =	ssettm $0x1  }
0x91: {  	s18 =	sld [smem:$0x3FFB];
	_ =	sdelay $0x3  }
0x92: {  	_ =	strace s18  }
0x93: {  	s3 =	sld [smem:$0x3FFC];
	_ =	sdelay $0x3  }
0x94: {  	_ =	strace s3  }
0x95: {  	s3 =	sld [smem:$0x3FFD];
	_ =	sdelay $0x3  }
0x96: {  	_ =	strace s3  }
0x97: {  	_ =	strace $0x8FFFFFFF  }
0x98: {  	s19 =	sld [smem:$0x3FDB];
	_ =	sdelay $0x1  }
0x99: {  	s4 =	simm.s32 $_scs_section_size  }
0x9a: {  	s5 =	simm.s32 $_size__tile_overlayer_lowered;
	s6 =	simm.s32 $_tile_overlayer_lowered  }
0x9b: {  	s22 =	simm.s32 $0x1BFF;
	s21 =	sshll.u32 s6, $0x1;
	s3 =	sadd.s32 s4, s19  }
0x9c: {  	s7 =	simm.s32 $0x0;
	s20 =	sshll.u32 s5, $0x1;
	s5 =	sadd.s32 s21, s3  }
0x9d: {  	[timem:s7], [sflag:s22] =	dma.local [hbm:s5], s20  }
0x9e: {  	_ =	swait.ge [sflag:s22], s20  }
0x9f: {  	s4 =	ssub.s32 $0x0, s20;
	[sflag:s22] =	ssyncset.done $0x0  }
0xa0: {  	[sflag:s22] =	ssyncadd.s32 s4;
	_ =	sdelay $0x1  }
0xa1: {  	s23 =	simm.s32 $0x1B8B  }
0xa2: {  	_ =	swait.ge [sflag:s23], $0x1  }
0xa3: {  	[sflag:s23] =	ssyncset.done $0x0  }
0xa4: {  	s25 =	simm.s32 $0x1B8E;
	s24 =	sld [smem:$0x3FFE];
	[sflag:s23] =	ssyncadd.s32 $0xFFFFFFFF  }
0xa5: {  	s26 =	simm.s32 $execute0_lowered;
	[smem:$0x3FD2] =	sst s25  }
0xa6: {  	s5 =	sshll.u32 s26, $0x1;
	_ =	strace $0x80000046;
	[dreg:$0x1] =	wrdreg $0xFFFFFFFF  }
0xa7: {  	s28 =	simm.s32 $_size_execute0_lowered;
	s3 =	sadd.s32 s3, s5;
	[dreg:$0x0] =	wrdreg $0x0  }
0xa8: {  	s5 =	sshll.u32 s28, $0x1;
	[dreg:$0x2] =	wrdreg s3  }
0xa9: {  	[dreg:$0x3] =	wrdreg s5  }
0xaa: {  	[dreg:$0x4] =	wrdreg $0xC0  }
0xab: {  	_ =	task [dreg:s7], $0x5FFFF  }
0xac: {  	[dreg:$0x1] =	wrdreg $0xFFFFFFFF  }
0xad: {  	[dreg:$0x0] =	wrdreg $0x60  }
0xae: {  	[dreg:$0x2] =	wrdreg s24  }
0xaf: {  	[dreg:$0x3] =	wrdreg s2  }
0xb0: {  	[dreg:$0x4] =	wrdreg $0x2C100  }
0xb1: {  	[dreg:$0x5] =	wrdreg $0x9  }
0xb2: {  	_ =	task.clear_ibuf [dreg:s7], $0x6FFFF;
	_ =	strace $0x90000046  }
0xb3: {  	s29 =	simm.s32 $0x9;
	_ =	strace $0x80000048  }
0xb4: {  	_ =	swait.ge [sflag:s29], $0x1  }
0xb5: {  	[sflag:s29] =	ssyncadd.s32 $0xFFFFFFFF  }
0xb6: {  	_ =	strace $0x90000048  }
0xb7: {  	_ =	sfence  }
0xb8: {  	s30 =	sld [smem:$0x0];
	_ =	sdelay $0x2  }
0xb9: {  	s31 =	sshll.u32 s1, $0xD;
	s1 =	sshrl.u32 s1, $0x2  }
0xba: {  	s3 =	sand.u32 $0x4000, s31;
	s1 =	sadd.s32 s1, s30  }
0xbb: {  	s0 =	sor.u32 s3, s0;
	s1 =	sshll.u32 s1, $0x11  }
0xbc: {  	s0 =	sor.u32 s1, s0  }
0xbd: {  	s0 =	sadd.s32 $0x8F2B, s0  }
0xbe: {  	[sflag:s0] =	ssyncadd.remote.s32 $0x1  }
0xbf: {  	_ =	sfence.sel $0xFFFF  }
0xc0: {  	[dreg:$0x0] =	wrdreg $0xFFFFFFFF;
	(pc) =	sbr.abs _section_cstart, $3  }
0xc1: {  	[dreg:$0x1] =	wrdreg $0xFFFFFFFF  }
0xc2: {  	_ =	task.clear_ibuf [dreg:s7], $0x2FFFF;
	_ =	strace $0x9FFFFFFF  }
0xc3: {  	(tm) =	ssettm $0x7FFFFFFF  }
tec
execute0_lowered:
.L_overlay_start_1:
0x0: {  	(tag) =	ssettag $0x1  }
0x1: {  	s5 =	rddreg [dreg:$0x0]  }
0x2: {  	s7 =	rddreg [dreg:$0x1]  }
0x3: {  	s2 =	rddreg [dreg:$0x2]  }
0x4: {  	s0 =	rddreg [dreg:$0x3];
	s1 =	stileid.u32  }
0x5: {  	s3 =	simm.s32 $0x0;
	s6 =	srdreg.scid;
	s4 =	smul.u32 $0x4E2, s1  }
0x6: {  	s13 =	simm.s32 $0x50;
	s16 =	simm.s32 $0x0;
	s11 =	smul.u32 $0xFA00, s1  }
0x7: {  	[smem:$0x7FF] =	sst s3;
	s8 =	sand.u32 $0x1, s6;
	s30 =	smul.u32 $0x3E80, s1  }
0x8: {  	p0 =	slt.u32 s1, $0xA;
	_ =	strace $0x80000047;
	s9 =	ssub.s32 $0x2, s8  }
0x9: {  	p1 =	seq.s32 s8, $0x0;
	s29 =	sadd.s32 s4, s5;
	s4 =	sadd.s32 $0x200, s5  }
0xa: {  	s5 =	sadd.s32 $0xA400, s5;
	s10 =	sshrl.u32 s9, $0x1;
	s11 =	sshrl.u32 s11, $0x2  }
0xb: {  	p0 =	por !p1, !p0;
	s31 =	sshrl.u32 s30, $0x3;
	p1 =	sgt.u32 s1, $0x9  }
0xc: {  	s15 =	sadd.s32 s30, s2;
	s9 =	ssub.s32 s9, s10;
	s6 =	sadd.s32 $0x5400, s29  }
0xd: {  	s12 =	sadd.s32 s11, s2;
	p0 =	por !p0, !p0;
	s7 =	sadd.s32 s7, s31  }
0xe: {  	s11 =	sshll.u32 @!p1 s1, $0x6;
	s10 =	simm.s32 $0x2710;
	s8 =	smax.u32 s9, $0x1  }
0xf: {  	s9 =	simm.s32 $0x1;
	s11 =	sor.u32 @!p1 $0x1C01, s11;
	s14 =	sshll.u32 @p0 s1, $0x6  }
0x10: {  	s12 =	sshrl.u32 @!p1 s12, $0x3;
	s15 =	sshrl.u32 @p0 s15, $0x3;
	s14 =	sor.u32 @p0 $0x1C01, s14  }
.LBB2_1:
0x11: {  	[tilespmem:s3], [sflag:$0x1] =	stream.linear.gather [hbm4b:s6+s3], $0x2710, $0x38;
	[tilespmem:$0x5320] =	vst v63  }
0x12: {  	_ =	swait.ge [sflag:s9], $0x2710  }
0x13: {  	[sflag:s9] =	ssyncset.done $0x0  }
0x14: {  	[sflag:s9] =	ssyncadd.s32 $0xFFFFD8F0  }
0x15: {  	[tilespmem:s10], [sflag:$0x1] =	stream.linear.gather [hbm4b:s4+s3], $0x500, $0x38;
	[tilespmem:$0x5320] =	vst v63  }
0x16: {  	_ =	swait.ge [sflag:s9], $0x500  }
0x17: {  	[sflag:s9] =	ssyncset.done $0x0  }
0x18: {  	s17 =	simm.s32 @!p1 $0x1;
	[sflag:s9] =	ssyncadd.s32 $0xFFFFFB00  }
0x19: {  	[spmem:s12], [sflag:s11] =	dma.local @!p1 [hbm:s5], $0x7D0  }
0x1a: {  	_ =	swait.ge @!p1 [sflag:s17], $0x7D0  }
0x1b: {  	[sflag:s17] =	ssyncset.done @!p1 $0x0  }
0x1c: {  	[sflag:s17] =	ssyncadd.s32 @!p1 $0xFFFFF830  }
0x1d: {  	s31 =	simm.s32 $0x0;
	[bflag:$0x0] =	sbarrier.arrive $0xFFFF  }
0x1e: {  	[spmem:s2] =	stream.indirect.scatter.add.f32 [tilespmem:s10], [sflag:$0x1], $0x10, s31, s13, $0xb8;
	[tilespmem:$0x5320] =	vst v63  }
0x1f: {  	_ =	swait.ge [sflag:s9], $0x500  }
0x20: {  	s17 =	simm.s32 $0x140;
	[sflag:s9] =	ssyncset.done $0x0  }
.LBB2_2:
0x21: {  	s18 =	sshra.s32 s17, $0x2;
	[sflag:s9] =	ssyncadd.s32 $0xFFFFFB00;
	p2 =	sne.s32 s17, $0x9B00  }
0x22: {  	[spmem:s2] =	stream.indirect.scatter.add.f32 [tilespmem:s10], [sflag:$0x1], $0x10, s18, s13, $0xb8;
	[tilespmem:$0x5320] =	vst v63  }
.Ltmp0:
0x23: {  	_ = 	snop;
	(pc) =	sbr.rel @p2 .LBB2_2-.Ltmp0, $4  }
0x24: {  	_ = 	snop  }
0x25: {  	s17 =	sadd.s32 $0x140, s17  }
0x26: {  	_ =	swait.ge [sflag:s9], $0x500  }
0x27: {  	[sflag:s9] =	ssyncset.done $0x0  }
0x28: {  	s16 =	sadd.s32 $0x1, s16  }
0x29: {  	[sflag:s9] =	ssyncadd.s32 $0xFFFFFB00;
	p2 =	sne.s32 s16, s8  }
.Ltmp1:
0x2a: {  	s17 =	simm.s32 @p0 $0x1;
	[bflag:$0x0] =	sbarrier.arrive $0xFFFF;
	(pc) =	sbr.rel @p2 .LBB2_1-.Ltmp1, $4  }
0x2b: {  	[hbm:s7], [sflag:s14] =	dma.local @p0 [spmem:s15], $0x7D0  }
0x2c: {  	_ =	swait.ge @p0 [sflag:s17], $0x7D0  }
0x2d: {  	[sflag:s17] =	ssyncset.done @p0 $0x0  }
0x2e: {  	[sflag:s17] =	ssyncadd.s32 @p0 $0xFFFFF830  }
0x2f: {  	_ =	sfence.sel $0x180000  }
0x30: {  	[bflag:$0x0] =	sbarrier.arrive $0xFFFF  }
0x31: {  	p0 =	sne.s32 s1, $0x0;
	_ =	strace $0x90000047  }
0x32: {  	s0 =	sadd.s32 @!p0 $0x100000, s0;
	[bflag:$0x2] =	sbarrier.arrive $0xFFFF  }
0x33: {  	[sflag:s0] =	ssyncadd.tile.s32 @!p0 $0x1;
	_ =	shalt  }
.Lfunc_end2:
_tile_overlayer_lowered:
.L_overlay_start_2:
0x34: {  	(tag) =	ssettag $0x2  }
0x35: {  	s0 =	rddreg [dreg:$0x0];
	s2 =	stileid.u32  }
0x36: {  	s1 =	rddreg [dreg:$0x1];
	p0 =	sne.s32 s2, $0x0  }
0x37: {  	s3 =	rddreg [dreg:$0x2];
	[bflag:$0x3] =	sbarrier.arrive $0xFFFF;
	s2 =	simm.s32 @!p0 $0x1C01  }
0x38: {  	[timem:s3], [sflag:s2] =	dma.local @!p0 [hbm:s0], s1  }
0x39: {  	s0 =	simm.s32 @!p0 $0x1  }
0x3a: {  	_ =	swait.ge @!p0 [sflag:s0], s1  }
0x3b: {  	s1 =	ssub.s32 @!p0 $0x0, s1;
	[sflag:s0] =	ssyncset.done @!p0 $0x0  }
0x3c: {  	[sflag:s0] =	ssyncadd.s32 @!p0 s1  }
0x3d: {  	[bflag:$0x3] =	sbarrier.arrive $0xFFFF  }
0x3e: {  	_ =	shalt  }

</sc_bundles>
